<compile_context>
chip_gen: v7x
topology: tpu7x:2x2x1
jax: 0.10.2.dev20260603
libtpu: 0.0.44.dev20260713+nightly
codegen_flags: <defaults>
</compile_context>

<pallas_src>
import jax
import jax.numpy as jnp
from jax import lax
from jax.experimental import pallas as pl
from jax.experimental.pallas import tpu as pltpu
from jax.experimental.pallas import tpu_sc as plsc

B = 4
N = 4096
K = 3
NK = N * K
D_PC = 256
D_IMG = 256
C_FEAT = D_PC + D_IMG + 1
C_PAD = 520
HIDDEN = 1024
S = 1024
L = 16
NVP = 128
NC = 2
NCHUNK = NK // L
CPR = N // L



def _select_body(vm_hbm, out_hbm, nv_hbm, mbuf, obuf, sbuf, nvbuf):
    wid = lax.axis_index("s") * NC + lax.axis_index("c")

    @pl.when(wid < B)
    def _():
        b = wid
        pltpu.sync_copy(vm_hbm.at[b], mbuf)
        lanes = lax.iota(jnp.int32, L)

        def body(i, carry):
            c1, c0 = carry
            kr = i // CPR
            col = (i - kr * CPR) * L
            v = mbuf[kr, pl.ds(col, L)]
            m = v != 0.0
            mi = m.astype(jnp.int32)
            cs = plsc.cumsum(mi)
            ii = lanes + 1
            pos_valid = c1 + cs - 1
            pos_invalid = (NK - 1) - (c0 + (ii - cs) - 1)
            pos = jnp.where(m, pos_valid, pos_invalid)
            plsc.store_scatter(obuf, [pos], i * L + lanes)
            nv = jnp.sum(mi)
            return c1 + nv, c0 + (L - nv)

        c1, _ = lax.fori_loop(0, NCHUNK, body, (jnp.int32(0), jnp.int32(0)))

        def fin(j, carry):
            p = j * L + lanes
            in_valid = p < c1
            src = jnp.where(in_valid, p, (NK - 1) - (p - c1))
            sbuf[pl.ds(j * L, L)] = plsc.load_gather(obuf, [src])
            return carry

        lax.fori_loop(0, S // L, fin, 0)
        pltpu.sync_copy(sbuf, out_hbm.at[pl.ds(b * S, S)])
        nvbuf[pl.ds(0, L)] = jnp.full((L,), 0, jnp.int32) + c1
        pltpu.sync_copy(nvbuf, nv_hbm.at[pl.ds(b * NVP, NVP)])


_select = pl.kernel(
    _select_body,
    out_type=(
        jax.ShapeDtypeStruct((B * S,), jnp.int32),
        jax.ShapeDtypeStruct((B * NVP,), jnp.int32),
    ),
    mesh=plsc.VectorSubcoreMesh(core_axis_name="c", subcore_axis_name="s"),
    compiler_params=pltpu.CompilerParams(
        needs_layout_passes=False, use_tc_tiling_on_sc=False),
    scratch_types=[
        pltpu.VMEM((K, N), jnp.float32),
        pltpu.VMEM((NK,), jnp.int32),
        pltpu.VMEM((S,), jnp.int32),
        pltpu.VMEM((NVP,), jnp.int32),
    ],
)



def _gather_body(sample, nv_in, pc, img, sxyz, sinds,
                 feat_out, xyz_out, inds_out,
                 n_buf, k_buf, stage2, out_buf, ibuf, xbuf, xout, nvbuf,
                 sem_a, sem_b, sem_o):
    wid = lax.axis_index("s") * NC + lax.axis_index("c")
    b = wid >> 3
    t = wid & 7
    lanes = lax.iota(jnp.int32, L)

    pltpu.sync_copy(sample.at[pl.ds(b * S, S)], n_buf)

    def split(j, carry):
        s = n_buf[pl.ds(j * L, L)]
        n_buf[pl.ds(j * L, L)] = s & (N - 1)
        k_buf[pl.ds(j * L, L)] = s >> 12
        return carry

    lax.fori_loop(0, S // L, split, 0)

    c_base = t * 32

    blocks = [("pc", i) for i in range(8)] + [("img", i) for i in range(8)]
    sems = (sem_a, sem_b)

    def start_stage(idx):
        kind, cb = blocks[idx]
        sl = idx % 2
        c0 = c_base + 4 * cb
        if kind == "pc":
            return [pltpu.async_copy(pc.at[b, pl.ds(c0, 4), :],
                                     stage2.at[sl, 0], sems[sl])]
        return [pltpu.async_copy(img.at[b, k, pl.ds(c0, 4), :],
                                 stage2.at[sl, k], sems[sl])
                for k in range(K)]

    pending = start_stage(0)
    out_pending = []
    for idx in range(16):
        sl = idx % 2
        nxt = start_stage(idx + 1) if idx + 1 < 16 else []
        for d in pending:
            d.wait()
        pending = nxt
        if sl == 0:
            for d in out_pending:
                d.wait()
            out_pending = []
        kind, cb = blocks[idx]
        if kind == "pc":
            def g(j, carry, sl=sl):
                nv = n_buf[pl.ds(j * L, L)]
                for c in range(4):
                    out_buf[sl * 4 + c, pl.ds(j * L, L)] = plsc.load_gather(
                        stage2.at[sl, 0], [jnp.full((L,), c, jnp.int32), nv])
                return carry
        else:
            def g(j, carry, sl=sl):
                nv = n_buf[pl.ds(j * L, L)]
                kv = k_buf[pl.ds(j * L, L)]
                for c in range(4):
                    out_buf[sl * 4 + c, pl.ds(j * L, L)] = plsc.load_gather(
                        stage2.at[sl], [kv, jnp.full((L,), c, jnp.int32), nv])
                return carry
        lax.fori_loop(0, S // L, g, 0)
        if sl == 1:
            kind0, cb0 = blocks[idx - 1]
            row0 = c_base + 4 * cb0 + (0 if kind0 == "pc" else D_PC)
            out_pending = [pltpu.async_copy(
                out_buf, feat_out.at[b, pl.ds(row0, 8), :], sem_o)]
    for d in out_pending:
        d.wait()

    @pl.when(t == 0)
    def _mask_row():
        pltpu.sync_copy(nv_in.at[pl.ds(b * NVP, NVP)], nvbuf)
        nvv = nvbuf[pl.ds(0, L)]

        def gm(j, carry):
            p = j * L + lanes
            out_buf[0, pl.ds(j * L, L)] = (p < nvv).astype(jnp.float32)
            return carry

        lax.fori_loop(0, S // L, gm, 0)
        pltpu.sync_copy(out_buf, feat_out.at[b, pl.ds(C_FEAT - 1, 8), :])

    @pl.when(t == 1)
    def _inds_row():
        pltpu.sync_copy(sinds.at[pl.ds(b * N, N)], ibuf)

        def gi(j, carry):
            nv = n_buf[pl.ds(j * L, L)]
            k_buf[pl.ds(j * L, L)] = plsc.load_gather(ibuf, [nv])
            return carry

        lax.fori_loop(0, S // L, gi, 0)
        pltpu.sync_copy(k_buf, inds_out.at[pl.ds(b * S, S)])

    @pl.when(t == 2)
    def _xyz_rows():
        pltpu.sync_copy(sxyz.at[pl.ds(b * N * 3, N * 3)], xbuf)

        def gx(j, carry):
            p = j * L + lanes
            jv = p // 3
            dv = p - jv * 3
            nv = plsc.load_gather(n_buf, [jv])
            xout[pl.ds(j * L, L)] = plsc.load_gather(xbuf, [nv * 3 + dv])
            return carry

        lax.fori_loop(0, (S * 3) // L, gx, 0)
        pltpu.sync_copy(xout, xyz_out.at[pl.ds(b * S * 3, S * 3)])


_gather = pl.kernel(
    _gather_body,
    out_type=(
        jax.ShapeDtypeStruct((B, C_PAD, S), jnp.float32),
        jax.ShapeDtypeStruct((B * S * 3,), jnp.float32),
        jax.ShapeDtypeStruct((B * S,), jnp.int32),
    ),
    mesh=plsc.VectorSubcoreMesh(core_axis_name="c", subcore_axis_name="s"),
    compiler_params=pltpu.CompilerParams(
        needs_layout_passes=False, use_tc_tiling_on_sc=True),
    scratch_types=[
        pltpu.VMEM((S,), jnp.int32),
        pltpu.VMEM((S,), jnp.int32),
        pltpu.VMEM((2, K, 4, N), jnp.float32),
        pltpu.VMEM((8, S), jnp.float32),
        pltpu.VMEM((N,), jnp.int32),
        pltpu.VMEM((N * 3,), jnp.float32),
        pltpu.VMEM((S * 3,), jnp.float32),
        pltpu.VMEM((NVP,), jnp.int32),
        pltpu.SemaphoreType.DMA,
        pltpu.SemaphoreType.DMA,
        pltpu.SemaphoreType.DMA,
    ],
)



def _mlp_body(feat_ref, w1_ref, b1_ref, w2_ref, b2_ref,
              img_out_ref, pc_ref, joint_ref):
    x = feat_ref[0, D_PC:C_FEAT, :]
    h = jnp.dot(w1_ref[...].astype(jnp.bfloat16), x.astype(jnp.bfloat16),
                preferred_element_type=jnp.float32)
    h = jnp.maximum(h + b1_ref[...], 0.0)
    o = jnp.dot(w2_ref[...].astype(jnp.bfloat16), h.astype(jnp.bfloat16),
                preferred_element_type=jnp.float32)
    o = jnp.maximum(o + b2_ref[...], 0.0)
    img_out_ref[0] = o
    pcv = feat_ref[0, :D_PC, :]
    pc_ref[0] = pcv
    joint_ref[0, :D_PC, :] = pcv
    joint_ref[0, D_PC:, :] = o


def _mlp(feat, W1, b1c, W2, b2c):
    return pl.pallas_call(
        _mlp_body,
        grid=(B,),
        in_specs=[
            pl.BlockSpec((1, C_PAD, S), lambda b: (b, 0, 0)),
            pl.BlockSpec((HIDDEN, D_IMG + 1), lambda b: (0, 0)),
            pl.BlockSpec((HIDDEN, 1), lambda b: (0, 0)),
            pl.BlockSpec((HIDDEN, HIDDEN), lambda b: (0, 0)),
            pl.BlockSpec((HIDDEN, 1), lambda b: (0, 0)),
        ],
        out_specs=[
            pl.BlockSpec((1, HIDDEN, S), lambda b: (b, 0, 0)),
            pl.BlockSpec((1, D_PC, S), lambda b: (b, 0, 0)),
            pl.BlockSpec((1, D_PC + HIDDEN, S), lambda b: (b, 0, 0)),
        ],
        out_shape=[
            jax.ShapeDtypeStruct((B, HIDDEN, S), jnp.float32),
            jax.ShapeDtypeStruct((B, D_PC, S), jnp.float32),
            jax.ShapeDtypeStruct((B, D_PC + HIDDEN, S), jnp.float32),
        ],
    )(feat, W1, b1c, W2, b2c)


def kernel(seed_xyz, pc_features, seed_inds, img_feats, vote_mask,
           W1, b1, W2, b2):
    sample, nvalid = _select(vote_mask)
    feat_pad, xyz_flat, inds_flat = _gather(
        sample, nvalid, pc_features, img_feats,
        seed_xyz.reshape(B * N * 3), seed_inds.reshape(B * N))
    feat = lax.slice(feat_pad, (0, 0, 0), (B, C_FEAT, S))
    xyz = xyz_flat.reshape(B, S, 3)
    inds = inds_flat.reshape(B, S)
    img_out, pc_f, joint = _mlp(feat_pad, W1, b1.reshape(HIDDEN, 1), W2,
                                b2.reshape(HIDDEN, 1))
    return (inds, xyz, feat, img_out, pc_f, joint)

# --- scband reference (transcript-rebuilt; emitter-appended) ---
"""Pipeline reference for scband-im-vote-module-81750407512432 (READ-ONLY COPY).

The authoritative reference and input builder live on the scoring server;
editing this copy changes nothing except your own understanding.
"""

import jax, jax.numpy as jnp
import numpy as np

B = 4
N = 4096
K = 3
D_PC = 256
D_IMG = 256
HIDDEN = 1024
NUM_SAMPLED = 1024
N_POINTS = 20000


def setup_inputs(seed: int = 0) -> dict:
    key = jax.random.key(seed)
    ks = jax.random.split(key, 9)
    seed_xyz = jax.random.normal(ks[0], (B, N, 3), dtype=jnp.float32)
    pc_features = jax.random.normal(ks[1], (B, D_PC, N), dtype=jnp.float32)
    seed_inds = jax.random.randint(ks[2], (B, N), 0, N_POINTS, dtype=jnp.int32)
    img_feats = jax.random.normal(ks[3], (B, K, D_IMG, N), dtype=jnp.float32)
    vote_mask = jax.random.randint(ks[4], (B, K, N), 0, 2).astype(jnp.float32)
    W1 = jax.random.normal(ks[5], (HIDDEN, D_IMG + 1), dtype=jnp.float32) * 0.02
    b1 = jnp.zeros((HIDDEN,), dtype=jnp.float32)
    W2 = jax.random.normal(ks[6], (HIDDEN, HIDDEN), dtype=jnp.float32) * 0.02
    b2 = jnp.zeros((HIDDEN,), dtype=jnp.float32)
    return {"seed_xyz": seed_xyz, "pc_features": pc_features, "seed_inds": seed_inds,
            "img_feats": img_feats, "vote_mask": vote_mask,
            "W1": W1, "b1": b1, "W2": W2, "b2": b2}


def reference(seed_xyz, pc_features, seed_inds, img_feats, vote_mask, W1, b1, W2, b2):
    # ImageFeatureModule + append_img_feat: per image-vote k, concat
    # (pc_features, img_feats_k, validity_mask_k) along channel dim, then
    # concatenate all K votes along the point dimension.
    feat_list = []
    for k in range(K):
        fk = jnp.concatenate([pc_features, img_feats[:, k], vote_mask[:, k][:, None, :]], axis=1)
        feat_list.append(fk)
    features = jnp.concatenate(feat_list, axis=2)          # (B, 256+D_IMG+1, N*K)
    xyz = jnp.tile(seed_xyz, (1, K, 1))                    # (B, N*K, 3)
    inds = jnp.tile(seed_inds, (1, K))                     # (B, N*K)

    # sample_valid_seeds: pick NUM_SAMPLED seeds whose validity mask is 1
    # (valid seeds first) -> top-k on the last feature channel (the mask).
    mask = features[:, -1, :]                              # (B, N*K)
    _, sample_inds = jax.lax.top_k(mask, NUM_SAMPLED)      # (B, 1024)

    features = jnp.take_along_axis(features, sample_inds[:, None, :], axis=2)
    xyz = jnp.take_along_axis(xyz, sample_inds[:, :, None], axis=1)
    inds = jnp.take_along_axis(inds, sample_inds, axis=1)

    pc_f = features[:, :D_PC, :]                           # (B, 256, 1024)
    img_f = features[:, D_PC:, :]                          # (B, D_IMG+1, 1024)

    # ImageMLPModule: shared pointwise MLP (Conv1d k=1 equivalents)
    h = jnp.einsum('oc,bcn->bon', W1, img_f) + b1[None, :, None]
    h = jax.nn.relu(h)
    h = jnp.einsum('oc,bcn->bon', W2, h) + b2[None, :, None]
    img_out = jax.nn.relu(h)                               # (B, HIDDEN, 1024)

    joint = jnp.concatenate([pc_f, img_out], axis=1)       # (B, 256+HIDDEN, 1024)
    return (inds, xyz, features, img_out, pc_f, joint)

if __name__ == "__main__":
    import jax
    _d = setup_inputs()
    print(jax.jit(kernel)(*tuple(_d.values())))

</pallas_src>

<mosaic_0001>
#map = affine_map<(d0, d1) -> (0)>
#map1 = affine_map<(d0, d1) -> (0, 0, 0)>
#map2 = affine_map<(d0, d1) -> (0, 0, 0, 0)>
module attributes {stable_mosaic.version = 14 : i64} {
  func.func @_gather_body(%arg0: i32, %arg1: i32, %arg2: memref<4096xi32, #tpu.memory_space<hbm>>, %arg3: memref<512xi32, #tpu.memory_space<hbm>>, %arg4: memref<4x256x4096xf32, #tpu.memory_space<hbm>>, %arg5: memref<4x3x256x4096xf32, #tpu.memory_space<hbm>>, %arg6: memref<49152xf32, #tpu.memory_space<hbm>>, %arg7: memref<16384xi32, #tpu.memory_space<hbm>>, %arg8: memref<4x520x1024xf32, #tpu.memory_space<hbm>>, %arg9: memref<12288xf32, #tpu.memory_space<hbm>>, %arg10: memref<4096xi32, #tpu.memory_space<hbm>>, %arg11: memref<1024xi32, #tpu.memory_space<vmem>>, %arg12: memref<1024xi32, #tpu.memory_space<vmem>>, %arg13: memref<2x3x4x4096xf32, #tpu.memory_space<vmem>>, %arg14: memref<8x1024xf32, #tpu.memory_space<vmem>>, %arg15: memref<4096xi32, #tpu.memory_space<vmem>>, %arg16: memref<12288xf32, #tpu.memory_space<vmem>>, %arg17: memref<3072xf32, #tpu.memory_space<vmem>>, %arg18: memref<128xi32, #tpu.memory_space<vmem>>, %arg19: memref<!tpu.dma_semaphore, #tpu.memory_space<semaphore_mem>>, %arg20: memref<!tpu.dma_semaphore, #tpu.memory_space<semaphore_mem>>, %arg21: memref<!tpu.dma_semaphore, #tpu.memory_space<semaphore_mem>>) attributes {dimension_semantics = [#tpu.dimension_semantics<core_parallel>, #tpu.dimension_semantics<subcore_parallel>], iteration_bounds = array<i64: 2, 16>, scalar_prefetch = 0 : i64, scratch_operands = 11 : i64, tpu.core_type = #tpu.core_type<sc_vector_subcore>, window_params = [{transform_indices = #map}, {transform_indices = #map}, {transform_indices = #map1}, {transform_indices = #map2}, {transform_indices = #map}, {transform_indices = #map}, {transform_indices = #map1}, {transform_indices = #map}, {transform_indices = #map}]} {
    %mul3A = arith.constant 2 : i32
    %mul3A_0 = arith.muli %arg1, %mul3A : i32
    %add3A = arith.addi %mul3A_0, %arg0 : i32
    %shift_right_arithmetic3A = arith.constant 3 : i32
    %shift_right_arithmetic3A_1 = arith.shrsi %add3A, %shift_right_arithmetic3A : i32
    %and3A = arith.constant 7 : i32
    %and3A_2 = arith.andi %add3A, %and3A : i32
    %iota3A = tpu.iota {dimensions = array<i32: 0>} : vector<16xi32>
    %mul3A_3 = arith.constant 1024 : i32
    %mul3A_4 = arith.muli %shift_right_arithmetic3A_1, %mul3A_3 : i32
    "tpu.region"() ({
      %run_scoped3A = tpu.sem_alloc : memref<!tpu.dma_semaphore, #tpu.memory_space<semaphore_mem>>
      %dma_start3A_1350 = tpu.memref_slice %arg2[%mul3A_4] : memref<4096xi32, #tpu.memory_space<hbm>> -> memref<1024xi32, #tpu.memory_space<hbm>>
      %dma_start3A_1351 = tpu.memref_slice %arg2[%mul3A_4] : memref<4096xi32, #tpu.memory_space<hbm>> -> memref<1024xi32, #tpu.memory_space<hbm>>
      tpu.enqueue_dma source(%dma_start3A_1351 : memref<1024xi32, #tpu.memory_space<hbm>>) target(%arg11 : memref<1024xi32, #tpu.memory_space<vmem>>) target_semaphore(%run_scoped3A : memref<!tpu.dma_semaphore, #tpu.memory_space<semaphore_mem>>)
      %dma_wait3A_1352 = tpu.memref_slice %arg2[%mul3A_4] : memref<4096xi32, #tpu.memory_space<hbm>> -> memref<1024xi32, #tpu.memory_space<hbm>>
      %dma_wait3A_1353 = tpu.memref_slice %arg2[%mul3A_4] : memref<4096xi32, #tpu.memory_space<hbm>> -> memref<1024xi32, #tpu.memory_space<hbm>>
      tpu.wait_dma2 semaphore(%run_scoped3A : memref<!tpu.dma_semaphore, #tpu.memory_space<semaphore_mem>>) src(%dma_wait3A_1353 : memref<1024xi32, #tpu.memory_space<hbm>>) dst(%arg11 : memref<1024xi32, #tpu.memory_space<vmem>>)
      tpu.yield
    }) : () -> ()
    %scan3A = arith.constant 0 : i32
    %scan3A_5 = arith.constant 0 : i32
    %scan3A_6 = arith.constant 64 : i32
    %scan3A_7 = arith.addi %scan3A_5, %scan3A_6 : i32
    %scan3A_8 = arith.constant 1 : i32
    scf.for %scan3A_1350 = %scan3A_5 to %scan3A_7 step %scan3A_8  : i32 {
      %mul3A_1351 = arith.constant 16 : i32
      %mul3A_1352 = arith.muli %scan3A_1350, %mul3A_1351 : i32
      %get3A = arith.index_cast %mul3A_1352 : i32 to index
      %get3A_1353 = tpu.vector_load %arg11[%get3A] {strides = array<i32>} : memref<1024xi32, #tpu.memory_space<vmem>>, vector<16xi32>,
      %and3A_1354 = arith.constant 4095 : i32
      %and3A_1355 = vector.broadcast %and3A_1354 : i32 to vector<16xi32>
      %and3A_1356 = arith.andi %get3A_1353, %and3A_1355 : vector<16xi32>
      %mul3A_1357 = arith.constant 16 : i32
      %mul3A_1358 = arith.muli %scan3A_1350, %mul3A_1357 : i32
      %swap3A = arith.index_cast %mul3A_1358 : i32 to index
      %swap3A_1359 = tpu.vector_load %arg11[%swap3A] {strides = array<i32>} : memref<1024xi32, #tpu.memory_space<vmem>>, vector<16xi32>,
      tpu.vector_store %arg11[%swap3A], %and3A_1356 {strides = array<i32>} : memref<1024xi32, #tpu.memory_space<vmem>>, vector<16xi32>,
      %shift_right_arithmetic3A_1360 = arith.constant 12 : i32
      %shift_right_arithmetic3A_1361 = vector.broadcast %shift_right_arithmetic3A_1360 : i32 to vector<16xi32>
      %shift_right_arithmetic3A_1362 = arith.shrsi %get3A_1353, %shift_right_arithmetic3A_1361 : vector<16xi32>
      %mul3A_1363 = arith.constant 16 : i32
      %mul3A_1364 = arith.muli %scan3A_1350, %mul3A_1363 : i32
      %swap3A_1365 = arith.index_cast %mul3A_1364 : i32 to index
      %swap3A_1366 = tpu.vector_load %arg12[%swap3A_1365] {strides = array<i32>} : memref<1024xi32, #tpu.memory_space<vmem>>, vector<16xi32>,
      tpu.vector_store %arg12[%swap3A_1365], %shift_right_arithmetic3A_1362 {strides = array<i32>} : memref<1024xi32, #tpu.memory_space<vmem>>, vector<16xi32>,
    }
    %scan3A_9 = arith.constant 64 : i32
    %mul3A_10 = arith.constant 32 : i32
    %mul3A_11 = arith.muli %and3A_2, %mul3A_10 : i32
    %add3A_12 = arith.constant 0 : i32
    %add3A_13 = arith.addi %mul3A_11, %add3A_12 : i32
    %dma_start3A = arith.constant 0 : i32
    %dma_start3A_14 = arith.constant 0 : i32
    %dma_start3A_15 = arith.constant 0 : i32
    %dma_start3A_16 = arith.constant 0 : i32
    %dma_start3A_17 = tpu.memref_slice %arg13[%dma_start3A, %dma_start3A_14, %dma_start3A_15, %dma_start3A_16] : memref<2x3x4x4096xf32, #tpu.memory_space<vmem>> -> memref<1x1x4x4096xf32, #tpu.memory_space<vmem>>
    %dma_start3A_18 = tpu.memref_squeeze %dma_start3A_17 : memref<1x1x4x4096xf32, #tpu.memory_space<vmem>> -> memref<4x4096xf32, #tpu.memory_space<vmem>>
    %dma_start3A_19 = arith.constant 0 : i32
    %dma_start3A_20 = tpu.memref_slice %arg4[%shift_right_arithmetic3A_1, %add3A_13, %dma_start3A_19] : memref<4x256x4096xf32, #tpu.memory_space<hbm>> -> memref<1x4x4096xf32, #tpu.memory_space<hbm>>
    %dma_start3A_21 = tpu.memref_squeeze %dma_start3A_20 : memref<1x4x4096xf32, #tpu.memory_space<hbm>> -> memref<4x4096xf32, #tpu.memory_space<hbm>>
    %dma_start3A_22 = arith.constant 0 : i32
    %dma_start3A_23 = arith.constant 0 : i32
    %dma_start3A_24 = tpu.memref_slice %arg13[%dma_start3A, %dma_start3A_14, %dma_start3A_22, %dma_start3A_23] : memref<2x3x4x4096xf32, #tpu.memory_space<vmem>> -> memref<1x1x4x4096xf32, #tpu.memory_space<vmem>>
    %dma_start3A_25 = tpu.memref_squeeze %dma_start3A_24 : memref<1x1x4x4096xf32, #tpu.memory_space<vmem>> -> memref<4x4096xf32, #tpu.memory_space<vmem>>
    %dma_start3A_26 = arith.constant 0 : i32
    %dma_start3A_27 = tpu.memref_slice %arg4[%shift_right_arithmetic3A_1, %add3A_13, %dma_start3A_26] : memref<4x256x4096xf32, #tpu.memory_space<hbm>> -> memref<1x4x4096xf32, #tpu.memory_space<hbm>>
    %dma_start3A_28 = tpu.memref_squeeze %dma_start3A_27 : memref<1x4x4096xf32, #tpu.memory_space<hbm>> -> memref<4x4096xf32, #tpu.memory_space<hbm>>
    tpu.enqueue_dma source(%dma_start3A_28 : memref<4x4096xf32, #tpu.memory_space<hbm>>) target(%dma_start3A_25 : memref<4x4096xf32, #tpu.memory_space<vmem>>) target_semaphore(%arg19 : memref<!tpu.dma_semaphore, #tpu.memory_space<semaphore_mem>>)
    %add3A_29 = arith.constant 4 : i32
    %add3A_30 = arith.addi %mul3A_11, %add3A_29 : i32
    %dma_start3A_31 = arith.constant 1 : i32
    %dma_start3A_32 = arith.constant 0 : i32
    %dma_start3A_33 = arith.constant 0 : i32
    %dma_start3A_34 = arith.constant 0 : i32
    %dma_start3A_35 = tpu.memref_slice %arg13[%dma_start3A_31, %dma_start3A_32, %dma_start3A_33, %dma_start3A_34] : memref<2x3x4x4096xf32, #tpu.memory_space<vmem>> -> memref<1x1x4x4096xf32, #tpu.memory_space<vmem>>
    %dma_start3A_36 = tpu.memref_squeeze %dma_start3A_35 : memref<1x1x4x4096xf32, #tpu.memory_space<vmem>> -> memref<4x4096xf32, #tpu.memory_space<vmem>>
    %dma_start3A_37 = arith.constant 0 : i32
    %dma_start3A_38 = tpu.memref_slice %arg4[%shift_right_arithmetic3A_1, %add3A_30, %dma_start3A_37] : memref<4x256x4096xf32, #tpu.memory_space<hbm>> -> memref<1x4x4096xf32, #tpu.memory_space<hbm>>
    %dma_start3A_39 = tpu.memref_squeeze %dma_start3A_38 : memref<1x4x4096xf32, #tpu.memory_space<hbm>> -> memref<4x4096xf32, #tpu.memory_space<hbm>>
    %dma_start3A_40 = arith.constant 0 : i32
    %dma_start3A_41 = arith.constant 0 : i32
    %dma_start3A_42 = tpu.memref_slice %arg13[%dma_start3A_31, %dma_start3A_32, %dma_start3A_40, %dma_start3A_41] : memref<2x3x4x4096xf32, #tpu.memory_space<vmem>> -> memref<1x1x4x4096xf32, #tpu.memory_space<vmem>>
    %dma_start3A_43 = tpu.memref_squeeze %dma_start3A_42 : memref<1x1x4x4096xf32, #tpu.memory_space<vmem>> -> memref<4x4096xf32, #tpu.memory_space<vmem>>
    %dma_start3A_44 = arith.constant 0 : i32
    %dma_start3A_45 = tpu.memref_slice %arg4[%shift_right_arithmetic3A_1, %add3A_30, %dma_start3A_44] : memref<4x256x4096xf32, #tpu.memory_space<hbm>> -> memref<1x4x4096xf32, #tpu.memory_space<hbm>>
    %dma_start3A_46 = tpu.memref_squeeze %dma_start3A_45 : memref<1x4x4096xf32, #tpu.memory_space<hbm>> -> memref<4x4096xf32, #tpu.memory_space<hbm>>
    tpu.enqueue_dma source(%dma_start3A_46 : memref<4x4096xf32, #tpu.memory_space<hbm>>) target(%dma_start3A_43 : memref<4x4096xf32, #tpu.memory_space<vmem>>) target_semaphore(%arg20 : memref<!tpu.dma_semaphore, #tpu.memory_space<semaphore_mem>>)
    %dma_wait3A = arith.constant 0 : i32
    %dma_wait3A_47 = arith.constant 0 : i32
    %dma_wait3A_48 = arith.constant 0 : i32
    %dma_wait3A_49 = arith.constant 0 : i32
    %dma_wait3A_50 = tpu.memref_slice %arg13[%dma_wait3A, %dma_wait3A_47, %dma_wait3A_48, %dma_wait3A_49] : memref<2x3x4x4096xf32, #tpu.memory_space<vmem>> -> memref<1x1x4x4096xf32, #tpu.memory_space<vmem>>
    %dma_wait3A_51 = tpu.memref_squeeze %dma_wait3A_50 : memref<1x1x4x4096xf32, #tpu.memory_space<vmem>> -> memref<4x4096xf32, #tpu.memory_space<vmem>>
    %dma_wait3A_52 = arith.constant 0 : i32
    %dma_wait3A_53 = tpu.memref_slice %arg4[%shift_right_arithmetic3A_1, %add3A_13, %dma_wait3A_52] : memref<4x256x4096xf32, #tpu.memory_space<hbm>> -> memref<1x4x4096xf32, #tpu.memory_space<hbm>>
    %dma_wait3A_54 = tpu.memref_squeeze %dma_wait3A_53 : memref<1x4x4096xf32, #tpu.memory_space<hbm>> -> memref<4x4096xf32, #tpu.memory_space<hbm>>
    %dma_wait3A_55 = arith.constant 0 : i32
    %dma_wait3A_56 = arith.constant 0 : i32
    %dma_wait3A_57 = tpu.memref_slice %arg13[%dma_wait3A, %dma_wait3A_47, %dma_wait3A_55, %dma_wait3A_56] : memref<2x3x4x4096xf32, #tpu.memory_space<vmem>> -> memref<1x1x4x4096xf32, #tpu.memory_space<vmem>>
    %dma_wait3A_58 = tpu.memref_squeeze %dma_wait3A_57 : memref<1x1x4x4096xf32, #tpu.memory_space<vmem>> -> memref<4x4096xf32, #tpu.memory_space<vmem>>
    %dma_wait3A_59 = arith.constant 0 : i32
    %dma_wait3A_60 = tpu.memref_slice %arg4[%shift_right_arithmetic3A_1, %add3A_13, %dma_wait3A_59] : memref<4x256x4096xf32, #tpu.memory_space<hbm>> -> memref<1x4x4096xf32, #tpu.memory_space<hbm>>
    %dma_wait3A_61 = tpu.memref_squeeze %dma_wait3A_60 : memref<1x4x4096xf32, #tpu.memory_space<hbm>> -> memref<4x4096xf32, #tpu.memory_space<hbm>>
    tpu.wait_dma2 semaphore(%arg19 : memref<!tpu.dma_semaphore, #tpu.memory_space<semaphore_mem>>) src(%dma_wait3A_61 : memref<4x4096xf32, #tpu.memory_space<hbm>>) dst(%dma_wait3A_58 : memref<4x4096xf32, #tpu.memory_space<vmem>>)
    %scan3A_62 = arith.constant 0 : i32
    %scan3A_63 = arith.constant 0 : i32
    %scan3A_64 = arith.constant 64 : i32
    %scan3A_65 = arith.addi %scan3A_63, %scan3A_64 : i32
    %scan3A_66 = arith.constant 1 : i32
    scf.for %scan3A_1350 = %scan3A_63 to %scan3A_65 step %scan3A_66  : i32 {
      %mul3A_1351 = arith.constant 16 : i32
      %mul3A_1352 = arith.muli %scan3A_1350, %mul3A_1351 : i32
      %get3A = arith.index_cast %mul3A_1352 : i32 to index
      %get3A_1353 = tpu.vector_load %arg11[%get3A] {strides = array<i32>} : memref<1024xi32, #tpu.memory_space<vmem>>, vector<16xi32>,
      %broadcast_in_dim3A = arith.constant 0 : i32
      %broadcast_in_dim3A_1354 = vector.broadcast %broadcast_in_dim3A : i32 to vector<16xi32>
      %gather3A = arith.constant 0 : i32
      %gather3A_1355 = arith.constant 0 : i32
      %gather3A_1356 = arith.constant 0 : i32
      %gather3A_1357 = arith.constant 0 : i32
      %gather3A_1358 = tpu.memref_slice %arg13[%gather3A, %gather3A_1355, %gather3A_1356, %gather3A_1357] : memref<2x3x4x4096xf32, #tpu.memory_space<vmem>> -> memref<1x1x4x4096xf32, #tpu.memory_space<vmem>>
      %gather3A_1359 = tpu.memref_squeeze %gather3A_1358 : memref<1x1x4x4096xf32, #tpu.memory_space<vmem>> -> memref<4x4096xf32, #tpu.memory_space<vmem>>
      %gather3A_1360 = tpu.vector_load_idx %gather3A_1359[%broadcast_in_dim3A_1354, %get3A_1353] : memref<4x4096xf32, #tpu.memory_space<vmem>>[vector<16xi32>, vector<16xi32>], vector<16xf32>,
      %mul3A_1361 = arith.constant 16 : i32
      %mul3A_1362 = arith.muli %scan3A_1350, %mul3A_1361 : i32
      %swap3A = arith.constant 0 : i32
      %swap3A_1363 = arith.index_cast %swap3A : i32 to index
      %swap3A_1364 = arith.index_cast %mul3A_1362 : i32 to index
      %swap3A_1365 = tpu.vector_load %arg14[%swap3A_1363, %swap3A_1364] {strides = array<i32>} : memref<8x1024xf32, #tpu.memory_space<vmem>>, vector<16xf32>,
      tpu.vector_store %arg14[%swap3A_1363, %swap3A_1364], %gather3A_1360 {strides = array<i32>} : memref<8x1024xf32, #tpu.memory_space<vmem>>, vector<16xf32>,
      %broadcast_in_dim3A_1366 = arith.constant 1 : i32
      %broadcast_in_dim3A_1367 = vector.broadcast %broadcast_in_dim3A_1366 : i32 to vector<16xi32>
      %gather3A_1368 = arith.constant 0 : i32
      %gather3A_1369 = arith.constant 0 : i32
      %gather3A_1370 = arith.constant 0 : i32
      %gather3A_1371 = arith.constant 0 : i32
      %gather3A_1372 = tpu.memref_slice %arg13[%gather3A_1368, %gather3A_1369, %gather3A_1370, %gather3A_1371] : memref<2x3x4x4096xf32, #tpu.memory_space<vmem>> -> memref<1x1x4x4096xf32, #tpu.memory_space<vmem>>
      %gather3A_1373 = tpu.memref_squeeze %gather3A_1372 : memref<1x1x4x4096xf32, #tpu.memory_space<vmem>> -> memref<4x4096xf32, #tpu.memory_space<vmem>>
      %gather3A_1374 = tpu.vector_load_idx %gather3A_1373[%broadcast_in_dim3A_1367, %get3A_1353] : memref<4x4096xf32, #tpu.memory_space<vmem>>[vector<16xi32>, vector<16xi32>], vector<16xf32>,
      %mul3A_1375 = arith.constant 16 : i32
      %mul3A_1376 = arith.muli %scan3A_1350, %mul3A_1375 : i32
      %swap3A_1377 = arith.constant 1 : i32
      %swap3A_1378 = arith.index_cast %swap3A_1377 : i32 to index
      %swap3A_1379 = arith.index_cast %mul3A_1376 : i32 to index
      %swap3A_1380 = tpu.vector_load %arg14[%swap3A_1378, %swap3A_1379] {strides = array<i32>} : memref<8x1024xf32, #tpu.memory_space<vmem>>, vector<16xf32>,
      tpu.vector_store %arg14[%swap3A_1378, %swap3A_1379], %gather3A_1374 {strides = array<i32>} : memref<8x1024xf32, #tpu.memory_space<vmem>>, vector<16xf32>,
      %broadcast_in_dim3A_1381 = arith.constant 2 : i32
      %broadcast_in_dim3A_1382 = vector.broadcast %broadcast_in_dim3A_1381 : i32 to vector<16xi32>
      %gather3A_1383 = arith.constant 0 : i32
      %gather3A_1384 = arith.constant 0 : i32
      %gather3A_1385 = arith.constant 0 : i32
      %gather3A_1386 = arith.constant 0 : i32
      %gather3A_1387 = tpu.memref_slice %arg13[%gather3A_1383, %gather3A_1384, %gather3A_1385, %gather3A_1386] : memref<2x3x4x4096xf32, #tpu.memory_space<vmem>> -> memref<1x1x4x4096xf32, #tpu.memory_space<vmem>>
      %gather3A_1388 = tpu.memref_squeeze %gather3A_1387 : memref<1x1x4x4096xf32, #tpu.memory_space<vmem>> -> memref<4x4096xf32, #tpu.memory_space<vmem>>
      %gather3A_1389 = tpu.vector_load_idx %gather3A_1388[%broadcast_in_dim3A_1382, %get3A_1353] : memref<4x4096xf32, #tpu.memory_space<vmem>>[vector<16xi32>, vector<16xi32>], vector<16xf32>,
      %mul3A_1390 = arith.constant 16 : i32
      %mul3A_1391 = arith.muli %scan3A_1350, %mul3A_1390 : i32
      %swap3A_1392 = arith.constant 2 : i32
      %swap3A_1393 = arith.index_cast %swap3A_1392 : i32 to index
      %swap3A_1394 = arith.index_cast %mul3A_1391 : i32 to index
      %swap3A_1395 = tpu.vector_load %arg14[%swap3A_1393, %swap3A_1394] {strides = array<i32>} : memref<8x1024xf32, #tpu.memory_space<vmem>>, vector<16xf32>,
      tpu.vector_store %arg14[%swap3A_1393, %swap3A_1394], %gather3A_1389 {strides = array<i32>} : memref<8x1024xf32, #tpu.memory_space<vmem>>, vector<16xf32>,
      %broadcast_in_dim3A_1396 = arith.constant 3 : i32
      %broadcast_in_dim3A_1397 = vector.broadcast %broadcast_in_dim3A_1396 : i32 to vector<16xi32>
      %gather3A_1398 = arith.constant 0 : i32
      %gather3A_1399 = arith.constant 0 : i32
      %gather3A_1400 = arith.constant 0 : i32
      %gather3A_1401 = arith.constant 0 : i32
      %gather3A_1402 = tpu.memref_slice %arg13[%gather3A_1398, %gather3A_1399, %gather3A_1400, %gather3A_1401] : memref<2x3x4x4096xf32, #tpu.memory_space<vmem>> -> memref<1x1x4x4096xf32, #tpu.memory_space<vmem>>
      %gather3A_1403 = tpu.memref_squeeze %gather3A_1402 : memref<1x1x4x4096xf32, #tpu.memory_space<vmem>> -> memref<4x4096xf32, #tpu.memory_space<vmem>>
      %gather3A_1404 = tpu.vector_load_idx %gather3A_1403[%broadcast_in_dim3A_1397, %get3A_1353] : memref<4x4096xf32, #tpu.memory_space<vmem>>[vector<16xi32>, vector<16xi32>], vector<16xf32>,
      %mul3A_1405 = arith.constant 16 : i32
      %mul3A_1406 = arith.muli %scan3A_1350, %mul3A_1405 : i32
      %swap3A_1407 = arith.constant 3 : i32
      %swap3A_1408 = arith.index_cast %swap3A_1407 : i32 to index
      %swap3A_1409 = arith.index_cast %mul3A_1406 : i32 to index
      %swap3A_1410 = tpu.vector_load %arg14[%swap3A_1408, %swap3A_1409] {strides = array<i32>} : memref<8x1024xf32, #tpu.memory_space<vmem>>, vector<16xf32>,
      tpu.vector_store %arg14[%swap3A_1408, %swap3A_1409], %gather3A_1404 {strides = array<i32>} : memref<8x1024xf32, #tpu.memory_space<vmem>>, vector<16xf32>,
    }
    %scan3A_67 = arith.constant 64 : i32
    %add3A_68 = arith.constant 8 : i32
    %add3A_69 = arith.addi %mul3A_11, %add3A_68 : i32
    %dma_start3A_70 = arith.constant 0 : i32
    %dma_start3A_71 = arith.constant 0 : i32
    %dma_start3A_72 = arith.constant 0 : i32
    %dma_start3A_73 = arith.constant 0 : i32
    %dma_start3A_74 = tpu.memref_slice %arg13[%dma_start3A_70, %dma_start3A_71, %dma_start3A_72, %dma_start3A_73] : memref<2x3x4x4096xf32, #tpu.memory_space<vmem>> -> memref<1x1x4x4096xf32, #tpu.memory_space<vmem>>
    %dma_start3A_75 = tpu.memref_squeeze %dma_start3A_74 : memref<1x1x4x4096xf32, #tpu.memory_space<vmem>> -> memref<4x4096xf32, #tpu.memory_space<vmem>>
    %dma_start3A_76 = arith.constant 0 : i32
    %dma_start3A_77 = tpu.memref_slice %arg4[%shift_right_arithmetic3A_1, %add3A_69, %dma_start3A_76] : memref<4x256x4096xf32, #tpu.memory_space<hbm>> -> memref<1x4x4096xf32, #tpu.memory_space<hbm>>
    %dma_start3A_78 = tpu.memref_squeeze %dma_start3A_77 : memref<1x4x4096xf32, #tpu.memory_space<hbm>> -> memref<4x4096xf32, #tpu.memory_space<hbm>>
    %dma_start3A_79 = arith.constant 0 : i32
    %dma_start3A_80 = arith.constant 0 : i32
    %dma_start3A_81 = tpu.memref_slice %arg13[%dma_start3A_70, %dma_start3A_71, %dma_start3A_79, %dma_start3A_80] : memref<2x3x4x4096xf32, #tpu.memory_space<vmem>> -> memref<1x1x4x4096xf32, #tpu.memory_space<vmem>>
    %dma_start3A_82 = tpu.memref_squeeze %dma_start3A_81 : memref<1x1x4x4096xf32, #tpu.memory_space<vmem>> -> memref<4x4096xf32, #tpu.memory_space<vmem>>
    %dma_start3A_83 = arith.constant 0 : i32
    %dma_start3A_84 = tpu.memref_slice %arg4[%shift_right_arithmetic3A_1, %add3A_69, %dma_start3A_83] : memref<4x256x4096xf32, #tpu.memory_space<hbm>> -> memref<1x4x4096xf32, #tpu.memory_space<hbm>>
    %dma_start3A_85 = tpu.memref_squeeze %dma_start3A_84 : memref<1x4x4096xf32, #tpu.memory_space<hbm>> -> memref<4x4096xf32, #tpu.memory_space<hbm>>
    tpu.enqueue_dma source(%dma_start3A_85 : memref<4x4096xf32, #tpu.memory_space<hbm>>) target(%dma_start3A_82 : memref<4x4096xf32, #tpu.memory_space<vmem>>) target_semaphore(%arg19 : memref<!tpu.dma_semaphore, #tpu.memory_space<semaphore_mem>>)
    %dma_wait3A_86 = arith.constant 1 : i32
    %dma_wait3A_87 = arith.constant 0 : i32
    %dma_wait3A_88 = arith.constant 0 : i32
    %dma_wait3A_89 = arith.constant 0 : i32
    %dma_wait3A_90 = tpu.memref_slice %arg13[%dma_wait3A_86, %dma_wait3A_87, %dma_wait3A_88, %dma_wait3A_89] : memref<2x3x4x4096xf32, #tpu.memory_space<vmem>> -> memref<1x1x4x4096xf32, #tpu.memory_space<vmem>>
    %dma_wait3A_91 = tpu.memref_squeeze %dma_wait3A_90 : memref<1x1x4x4096xf32, #tpu.memory_space<vmem>> -> memref<4x4096xf32, #tpu.memory_space<vmem>>
    %dma_wait3A_92 = arith.constant 0 : i32
    %dma_wait3A_93 = tpu.memref_slice %arg4[%shift_right_arithmetic3A_1, %add3A_30, %dma_wait3A_92] : memref<4x256x4096xf32, #tpu.memory_space<hbm>> -> memref<1x4x4096xf32, #tpu.memory_space<hbm>>
    %dma_wait3A_94 = tpu.memref_squeeze %dma_wait3A_93 : memref<1x4x4096xf32, #tpu.memory_space<hbm>> -> memref<4x4096xf32, #tpu.memory_space<hbm>>
    %dma_wait3A_95 = arith.constant 0 : i32
    %dma_wait3A_96 = arith.constant 0 : i32
    %dma_wait3A_97 = tpu.memref_slice %arg13[%dma_wait3A_86, %dma_wait3A_87, %dma_wait3A_95, %dma_wait3A_96] : memref<2x3x4x4096xf32, #tpu.memory_space<vmem>> -> memref<1x1x4x4096xf32, #tpu.memory_space<vmem>>
    %dma_wait3A_98 = tpu.memref_squeeze %dma_wait3A_97 : memref<1x1x4x4096xf32, #tpu.memory_space<vmem>> -> memref<4x4096xf32, #tpu.memory_space<vmem>>
    %dma_wait3A_99 = arith.constant 0 : i32
    %dma_wait3A_100 = tpu.memref_slice %arg4[%shift_right_arithmetic3A_1, %add3A_30, %dma_wait3A_99] : memref<4x256x4096xf32, #tpu.memory_space<hbm>> -> memref<1x4x4096xf32, #tpu.memory_space<hbm>>
    %dma_wait3A_101 = tpu.memref_squeeze %dma_wait3A_100 : memref<1x4x4096xf32, #tpu.memory_space<hbm>> -> memref<4x4096xf32, #tpu.memory_space<hbm>>
    tpu.wait_dma2 semaphore(%arg20 : memref<!tpu.dma_semaphore, #tpu.memory_space<semaphore_mem>>) src(%dma_wait3A_101 : memref<4x4096xf32, #tpu.memory_space<hbm>>) dst(%dma_wait3A_98 : memref<4x4096xf32, #tpu.memory_space<vmem>>)
    %scan3A_102 = arith.constant 0 : i32
    %scan3A_103 = arith.constant 0 : i32
    %scan3A_104 = arith.constant 64 : i32
    %scan3A_105 = arith.addi %scan3A_103, %scan3A_104 : i32
    %scan3A_106 = arith.constant 1 : i32
    scf.for %scan3A_1350 = %scan3A_103 to %scan3A_105 step %scan3A_106  : i32 {
      %mul3A_1351 = arith.constant 16 : i32
      %mul3A_1352 = arith.muli %scan3A_1350, %mul3A_1351 : i32
      %get3A = arith.index_cast %mul3A_1352 : i32 to index
      %get3A_1353 = tpu.vector_load %arg11[%get3A] {strides = array<i32>} : memref<1024xi32, #tpu.memory_space<vmem>>, vector<16xi32>,
      %broadcast_in_dim3A = arith.constant 0 : i32
      %broadcast_in_dim3A_1354 = vector.broadcast %broadcast_in_dim3A : i32 to vector<16xi32>
      %gather3A = arith.constant 1 : i32
      %gather3A_1355 = arith.constant 0 : i32
      %gather3A_1356 = arith.constant 0 : i32
      %gather3A_1357 = arith.constant 0 : i32
      %gather3A_1358 = tpu.memref_slice %arg13[%gather3A, %gather3A_1355, %gather3A_1356, %gather3A_1357] : memref<2x3x4x4096xf32, #tpu.memory_space<vmem>> -> memref<1x1x4x4096xf32, #tpu.memory_space<vmem>>
      %gather3A_1359 = tpu.memref_squeeze %gather3A_1358 : memref<1x1x4x4096xf32, #tpu.memory_space<vmem>> -> memref<4x4096xf32, #tpu.memory_space<vmem>>
      %gather3A_1360 = tpu.vector_load_idx %gather3A_1359[%broadcast_in_dim3A_1354, %get3A_1353] : memref<4x4096xf32, #tpu.memory_space<vmem>>[vector<16xi32>, vector<16xi32>], vector<16xf32>,
      %mul3A_1361 = arith.constant 16 : i32
      %mul3A_1362 = arith.muli %scan3A_1350, %mul3A_1361 : i32
      %swap3A = arith.constant 4 : i32
      %swap3A_1363 = arith.index_cast %swap3A : i32 to index
      %swap3A_1364 = arith.index_cast %mul3A_1362 : i32 to index
      %swap3A_1365 = tpu.vector_load %arg14[%swap3A_1363, %swap3A_1364] {strides = array<i32>} : memref<8x1024xf32, #tpu.memory_space<vmem>>, vector<16xf32>,
      tpu.vector_store %arg14[%swap3A_1363, %swap3A_1364], %gather3A_1360 {strides = array<i32>} : memref<8x1024xf32, #tpu.memory_space<vmem>>, vector<16xf32>,
      %broadcast_in_dim3A_1366 = arith.constant 1 : i32
      %broadcast_in_dim3A_1367 = vector.broadcast %broadcast_in_dim3A_1366 : i32 to vector<16xi32>
      %gather3A_1368 = arith.constant 1 : i32
      %gather3A_1369 = arith.constant 0 : i32
      %gather3A_1370 = arith.constant 0 : i32
      %gather3A_1371 = arith.constant 0 : i32
      %gather3A_1372 = tpu.memref_slice %arg13[%gather3A_1368, %gather3A_1369, %gather3A_1370, %gather3A_1371] : memref<2x3x4x4096xf32, #tpu.memory_space<vmem>> -> memref<1x1x4x4096xf32, #tpu.memory_space<vmem>>
      %gather3A_1373 = tpu.memref_squeeze %gather3A_1372 : memref<1x1x4x4096xf32, #tpu.memory_space<vmem>> -> memref<4x4096xf32, #tpu.memory_space<vmem>>
      %gather3A_1374 = tpu.vector_load_idx %gather3A_1373[%broadcast_in_dim3A_1367, %get3A_1353] : memref<4x4096xf32, #tpu.memory_space<vmem>>[vector<16xi32>, vector<16xi32>], vector<16xf32>,
      %mul3A_1375 = arith.constant 16 : i32
      %mul3A_1376 = arith.muli %scan3A_1350, %mul3A_1375 : i32
      %swap3A_1377 = arith.constant 5 : i32
      %swap3A_1378 = arith.index_cast %swap3A_1377 : i32 to index
      %swap3A_1379 = arith.index_cast %mul3A_1376 : i32 to index
      %swap3A_1380 = tpu.vector_load %arg14[%swap3A_1378, %swap3A_1379] {strides = array<i32>} : memref<8x1024xf32, #tpu.memory_space<vmem>>, vector<16xf32>,
      tpu.vector_store %arg14[%swap3A_1378, %swap3A_1379], %gather3A_1374 {strides = array<i32>} : memref<8x1024xf32, #tpu.memory_space<vmem>>, vector<16xf32>,
      %broadcast_in_dim3A_1381 = arith.constant 2 : i32
      %broadcast_in_dim3A_1382 = vector.broadcast %broadcast_in_dim3A_1381 : i32 to vector<16xi32>
      %gather3A_1383 = arith.constant 1 : i32
      %gather3A_1384 = arith.constant 0 : i32
      %gather3A_1385 = arith.constant 0 : i32
      %gather3A_1386 = arith.constant 0 : i32
      %gather3A_1387 = tpu.memref_slice %arg13[%gather3A_1383, %gather3A_1384, %gather3A_1385, %gather3A_1386] : memref<2x3x4x4096xf32, #tpu.memory_space<vmem>> -> memref<1x1x4x4096xf32, #tpu.memory_space<vmem>>
      %gather3A_1388 = tpu.memref_squeeze %gather3A_1387 : memref<1x1x4x4096xf32, #tpu.memory_space<vmem>> -> memref<4x4096xf32, #tpu.memory_space<vmem>>
      %gather3A_1389 = tpu.vector_load_idx %gather3A_1388[%broadcast_in_dim3A_1382, %get3A_1353] : memref<4x4096xf32, #tpu.memory_space<vmem>>[vector<16xi32>, vector<16xi32>], vector<16xf32>,
      %mul3A_1390 = arith.constant 16 : i32
      %mul3A_1391 = arith.muli %scan3A_1350, %mul3A_1390 : i32
      %swap3A_1392 = arith.constant 6 : i32
      %swap3A_1393 = arith.index_cast %swap3A_1392 : i32 to index
      %swap3A_1394 = arith.index_cast %mul3A_1391 : i32 to index
      %swap3A_1395 = tpu.vector_load %arg14[%swap3A_1393, %swap3A_1394] {strides = array<i32>} : memref<8x1024xf32, #tpu.memory_space<vmem>>, vector<16xf32>,
      tpu.vector_store %arg14[%swap3A_1393, %swap3A_1394], %gather3A_1389 {strides = array<i32>} : memref<8x1024xf32, #tpu.memory_space<vmem>>, vector<16xf32>,
      %broadcast_in_dim3A_1396 = arith.constant 3 : i32
      %broadcast_in_dim3A_1397 = vector.broadcast %broadcast_in_dim3A_1396 : i32 to vector<16xi32>
      %gather3A_1398 = arith.constant 1 : i32
      %gather3A_1399 = arith.constant 0 : i32
      %gather3A_1400 = arith.constant 0 : i32
      %gather3A_1401 = arith.constant 0 : i32
      %gather3A_1402 = tpu.memref_slice %arg13[%gather3A_1398, %gather3A_1399, %gather3A_1400, %gather3A_1401] : memref<2x3x4x4096xf32, #tpu.memory_space<vmem>> -> memref<1x1x4x4096xf32, #tpu.memory_space<vmem>>
      %gather3A_1403 = tpu.memref_squeeze %gather3A_1402 : memref<1x1x4x4096xf32, #tpu.memory_space<vmem>> -> memref<4x4096xf32, #tpu.memory_space<vmem>>
      %gather3A_1404 = tpu.vector_load_idx %gather3A_1403[%broadcast_in_dim3A_1397, %get3A_1353] : memref<4x4096xf32, #tpu.memory_space<vmem>>[vector<16xi32>, vector<16xi32>], vector<16xf32>,
      %mul3A_1405 = arith.constant 16 : i32
      %mul3A_1406 = arith.muli %scan3A_1350, %mul3A_1405 : i32
      %swap3A_1407 = arith.constant 7 : i32
      %swap3A_1408 = arith.index_cast %swap3A_1407 : i32 to index
      %swap3A_1409 = arith.index_cast %mul3A_1406 : i32 to index
      %swap3A_1410 = tpu.vector_load %arg14[%swap3A_1408, %swap3A_1409] {strides = array<i32>} : memref<8x1024xf32, #tpu.memory_space<vmem>>, vector<16xf32>,
      tpu.vector_store %arg14[%swap3A_1408, %swap3A_1409], %gather3A_1404 {strides = array<i32>} : memref<8x1024xf32, #tpu.memory_space<vmem>>, vector<16xf32>,
    }
    %scan3A_107 = arith.constant 64 : i32
    %add3A_108 = arith.constant 0 : i32
    %add3A_109 = arith.addi %mul3A_11, %add3A_108 : i32
    %add3A_110 = arith.constant 0 : i32
    %add3A_111 = arith.addi %add3A_109, %add3A_110 : i32
    %dma_start3A_112 = arith.constant 0 : i32
    %dma_start3A_113 = tpu.memref_slice %arg8[%shift_right_arithmetic3A_1, %add3A_111, %dma_start3A_112] : memref<4x520x1024xf32, #tpu.memory_space<hbm>> -> memref<1x8x1024xf32, #tpu.memory_space<hbm>>
    %dma_start3A_114 = tpu.memref_squeeze %dma_start3A_113 : memref<1x8x1024xf32, #tpu.memory_space<hbm>> -> memref<8x1024xf32, #tpu.memory_space<hbm>>
    %dma_start3A_115 = arith.constant 0 : i32
    %dma_start3A_116 = tpu.memref_slice %arg8[%shift_right_arithmetic3A_1, %add3A_111, %dma_start3A_115] : memref<4x520x1024xf32, #tpu.memory_space<hbm>> -> memref<1x8x1024xf32, #tpu.memory_space<hbm>>
    %dma_start3A_117 = tpu.memref_squeeze %dma_start3A_116 : memref<1x8x1024xf32, #tpu.memory_space<hbm>> -> memref<8x1024xf32, #tpu.memory_space<hbm>>
    tpu.enqueue_dma source(%arg14 : memref<8x1024xf32, #tpu.memory_space<vmem>>) target(%dma_start3A_117 : memref<8x1024xf32, #tpu.memory_space<hbm>>) target_semaphore(%arg21 : memref<!tpu.dma_semaphore, #tpu.memory_space<semaphore_mem>>)
    %add3A_118 = arith.constant 12 : i32
    %add3A_119 = arith.addi %mul3A_11, %add3A_118 : i32
    %dma_start3A_120 = arith.constant 1 : i32
    %dma_start3A_121 = arith.constant 0 : i32
    %dma_start3A_122 = arith.constant 0 : i32
    %dma_start3A_123 = arith.constant 0 : i32
    %dma_start3A_124 = tpu.memref_slice %arg13[%dma_start3A_120, %dma_start3A_121, %dma_start3A_122, %dma_start3A_123] : memref<2x3x4x4096xf32, #tpu.memory_space<vmem>> -> memref<1x1x4x4096xf32, #tpu.memory_space<vmem>>
    %dma_start3A_125 = tpu.memref_squeeze %dma_start3A_124 : memref<1x1x4x4096xf32, #tpu.memory_space<vmem>> -> memref<4x4096xf32, #tpu.memory_space<vmem>>
    %dma_start3A_126 = arith.constant 0 : i32
    %dma_start3A_127 = tpu.memref_slice %arg4[%shift_right_arithmetic3A_1, %add3A_119, %dma_start3A_126] : memref<4x256x4096xf32, #tpu.memory_space<hbm>> -> memref<1x4x4096xf32, #tpu.memory_space<hbm>>
    %dma_start3A_128 = tpu.memref_squeeze %dma_start3A_127 : memref<1x4x4096xf32, #tpu.memory_space<hbm>> -> memref<4x4096xf32, #tpu.memory_space<hbm>>
    %dma_start3A_129 = arith.constant 0 : i32
    %dma_start3A_130 = arith.constant 0 : i32
    %dma_start3A_131 = tpu.memref_slice %arg13[%dma_start3A_120, %dma_start3A_121, %dma_start3A_129, %dma_start3A_130] : memref<2x3x4x4096xf32, #tpu.memory_space<vmem>> -> memref<1x1x4x4096xf32, #tpu.memory_space<vmem>>
    %dma_start3A_132 = tpu.memref_squeeze %dma_start3A_131 : memref<1x1x4x4096xf32, #tpu.memory_space<vmem>> -> memref<4x4096xf32, #tpu.memory_space<vmem>>
    %dma_start3A_133 = arith.constant 0 : i32
    %dma_start3A_134 = tpu.memref_slice %arg4[%shift_right_arithmetic3A_1, %add3A_119, %dma_start3A_133] : memref<4x256x4096xf32, #tpu.memory_space<hbm>> -> memref<1x4x4096xf32, #tpu.memory_space<hbm>>
    %dma_start3A_135 = tpu.memref_squeeze %dma_start3A_134 : memref<1x4x4096xf32, #tpu.memory_space<hbm>> -> memref<4x4096xf32, #tpu.memory_space<hbm>>
    tpu.enqueue_dma source(%dma_start3A_135 : memref<4x4096xf32, #tpu.memory_space<hbm>>) target(%dma_start3A_132 : memref<4x4096xf32, #tpu.memory_space<vmem>>) target_semaphore(%arg20 : memref<!tpu.dma_semaphore, #tpu.memory_space<semaphore_mem>>)
    %dma_wait3A_136 = arith.constant 0 : i32
    %dma_wait3A_137 = arith.constant 0 : i32
    %dma_wait3A_138 = arith.constant 0 : i32
    %dma_wait3A_139 = arith.constant 0 : i32
    %dma_wait3A_140 = tpu.memref_slice %arg13[%dma_wait3A_136, %dma_wait3A_137, %dma_wait3A_138, %dma_wait3A_139] : memref<2x3x4x4096xf32, #tpu.memory_space<vmem>> -> memref<1x1x4x4096xf32, #tpu.memory_space<vmem>>
    %dma_wait3A_141 = tpu.memref_squeeze %dma_wait3A_140 : memref<1x1x4x4096xf32, #tpu.memory_space<vmem>> -> memref<4x4096xf32, #tpu.memory_space<vmem>>
    %dma_wait3A_142 = arith.constant 0 : i32
    %dma_wait3A_143 = tpu.memref_slice %arg4[%shift_right_arithmetic3A_1, %add3A_69, %dma_wait3A_142] : memref<4x256x4096xf32, #tpu.memory_space<hbm>> -> memref<1x4x4096xf32, #tpu.memory_space<hbm>>
    %dma_wait3A_144 = tpu.memref_squeeze %dma_wait3A_143 : memref<1x4x4096xf32, #tpu.memory_space<hbm>> -> memref<4x4096xf32, #tpu.memory_space<hbm>>
    %dma_wait3A_145 = arith.constant 0 : i32
    %dma_wait3A_146 = arith.constant 0 : i32
    %dma_wait3A_147 = tpu.memref_slice %arg13[%dma_wait3A_136, %dma_wait3A_137, %dma_wait3A_145, %dma_wait3A_146] : memref<2x3x4x4096xf32, #tpu.memory_space<vmem>> -> memref<1x1x4x4096xf32, #tpu.memory_space<vmem>>
    %dma_wait3A_148 = tpu.memref_squeeze %dma_wait3A_147 : memref<1x1x4x4096xf32, #tpu.memory_space<vmem>> -> memref<4x4096xf32, #tpu.memory_space<vmem>>
    %dma_wait3A_149 = arith.constant 0 : i32
    %dma_wait3A_150 = tpu.memref_slice %arg4[%shift_right_arithmetic3A_1, %add3A_69, %dma_wait3A_149] : memref<4x256x4096xf32, #tpu.memory_space<hbm>> -> memref<1x4x4096xf32, #tpu.memory_space<hbm>>
    %dma_wait3A_151 = tpu.memref_squeeze %dma_wait3A_150 : memref<1x4x4096xf32, #tpu.memory_space<hbm>> -> memref<4x4096xf32, #tpu.memory_space<hbm>>
    tpu.wait_dma2 semaphore(%arg19 : memref<!tpu.dma_semaphore, #tpu.memory_space<semaphore_mem>>) src(%dma_wait3A_151 : memref<4x4096xf32, #tpu.memory_space<hbm>>) dst(%dma_wait3A_148 : memref<4x4096xf32, #tpu.memory_space<vmem>>)
    %dma_wait3A_152 = arith.constant 0 : i32
    %dma_wait3A_153 = tpu.memref_slice %arg8[%shift_right_arithmetic3A_1, %add3A_111, %dma_wait3A_152] : memref<4x520x1024xf32, #tpu.memory_space<hbm>> -> memref<1x8x1024xf32, #tpu.memory_space<hbm>>
    %dma_wait3A_154 = tpu.memref_squeeze %dma_wait3A_153 : memref<1x8x1024xf32, #tpu.memory_space<hbm>> -> memref<8x1024xf32, #tpu.memory_space<hbm>>
    %dma_wait3A_155 = arith.constant 0 : i32
    %dma_wait3A_156 = tpu.memref_slice %arg8[%shift_right_arithmetic3A_1, %add3A_111, %dma_wait3A_155] : memref<4x520x1024xf32, #tpu.memory_space<hbm>> -> memref<1x8x1024xf32, #tpu.memory_space<hbm>>
    %dma_wait3A_157 = tpu.memref_squeeze %dma_wait3A_156 : memref<1x8x1024xf32, #tpu.memory_space<hbm>> -> memref<8x1024xf32, #tpu.memory_space<hbm>>
    tpu.wait_dma2 semaphore(%arg21 : memref<!tpu.dma_semaphore, #tpu.memory_space<semaphore_mem>>) src(%arg14 : memref<8x1024xf32, #tpu.memory_space<vmem>>) dst(%dma_wait3A_157 : memref<8x1024xf32, #tpu.memory_space<hbm>>)
    %scan3A_158 = arith.constant 0 : i32
    %scan3A_159 = arith.constant 0 : i32
    %scan3A_160 = arith.constant 64 : i32
    %scan3A_161 = arith.addi %scan3A_159, %scan3A_160 : i32
    %scan3A_162 = arith.constant 1 : i32
    scf.for %scan3A_1350 = %scan3A_159 to %scan3A_161 step %scan3A_162  : i32 {
      %mul3A_1351 = arith.constant 16 : i32
      %mul3A_1352 = arith.muli %scan3A_1350, %mul3A_1351 : i32
      %get3A = arith.index_cast %mul3A_1352 : i32 to index
      %get3A_1353 = tpu.vector_load %arg11[%get3A] {strides = array<i32>} : memref<1024xi32, #tpu.memory_space<vmem>>, vector<16xi32>,
      %broadcast_in_dim3A = arith.constant 0 : i32
      %broadcast_in_dim3A_1354 = vector.broadcast %broadcast_in_dim3A : i32 to vector<16xi32>
      %gather3A = arith.constant 0 : i32
      %gather3A_1355 = arith.constant 0 : i32
      %gather3A_1356 = arith.constant 0 : i32
      %gather3A_1357 = arith.constant 0 : i32
      %gather3A_1358 = tpu.memref_slice %arg13[%gather3A, %gather3A_1355, %gather3A_1356, %gather3A_1357] : memref<2x3x4x4096xf32, #tpu.memory_space<vmem>> -> memref<1x1x4x4096xf32, #tpu.memory_space<vmem>>
      %gather3A_1359 = tpu.memref_squeeze %gather3A_1358 : memref<1x1x4x4096xf32, #tpu.memory_space<vmem>> -> memref<4x4096xf32, #tpu.memory_space<vmem>>
      %gather3A_1360 = tpu.vector_load_idx %gather3A_1359[%broadcast_in_dim3A_1354, %get3A_1353] : memref<4x4096xf32, #tpu.memory_space<vmem>>[vector<16xi32>, vector<16xi32>], vector<16xf32>,
      %mul3A_1361 = arith.constant 16 : i32
      %mul3A_1362 = arith.muli %scan3A_1350, %mul3A_1361 : i32
      %swap3A = arith.constant 0 : i32
      %swap3A_1363 = arith.index_cast %swap3A : i32 to index
      %swap3A_1364 = arith.index_cast %mul3A_1362 : i32 to index
      %swap3A_1365 = tpu.vector_load %arg14[%swap3A_1363, %swap3A_1364] {strides = array<i32>} : memref<8x1024xf32, #tpu.memory_space<vmem>>, vector<16xf32>,
      tpu.vector_store %arg14[%swap3A_1363, %swap3A_1364], %gather3A_1360 {strides = array<i32>} : memref<8x1024xf32, #tpu.memory_space<vmem>>, vector<16xf32>,
      %broadcast_in_dim3A_1366 = arith.constant 1 : i32
      %broadcast_in_dim3A_1367 = vector.broadcast %broadcast_in_dim3A_1366 : i32 to vector<16xi32>
      %gather3A_1368 = arith.constant 0 : i32
      %gather3A_1369 = arith.constant 0 : i32
      %gather3A_1370 = arith.constant 0 : i32
      %gather3A_1371 = arith.constant 0 : i32
      %gather3A_1372 = tpu.memref_slice %arg13[%gather3A_1368, %gather3A_1369, %gather3A_1370, %gather3A_1371] : memref<2x3x4x4096xf32, #tpu.memory_space<vmem>> -> memref<1x1x4x4096xf32, #tpu.memory_space<vmem>>
      %gather3A_1373 = tpu.memref_squeeze %gather3A_1372 : memref<1x1x4x4096xf32, #tpu.memory_space<vmem>> -> memref<4x4096xf32, #tpu.memory_space<vmem>>
      %gather3A_1374 = tpu.vector_load_idx %gather3A_1373[%broadcast_in_dim3A_1367, %get3A_1353] : memref<4x4096xf32, #tpu.memory_space<vmem>>[vector<16xi32>, vector<16xi32>], vector<16xf32>,
      %mul3A_1375 = arith.constant 16 : i32
      %mul3A_1376 = arith.muli %scan3A_1350, %mul3A_1375 : i32
      %swap3A_1377 = arith.constant 1 : i32
      %swap3A_1378 = arith.index_cast %swap3A_1377 : i32 to index
      %swap3A_1379 = arith.index_cast %mul3A_1376 : i32 to index
      %swap3A_1380 = tpu.vector_load %arg14[%swap3A_1378, %swap3A_1379] {strides = array<i32>} : memref<8x1024xf32, #tpu.memory_space<vmem>>, vector<16xf32>,
      tpu.vector_store %arg14[%swap3A_1378, %swap3A_1379], %gather3A_1374 {strides = array<i32>} : memref<8x1024xf32, #tpu.memory_space<vmem>>, vector<16xf32>,
      %broadcast_in_dim3A_1381 = arith.constant 2 : i32
      %broadcast_in_dim3A_1382 = vector.broadcast %broadcast_in_dim3A_1381 : i32 to vector<16xi32>
      %gather3A_1383 = arith.constant 0 : i32
      %gather3A_1384 = arith.constant 0 : i32
      %gather3A_1385 = arith.constant 0 : i32
      %gather3A_1386 = arith.constant 0 : i32
      %gather3A_1387 = tpu.memref_slice %arg13[%gather3A_1383, %gather3A_1384, %gather3A_1385, %gather3A_1386] : memref<2x3x4x4096xf32, #tpu.memory_space<vmem>> -> memref<1x1x4x4096xf32, #tpu.memory_space<vmem>>
      %gather3A_1388 = tpu.memref_squeeze %gather3A_1387 : memref<1x1x4x4096xf32, #tpu.memory_space<vmem>> -> memref<4x4096xf32, #tpu.memory_space<vmem>>
      %gather3A_1389 = tpu.vector_load_idx %gather3A_1388[%broadcast_in_dim3A_1382, %get3A_1353] : memref<4x4096xf32, #tpu.memory_space<vmem>>[vector<16xi32>, vector<16xi32>], vector<16xf32>,
      %mul3A_1390 = arith.constant 16 : i32
      %mul3A_1391 = arith.muli %scan3A_1350, %mul3A_1390 : i32
      %swap3A_1392 = arith.constant 2 : i32
      %swap3A_1393 = arith.index_cast %swap3A_1392 : i32 to index
      %swap3A_1394 = arith.index_cast %mul3A_1391 : i32 to index
      %swap3A_1395 = tpu.vector_load %arg14[%swap3A_1393, %swap3A_1394] {strides = array<i32>} : memref<8x1024xf32, #tpu.memory_space<vmem>>, vector<16xf32>,
      tpu.vector_store %arg14[%swap3A_1393, %swap3A_1394], %gather3A_1389 {strides = array<i32>} : memref<8x1024xf32, #tpu.memory_space<vmem>>, vector<16xf32>,
      %broadcast_in_dim3A_1396 = arith.constant 3 : i32
      %broadcast_in_dim3A_1397 = vector.broadcast %broadcast_in_dim3A_1396 : i32 to vector<16xi32>
      %gather3A_1398 = arith.constant 0 : i32
      %gather3A_1399 = arith.constant 0 : i32
      %gather3A_1400 = arith.constant 0 : i32
      %gather3A_1401 = arith.constant 0 : i32
      %gather3A_1402 = tpu.memref_slice %arg13[%gather3A_1398, %gather3A_1399, %gather3A_1400, %gather3A_1401] : memref<2x3x4x4096xf32, #tpu.memory_space<vmem>> -> memref<1x1x4x4096xf32, #tpu.memory_space<vmem>>
      %gather3A_1403 = tpu.memref_squeeze %gather3A_1402 : memref<1x1x4x4096xf32, #tpu.memory_space<vmem>> -> memref<4x4096xf32, #tpu.memory_space<vmem>>
      %gather3A_1404 = tpu.vector_load_idx %gather3A_1403[%broadcast_in_dim3A_1397, %get3A_1353] : memref<4x4096xf32, #tpu.memory_space<vmem>>[vector<16xi32>, vector<16xi32>], vector<16xf32>,
      %mul3A_1405 = arith.constant 16 : i32
      %mul3A_1406 = arith.muli %scan3A_1350, %mul3A_1405 : i32
      %swap3A_1407 = arith.constant 3 : i32
      %swap3A_1408 = arith.index_cast %swap3A_1407 : i32 to index
      %swap3A_1409 = arith.index_cast %mul3A_1406 : i32 to index
      %swap3A_1410 = tpu.vector_load %arg14[%swap3A_1408, %swap3A_1409] {strides = array<i32>} : memref<8x1024xf32, #tpu.memory_space<vmem>>, vector<16xf32>,
      tpu.vector_store %arg14[%swap3A_1408, %swap3A_1409], %gather3A_1404 {strides = array<i32>} : memref<8x1024xf32, #tpu.memory_space<vmem>>, vector<16xf32>,
    }
    %scan3A_163 = arith.constant 64 : i32
    %add3A_164 = arith.constant 16 : i32
    %add3A_165 = arith.addi %mul3A_11, %add3A_164 : i32
    %dma_start3A_166 = arith.constant 0 : i32
    %dma_start3A_167 = arith.constant 0 : i32
    %dma_start3A_168 = arith.constant 0 : i32
    %dma_start3A_169 = arith.constant 0 : i32
    %dma_start3A_170 = tpu.memref_slice %arg13[%dma_start3A_166, %dma_start3A_167, %dma_start3A_168, %dma_start3A_169] : memref<2x3x4x4096xf32, #tpu.memory_space<vmem>> -> memref<1x1x4x4096xf32, #tpu.memory_space<vmem>>
    %dma_start3A_171 = tpu.memref_squeeze %dma_start3A_170 : memref<1x1x4x4096xf32, #tpu.memory_space<vmem>> -> memref<4x4096xf32, #tpu.memory_space<vmem>>
    %dma_start3A_172 = arith.constant 0 : i32
    %dma_start3A_173 = tpu.memref_slice %arg4[%shift_right_arithmetic3A_1, %add3A_165, %dma_start3A_172] : memref<4x256x4096xf32, #tpu.memory_space<hbm>> -> memref<1x4x4096xf32, #tpu.memory_space<hbm>>
    %dma_start3A_174 = tpu.memref_squeeze %dma_start3A_173 : memref<1x4x4096xf32, #tpu.memory_space<hbm>> -> memref<4x4096xf32, #tpu.memory_space<hbm>>
    %dma_start3A_175 = arith.constant 0 : i32
    %dma_start3A_176 = arith.constant 0 : i32
    %dma_start3A_177 = tpu.memref_slice %arg13[%dma_start3A_166, %dma_start3A_167, %dma_start3A_175, %dma_start3A_176] : memref<2x3x4x4096xf32, #tpu.memory_space<vmem>> -> memref<1x1x4x4096xf32, #tpu.memory_space<vmem>>
    %dma_start3A_178 = tpu.memref_squeeze %dma_start3A_177 : memref<1x1x4x4096xf32, #tpu.memory_space<vmem>> -> memref<4x4096xf32, #tpu.memory_space<vmem>>
    %dma_start3A_179 = arith.constant 0 : i32
    %dma_start3A_180 = tpu.memref_slice %arg4[%shift_right_arithmetic3A_1, %add3A_165, %dma_start3A_179] : memref<4x256x4096xf32, #tpu.memory_space<hbm>> -> memref<1x4x4096xf32, #tpu.memory_space<hbm>>
    %dma_start3A_181 = tpu.memref_squeeze %dma_start3A_180 : memref<1x4x4096xf32, #tpu.memory_space<hbm>> -> memref<4x4096xf32, #tpu.memory_space<hbm>>
    tpu.enqueue_dma source(%dma_start3A_181 : memref<4x4096xf32, #tpu.memory_space<hbm>>) target(%dma_start3A_178 : memref<4x4096xf32, #tpu.memory_space<vmem>>) target_semaphore(%arg19 : memref<!tpu.dma_semaphore, #tpu.memory_space<semaphore_mem>>)
    %dma_wait3A_182 = arith.constant 1 : i32
    %dma_wait3A_183 = arith.constant 0 : i32
    %dma_wait3A_184 = arith.constant 0 : i32
    %dma_wait3A_185 = arith.constant 0 : i32
    %dma_wait3A_186 = tpu.memref_slice %arg13[%dma_wait3A_182, %dma_wait3A_183, %dma_wait3A_184, %dma_wait3A_185] : memref<2x3x4x4096xf32, #tpu.memory_space<vmem>> -> memref<1x1x4x4096xf32, #tpu.memory_space<vmem>>
    %dma_wait3A_187 = tpu.memref_squeeze %dma_wait3A_186 : memref<1x1x4x4096xf32, #tpu.memory_space<vmem>> -> memref<4x4096xf32, #tpu.memory_space<vmem>>
    %dma_wait3A_188 = arith.constant 0 : i32
    %dma_wait3A_189 = tpu.memref_slice %arg4[%shift_right_arithmetic3A_1, %add3A_119, %dma_wait3A_188] : memref<4x256x4096xf32, #tpu.memory_space<hbm>> -> memref<1x4x4096xf32, #tpu.memory_space<hbm>>
    %dma_wait3A_190 = tpu.memref_squeeze %dma_wait3A_189 : memref<1x4x4096xf32, #tpu.memory_space<hbm>> -> memref<4x4096xf32, #tpu.memory_space<hbm>>
    %dma_wait3A_191 = arith.constant 0 : i32
    %dma_wait3A_192 = arith.constant 0 : i32
    %dma_wait3A_193 = tpu.memref_slice %arg13[%dma_wait3A_182, %dma_wait3A_183, %dma_wait3A_191, %dma_wait3A_192] : memref<2x3x4x4096xf32, #tpu.memory_space<vmem>> -> memref<1x1x4x4096xf32, #tpu.memory_space<vmem>>
    %dma_wait3A_194 = tpu.memref_squeeze %dma_wait3A_193 : memref<1x1x4x4096xf32, #tpu.memory_space<vmem>> -> memref<4x4096xf32, #tpu.memory_space<vmem>>
    %dma_wait3A_195 = arith.constant 0 : i32
    %dma_wait3A_196 = tpu.memref_slice %arg4[%shift_right_arithmetic3A_1, %add3A_119, %dma_wait3A_195] : memref<4x256x4096xf32, #tpu.memory_space<hbm>> -> memref<1x4x4096xf32, #tpu.memory_space<hbm>>
    %dma_wait3A_197 = tpu.memref_squeeze %dma_wait3A_196 : memref<1x4x4096xf32, #tpu.memory_space<hbm>> -> memref<4x4096xf32, #tpu.memory_space<hbm>>
    tpu.wait_dma2 semaphore(%arg20 : memref<!tpu.dma_semaphore, #tpu.memory_space<semaphore_mem>>) src(%dma_wait3A_197 : memref<4x4096xf32, #tpu.memory_space<hbm>>) dst(%dma_wait3A_194 : memref<4x4096xf32, #tpu.memory_space<vmem>>)
    %scan3A_198 = arith.constant 0 : i32
    %scan3A_199 = arith.constant 0 : i32
    %scan3A_200 = arith.constant 64 : i32
    %scan3A_201 = arith.addi %scan3A_199, %scan3A_200 : i32
    %scan3A_202 = arith.constant 1 : i32
    scf.for %scan3A_1350 = %scan3A_199 to %scan3A_201 step %scan3A_202  : i32 {
      %mul3A_1351 = arith.constant 16 : i32
      %mul3A_1352 = arith.muli %scan3A_1350, %mul3A_1351 : i32
      %get3A = arith.index_cast %mul3A_1352 : i32 to index
      %get3A_1353 = tpu.vector_load %arg11[%get3A] {strides = array<i32>} : memref<1024xi32, #tpu.memory_space<vmem>>, vector<16xi32>,
      %broadcast_in_dim3A = arith.constant 0 : i32
      %broadcast_in_dim3A_1354 = vector.broadcast %broadcast_in_dim3A : i32 to vector<16xi32>
      %gather3A = arith.constant 1 : i32
      %gather3A_1355 = arith.constant 0 : i32
      %gather3A_1356 = arith.constant 0 : i32
      %gather3A_1357 = arith.constant 0 : i32
      %gather3A_1358 = tpu.memref_slice %arg13[%gather3A, %gather3A_1355, %gather3A_1356, %gather3A_1357] : memref<2x3x4x4096xf32, #tpu.memory_space<vmem>> -> memref<1x1x4x4096xf32, #tpu.memory_space<vmem>>
      %gather3A_1359 = tpu.memref_squeeze %gather3A_1358 : memref<1x1x4x4096xf32, #tpu.memory_space<vmem>> -> memref<4x4096xf32, #tpu.memory_space<vmem>>
      %gather3A_1360 = tpu.vector_load_idx %gather3A_1359[%broadcast_in_dim3A_1354, %get3A_1353] : memref<4x4096xf32, #tpu.memory_space<vmem>>[vector<16xi32>, vector<16xi32>], vector<16xf32>,
      %mul3A_1361 = arith.constant 16 : i32
      %mul3A_1362 = arith.muli %scan3A_1350, %mul3A_1361 : i32
      %swap3A = arith.constant 4 : i32
      %swap3A_1363 = arith.index_cast %swap3A : i32 to index
      %swap3A_1364 = arith.index_cast %mul3A_1362 : i32 to index
      %swap3A_1365 = tpu.vector_load %arg14[%swap3A_1363, %swap3A_1364] {strides = array<i32>} : memref<8x1024xf32, #tpu.memory_space<vmem>>, vector<16xf32>,
      tpu.vector_store %arg14[%swap3A_1363, %swap3A_1364], %gather3A_1360 {strides = array<i32>} : memref<8x1024xf32, #tpu.memory_space<vmem>>, vector<16xf32>,
      %broadcast_in_dim3A_1366 = arith.constant 1 : i32
      %broadcast_in_dim3A_1367 = vector.broadcast %broadcast_in_dim3A_1366 : i32 to vector<16xi32>
      %gather3A_1368 = arith.constant 1 : i32
      %gather3A_1369 = arith.constant 0 : i32
      %gather3A_1370 = arith.constant 0 : i32
      %gather3A_1371 = arith.constant 0 : i32
      %gather3A_1372 = tpu.memref_slice %arg13[%gather3A_1368, %gather3A_1369, %gather3A_1370, %gather3A_1371] : memref<2x3x4x4096xf32, #tpu.memory_space<vmem>> -> memref<1x1x4x4096xf32, #tpu.memory_space<vmem>>
      %gather3A_1373 = tpu.memref_squeeze %gather3A_1372 : memref<1x1x4x4096xf32, #tpu.memory_space<vmem>> -> memref<4x4096xf32, #tpu.memory_space<vmem>>
      %gather3A_1374 = tpu.vector_load_idx %gather3A_1373[%broadcast_in_dim3A_1367, %get3A_1353] : memref<4x4096xf32, #tpu.memory_space<vmem>>[vector<16xi32>, vector<16xi32>], vector<16xf32>,
      %mul3A_1375 = arith.constant 16 : i32
      %mul3A_1376 = arith.muli %scan3A_1350, %mul3A_1375 : i32
      %swap3A_1377 = arith.constant 5 : i32
      %swap3A_1378 = arith.index_cast %swap3A_1377 : i32 to index
      %swap3A_1379 = arith.index_cast %mul3A_1376 : i32 to index
      %swap3A_1380 = tpu.vector_load %arg14[%swap3A_1378, %swap3A_1379] {strides = array<i32>} : memref<8x1024xf32, #tpu.memory_space<vmem>>, vector<16xf32>,
      tpu.vector_store %arg14[%swap3A_1378, %swap3A_1379], %gather3A_1374 {strides = array<i32>} : memref<8x1024xf32, #tpu.memory_space<vmem>>, vector<16xf32>,
      %broadcast_in_dim3A_1381 = arith.constant 2 : i32
      %broadcast_in_dim3A_1382 = vector.broadcast %broadcast_in_dim3A_1381 : i32 to vector<16xi32>
      %gather3A_1383 = arith.constant 1 : i32
      %gather3A_1384 = arith.constant 0 : i32
      %gather3A_1385 = arith.constant 0 : i32
      %gather3A_1386 = arith.constant 0 : i32
      %gather3A_1387 = tpu.memref_slice %arg13[%gather3A_1383, %gather3A_1384, %gather3A_1385, %gather3A_1386] : memref<2x3x4x4096xf32, #tpu.memory_space<vmem>> -> memref<1x1x4x4096xf32, #tpu.memory_space<vmem>>
      %gather3A_1388 = tpu.memref_squeeze %gather3A_1387 : memref<1x1x4x4096xf32, #tpu.memory_space<vmem>> -> memref<4x4096xf32, #tpu.memory_space<vmem>>
      %gather3A_1389 = tpu.vector_load_idx %gather3A_1388[%broadcast_in_dim3A_1382, %get3A_1353] : memref<4x4096xf32, #tpu.memory_space<vmem>>[vector<16xi32>, vector<16xi32>], vector<16xf32>,
      %mul3A_1390 = arith.constant 16 : i32
      %mul3A_1391 = arith.muli %scan3A_1350, %mul3A_1390 : i32
      %swap3A_1392 = arith.constant 6 : i32
      %swap3A_1393 = arith.index_cast %swap3A_1392 : i32 to index
      %swap3A_1394 = arith.index_cast %mul3A_1391 : i32 to index
      %swap3A_1395 = tpu.vector_load %arg14[%swap3A_1393, %swap3A_1394] {strides = array<i32>} : memref<8x1024xf32, #tpu.memory_space<vmem>>, vector<16xf32>,
      tpu.vector_store %arg14[%swap3A_1393, %swap3A_1394], %gather3A_1389 {strides = array<i32>} : memref<8x1024xf32, #tpu.memory_space<vmem>>, vector<16xf32>,
      %broadcast_in_dim3A_1396 = arith.constant 3 : i32
      %broadcast_in_dim3A_1397 = vector.broadcast %broadcast_in_dim3A_1396 : i32 to vector<16xi32>
      %gather3A_1398 = arith.constant 1 : i32
      %gather3A_1399 = arith.constant 0 : i32
      %gather3A_1400 = arith.constant 0 : i32
      %gather3A_1401 = arith.constant 0 : i32
      %gather3A_1402 = tpu.memref_slice %arg13[%gather3A_1398, %gather3A_1399, %gather3A_1400, %gather3A_1401] : memref<2x3x4x4096xf32, #tpu.memory_space<vmem>> -> memref<1x1x4x4096xf32, #tpu.memory_space<vmem>>
      %gather3A_1403 = tpu.memref_squeeze %gather3A_1402 : memref<1x1x4x4096xf32, #tpu.memory_space<vmem>> -> memref<4x4096xf32, #tpu.memory_space<vmem>>
      %gather3A_1404 = tpu.vector_load_idx %gather3A_1403[%broadcast_in_dim3A_1397, %get3A_1353] : memref<4x4096xf32, #tpu.memory_space<vmem>>[vector<16xi32>, vector<16xi32>], vector<16xf32>,
      %mul3A_1405 = arith.constant 16 : i32
      %mul3A_1406 = arith.muli %scan3A_1350, %mul3A_1405 : i32
      %swap3A_1407 = arith.constant 7 : i32
      %swap3A_1408 = arith.index_cast %swap3A_1407 : i32 to index
      %swap3A_1409 = arith.index_cast %mul3A_1406 : i32 to index
      %swap3A_1410 = tpu.vector_load %arg14[%swap3A_1408, %swap3A_1409] {strides = array<i32>} : memref<8x1024xf32, #tpu.memory_space<vmem>>, vector<16xf32>,
      tpu.vector_store %arg14[%swap3A_1408, %swap3A_1409], %gather3A_1404 {strides = array<i32>} : memref<8x1024xf32, #tpu.memory_space<vmem>>, vector<16xf32>,
    }
    %scan3A_203 = arith.constant 64 : i32
    %add3A_204 = arith.constant 8 : i32
    %add3A_205 = arith.addi %mul3A_11, %add3A_204 : i32
    %add3A_206 = arith.constant 0 : i32
    %add3A_207 = arith.addi %add3A_205, %add3A_206 : i32
    %dma_start3A_208 = arith.constant 0 : i32
    %dma_start3A_209 = tpu.memref_slice %arg8[%shift_right_arithmetic3A_1, %add3A_207, %dma_start3A_208] : memref<4x520x1024xf32, #tpu.memory_space<hbm>> -> memref<1x8x1024xf32, #tpu.memory_space<hbm>>
    %dma_start3A_210 = tpu.memref_squeeze %dma_start3A_209 : memref<1x8x1024xf32, #tpu.memory_space<hbm>> -> memref<8x1024xf32, #tpu.memory_space<hbm>>
    %dma_start3A_211 = arith.constant 0 : i32
    %dma_start3A_212 = tpu.memref_slice %arg8[%shift_right_arithmetic3A_1, %add3A_207, %dma_start3A_211] : memref<4x520x1024xf32, #tpu.memory_space<hbm>> -> memref<1x8x1024xf32, #tpu.memory_space<hbm>>
    %dma_start3A_213 = tpu.memref_squeeze %dma_start3A_212 : memref<1x8x1024xf32, #tpu.memory_space<hbm>> -> memref<8x1024xf32, #tpu.memory_space<hbm>>
    tpu.enqueue_dma source(%arg14 : memref<8x1024xf32, #tpu.memory_space<vmem>>) target(%dma_start3A_213 : memref<8x1024xf32, #tpu.memory_space<hbm>>) target_semaphore(%arg21 : memref<!tpu.dma_semaphore, #tpu.memory_space<semaphore_mem>>)
    %add3A_214 = arith.constant 20 : i32
    %add3A_215 = arith.addi %mul3A_11, %add3A_214 : i32
    %dma_start3A_216 = arith.constant 1 : i32
    %dma_start3A_217 = arith.constant 0 : i32
    %dma_start3A_218 = arith.constant 0 : i32
    %dma_start3A_219 = arith.constant 0 : i32
    %dma_start3A_220 = tpu.memref_slice %arg13[%dma_start3A_216, %dma_start3A_217, %dma_start3A_218, %dma_start3A_219] : memref<2x3x4x4096xf32, #tpu.memory_space<vmem>> -> memref<1x1x4x4096xf32, #tpu.memory_space<vmem>>
    %dma_start3A_221 = tpu.memref_squeeze %dma_start3A_220 : memref<1x1x4x4096xf32, #tpu.memory_space<vmem>> -> memref<4x4096xf32, #tpu.memory_space<vmem>>
    %dma_start3A_222 = arith.constant 0 : i32
    %dma_start3A_223 = tpu.memref_slice %arg4[%shift_right_arithmetic3A_1, %add3A_215, %dma_start3A_222] : memref<4x256x4096xf32, #tpu.memory_space<hbm>> -> memref<1x4x4096xf32, #tpu.memory_space<hbm>>
    %dma_start3A_224 = tpu.memref_squeeze %dma_start3A_223 : memref<1x4x4096xf32, #tpu.memory_space<hbm>> -> memref<4x4096xf32, #tpu.memory_space<hbm>>
    %dma_start3A_225 = arith.constant 0 : i32
    %dma_start3A_226 = arith.constant 0 : i32
    %dma_start3A_227 = tpu.memref_slice %arg13[%dma_start3A_216, %dma_start3A_217, %dma_start3A_225, %dma_start3A_226] : memref<2x3x4x4096xf32, #tpu.memory_space<vmem>> -> memref<1x1x4x4096xf32, #tpu.memory_space<vmem>>
    %dma_start3A_228 = tpu.memref_squeeze %dma_start3A_227 : memref<1x1x4x4096xf32, #tpu.memory_space<vmem>> -> memref<4x4096xf32, #tpu.memory_space<vmem>>
    %dma_start3A_229 = arith.constant 0 : i32
    %dma_start3A_230 = tpu.memref_slice %arg4[%shift_right_arithmetic3A_1, %add3A_215, %dma_start3A_229] : memref<4x256x4096xf32, #tpu.memory_space<hbm>> -> memref<1x4x4096xf32, #tpu.memory_space<hbm>>
    %dma_start3A_231 = tpu.memref_squeeze %dma_start3A_230 : memref<1x4x4096xf32, #tpu.memory_space<hbm>> -> memref<4x4096xf32, #tpu.memory_space<hbm>>
    tpu.enqueue_dma source(%dma_start3A_231 : memref<4x4096xf32, #tpu.memory_space<hbm>>) target(%dma_start3A_228 : memref<4x4096xf32, #tpu.memory_space<vmem>>) target_semaphore(%arg20 : memref<!tpu.dma_semaphore, #tpu.memory_space<semaphore_mem>>)
    %dma_wait3A_232 = arith.constant 0 : i32
    %dma_wait3A_233 = arith.constant 0 : i32
    %dma_wait3A_234 = arith.constant 0 : i32
    %dma_wait3A_235 = arith.constant 0 : i32
    %dma_wait3A_236 = tpu.memref_slice %arg13[%dma_wait3A_232, %dma_wait3A_233, %dma_wait3A_234, %dma_wait3A_235] : memref<2x3x4x4096xf32, #tpu.memory_space<vmem>> -> memref<1x1x4x4096xf32, #tpu.memory_space<vmem>>
    %dma_wait3A_237 = tpu.memref_squeeze %dma_wait3A_236 : memref<1x1x4x4096xf32, #tpu.memory_space<vmem>> -> memref<4x4096xf32, #tpu.memory_space<vmem>>
    %dma_wait3A_238 = arith.constant 0 : i32
    %dma_wait3A_239 = tpu.memref_slice %arg4[%shift_right_arithmetic3A_1, %add3A_165, %dma_wait3A_238] : memref<4x256x4096xf32, #tpu.memory_space<hbm>> -> memref<1x4x4096xf32, #tpu.memory_space<hbm>>
    %dma_wait3A_240 = tpu.memref_squeeze %dma_wait3A_239 : memref<1x4x4096xf32, #tpu.memory_space<hbm>> -> memref<4x4096xf32, #tpu.memory_space<hbm>>
    %dma_wait3A_241 = arith.constant 0 : i32
    %dma_wait3A_242 = arith.constant 0 : i32
    %dma_wait3A_243 = tpu.memref_slice %arg13[%dma_wait3A_232, %dma_wait3A_233, %dma_wait3A_241, %dma_wait3A_242] : memref<2x3x4x4096xf32, #tpu.memory_space<vmem>> -> memref<1x1x4x4096xf32, #tpu.memory_space<vmem>>
    %dma_wait3A_244 = tpu.memref_squeeze %dma_wait3A_243 : memref<1x1x4x4096xf32, #tpu.memory_space<vmem>> -> memref<4x4096xf32, #tpu.memory_space<vmem>>
    %dma_wait3A_245 = arith.constant 0 : i32
    %dma_wait3A_246 = tpu.memref_slice %arg4[%shift_right_arithmetic3A_1, %add3A_165, %dma_wait3A_245] : memref<4x256x4096xf32, #tpu.memory_space<hbm>> -> memref<1x4x4096xf32, #tpu.memory_space<hbm>>
    %dma_wait3A_247 = tpu.memref_squeeze %dma_wait3A_246 : memref<1x4x4096xf32, #tpu.memory_space<hbm>> -> memref<4x4096xf32, #tpu.memory_space<hbm>>
    tpu.wait_dma2 semaphore(%arg19 : memref<!tpu.dma_semaphore, #tpu.memory_space<semaphore_mem>>) src(%dma_wait3A_247 : memref<4x4096xf32, #tpu.memory_space<hbm>>) dst(%dma_wait3A_244 : memref<4x4096xf32, #tpu.memory_space<vmem>>)
    %dma_wait3A_248 = arith.constant 0 : i32
    %dma_wait3A_249 = tpu.memref_slice %arg8[%shift_right_arithmetic3A_1, %add3A_207, %dma_wait3A_248] : memref<4x520x1024xf32, #tpu.memory_space<hbm>> -> memref<1x8x1024xf32, #tpu.memory_space<hbm>>
    %dma_wait3A_250 = tpu.memref_squeeze %dma_wait3A_249 : memref<1x8x1024xf32, #tpu.memory_space<hbm>> -> memref<8x1024xf32, #tpu.memory_space<hbm>>
    %dma_wait3A_251 = arith.constant 0 : i32
    %dma_wait3A_252 = tpu.memref_slice %arg8[%shift_right_arithmetic3A_1, %add3A_207, %dma_wait3A_251] : memref<4x520x1024xf32, #tpu.memory_space<hbm>> -> memref<1x8x1024xf32, #tpu.memory_space<hbm>>
    %dma_wait3A_253 = tpu.memref_squeeze %dma_wait3A_252 : memref<1x8x1024xf32, #tpu.memory_space<hbm>> -> memref<8x1024xf32, #tpu.memory_space<hbm>>
    tpu.wait_dma2 semaphore(%arg21 : memref<!tpu.dma_semaphore, #tpu.memory_space<semaphore_mem>>) src(%arg14 : memref<8x1024xf32, #tpu.memory_space<vmem>>) dst(%dma_wait3A_253 : memref<8x1024xf32, #tpu.memory_space<hbm>>)
    %scan3A_254 = arith.constant 0 : i32
    %scan3A_255 = arith.constant 0 : i32
    %scan3A_256 = arith.constant 64 : i32
    %scan3A_257 = arith.addi %scan3A_255, %scan3A_256 : i32
    %scan3A_258 = arith.constant 1 : i32
    scf.for %scan3A_1350 = %scan3A_255 to %scan3A_257 step %scan3A_258  : i32 {
      %mul3A_1351 = arith.constant 16 : i32
      %mul3A_1352 = arith.muli %scan3A_1350, %mul3A_1351 : i32
      %get3A = arith.index_cast %mul3A_1352 : i32 to index
      %get3A_1353 = tpu.vector_load %arg11[%get3A] {strides = array<i32>} : memref<1024xi32, #tpu.memory_space<vmem>>, vector<16xi32>,
      %broadcast_in_dim3A = arith.constant 0 : i32
      %broadcast_in_dim3A_1354 = vector.broadcast %broadcast_in_dim3A : i32 to vector<16xi32>
      %gather3A = arith.constant 0 : i32
      %gather3A_1355 = arith.constant 0 : i32
      %gather3A_1356 = arith.constant 0 : i32
      %gather3A_1357 = arith.constant 0 : i32
      %gather3A_1358 = tpu.memref_slice %arg13[%gather3A, %gather3A_1355, %gather3A_1356, %gather3A_1357] : memref<2x3x4x4096xf32, #tpu.memory_space<vmem>> -> memref<1x1x4x4096xf32, #tpu.memory_space<vmem>>
      %gather3A_1359 = tpu.memref_squeeze %gather3A_1358 : memref<1x1x4x4096xf32, #tpu.memory_space<vmem>> -> memref<4x4096xf32, #tpu.memory_space<vmem>>
      %gather3A_1360 = tpu.vector_load_idx %gather3A_1359[%broadcast_in_dim3A_1354, %get3A_1353] : memref<4x4096xf32, #tpu.memory_space<vmem>>[vector<16xi32>, vector<16xi32>], vector<16xf32>,
      %mul3A_1361 = arith.constant 16 : i32
      %mul3A_1362 = arith.muli %scan3A_1350, %mul3A_1361 : i32
      %swap3A = arith.constant 0 : i32
      %swap3A_1363 = arith.index_cast %swap3A : i32 to index
      %swap3A_1364 = arith.index_cast %mul3A_1362 : i32 to index
      %swap3A_1365 = tpu.vector_load %arg14[%swap3A_1363, %swap3A_1364] {strides = array<i32>} : memref<8x1024xf32, #tpu.memory_space<vmem>>, vector<16xf32>,
      tpu.vector_store %arg14[%swap3A_1363, %swap3A_1364], %gather3A_1360 {strides = array<i32>} : memref<8x1024xf32, #tpu.memory_space<vmem>>, vector<16xf32>,
      %broadcast_in_dim3A_1366 = arith.constant 1 : i32
      %broadcast_in_dim3A_1367 = vector.broadcast %broadcast_in_dim3A_1366 : i32 to vector<16xi32>
      %gather3A_1368 = arith.constant 0 : i32
      %gather3A_1369 = arith.constant 0 : i32
      %gather3A_1370 = arith.constant 0 : i32
      %gather3A_1371 = arith.constant 0 : i32
      %gather3A_1372 = tpu.memref_slice %arg13[%gather3A_1368, %gather3A_1369, %gather3A_1370, %gather3A_1371] : memref<2x3x4x4096xf32, #tpu.memory_space<vmem>> -> memref<1x1x4x4096xf32, #tpu.memory_space<vmem>>
      %gather3A_1373 = tpu.memref_squeeze %gather3A_1372 : memref<1x1x4x4096xf32, #tpu.memory_space<vmem>> -> memref<4x4096xf32, #tpu.memory_space<vmem>>
      %gather3A_1374 = tpu.vector_load_idx %gather3A_1373[%broadcast_in_dim3A_1367, %get3A_1353] : memref<4x4096xf32, #tpu.memory_space<vmem>>[vector<16xi32>, vector<16xi32>], vector<16xf32>,
      %mul3A_1375 = arith.constant 16 : i32
      %mul3A_1376 = arith.muli %scan3A_1350, %mul3A_1375 : i32
      %swap3A_1377 = arith.constant 1 : i32
      %swap3A_1378 = arith.index_cast %swap3A_1377 : i32 to index
      %swap3A_1379 = arith.index_cast %mul3A_1376 : i32 to index
      %swap3A_1380 = tpu.vector_load %arg14[%swap3A_1378, %swap3A_1379] {strides = array<i32>} : memref<8x1024xf32, #tpu.memory_space<vmem>>, vector<16xf32>,
      tpu.vector_store %arg14[%swap3A_1378, %swap3A_1379], %gather3A_1374 {strides = array<i32>} : memref<8x1024xf32, #tpu.memory_space<vmem>>, vector<16xf32>,
      %broadcast_in_dim3A_1381 = arith.constant 2 : i32
      %broadcast_in_dim3A_1382 = vector.broadcast %broadcast_in_dim3A_1381 : i32 to vector<16xi32>
      %gather3A_1383 = arith.constant 0 : i32
      %gather3A_1384 = arith.constant 0 : i32
      %gather3A_1385 = arith.constant 0 : i32
      %gather3A_1386 = arith.constant 0 : i32
      %gather3A_1387 = tpu.memref_slice %arg13[%gather3A_1383, %gather3A_1384, %gather3A_1385, %gather3A_1386] : memref<2x3x4x4096xf32, #tpu.memory_space<vmem>> -> memref<1x1x4x4096xf32, #tpu.memory_space<vmem>>
      %gather3A_1388 = tpu.memref_squeeze %gather3A_1387 : memref<1x1x4x4096xf32, #tpu.memory_space<vmem>> -> memref<4x4096xf32, #tpu.memory_space<vmem>>
      %gather3A_1389 = tpu.vector_load_idx %gather3A_1388[%broadcast_in_dim3A_1382, %get3A_1353] : memref<4x4096xf32, #tpu.memory_space<vmem>>[vector<16xi32>, vector<16xi32>], vector<16xf32>,
      %mul3A_1390 = arith.constant 16 : i32
      %mul3A_1391 = arith.muli %scan3A_1350, %mul3A_1390 : i32
      %swap3A_1392 = arith.constant 2 : i32
      %swap3A_1393 = arith.index_cast %swap3A_1392 : i32 to index
      %swap3A_1394 = arith.index_cast %mul3A_1391 : i32 to index
      %swap3A_1395 = tpu.vector_load %arg14[%swap3A_1393, %swap3A_1394] {strides = array<i32>} : memref<8x1024xf32, #tpu.memory_space<vmem>>, vector<16xf32>,
      tpu.vector_store %arg14[%swap3A_1393, %swap3A_1394], %gather3A_1389 {strides = array<i32>} : memref<8x1024xf32, #tpu.memory_space<vmem>>, vector<16xf32>,
      %broadcast_in_dim3A_1396 = arith.constant 3 : i32
      %broadcast_in_dim3A_1397 = vector.broadcast %broadcast_in_dim3A_1396 : i32 to vector<16xi32>
      %gather3A_1398 = arith.constant 0 : i32
      %gather3A_1399 = arith.constant 0 : i32
      %gather3A_1400 = arith.constant 0 : i32
      %gather3A_1401 = arith.constant 0 : i32
      %gather3A_1402 = tpu.memref_slice %arg13[%gather3A_1398, %gather3A_1399, %gather3A_1400, %gather3A_1401] : memref<2x3x4x4096xf32, #tpu.memory_space<vmem>> -> memref<1x1x4x4096xf32, #tpu.memory_space<vmem>>
      %gather3A_1403 = tpu.memref_squeeze %gather3A_1402 : memref<1x1x4x4096xf32, #tpu.memory_space<vmem>> -> memref<4x4096xf32, #tpu.memory_space<vmem>>
      %gather3A_1404 = tpu.vector_load_idx %gather3A_1403[%broadcast_in_dim3A_1397, %get3A_1353] : memref<4x4096xf32, #tpu.memory_space<vmem>>[vector<16xi32>, vector<16xi32>], vector<16xf32>,
      %mul3A_1405 = arith.constant 16 : i32
      %mul3A_1406 = arith.muli %scan3A_1350, %mul3A_1405 : i32
      %swap3A_1407 = arith.constant 3 : i32
      %swap3A_1408 = arith.index_cast %swap3A_1407 : i32 to index
      %swap3A_1409 = arith.index_cast %mul3A_1406 : i32 to index
      %swap3A_1410 = tpu.vector_load %arg14[%swap3A_1408, %swap3A_1409] {strides = array<i32>} : memref<8x1024xf32, #tpu.memory_space<vmem>>, vector<16xf32>,
      tpu.vector_store %arg14[%swap3A_1408, %swap3A_1409], %gather3A_1404 {strides = array<i32>} : memref<8x1024xf32, #tpu.memory_space<vmem>>, vector<16xf32>,
    }
    %scan3A_259 = arith.constant 64 : i32
    %add3A_260 = arith.constant 24 : i32
    %add3A_261 = arith.addi %mul3A_11, %add3A_260 : i32
    %dma_start3A_262 = arith.constant 0 : i32
    %dma_start3A_263 = arith.constant 0 : i32
    %dma_start3A_264 = arith.constant 0 : i32
    %dma_start3A_265 = arith.constant 0 : i32
    %dma_start3A_266 = tpu.memref_slice %arg13[%dma_start3A_262, %dma_start3A_263, %dma_start3A_264, %dma_start3A_265] : memref<2x3x4x4096xf32, #tpu.memory_space<vmem>> -> memref<1x1x4x4096xf32, #tpu.memory_space<vmem>>
    %dma_start3A_267 = tpu.memref_squeeze %dma_start3A_266 : memref<1x1x4x4096xf32, #tpu.memory_space<vmem>> -> memref<4x4096xf32, #tpu.memory_space<vmem>>
    %dma_start3A_268 = arith.constant 0 : i32
    %dma_start3A_269 = tpu.memref_slice %arg4[%shift_right_arithmetic3A_1, %add3A_261, %dma_start3A_268] : memref<4x256x4096xf32, #tpu.memory_space<hbm>> -> memref<1x4x4096xf32, #tpu.memory_space<hbm>>
    %dma_start3A_270 = tpu.memref_squeeze %dma_start3A_269 : memref<1x4x4096xf32, #tpu.memory_space<hbm>> -> memref<4x4096xf32, #tpu.memory_space<hbm>>
    %dma_start3A_271 = arith.constant 0 : i32
    %dma_start3A_272 = arith.constant 0 : i32
    %dma_start3A_273 = tpu.memref_slice %arg13[%dma_start3A_262, %dma_start3A_263, %dma_start3A_271, %dma_start3A_272] : memref<2x3x4x4096xf32, #tpu.memory_space<vmem>> -> memref<1x1x4x4096xf32, #tpu.memory_space<vmem>>
    %dma_start3A_274 = tpu.memref_squeeze %dma_start3A_273 : memref<1x1x4x4096xf32, #tpu.memory_space<vmem>> -> memref<4x4096xf32, #tpu.memory_space<vmem>>
    %dma_start3A_275 = arith.constant 0 : i32
    %dma_start3A_276 = tpu.memref_slice %arg4[%shift_right_arithmetic3A_1, %add3A_261, %dma_start3A_275] : memref<4x256x4096xf32, #tpu.memory_space<hbm>> -> memref<1x4x4096xf32, #tpu.memory_space<hbm>>
    %dma_start3A_277 = tpu.memref_squeeze %dma_start3A_276 : memref<1x4x4096xf32, #tpu.memory_space<hbm>> -> memref<4x4096xf32, #tpu.memory_space<hbm>>
    tpu.enqueue_dma source(%dma_start3A_277 : memref<4x4096xf32, #tpu.memory_space<hbm>>) target(%dma_start3A_274 : memref<4x4096xf32, #tpu.memory_space<vmem>>) target_semaphore(%arg19 : memref<!tpu.dma_semaphore, #tpu.memory_space<semaphore_mem>>)
    %dma_wait3A_278 = arith.constant 1 : i32
    %dma_wait3A_279 = arith.constant 0 : i32
    %dma_wait3A_280 = arith.constant 0 : i32
    %dma_wait3A_281 = arith.constant 0 : i32
    %dma_wait3A_282 = tpu.memref_slice %arg13[%dma_wait3A_278, %dma_wait3A_279, %dma_wait3A_280, %dma_wait3A_281] : memref<2x3x4x4096xf32, #tpu.memory_space<vmem>> -> memref<1x1x4x4096xf32, #tpu.memory_space<vmem>>
    %dma_wait3A_283 = tpu.memref_squeeze %dma_wait3A_282 : memref<1x1x4x4096xf32, #tpu.memory_space<vmem>> -> memref<4x4096xf32, #tpu.memory_space<vmem>>
    %dma_wait3A_284 = arith.constant 0 : i32
    %dma_wait3A_285 = tpu.memref_slice %arg4[%shift_right_arithmetic3A_1, %add3A_215, %dma_wait3A_284] : memref<4x256x4096xf32, #tpu.memory_space<hbm>> -> memref<1x4x4096xf32, #tpu.memory_space<hbm>>
    %dma_wait3A_286 = tpu.memref_squeeze %dma_wait3A_285 : memref<1x4x4096xf32, #tpu.memory_space<hbm>> -> memref<4x4096xf32, #tpu.memory_space<hbm>>
    %dma_wait3A_287 = arith.constant 0 : i32
    %dma_wait3A_288 = arith.constant 0 : i32
    %dma_wait3A_289 = tpu.memref_slice %arg13[%dma_wait3A_278, %dma_wait3A_279, %dma_wait3A_287, %dma_wait3A_288] : memref<2x3x4x4096xf32, #tpu.memory_space<vmem>> -> memref<1x1x4x4096xf32, #tpu.memory_space<vmem>>
    %dma_wait3A_290 = tpu.memref_squeeze %dma_wait3A_289 : memref<1x1x4x4096xf32, #tpu.memory_space<vmem>> -> memref<4x4096xf32, #tpu.memory_space<vmem>>
    %dma_wait3A_291 = arith.constant 0 : i32
    %dma_wait3A_292 = tpu.memref_slice %arg4[%shift_right_arithmetic3A_1, %add3A_215, %dma_wait3A_291] : memref<4x256x4096xf32, #tpu.memory_space<hbm>> -> memref<1x4x4096xf32, #tpu.memory_space<hbm>>
    %dma_wait3A_293 = tpu.memref_squeeze %dma_wait3A_292 : memref<1x4x4096xf32, #tpu.memory_space<hbm>> -> memref<4x4096xf32, #tpu.memory_space<hbm>>
    tpu.wait_dma2 semaphore(%arg20 : memref<!tpu.dma_semaphore, #tpu.memory_space<semaphore_mem>>) src(%dma_wait3A_293 : memref<4x4096xf32, #tpu.memory_space<hbm>>) dst(%dma_wait3A_290 : memref<4x4096xf32, #tpu.memory_space<vmem>>)
    %scan3A_294 = arith.constant 0 : i32
    %scan3A_295 = arith.constant 0 : i32
    %scan3A_296 = arith.constant 64 : i32
    %scan3A_297 = arith.addi %scan3A_295, %scan3A_296 : i32
    %scan3A_298 = arith.constant 1 : i32
    scf.for %scan3A_1350 = %scan3A_295 to %scan3A_297 step %scan3A_298  : i32 {
      %mul3A_1351 = arith.constant 16 : i32
      %mul3A_1352 = arith.muli %scan3A_1350, %mul3A_1351 : i32
      %get3A = arith.index_cast %mul3A_1352 : i32 to index
      %get3A_1353 = tpu.vector_load %arg11[%get3A] {strides = array<i32>} : memref<1024xi32, #tpu.memory_space<vmem>>, vector<16xi32>,
      %broadcast_in_dim3A = arith.constant 0 : i32
      %broadcast_in_dim3A_1354 = vector.broadcast %broadcast_in_dim3A : i32 to vector<16xi32>
      %gather3A = arith.constant 1 : i32
      %gather3A_1355 = arith.constant 0 : i32
      %gather3A_1356 = arith.constant 0 : i32
      %gather3A_1357 = arith.constant 0 : i32
      %gather3A_1358 = tpu.memref_slice %arg13[%gather3A, %gather3A_1355, %gather3A_1356, %gather3A_1357] : memref<2x3x4x4096xf32, #tpu.memory_space<vmem>> -> memref<1x1x4x4096xf32, #tpu.memory_space<vmem>>
      %gather3A_1359 = tpu.memref_squeeze %gather3A_1358 : memref<1x1x4x4096xf32, #tpu.memory_space<vmem>> -> memref<4x4096xf32, #tpu.memory_space<vmem>>
      %gather3A_1360 = tpu.vector_load_idx %gather3A_1359[%broadcast_in_dim3A_1354, %get3A_1353] : memref<4x4096xf32, #tpu.memory_space<vmem>>[vector<16xi32>, vector<16xi32>], vector<16xf32>,
      %mul3A_1361 = arith.constant 16 : i32
      %mul3A_1362 = arith.muli %scan3A_1350, %mul3A_1361 : i32
      %swap3A = arith.constant 4 : i32
      %swap3A_1363 = arith.index_cast %swap3A : i32 to index
      %swap3A_1364 = arith.index_cast %mul3A_1362 : i32 to index
      %swap3A_1365 = tpu.vector_load %arg14[%swap3A_1363, %swap3A_1364] {strides = array<i32>} : memref<8x1024xf32, #tpu.memory_space<vmem>>, vector<16xf32>,
      tpu.vector_store %arg14[%swap3A_1363, %swap3A_1364], %gather3A_1360 {strides = array<i32>} : memref<8x1024xf32, #tpu.memory_space<vmem>>, vector<16xf32>,
      %broadcast_in_dim3A_1366 = arith.constant 1 : i32
      %broadcast_in_dim3A_1367 = vector.broadcast %broadcast_in_dim3A_1366 : i32 to vector<16xi32>
      %gather3A_1368 = arith.constant 1 : i32
      %gather3A_1369 = arith.constant 0 : i32
      %gather3A_1370 = arith.constant 0 : i32
      %gather3A_1371 = arith.constant 0 : i32
      %gather3A_1372 = tpu.memref_slice %arg13[%gather3A_1368, %gather3A_1369, %gather3A_1370, %gather3A_1371] : memref<2x3x4x4096xf32, #tpu.memory_space<vmem>> -> memref<1x1x4x4096xf32, #tpu.memory_space<vmem>>
      %gather3A_1373 = tpu.memref_squeeze %gather3A_1372 : memref<1x1x4x4096xf32, #tpu.memory_space<vmem>> -> memref<4x4096xf32, #tpu.memory_space<vmem>>
      %gather3A_1374 = tpu.vector_load_idx %gather3A_1373[%broadcast_in_dim3A_1367, %get3A_1353] : memref<4x4096xf32, #tpu.memory_space<vmem>>[vector<16xi32>, vector<16xi32>], vector<16xf32>,
      %mul3A_1375 = arith.constant 16 : i32
      %mul3A_1376 = arith.muli %scan3A_1350, %mul3A_1375 : i32
      %swap3A_1377 = arith.constant 5 : i32
      %swap3A_1378 = arith.index_cast %swap3A_1377 : i32 to index
      %swap3A_1379 = arith.index_cast %mul3A_1376 : i32 to index
      %swap3A_1380 = tpu.vector_load %arg14[%swap3A_1378, %swap3A_1379] {strides = array<i32>} : memref<8x1024xf32, #tpu.memory_space<vmem>>, vector<16xf32>,
      tpu.vector_store %arg14[%swap3A_1378, %swap3A_1379], %gather3A_1374 {strides = array<i32>} : memref<8x1024xf32, #tpu.memory_space<vmem>>, vector<16xf32>,
      %broadcast_in_dim3A_1381 = arith.constant 2 : i32
      %broadcast_in_dim3A_1382 = vector.broadcast %broadcast_in_dim3A_1381 : i32 to vector<16xi32>
      %gather3A_1383 = arith.constant 1 : i32
      %gather3A_1384 = arith.constant 0 : i32
      %gather3A_1385 = arith.constant 0 : i32
      %gather3A_1386 = arith.constant 0 : i32
      %gather3A_1387 = tpu.memref_slice %arg13[%gather3A_1383, %gather3A_1384, %gather3A_1385, %gather3A_1386] : memref<2x3x4x4096xf32, #tpu.memory_space<vmem>> -> memref<1x1x4x4096xf32, #tpu.memory_space<vmem>>
      %gather3A_1388 = tpu.memref_squeeze %gather3A_1387 : memref<1x1x4x4096xf32, #tpu.memory_space<vmem>> -> memref<4x4096xf32, #tpu.memory_space<vmem>>
      %gather3A_1389 = tpu.vector_load_idx %gather3A_1388[%broadcast_in_dim3A_1382, %get3A_1353] : memref<4x4096xf32, #tpu.memory_space<vmem>>[vector<16xi32>, vector<16xi32>], vector<16xf32>,
      %mul3A_1390 = arith.constant 16 : i32
      %mul3A_1391 = arith.muli %scan3A_1350, %mul3A_1390 : i32
      %swap3A_1392 = arith.constant 6 : i32
      %swap3A_1393 = arith.index_cast %swap3A_1392 : i32 to index
      %swap3A_1394 = arith.index_cast %mul3A_1391 : i32 to index
      %swap3A_1395 = tpu.vector_load %arg14[%swap3A_1393, %swap3A_1394] {strides = array<i32>} : memref<8x1024xf32, #tpu.memory_space<vmem>>, vector<16xf32>,
      tpu.vector_store %arg14[%swap3A_1393, %swap3A_1394], %gather3A_1389 {strides = array<i32>} : memref<8x1024xf32, #tpu.memory_space<vmem>>, vector<16xf32>,
      %broadcast_in_dim3A_1396 = arith.constant 3 : i32
      %broadcast_in_dim3A_1397 = vector.broadcast %broadcast_in_dim3A_1396 : i32 to vector<16xi32>
      %gather3A_1398 = arith.constant 1 : i32
      %gather3A_1399 = arith.constant 0 : i32
      %gather3A_1400 = arith.constant 0 : i32
      %gather3A_1401 = arith.constant 0 : i32
      %gather3A_1402 = tpu.memref_slice %arg13[%gather3A_1398, %gather3A_1399, %gather3A_1400, %gather3A_1401] : memref<2x3x4x4096xf32, #tpu.memory_space<vmem>> -> memref<1x1x4x4096xf32, #tpu.memory_space<vmem>>
      %gather3A_1403 = tpu.memref_squeeze %gather3A_1402 : memref<1x1x4x4096xf32, #tpu.memory_space<vmem>> -> memref<4x4096xf32, #tpu.memory_space<vmem>>
      %gather3A_1404 = tpu.vector_load_idx %gather3A_1403[%broadcast_in_dim3A_1397, %get3A_1353] : memref<4x4096xf32, #tpu.memory_space<vmem>>[vector<16xi32>, vector<16xi32>], vector<16xf32>,
      %mul3A_1405 = arith.constant 16 : i32
      %mul3A_1406 = arith.muli %scan3A_1350, %mul3A_1405 : i32
      %swap3A_1407 = arith.constant 7 : i32
      %swap3A_1408 = arith.index_cast %swap3A_1407 : i32 to index
      %swap3A_1409 = arith.index_cast %mul3A_1406 : i32 to index
      %swap3A_1410 = tpu.vector_load %arg14[%swap3A_1408, %swap3A_1409] {strides = array<i32>} : memref<8x1024xf32, #tpu.memory_space<vmem>>, vector<16xf32>,
      tpu.vector_store %arg14[%swap3A_1408, %swap3A_1409], %gather3A_1404 {strides = array<i32>} : memref<8x1024xf32, #tpu.memory_space<vmem>>, vector<16xf32>,
    }
    %scan3A_299 = arith.constant 64 : i32
    %add3A_300 = arith.constant 16 : i32
    %add3A_301 = arith.addi %mul3A_11, %add3A_300 : i32
    %add3A_302 = arith.constant 0 : i32
    %add3A_303 = arith.addi %add3A_301, %add3A_302 : i32
    %dma_start3A_304 = arith.constant 0 : i32
    %dma_start3A_305 = tpu.memref_slice %arg8[%shift_right_arithmetic3A_1, %add3A_303, %dma_start3A_304] : memref<4x520x1024xf32, #tpu.memory_space<hbm>> -> memref<1x8x1024xf32, #tpu.memory_space<hbm>>
    %dma_start3A_306 = tpu.memref_squeeze %dma_start3A_305 : memref<1x8x1024xf32, #tpu.memory_space<hbm>> -> memref<8x1024xf32, #tpu.memory_space<hbm>>
    %dma_start3A_307 = arith.constant 0 : i32
    %dma_start3A_308 = tpu.memref_slice %arg8[%shift_right_arithmetic3A_1, %add3A_303, %dma_start3A_307] : memref<4x520x1024xf32, #tpu.memory_space<hbm>> -> memref<1x8x1024xf32, #tpu.memory_space<hbm>>
    %dma_start3A_309 = tpu.memref_squeeze %dma_start3A_308 : memref<1x8x1024xf32, #tpu.memory_space<hbm>> -> memref<8x1024xf32, #tpu.memory_space<hbm>>
    tpu.enqueue_dma source(%arg14 : memref<8x1024xf32, #tpu.memory_space<vmem>>) target(%dma_start3A_309 : memref<8x1024xf32, #tpu.memory_space<hbm>>) target_semaphore(%arg21 : memref<!tpu.dma_semaphore, #tpu.memory_space<semaphore_mem>>)
    %add3A_310 = arith.constant 28 : i32
    %add3A_311 = arith.addi %mul3A_11, %add3A_310 : i32
    %dma_start3A_312 = arith.constant 1 : i32
    %dma_start3A_313 = arith.constant 0 : i32
    %dma_start3A_314 = arith.constant 0 : i32
    %dma_start3A_315 = arith.constant 0 : i32
    %dma_start3A_316 = tpu.memref_slice %arg13[%dma_start3A_312, %dma_start3A_313, %dma_start3A_314, %dma_start3A_315] : memref<2x3x4x4096xf32, #tpu.memory_space<vmem>> -> memref<1x1x4x4096xf32, #tpu.memory_space<vmem>>
    %dma_start3A_317 = tpu.memref_squeeze %dma_start3A_316 : memref<1x1x4x4096xf32, #tpu.memory_space<vmem>> -> memref<4x4096xf32, #tpu.memory_space<vmem>>
    %dma_start3A_318 = arith.constant 0 : i32
    %dma_start3A_319 = tpu.memref_slice %arg4[%shift_right_arithmetic3A_1, %add3A_311, %dma_start3A_318] : memref<4x256x4096xf32, #tpu.memory_space<hbm>> -> memref<1x4x4096xf32, #tpu.memory_space<hbm>>
    %dma_start3A_320 = tpu.memref_squeeze %dma_start3A_319 : memref<1x4x4096xf32, #tpu.memory_space<hbm>> -> memref<4x4096xf32, #tpu.memory_space<hbm>>
    %dma_start3A_321 = arith.constant 0 : i32
    %dma_start3A_322 = arith.constant 0 : i32
    %dma_start3A_323 = tpu.memref_slice %arg13[%dma_start3A_312, %dma_start3A_313, %dma_start3A_321, %dma_start3A_322] : memref<2x3x4x4096xf32, #tpu.memory_space<vmem>> -> memref<1x1x4x4096xf32, #tpu.memory_space<vmem>>
    %dma_start3A_324 = tpu.memref_squeeze %dma_start3A_323 : memref<1x1x4x4096xf32, #tpu.memory_space<vmem>> -> memref<4x4096xf32, #tpu.memory_space<vmem>>
    %dma_start3A_325 = arith.constant 0 : i32
    %dma_start3A_326 = tpu.memref_slice %arg4[%shift_right_arithmetic3A_1, %add3A_311, %dma_start3A_325] : memref<4x256x4096xf32, #tpu.memory_space<hbm>> -> memref<1x4x4096xf32, #tpu.memory_space<hbm>>
    %dma_start3A_327 = tpu.memref_squeeze %dma_start3A_326 : memref<1x4x4096xf32, #tpu.memory_space<hbm>> -> memref<4x4096xf32, #tpu.memory_space<hbm>>
    tpu.enqueue_dma source(%dma_start3A_327 : memref<4x4096xf32, #tpu.memory_space<hbm>>) target(%dma_start3A_324 : memref<4x4096xf32, #tpu.memory_space<vmem>>) target_semaphore(%arg20 : memref<!tpu.dma_semaphore, #tpu.memory_space<semaphore_mem>>)
    %dma_wait3A_328 = arith.constant 0 : i32
    %dma_wait3A_329 = arith.constant 0 : i32
    %dma_wait3A_330 = arith.constant 0 : i32
    %dma_wait3A_331 = arith.constant 0 : i32
    %dma_wait3A_332 = tpu.memref_slice %arg13[%dma_wait3A_328, %dma_wait3A_329, %dma_wait3A_330, %dma_wait3A_331] : memref<2x3x4x4096xf32, #tpu.memory_space<vmem>> -> memref<1x1x4x4096xf32, #tpu.memory_space<vmem>>
    %dma_wait3A_333 = tpu.memref_squeeze %dma_wait3A_332 : memref<1x1x4x4096xf32, #tpu.memory_space<vmem>> -> memref<4x4096xf32, #tpu.memory_space<vmem>>
    %dma_wait3A_334 = arith.constant 0 : i32
    %dma_wait3A_335 = tpu.memref_slice %arg4[%shift_right_arithmetic3A_1, %add3A_261, %dma_wait3A_334] : memref<4x256x4096xf32, #tpu.memory_space<hbm>> -> memref<1x4x4096xf32, #tpu.memory_space<hbm>>
    %dma_wait3A_336 = tpu.memref_squeeze %dma_wait3A_335 : memref<1x4x4096xf32, #tpu.memory_space<hbm>> -> memref<4x4096xf32, #tpu.memory_space<hbm>>
    %dma_wait3A_337 = arith.constant 0 : i32
    %dma_wait3A_338 = arith.constant 0 : i32
    %dma_wait3A_339 = tpu.memref_slice %arg13[%dma_wait3A_328, %dma_wait3A_329, %dma_wait3A_337, %dma_wait3A_338] : memref<2x3x4x4096xf32, #tpu.memory_space<vmem>> -> memref<1x1x4x4096xf32, #tpu.memory_space<vmem>>
    %dma_wait3A_340 = tpu.memref_squeeze %dma_wait3A_339 : memref<1x1x4x4096xf32, #tpu.memory_space<vmem>> -> memref<4x4096xf32, #tpu.memory_space<vmem>>
    %dma_wait3A_341 = arith.constant 0 : i32
    %dma_wait3A_342 = tpu.memref_slice %arg4[%shift_right_arithmetic3A_1, %add3A_261, %dma_wait3A_341] : memref<4x256x4096xf32, #tpu.memory_space<hbm>> -> memref<1x4x4096xf32, #tpu.memory_space<hbm>>
    %dma_wait3A_343 = tpu.memref_squeeze %dma_wait3A_342 : memref<1x4x4096xf32, #tpu.memory_space<hbm>> -> memref<4x4096xf32, #tpu.memory_space<hbm>>
    tpu.wait_dma2 semaphore(%arg19 : memref<!tpu.dma_semaphore, #tpu.memory_space<semaphore_mem>>) src(%dma_wait3A_343 : memref<4x4096xf32, #tpu.memory_space<hbm>>) dst(%dma_wait3A_340 : memref<4x4096xf32, #tpu.memory_space<vmem>>)
    %dma_wait3A_344 = arith.constant 0 : i32
    %dma_wait3A_345 = tpu.memref_slice %arg8[%shift_right_arithmetic3A_1, %add3A_303, %dma_wait3A_344] : memref<4x520x1024xf32, #tpu.memory_space<hbm>> -> memref<1x8x1024xf32, #tpu.memory_space<hbm>>
    %dma_wait3A_346 = tpu.memref_squeeze %dma_wait3A_345 : memref<1x8x1024xf32, #tpu.memory_space<hbm>> -> memref<8x1024xf32, #tpu.memory_space<hbm>>
    %dma_wait3A_347 = arith.constant 0 : i32
    %dma_wait3A_348 = tpu.memref_slice %arg8[%shift_right_arithmetic3A_1, %add3A_303, %dma_wait3A_347] : memref<4x520x1024xf32, #tpu.memory_space<hbm>> -> memref<1x8x1024xf32, #tpu.memory_space<hbm>>
    %dma_wait3A_349 = tpu.memref_squeeze %dma_wait3A_348 : memref<1x8x1024xf32, #tpu.memory_space<hbm>> -> memref<8x1024xf32, #tpu.memory_space<hbm>>
    tpu.wait_dma2 semaphore(%arg21 : memref<!tpu.dma_semaphore, #tpu.memory_space<semaphore_mem>>) src(%arg14 : memref<8x1024xf32, #tpu.memory_space<vmem>>) dst(%dma_wait3A_349 : memref<8x1024xf32, #tpu.memory_space<hbm>>)
    %scan3A_350 = arith.constant 0 : i32
    %scan3A_351 = arith.constant 0 : i32
    %scan3A_352 = arith.constant 64 : i32
    %scan3A_353 = arith.addi %scan3A_351, %scan3A_352 : i32
    %scan3A_354 = arith.constant 1 : i32
    scf.for %scan3A_1350 = %scan3A_351 to %scan3A_353 step %scan3A_354  : i32 {
      %mul3A_1351 = arith.constant 16 : i32
      %mul3A_1352 = arith.muli %scan3A_1350, %mul3A_1351 : i32
      %get3A = arith.index_cast %mul3A_1352 : i32 to index
      %get3A_1353 = tpu.vector_load %arg11[%get3A] {strides = array<i32>} : memref<1024xi32, #tpu.memory_space<vmem>>, vector<16xi32>,
      %broadcast_in_dim3A = arith.constant 0 : i32
      %broadcast_in_dim3A_1354 = vector.broadcast %broadcast_in_dim3A : i32 to vector<16xi32>
      %gather3A = arith.constant 0 : i32
      %gather3A_1355 = arith.constant 0 : i32
      %gather3A_1356 = arith.constant 0 : i32
      %gather3A_1357 = arith.constant 0 : i32
      %gather3A_1358 = tpu.memref_slice %arg13[%gather3A, %gather3A_1355, %gather3A_1356, %gather3A_1357] : memref<2x3x4x4096xf32, #tpu.memory_space<vmem>> -> memref<1x1x4x4096xf32, #tpu.memory_space<vmem>>
      %gather3A_1359 = tpu.memref_squeeze %gather3A_1358 : memref<1x1x4x4096xf32, #tpu.memory_space<vmem>> -> memref<4x4096xf32, #tpu.memory_space<vmem>>
      %gather3A_1360 = tpu.vector_load_idx %gather3A_1359[%broadcast_in_dim3A_1354, %get3A_1353] : memref<4x4096xf32, #tpu.memory_space<vmem>>[vector<16xi32>, vector<16xi32>], vector<16xf32>,
      %mul3A_1361 = arith.constant 16 : i32
      %mul3A_1362 = arith.muli %scan3A_1350, %mul3A_1361 : i32
      %swap3A = arith.constant 0 : i32
      %swap3A_1363 = arith.index_cast %swap3A : i32 to index
      %swap3A_1364 = arith.index_cast %mul3A_1362 : i32 to index
      %swap3A_1365 = tpu.vector_load %arg14[%swap3A_1363, %swap3A_1364] {strides = array<i32>} : memref<8x1024xf32, #tpu.memory_space<vmem>>, vector<16xf32>,
      tpu.vector_store %arg14[%swap3A_1363, %swap3A_1364], %gather3A_1360 {strides = array<i32>} : memref<8x1024xf32, #tpu.memory_space<vmem>>, vector<16xf32>,
      %broadcast_in_dim3A_1366 = arith.constant 1 : i32
      %broadcast_in_dim3A_1367 = vector.broadcast %broadcast_in_dim3A_1366 : i32 to vector<16xi32>
      %gather3A_1368 = arith.constant 0 : i32
      %gather3A_1369 = arith.constant 0 : i32
      %gather3A_1370 = arith.constant 0 : i32
      %gather3A_1371 = arith.constant 0 : i32
      %gather3A_1372 = tpu.memref_slice %arg13[%gather3A_1368, %gather3A_1369, %gather3A_1370, %gather3A_1371] : memref<2x3x4x4096xf32, #tpu.memory_space<vmem>> -> memref<1x1x4x4096xf32, #tpu.memory_space<vmem>>
      %gather3A_1373 = tpu.memref_squeeze %gather3A_1372 : memref<1x1x4x4096xf32, #tpu.memory_space<vmem>> -> memref<4x4096xf32, #tpu.memory_space<vmem>>
      %gather3A_1374 = tpu.vector_load_idx %gather3A_1373[%broadcast_in_dim3A_1367, %get3A_1353] : memref<4x4096xf32, #tpu.memory_space<vmem>>[vector<16xi32>, vector<16xi32>], vector<16xf32>,
      %mul3A_1375 = arith.constant 16 : i32
      %mul3A_1376 = arith.muli %scan3A_1350, %mul3A_1375 : i32
      %swap3A_1377 = arith.constant 1 : i32
      %swap3A_1378 = arith.index_cast %swap3A_1377 : i32 to index
      %swap3A_1379 = arith.index_cast %mul3A_1376 : i32 to index
      %swap3A_1380 = tpu.vector_load %arg14[%swap3A_1378, %swap3A_1379] {strides = array<i32>} : memref<8x1024xf32, #tpu.memory_space<vmem>>, vector<16xf32>,
      tpu.vector_store %arg14[%swap3A_1378, %swap3A_1379], %gather3A_1374 {strides = array<i32>} : memref<8x1024xf32, #tpu.memory_space<vmem>>, vector<16xf32>,
      %broadcast_in_dim3A_1381 = arith.constant 2 : i32
      %broadcast_in_dim3A_1382 = vector.broadcast %broadcast_in_dim3A_1381 : i32 to vector<16xi32>
      %gather3A_1383 = arith.constant 0 : i32
      %gather3A_1384 = arith.constant 0 : i32
      %gather3A_1385 = arith.constant 0 : i32
      %gather3A_1386 = arith.constant 0 : i32
      %gather3A_1387 = tpu.memref_slice %arg13[%gather3A_1383, %gather3A_1384, %gather3A_1385, %gather3A_1386] : memref<2x3x4x4096xf32, #tpu.memory_space<vmem>> -> memref<1x1x4x4096xf32, #tpu.memory_space<vmem>>
      %gather3A_1388 = tpu.memref_squeeze %gather3A_1387 : memref<1x1x4x4096xf32, #tpu.memory_space<vmem>> -> memref<4x4096xf32, #tpu.memory_space<vmem>>
      %gather3A_1389 = tpu.vector_load_idx %gather3A_1388[%broadcast_in_dim3A_1382, %get3A_1353] : memref<4x4096xf32, #tpu.memory_space<vmem>>[vector<16xi32>, vector<16xi32>], vector<16xf32>,
      %mul3A_1390 = arith.constant 16 : i32
      %mul3A_1391 = arith.muli %scan3A_1350, %mul3A_1390 : i32
      %swap3A_1392 = arith.constant 2 : i32
      %swap3A_1393 = arith.index_cast %swap3A_1392 : i32 to index
      %swap3A_1394 = arith.index_cast %mul3A_1391 : i32 to index
      %swap3A_1395 = tpu.vector_load %arg14[%swap3A_1393, %swap3A_1394] {strides = array<i32>} : memref<8x1024xf32, #tpu.memory_space<vmem>>, vector<16xf32>,
      tpu.vector_store %arg14[%swap3A_1393, %swap3A_1394], %gather3A_1389 {strides = array<i32>} : memref<8x1024xf32, #tpu.memory_space<vmem>>, vector<16xf32>,
      %broadcast_in_dim3A_1396 = arith.constant 3 : i32
      %broadcast_in_dim3A_1397 = vector.broadcast %broadcast_in_dim3A_1396 : i32 to vector<16xi32>
      %gather3A_1398 = arith.constant 0 : i32
      %gather3A_1399 = arith.constant 0 : i32
      %gather3A_1400 = arith.constant 0 : i32
      %gather3A_1401 = arith.constant 0 : i32
      %gather3A_1402 = tpu.memref_slice %arg13[%gather3A_1398, %gather3A_1399, %gather3A_1400, %gather3A_1401] : memref<2x3x4x4096xf32, #tpu.memory_space<vmem>> -> memref<1x1x4x4096xf32, #tpu.memory_space<vmem>>
      %gather3A_1403 = tpu.memref_squeeze %gather3A_1402 : memref<1x1x4x4096xf32, #tpu.memory_space<vmem>> -> memref<4x4096xf32, #tpu.memory_space<vmem>>
      %gather3A_1404 = tpu.vector_load_idx %gather3A_1403[%broadcast_in_dim3A_1397, %get3A_1353] : memref<4x4096xf32, #tpu.memory_space<vmem>>[vector<16xi32>, vector<16xi32>], vector<16xf32>,
      %mul3A_1405 = arith.constant 16 : i32
      %mul3A_1406 = arith.muli %scan3A_1350, %mul3A_1405 : i32
      %swap3A_1407 = arith.constant 3 : i32
      %swap3A_1408 = arith.index_cast %swap3A_1407 : i32 to index
      %swap3A_1409 = arith.index_cast %mul3A_1406 : i32 to index
      %swap3A_1410 = tpu.vector_load %arg14[%swap3A_1408, %swap3A_1409] {strides = array<i32>} : memref<8x1024xf32, #tpu.memory_space<vmem>>, vector<16xf32>,
      tpu.vector_store %arg14[%swap3A_1408, %swap3A_1409], %gather3A_1404 {strides = array<i32>} : memref<8x1024xf32, #tpu.memory_space<vmem>>, vector<16xf32>,
    }
    %scan3A_355 = arith.constant 64 : i32
    %add3A_356 = arith.constant 0 : i32
    %add3A_357 = arith.addi %mul3A_11, %add3A_356 : i32
    %dma_start3A_358 = arith.constant 0 : i32
    %dma_start3A_359 = arith.constant 0 : i32
    %dma_start3A_360 = arith.constant 0 : i32
    %dma_start3A_361 = arith.constant 0 : i32
    %dma_start3A_362 = arith.constant 0 : i32
    %dma_start3A_363 = tpu.memref_slice %arg13[%dma_start3A_359, %dma_start3A_360, %dma_start3A_361, %dma_start3A_362] : memref<2x3x4x4096xf32, #tpu.memory_space<vmem>> -> memref<1x1x4x4096xf32, #tpu.memory_space<vmem>>
    %dma_start3A_364 = tpu.memref_squeeze %dma_start3A_363 : memref<1x1x4x4096xf32, #tpu.memory_space<vmem>> -> memref<4x4096xf32, #tpu.memory_space<vmem>>
    %dma_start3A_365 = arith.constant 0 : i32
    %dma_start3A_366 = tpu.memref_slice %arg5[%shift_right_arithmetic3A_1, %dma_start3A_358, %add3A_357, %dma_start3A_365] : memref<4x3x256x4096xf32, #tpu.memory_space<hbm>> -> memref<1x1x4x4096xf32, #tpu.memory_space<hbm>>
    %dma_start3A_367 = tpu.memref_squeeze %dma_start3A_366 : memref<1x1x4x4096xf32, #tpu.memory_space<hbm>> -> memref<4x4096xf32, #tpu.memory_space<hbm>>
    %dma_start3A_368 = arith.constant 0 : i32
    %dma_start3A_369 = arith.constant 0 : i32
    %dma_start3A_370 = tpu.memref_slice %arg13[%dma_start3A_359, %dma_start3A_360, %dma_start3A_368, %dma_start3A_369] : memref<2x3x4x4096xf32, #tpu.memory_space<vmem>> -> memref<1x1x4x4096xf32, #tpu.memory_space<vmem>>
    %dma_start3A_371 = tpu.memref_squeeze %dma_start3A_370 : memref<1x1x4x4096xf32, #tpu.memory_space<vmem>> -> memref<4x4096xf32, #tpu.memory_space<vmem>>
    %dma_start3A_372 = arith.constant 0 : i32
    %dma_start3A_373 = tpu.memref_slice %arg5[%shift_right_arithmetic3A_1, %dma_start3A_358, %add3A_357, %dma_start3A_372] : memref<4x3x256x4096xf32, #tpu.memory_space<hbm>> -> memref<1x1x4x4096xf32, #tpu.memory_space<hbm>>
    %dma_start3A_374 = tpu.memref_squeeze %dma_start3A_373 : memref<1x1x4x4096xf32, #tpu.memory_space<hbm>> -> memref<4x4096xf32, #tpu.memory_space<hbm>>
    tpu.enqueue_dma source(%dma_start3A_374 : memref<4x4096xf32, #tpu.memory_space<hbm>>) target(%dma_start3A_371 : memref<4x4096xf32, #tpu.memory_space<vmem>>) target_semaphore(%arg19 : memref<!tpu.dma_semaphore, #tpu.memory_space<semaphore_mem>>)
    %dma_start3A_375 = arith.constant 1 : i32
    %dma_start3A_376 = arith.constant 0 : i32
    %dma_start3A_377 = arith.constant 1 : i32
    %dma_start3A_378 = arith.constant 0 : i32
    %dma_start3A_379 = arith.constant 0 : i32
    %dma_start3A_380 = tpu.memref_slice %arg13[%dma_start3A_376, %dma_start3A_377, %dma_start3A_378, %dma_start3A_379] : memref<2x3x4x4096xf32, #tpu.memory_space<vmem>> -> memref<1x1x4x4096xf32, #tpu.memory_space<vmem>>
    %dma_start3A_381 = tpu.memref_squeeze %dma_start3A_380 : memref<1x1x4x4096xf32, #tpu.memory_space<vmem>> -> memref<4x4096xf32, #tpu.memory_space<vmem>>
    %dma_start3A_382 = arith.constant 0 : i32
    %dma_start3A_383 = tpu.memref_slice %arg5[%shift_right_arithmetic3A_1, %dma_start3A_375, %add3A_357, %dma_start3A_382] : memref<4x3x256x4096xf32, #tpu.memory_space<hbm>> -> memref<1x1x4x4096xf32, #tpu.memory_space<hbm>>
    %dma_start3A_384 = tpu.memref_squeeze %dma_start3A_383 : memref<1x1x4x4096xf32, #tpu.memory_space<hbm>> -> memref<4x4096xf32, #tpu.memory_space<hbm>>
    %dma_start3A_385 = arith.constant 0 : i32
    %dma_start3A_386 = arith.constant 0 : i32
    %dma_start3A_387 = tpu.memref_slice %arg13[%dma_start3A_376, %dma_start3A_377, %dma_start3A_385, %dma_start3A_386] : memref<2x3x4x4096xf32, #tpu.memory_space<vmem>> -> memref<1x1x4x4096xf32, #tpu.memory_space<vmem>>
    %dma_start3A_388 = tpu.memref_squeeze %dma_start3A_387 : memref<1x1x4x4096xf32, #tpu.memory_space<vmem>> -> memref<4x4096xf32, #tpu.memory_space<vmem>>
    %dma_start3A_389 = arith.constant 0 : i32
    %dma_start3A_390 = tpu.memref_slice %arg5[%shift_right_arithmetic3A_1, %dma_start3A_375, %add3A_357, %dma_start3A_389] : memref<4x3x256x4096xf32, #tpu.memory_space<hbm>> -> memref<1x1x4x4096xf32, #tpu.memory_space<hbm>>
    %dma_start3A_391 = tpu.memref_squeeze %dma_start3A_390 : memref<1x1x4x4096xf32, #tpu.memory_space<hbm>> -> memref<4x4096xf32, #tpu.memory_space<hbm>>
    tpu.enqueue_dma source(%dma_start3A_391 : memref<4x4096xf32, #tpu.memory_space<hbm>>) target(%dma_start3A_388 : memref<4x4096xf32, #tpu.memory_space<vmem>>) target_semaphore(%arg19 : memref<!tpu.dma_semaphore, #tpu.memory_space<semaphore_mem>>)
    %dma_start3A_392 = arith.constant 2 : i32
    %dma_start3A_393 = arith.constant 0 : i32
    %dma_start3A_394 = arith.constant 2 : i32
    %dma_start3A_395 = arith.constant 0 : i32
    %dma_start3A_396 = arith.constant 0 : i32
    %dma_start3A_397 = tpu.memref_slice %arg13[%dma_start3A_393, %dma_start3A_394, %dma_start3A_395, %dma_start3A_396] : memref<2x3x4x4096xf32, #tpu.memory_space<vmem>> -> memref<1x1x4x4096xf32, #tpu.memory_space<vmem>>
    %dma_start3A_398 = tpu.memref_squeeze %dma_start3A_397 : memref<1x1x4x4096xf32, #tpu.memory_space<vmem>> -> memref<4x4096xf32, #tpu.memory_space<vmem>>
    %dma_start3A_399 = arith.constant 0 : i32
    %dma_start3A_400 = tpu.memref_slice %arg5[%shift_right_arithmetic3A_1, %dma_start3A_392, %add3A_357, %dma_start3A_399] : memref<4x3x256x4096xf32, #tpu.memory_space<hbm>> -> memref<1x1x4x4096xf32, #tpu.memory_space<hbm>>
    %dma_start3A_401 = tpu.memref_squeeze %dma_start3A_400 : memref<1x1x4x4096xf32, #tpu.memory_space<hbm>> -> memref<4x4096xf32, #tpu.memory_space<hbm>>
    %dma_start3A_402 = arith.constant 0 : i32
    %dma_start3A_403 = arith.constant 0 : i32
    %dma_start3A_404 = tpu.memref_slice %arg13[%dma_start3A_393, %dma_start3A_394, %dma_start3A_402, %dma_start3A_403] : memref<2x3x4x4096xf32, #tpu.memory_space<vmem>> -> memref<1x1x4x4096xf32, #tpu.memory_space<vmem>>
    %dma_start3A_405 = tpu.memref_squeeze %dma_start3A_404 : memref<1x1x4x4096xf32, #tpu.memory_space<vmem>> -> memref<4x4096xf32, #tpu.memory_space<vmem>>
    %dma_start3A_406 = arith.constant 0 : i32
    %dma_start3A_407 = tpu.memref_slice %arg5[%shift_right_arithmetic3A_1, %dma_start3A_392, %add3A_357, %dma_start3A_406] : memref<4x3x256x4096xf32, #tpu.memory_space<hbm>> -> memref<1x1x4x4096xf32, #tpu.memory_space<hbm>>
    %dma_start3A_408 = tpu.memref_squeeze %dma_start3A_407 : memref<1x1x4x4096xf32, #tpu.memory_space<hbm>> -> memref<4x4096xf32, #tpu.memory_space<hbm>>
    tpu.enqueue_dma source(%dma_start3A_408 : memref<4x4096xf32, #tpu.memory_space<hbm>>) target(%dma_start3A_405 : memref<4x4096xf32, #tpu.memory_space<vmem>>) target_semaphore(%arg19 : memref<!tpu.dma_semaphore, #tpu.memory_space<semaphore_mem>>)
    %dma_wait3A_409 = arith.constant 1 : i32
    %dma_wait3A_410 = arith.constant 0 : i32
    %dma_wait3A_411 = arith.constant 0 : i32
    %dma_wait3A_412 = arith.constant 0 : i32
    %dma_wait3A_413 = tpu.memref_slice %arg13[%dma_wait3A_409, %dma_wait3A_410, %dma_wait3A_411, %dma_wait3A_412] : memref<2x3x4x4096xf32, #tpu.memory_space<vmem>> -> memref<1x1x4x4096xf32, #tpu.memory_space<vmem>>
    %dma_wait3A_414 = tpu.memref_squeeze %dma_wait3A_413 : memref<1x1x4x4096xf32, #tpu.memory_space<vmem>> -> memref<4x4096xf32, #tpu.memory_space<vmem>>
    %dma_wait3A_415 = arith.constant 0 : i32
    %dma_wait3A_416 = tpu.memref_slice %arg4[%shift_right_arithmetic3A_1, %add3A_311, %dma_wait3A_415] : memref<4x256x4096xf32, #tpu.memory_space<hbm>> -> memref<1x4x4096xf32, #tpu.memory_space<hbm>>
    %dma_wait3A_417 = tpu.memref_squeeze %dma_wait3A_416 : memref<1x4x4096xf32, #tpu.memory_space<hbm>> -> memref<4x4096xf32, #tpu.memory_space<hbm>>
    %dma_wait3A_418 = arith.constant 0 : i32
    %dma_wait3A_419 = arith.constant 0 : i32
    %dma_wait3A_420 = tpu.memref_slice %arg13[%dma_wait3A_409, %dma_wait3A_410, %dma_wait3A_418, %dma_wait3A_419] : memref<2x3x4x4096xf32, #tpu.memory_space<vmem>> -> memref<1x1x4x4096xf32, #tpu.memory_space<vmem>>
    %dma_wait3A_421 = tpu.memref_squeeze %dma_wait3A_420 : memref<1x1x4x4096xf32, #tpu.memory_space<vmem>> -> memref<4x4096xf32, #tpu.memory_space<vmem>>
    %dma_wait3A_422 = arith.constant 0 : i32
    %dma_wait3A_423 = tpu.memref_slice %arg4[%shift_right_arithmetic3A_1, %add3A_311, %dma_wait3A_422] : memref<4x256x4096xf32, #tpu.memory_space<hbm>> -> memref<1x4x4096xf32, #tpu.memory_space<hbm>>
    %dma_wait3A_424 = tpu.memref_squeeze %dma_wait3A_423 : memref<1x4x4096xf32, #tpu.memory_space<hbm>> -> memref<4x4096xf32, #tpu.memory_space<hbm>>
    tpu.wait_dma2 semaphore(%arg20 : memref<!tpu.dma_semaphore, #tpu.memory_space<semaphore_mem>>) src(%dma_wait3A_424 : memref<4x4096xf32, #tpu.memory_space<hbm>>) dst(%dma_wait3A_421 : memref<4x4096xf32, #tpu.memory_space<vmem>>)
    %scan3A_425 = arith.constant 0 : i32
    %scan3A_426 = arith.constant 0 : i32
    %scan3A_427 = arith.constant 64 : i32
    %scan3A_428 = arith.addi %scan3A_426, %scan3A_427 : i32
    %scan3A_429 = arith.constant 1 : i32
    scf.for %scan3A_1350 = %scan3A_426 to %scan3A_428 step %scan3A_429  : i32 {
      %mul3A_1351 = arith.constant 16 : i32
      %mul3A_1352 = arith.muli %scan3A_1350, %mul3A_1351 : i32
      %get3A = arith.index_cast %mul3A_1352 : i32 to index
      %get3A_1353 = tpu.vector_load %arg11[%get3A] {strides = array<i32>} : memref<1024xi32, #tpu.memory_space<vmem>>, vector<16xi32>,
      %broadcast_in_dim3A = arith.constant 0 : i32
      %broadcast_in_dim3A_1354 = vector.broadcast %broadcast_in_dim3A : i32 to vector<16xi32>
      %gather3A = arith.constant 1 : i32
      %gather3A_1355 = arith.constant 0 : i32
      %gather3A_1356 = arith.constant 0 : i32
      %gather3A_1357 = arith.constant 0 : i32
      %gather3A_1358 = tpu.memref_slice %arg13[%gather3A, %gather3A_1355, %gather3A_1356, %gather3A_1357] : memref<2x3x4x4096xf32, #tpu.memory_space<vmem>> -> memref<1x1x4x4096xf32, #tpu.memory_space<vmem>>
      %gather3A_1359 = tpu.memref_squeeze %gather3A_1358 : memref<1x1x4x4096xf32, #tpu.memory_space<vmem>> -> memref<4x4096xf32, #tpu.memory_space<vmem>>
      %gather3A_1360 = tpu.vector_load_idx %gather3A_1359[%broadcast_in_dim3A_1354, %get3A_1353] : memref<4x4096xf32, #tpu.memory_space<vmem>>[vector<16xi32>, vector<16xi32>], vector<16xf32>,
      %mul3A_1361 = arith.constant 16 : i32
      %mul3A_1362 = arith.muli %scan3A_1350, %mul3A_1361 : i32
      %swap3A = arith.constant 4 : i32
      %swap3A_1363 = arith.index_cast %swap3A : i32 to index
      %swap3A_1364 = arith.index_cast %mul3A_1362 : i32 to index
      %swap3A_1365 = tpu.vector_load %arg14[%swap3A_1363, %swap3A_1364] {strides = array<i32>} : memref<8x1024xf32, #tpu.memory_space<vmem>>, vector<16xf32>,
      tpu.vector_store %arg14[%swap3A_1363, %swap3A_1364], %gather3A_1360 {strides = array<i32>} : memref<8x1024xf32, #tpu.memory_space<vmem>>, vector<16xf32>,
      %broadcast_in_dim3A_1366 = arith.constant 1 : i32
      %broadcast_in_dim3A_1367 = vector.broadcast %broadcast_in_dim3A_1366 : i32 to vector<16xi32>
      %gather3A_1368 = arith.constant 1 : i32
      %gather3A_1369 = arith.constant 0 : i32
      %gather3A_1370 = arith.constant 0 : i32
      %gather3A_1371 = arith.constant 0 : i32
      %gather3A_1372 = tpu.memref_slice %arg13[%gather3A_1368, %gather3A_1369, %gather3A_1370, %gather3A_1371] : memref<2x3x4x4096xf32, #tpu.memory_space<vmem>> -> memref<1x1x4x4096xf32, #tpu.memory_space<vmem>>
      %gather3A_1373 = tpu.memref_squeeze %gather3A_1372 : memref<1x1x4x4096xf32, #tpu.memory_space<vmem>> -> memref<4x4096xf32, #tpu.memory_space<vmem>>
      %gather3A_1374 = tpu.vector_load_idx %gather3A_1373[%broadcast_in_dim3A_1367, %get3A_1353] : memref<4x4096xf32, #tpu.memory_space<vmem>>[vector<16xi32>, vector<16xi32>], vector<16xf32>,
      %mul3A_1375 = arith.constant 16 : i32
      %mul3A_1376 = arith.muli %scan3A_1350, %mul3A_1375 : i32
      %swap3A_1377 = arith.constant 5 : i32
      %swap3A_1378 = arith.index_cast %swap3A_1377 : i32 to index
      %swap3A_1379 = arith.index_cast %mul3A_1376 : i32 to index
      %swap3A_1380 = tpu.vector_load %arg14[%swap3A_1378, %swap3A_1379] {strides = array<i32>} : memref<8x1024xf32, #tpu.memory_space<vmem>>, vector<16xf32>,
      tpu.vector_store %arg14[%swap3A_1378, %swap3A_1379], %gather3A_1374 {strides = array<i32>} : memref<8x1024xf32, #tpu.memory_space<vmem>>, vector<16xf32>,
      %broadcast_in_dim3A_1381 = arith.constant 2 : i32
      %broadcast_in_dim3A_1382 = vector.broadcast %broadcast_in_dim3A_1381 : i32 to vector<16xi32>
      %gather3A_1383 = arith.constant 1 : i32
      %gather3A_1384 = arith.constant 0 : i32
      %gather3A_1385 = arith.constant 0 : i32
      %gather3A_1386 = arith.constant 0 : i32
      %gather3A_1387 = tpu.memref_slice %arg13[%gather3A_1383, %gather3A_1384, %gather3A_1385, %gather3A_1386] : memref<2x3x4x4096xf32, #tpu.memory_space<vmem>> -> memref<1x1x4x4096xf32, #tpu.memory_space<vmem>>
      %gather3A_1388 = tpu.memref_squeeze %gather3A_1387 : memref<1x1x4x4096xf32, #tpu.memory_space<vmem>> -> memref<4x4096xf32, #tpu.memory_space<vmem>>
      %gather3A_1389 = tpu.vector_load_idx %gather3A_1388[%broadcast_in_dim3A_1382, %get3A_1353] : memref<4x4096xf32, #tpu.memory_space<vmem>>[vector<16xi32>, vector<16xi32>], vector<16xf32>,
      %mul3A_1390 = arith.constant 16 : i32
      %mul3A_1391 = arith.muli %scan3A_1350, %mul3A_1390 : i32
      %swap3A_1392 = arith.constant 6 : i32
      %swap3A_1393 = arith.index_cast %swap3A_1392 : i32 to index
      %swap3A_1394 = arith.index_cast %mul3A_1391 : i32 to index
      %swap3A_1395 = tpu.vector_load %arg14[%swap3A_1393, %swap3A_1394] {strides = array<i32>} : memref<8x1024xf32, #tpu.memory_space<vmem>>, vector<16xf32>,
      tpu.vector_store %arg14[%swap3A_1393, %swap3A_1394], %gather3A_1389 {strides = array<i32>} : memref<8x1024xf32, #tpu.memory_space<vmem>>, vector<16xf32>,
      %broadcast_in_dim3A_1396 = arith.constant 3 : i32
      %broadcast_in_dim3A_1397 = vector.broadcast %broadcast_in_dim3A_1396 : i32 to vector<16xi32>
      %gather3A_1398 = arith.constant 1 : i32
      %gather3A_1399 = arith.constant 0 : i32
      %gather3A_1400 = arith.constant 0 : i32
      %gather3A_1401 = arith.constant 0 : i32
      %gather3A_1402 = tpu.memref_slice %arg13[%gather3A_1398, %gather3A_1399, %gather3A_1400, %gather3A_1401] : memref<2x3x4x4096xf32, #tpu.memory_space<vmem>> -> memref<1x1x4x4096xf32, #tpu.memory_space<vmem>>
      %gather3A_1403 = tpu.memref_squeeze %gather3A_1402 : memref<1x1x4x4096xf32, #tpu.memory_space<vmem>> -> memref<4x4096xf32, #tpu.memory_space<vmem>>
      %gather3A_1404 = tpu.vector_load_idx %gather3A_1403[%broadcast_in_dim3A_1397, %get3A_1353] : memref<4x4096xf32, #tpu.memory_space<vmem>>[vector<16xi32>, vector<16xi32>], vector<16xf32>,
      %mul3A_1405 = arith.constant 16 : i32
      %mul3A_1406 = arith.muli %scan3A_1350, %mul3A_1405 : i32
      %swap3A_1407 = arith.constant 7 : i32
      %swap3A_1408 = arith.index_cast %swap3A_1407 : i32 to index
      %swap3A_1409 = arith.index_cast %mul3A_1406 : i32 to index
      %swap3A_1410 = tpu.vector_load %arg14[%swap3A_1408, %swap3A_1409] {strides = array<i32>} : memref<8x1024xf32, #tpu.memory_space<vmem>>, vector<16xf32>,
      tpu.vector_store %arg14[%swap3A_1408, %swap3A_1409], %gather3A_1404 {strides = array<i32>} : memref<8x1024xf32, #tpu.memory_space<vmem>>, vector<16xf32>,
    }
    %scan3A_430 = arith.constant 64 : i32
    %add3A_431 = arith.constant 24 : i32
    %add3A_432 = arith.addi %mul3A_11, %add3A_431 : i32
    %add3A_433 = arith.constant 0 : i32
    %add3A_434 = arith.addi %add3A_432, %add3A_433 : i32
    %dma_start3A_435 = arith.constant 0 : i32
    %dma_start3A_436 = tpu.memref_slice %arg8[%shift_right_arithmetic3A_1, %add3A_434, %dma_start3A_435] : memref<4x520x1024xf32, #tpu.memory_space<hbm>> -> memref<1x8x1024xf32, #tpu.memory_space<hbm>>
    %dma_start3A_437 = tpu.memref_squeeze %dma_start3A_436 : memref<1x8x1024xf32, #tpu.memory_space<hbm>> -> memref<8x1024xf32, #tpu.memory_space<hbm>>
    %dma_start3A_438 = arith.constant 0 : i32
    %dma_start3A_439 = tpu.memref_slice %arg8[%shift_right_arithmetic3A_1, %add3A_434, %dma_start3A_438] : memref<4x520x1024xf32, #tpu.memory_space<hbm>> -> memref<1x8x1024xf32, #tpu.memory_space<hbm>>
    %dma_start3A_440 = tpu.memref_squeeze %dma_start3A_439 : memref<1x8x1024xf32, #tpu.memory_space<hbm>> -> memref<8x1024xf32, #tpu.memory_space<hbm>>
    tpu.enqueue_dma source(%arg14 : memref<8x1024xf32, #tpu.memory_space<vmem>>) target(%dma_start3A_440 : memref<8x1024xf32, #tpu.memory_space<hbm>>) target_semaphore(%arg21 : memref<!tpu.dma_semaphore, #tpu.memory_space<semaphore_mem>>)
    %add3A_441 = arith.constant 4 : i32
    %add3A_442 = arith.addi %mul3A_11, %add3A_441 : i32
    %dma_start3A_443 = arith.constant 0 : i32
    %dma_start3A_444 = arith.constant 1 : i32
    %dma_start3A_445 = arith.constant 0 : i32
    %dma_start3A_446 = arith.constant 0 : i32
    %dma_start3A_447 = arith.constant 0 : i32
    %dma_start3A_448 = tpu.memref_slice %arg13[%dma_start3A_444, %dma_start3A_445, %dma_start3A_446, %dma_start3A_447] : memref<2x3x4x4096xf32, #tpu.memory_space<vmem>> -> memref<1x1x4x4096xf32, #tpu.memory_space<vmem>>
    %dma_start3A_449 = tpu.memref_squeeze %dma_start3A_448 : memref<1x1x4x4096xf32, #tpu.memory_space<vmem>> -> memref<4x4096xf32, #tpu.memory_space<vmem>>
    %dma_start3A_450 = arith.constant 0 : i32
    %dma_start3A_451 = tpu.memref_slice %arg5[%shift_right_arithmetic3A_1, %dma_start3A_443, %add3A_442, %dma_start3A_450] : memref<4x3x256x4096xf32, #tpu.memory_space<hbm>> -> memref<1x1x4x4096xf32, #tpu.memory_space<hbm>>
    %dma_start3A_452 = tpu.memref_squeeze %dma_start3A_451 : memref<1x1x4x4096xf32, #tpu.memory_space<hbm>> -> memref<4x4096xf32, #tpu.memory_space<hbm>>
    %dma_start3A_453 = arith.constant 0 : i32
    %dma_start3A_454 = arith.constant 0 : i32
    %dma_start3A_455 = tpu.memref_slice %arg13[%dma_start3A_444, %dma_start3A_445, %dma_start3A_453, %dma_start3A_454] : memref<2x3x4x4096xf32, #tpu.memory_space<vmem>> -> memref<1x1x4x4096xf32, #tpu.memory_space<vmem>>
    %dma_start3A_456 = tpu.memref_squeeze %dma_start3A_455 : memref<1x1x4x4096xf32, #tpu.memory_space<vmem>> -> memref<4x4096xf32, #tpu.memory_space<vmem>>
    %dma_start3A_457 = arith.constant 0 : i32
    %dma_start3A_458 = tpu.memref_slice %arg5[%shift_right_arithmetic3A_1, %dma_start3A_443, %add3A_442, %dma_start3A_457] : memref<4x3x256x4096xf32, #tpu.memory_space<hbm>> -> memref<1x1x4x4096xf32, #tpu.memory_space<hbm>>
    %dma_start3A_459 = tpu.memref_squeeze %dma_start3A_458 : memref<1x1x4x4096xf32, #tpu.memory_space<hbm>> -> memref<4x4096xf32, #tpu.memory_space<hbm>>
    tpu.enqueue_dma source(%dma_start3A_459 : memref<4x4096xf32, #tpu.memory_space<hbm>>) target(%dma_start3A_456 : memref<4x4096xf32, #tpu.memory_space<vmem>>) target_semaphore(%arg20 : memref<!tpu.dma_semaphore, #tpu.memory_space<semaphore_mem>>)
    %dma_start3A_460 = arith.constant 1 : i32
    %dma_start3A_461 = arith.constant 1 : i32
    %dma_start3A_462 = arith.constant 1 : i32
    %dma_start3A_463 = arith.constant 0 : i32
    %dma_start3A_464 = arith.constant 0 : i32
    %dma_start3A_465 = tpu.memref_slice %arg13[%dma_start3A_461, %dma_start3A_462, %dma_start3A_463, %dma_start3A_464] : memref<2x3x4x4096xf32, #tpu.memory_space<vmem>> -> memref<1x1x4x4096xf32, #tpu.memory_space<vmem>>
    %dma_start3A_466 = tpu.memref_squeeze %dma_start3A_465 : memref<1x1x4x4096xf32, #tpu.memory_space<vmem>> -> memref<4x4096xf32, #tpu.memory_space<vmem>>
    %dma_start3A_467 = arith.constant 0 : i32
    %dma_start3A_468 = tpu.memref_slice %arg5[%shift_right_arithmetic3A_1, %dma_start3A_460, %add3A_442, %dma_start3A_467] : memref<4x3x256x4096xf32, #tpu.memory_space<hbm>> -> memref<1x1x4x4096xf32, #tpu.memory_space<hbm>>
    %dma_start3A_469 = tpu.memref_squeeze %dma_start3A_468 : memref<1x1x4x4096xf32, #tpu.memory_space<hbm>> -> memref<4x4096xf32, #tpu.memory_space<hbm>>
    %dma_start3A_470 = arith.constant 0 : i32
    %dma_start3A_471 = arith.constant 0 : i32
    %dma_start3A_472 = tpu.memref_slice %arg13[%dma_start3A_461, %dma_start3A_462, %dma_start3A_470, %dma_start3A_471] : memref<2x3x4x4096xf32, #tpu.memory_space<vmem>> -> memref<1x1x4x4096xf32, #tpu.memory_space<vmem>>
    %dma_start3A_473 = tpu.memref_squeeze %dma_start3A_472 : memref<1x1x4x4096xf32, #tpu.memory_space<vmem>> -> memref<4x4096xf32, #tpu.memory_space<vmem>>
    %dma_start3A_474 = arith.constant 0 : i32
    %dma_start3A_475 = tpu.memref_slice %arg5[%shift_right_arithmetic3A_1, %dma_start3A_460, %add3A_442, %dma_start3A_474] : memref<4x3x256x4096xf32, #tpu.memory_space<hbm>> -> memref<1x1x4x4096xf32, #tpu.memory_space<hbm>>
    %dma_start3A_476 = tpu.memref_squeeze %dma_start3A_475 : memref<1x1x4x4096xf32, #tpu.memory_space<hbm>> -> memref<4x4096xf32, #tpu.memory_space<hbm>>
    tpu.enqueue_dma source(%dma_start3A_476 : memref<4x4096xf32, #tpu.memory_space<hbm>>) target(%dma_start3A_473 : memref<4x4096xf32, #tpu.memory_space<vmem>>) target_semaphore(%arg20 : memref<!tpu.dma_semaphore, #tpu.memory_space<semaphore_mem>>)
    %dma_start3A_477 = arith.constant 2 : i32
    %dma_start3A_478 = arith.constant 1 : i32
    %dma_start3A_479 = arith.constant 2 : i32
    %dma_start3A_480 = arith.constant 0 : i32
    %dma_start3A_481 = arith.constant 0 : i32
    %dma_start3A_482 = tpu.memref_slice %arg13[%dma_start3A_478, %dma_start3A_479, %dma_start3A_480, %dma_start3A_481] : memref<2x3x4x4096xf32, #tpu.memory_space<vmem>> -> memref<1x1x4x4096xf32, #tpu.memory_space<vmem>>
    %dma_start3A_483 = tpu.memref_squeeze %dma_start3A_482 : memref<1x1x4x4096xf32, #tpu.memory_space<vmem>> -> memref<4x4096xf32, #tpu.memory_space<vmem>>
    %dma_start3A_484 = arith.constant 0 : i32
    %dma_start3A_485 = tpu.memref_slice %arg5[%shift_right_arithmetic3A_1, %dma_start3A_477, %add3A_442, %dma_start3A_484] : memref<4x3x256x4096xf32, #tpu.memory_space<hbm>> -> memref<1x1x4x4096xf32, #tpu.memory_space<hbm>>
    %dma_start3A_486 = tpu.memref_squeeze %dma_start3A_485 : memref<1x1x4x4096xf32, #tpu.memory_space<hbm>> -> memref<4x4096xf32, #tpu.memory_space<hbm>>
    %dma_start3A_487 = arith.constant 0 : i32
    %dma_start3A_488 = arith.constant 0 : i32
    %dma_start3A_489 = tpu.memref_slice %arg13[%dma_start3A_478, %dma_start3A_479, %dma_start3A_487, %dma_start3A_488] : memref<2x3x4x4096xf32, #tpu.memory_space<vmem>> -> memref<1x1x4x4096xf32, #tpu.memory_space<vmem>>
    %dma_start3A_490 = tpu.memref_squeeze %dma_start3A_489 : memref<1x1x4x4096xf32, #tpu.memory_space<vmem>> -> memref<4x4096xf32, #tpu.memory_space<vmem>>
    %dma_start3A_491 = arith.constant 0 : i32
    %dma_start3A_492 = tpu.memref_slice %arg5[%shift_right_arithmetic3A_1, %dma_start3A_477, %add3A_442, %dma_start3A_491] : memref<4x3x256x4096xf32, #tpu.memory_space<hbm>> -> memref<1x1x4x4096xf32, #tpu.memory_space<hbm>>
    %dma_start3A_493 = tpu.memref_squeeze %dma_start3A_492 : memref<1x1x4x4096xf32, #tpu.memory_space<hbm>> -> memref<4x4096xf32, #tpu.memory_space<hbm>>
    tpu.enqueue_dma source(%dma_start3A_493 : memref<4x4096xf32, #tpu.memory_space<hbm>>) target(%dma_start3A_490 : memref<4x4096xf32, #tpu.memory_space<vmem>>) target_semaphore(%arg20 : memref<!tpu.dma_semaphore, #tpu.memory_space<semaphore_mem>>)
    %dma_wait3A_494 = arith.constant 0 : i32
    %dma_wait3A_495 = arith.constant 0 : i32
    %dma_wait3A_496 = arith.constant 0 : i32
    %dma_wait3A_497 = arith.constant 0 : i32
    %dma_wait3A_498 = arith.constant 0 : i32
    %dma_wait3A_499 = tpu.memref_slice %arg13[%dma_wait3A_495, %dma_wait3A_496, %dma_wait3A_497, %dma_wait3A_498] : memref<2x3x4x4096xf32, #tpu.memory_space<vmem>> -> memref<1x1x4x4096xf32, #tpu.memory_space<vmem>>
    %dma_wait3A_500 = tpu.memref_squeeze %dma_wait3A_499 : memref<1x1x4x4096xf32, #tpu.memory_space<vmem>> -> memref<4x4096xf32, #tpu.memory_space<vmem>>
    %dma_wait3A_501 = arith.constant 0 : i32
    %dma_wait3A_502 = tpu.memref_slice %arg5[%shift_right_arithmetic3A_1, %dma_wait3A_494, %add3A_357, %dma_wait3A_501] : memref<4x3x256x4096xf32, #tpu.memory_space<hbm>> -> memref<1x1x4x4096xf32, #tpu.memory_space<hbm>>
    %dma_wait3A_503 = tpu.memref_squeeze %dma_wait3A_502 : memref<1x1x4x4096xf32, #tpu.memory_space<hbm>> -> memref<4x4096xf32, #tpu.memory_space<hbm>>
    %dma_wait3A_504 = arith.constant 0 : i32
    %dma_wait3A_505 = arith.constant 0 : i32
    %dma_wait3A_506 = tpu.memref_slice %arg13[%dma_wait3A_495, %dma_wait3A_496, %dma_wait3A_504, %dma_wait3A_505] : memref<2x3x4x4096xf32, #tpu.memory_space<vmem>> -> memref<1x1x4x4096xf32, #tpu.memory_space<vmem>>
    %dma_wait3A_507 = tpu.memref_squeeze %dma_wait3A_506 : memref<1x1x4x4096xf32, #tpu.memory_space<vmem>> -> memref<4x4096xf32, #tpu.memory_space<vmem>>
    %dma_wait3A_508 = arith.constant 0 : i32
    %dma_wait3A_509 = tpu.memref_slice %arg5[%shift_right_arithmetic3A_1, %dma_wait3A_494, %add3A_357, %dma_wait3A_508] : memref<4x3x256x4096xf32, #tpu.memory_space<hbm>> -> memref<1x1x4x4096xf32, #tpu.memory_space<hbm>>
    %dma_wait3A_510 = tpu.memref_squeeze %dma_wait3A_509 : memref<1x1x4x4096xf32, #tpu.memory_space<hbm>> -> memref<4x4096xf32, #tpu.memory_space<hbm>>
    tpu.wait_dma2 semaphore(%arg19 : memref<!tpu.dma_semaphore, #tpu.memory_space<semaphore_mem>>) src(%dma_wait3A_510 : memref<4x4096xf32, #tpu.memory_space<hbm>>) dst(%dma_wait3A_507 : memref<4x4096xf32, #tpu.memory_space<vmem>>)
    %dma_wait3A_511 = arith.constant 1 : i32
    %dma_wait3A_512 = arith.constant 0 : i32
    %dma_wait3A_513 = arith.constant 1 : i32
    %dma_wait3A_514 = arith.constant 0 : i32
    %dma_wait3A_515 = arith.constant 0 : i32
    %dma_wait3A_516 = tpu.memref_slice %arg13[%dma_wait3A_512, %dma_wait3A_513, %dma_wait3A_514, %dma_wait3A_515] : memref<2x3x4x4096xf32, #tpu.memory_space<vmem>> -> memref<1x1x4x4096xf32, #tpu.memory_space<vmem>>
    %dma_wait3A_517 = tpu.memref_squeeze %dma_wait3A_516 : memref<1x1x4x4096xf32, #tpu.memory_space<vmem>> -> memref<4x4096xf32, #tpu.memory_space<vmem>>
    %dma_wait3A_518 = arith.constant 0 : i32
    %dma_wait3A_519 = tpu.memref_slice %arg5[%shift_right_arithmetic3A_1, %dma_wait3A_511, %add3A_357, %dma_wait3A_518] : memref<4x3x256x4096xf32, #tpu.memory_space<hbm>> -> memref<1x1x4x4096xf32, #tpu.memory_space<hbm>>
    %dma_wait3A_520 = tpu.memref_squeeze %dma_wait3A_519 : memref<1x1x4x4096xf32, #tpu.memory_space<hbm>> -> memref<4x4096xf32, #tpu.memory_space<hbm>>
    %dma_wait3A_521 = arith.constant 0 : i32
    %dma_wait3A_522 = arith.constant 0 : i32
    %dma_wait3A_523 = tpu.memref_slice %arg13[%dma_wait3A_512, %dma_wait3A_513, %dma_wait3A_521, %dma_wait3A_522] : memref<2x3x4x4096xf32, #tpu.memory_space<vmem>> -> memref<1x1x4x4096xf32, #tpu.memory_space<vmem>>
    %dma_wait3A_524 = tpu.memref_squeeze %dma_wait3A_523 : memref<1x1x4x4096xf32, #tpu.memory_space<vmem>> -> memref<4x4096xf32, #tpu.memory_space<vmem>>
    %dma_wait3A_525 = arith.constant 0 : i32
    %dma_wait3A_526 = tpu.memref_slice %arg5[%shift_right_arithmetic3A_1, %dma_wait3A_511, %add3A_357, %dma_wait3A_525] : memref<4x3x256x4096xf32, #tpu.memory_space<hbm>> -> memref<1x1x4x4096xf32, #tpu.memory_space<hbm>>
    %dma_wait3A_527 = tpu.memref_squeeze %dma_wait3A_526 : memref<1x1x4x4096xf32, #tpu.memory_space<hbm>> -> memref<4x4096xf32, #tpu.memory_space<hbm>>
    tpu.wait_dma2 semaphore(%arg19 : memref<!tpu.dma_semaphore, #tpu.memory_space<semaphore_mem>>) src(%dma_wait3A_527 : memref<4x4096xf32, #tpu.memory_space<hbm>>) dst(%dma_wait3A_524 : memref<4x4096xf32, #tpu.memory_space<vmem>>)
    %dma_wait3A_528 = arith.constant 2 : i32
    %dma_wait3A_529 = arith.constant 0 : i32
    %dma_wait3A_530 = arith.constant 2 : i32
    %dma_wait3A_531 = arith.constant 0 : i32
    %dma_wait3A_532 = arith.constant 0 : i32
    %dma_wait3A_533 = tpu.memref_slice %arg13[%dma_wait3A_529, %dma_wait3A_530, %dma_wait3A_531, %dma_wait3A_532] : memref<2x3x4x4096xf32, #tpu.memory_space<vmem>> -> memref<1x1x4x4096xf32, #tpu.memory_space<vmem>>
    %dma_wait3A_534 = tpu.memref_squeeze %dma_wait3A_533 : memref<1x1x4x4096xf32, #tpu.memory_space<vmem>> -> memref<4x4096xf32, #tpu.memory_space<vmem>>
    %dma_wait3A_535 = arith.constant 0 : i32
    %dma_wait3A_536 = tpu.memref_slice %arg5[%shift_right_arithmetic3A_1, %dma_wait3A_528, %add3A_357, %dma_wait3A_535] : memref<4x3x256x4096xf32, #tpu.memory_space<hbm>> -> memref<1x1x4x4096xf32, #tpu.memory_space<hbm>>
    %dma_wait3A_537 = tpu.memref_squeeze %dma_wait3A_536 : memref<1x1x4x4096xf32, #tpu.memory_space<hbm>> -> memref<4x4096xf32, #tpu.memory_space<hbm>>
    %dma_wait3A_538 = arith.constant 0 : i32
    %dma_wait3A_539 = arith.constant 0 : i32
    %dma_wait3A_540 = tpu.memref_slice %arg13[%dma_wait3A_529, %dma_wait3A_530, %dma_wait3A_538, %dma_wait3A_539] : memref<2x3x4x4096xf32, #tpu.memory_space<vmem>> -> memref<1x1x4x4096xf32, #tpu.memory_space<vmem>>
    %dma_wait3A_541 = tpu.memref_squeeze %dma_wait3A_540 : memref<1x1x4x4096xf32, #tpu.memory_space<vmem>> -> memref<4x4096xf32, #tpu.memory_space<vmem>>
    %dma_wait3A_542 = arith.constant 0 : i32
    %dma_wait3A_543 = tpu.memref_slice %arg5[%shift_right_arithmetic3A_1, %dma_wait3A_528, %add3A_357, %dma_wait3A_542] : memref<4x3x256x4096xf32, #tpu.memory_space<hbm>> -> memref<1x1x4x4096xf32, #tpu.memory_space<hbm>>
    %dma_wait3A_544 = tpu.memref_squeeze %dma_wait3A_543 : memref<1x1x4x4096xf32, #tpu.memory_space<hbm>> -> memref<4x4096xf32, #tpu.memory_space<hbm>>
    tpu.wait_dma2 semaphore(%arg19 : memref<!tpu.dma_semaphore, #tpu.memory_space<semaphore_mem>>) src(%dma_wait3A_544 : memref<4x4096xf32, #tpu.memory_space<hbm>>) dst(%dma_wait3A_541 : memref<4x4096xf32, #tpu.memory_space<vmem>>)
    %dma_wait3A_545 = arith.constant 0 : i32
    %dma_wait3A_546 = tpu.memref_slice %arg8[%shift_right_arithmetic3A_1, %add3A_434, %dma_wait3A_545] : memref<4x520x1024xf32, #tpu.memory_space<hbm>> -> memref<1x8x1024xf32, #tpu.memory_space<hbm>>
    %dma_wait3A_547 = tpu.memref_squeeze %dma_wait3A_546 : memref<1x8x1024xf32, #tpu.memory_space<hbm>> -> memref<8x1024xf32, #tpu.memory_space<hbm>>
    %dma_wait3A_548 = arith.constant 0 : i32
    %dma_wait3A_549 = tpu.memref_slice %arg8[%shift_right_arithmetic3A_1, %add3A_434, %dma_wait3A_548] : memref<4x520x1024xf32, #tpu.memory_space<hbm>> -> memref<1x8x1024xf32, #tpu.memory_space<hbm>>
    %dma_wait3A_550 = tpu.memref_squeeze %dma_wait3A_549 : memref<1x8x1024xf32, #tpu.memory_space<hbm>> -> memref<8x1024xf32, #tpu.memory_space<hbm>>
    tpu.wait_dma2 semaphore(%arg21 : memref<!tpu.dma_semaphore, #tpu.memory_space<semaphore_mem>>) src(%arg14 : memref<8x1024xf32, #tpu.memory_space<vmem>>) dst(%dma_wait3A_550 : memref<8x1024xf32, #tpu.memory_space<hbm>>)
    %scan3A_551 = arith.constant 0 : i32
    %scan3A_552 = arith.constant 0 : i32
    %scan3A_553 = arith.constant 64 : i32
    %scan3A_554 = arith.addi %scan3A_552, %scan3A_553 : i32
    %scan3A_555 = arith.constant 1 : i32
    scf.for %scan3A_1350 = %scan3A_552 to %scan3A_554 step %scan3A_555  : i32 {
      %mul3A_1351 = arith.constant 16 : i32
      %mul3A_1352 = arith.muli %scan3A_1350, %mul3A_1351 : i32
      %get3A = arith.index_cast %mul3A_1352 : i32 to index
      %get3A_1353 = tpu.vector_load %arg11[%get3A] {strides = array<i32>} : memref<1024xi32, #tpu.memory_space<vmem>>, vector<16xi32>,
      %mul3A_1354 = arith.constant 16 : i32
      %mul3A_1355 = arith.muli %scan3A_1350, %mul3A_1354 : i32
      %get3A_1356 = arith.index_cast %mul3A_1355 : i32 to index
      %get3A_1357 = tpu.vector_load %arg12[%get3A_1356] {strides = array<i32>} : memref<1024xi32, #tpu.memory_space<vmem>>, vector<16xi32>,
      %broadcast_in_dim3A = arith.constant 0 : i32
      %broadcast_in_dim3A_1358 = vector.broadcast %broadcast_in_dim3A : i32 to vector<16xi32>
      %gather3A = arith.constant 0 : i32
      %gather3A_1359 = arith.constant 0 : i32
      %gather3A_1360 = arith.constant 0 : i32
      %gather3A_1361 = arith.constant 0 : i32
      %gather3A_1362 = tpu.memref_slice %arg13[%gather3A, %gather3A_1359, %gather3A_1360, %gather3A_1361] : memref<2x3x4x4096xf32, #tpu.memory_space<vmem>> -> memref<1x3x4x4096xf32, #tpu.memory_space<vmem>>
      %gather3A_1363 = tpu.memref_squeeze %gather3A_1362 : memref<1x3x4x4096xf32, #tpu.memory_space<vmem>> -> memref<3x4x4096xf32, #tpu.memory_space<vmem>>
      %gather3A_1364 = tpu.vector_load_idx %gather3A_1363[%get3A_1357, %broadcast_in_dim3A_1358, %get3A_1353] : memref<3x4x4096xf32, #tpu.memory_space<vmem>>[vector<16xi32>, vector<16xi32>, vector<16xi32>], vector<16xf32>,
      %mul3A_1365 = arith.constant 16 : i32
      %mul3A_1366 = arith.muli %scan3A_1350, %mul3A_1365 : i32
      %swap3A = arith.constant 0 : i32
      %swap3A_1367 = arith.index_cast %swap3A : i32 to index
      %swap3A_1368 = arith.index_cast %mul3A_1366 : i32 to index
      %swap3A_1369 = tpu.vector_load %arg14[%swap3A_1367, %swap3A_1368] {strides = array<i32>} : memref<8x1024xf32, #tpu.memory_space<vmem>>, vector<16xf32>,
      tpu.vector_store %arg14[%swap3A_1367, %swap3A_1368], %gather3A_1364 {strides = array<i32>} : memref<8x1024xf32, #tpu.memory_space<vmem>>, vector<16xf32>,
      %broadcast_in_dim3A_1370 = arith.constant 1 : i32
      %broadcast_in_dim3A_1371 = vector.broadcast %broadcast_in_dim3A_1370 : i32 to vector<16xi32>
      %gather3A_1372 = arith.constant 0 : i32
      %gather3A_1373 = arith.constant 0 : i32
      %gather3A_1374 = arith.constant 0 : i32
      %gather3A_1375 = arith.constant 0 : i32
      %gather3A_1376 = tpu.memref_slice %arg13[%gather3A_1372, %gather3A_1373, %gather3A_1374, %gather3A_1375] : memref<2x3x4x4096xf32, #tpu.memory_space<vmem>> -> memref<1x3x4x4096xf32, #tpu.memory_space<vmem>>
      %gather3A_1377 = tpu.memref_squeeze %gather3A_1376 : memref<1x3x4x4096xf32, #tpu.memory_space<vmem>> -> memref<3x4x4096xf32, #tpu.memory_space<vmem>>
      %gather3A_1378 = tpu.vector_load_idx %gather3A_1377[%get3A_1357, %broadcast_in_dim3A_1371, %get3A_1353] : memref<3x4x4096xf32, #tpu.memory_space<vmem>>[vector<16xi32>, vector<16xi32>, vector<16xi32>], vector<16xf32>,
      %mul3A_1379 = arith.constant 16 : i32
      %mul3A_1380 = arith.muli %scan3A_1350, %mul3A_1379 : i32
      %swap3A_1381 = arith.constant 1 : i32
      %swap3A_1382 = arith.index_cast %swap3A_1381 : i32 to index
      %swap3A_1383 = arith.index_cast %mul3A_1380 : i32 to index
      %swap3A_1384 = tpu.vector_load %arg14[%swap3A_1382, %swap3A_1383] {strides = array<i32>} : memref<8x1024xf32, #tpu.memory_space<vmem>>, vector<16xf32>,
      tpu.vector_store %arg14[%swap3A_1382, %swap3A_1383], %gather3A_1378 {strides = array<i32>} : memref<8x1024xf32, #tpu.memory_space<vmem>>, vector<16xf32>,
      %broadcast_in_dim3A_1385 = arith.constant 2 : i32
      %broadcast_in_dim3A_1386 = vector.broadcast %broadcast_in_dim3A_1385 : i32 to vector<16xi32>
      %gather3A_1387 = arith.constant 0 : i32
      %gather3A_1388 = arith.constant 0 : i32
      %gather3A_1389 = arith.constant 0 : i32
      %gather3A_1390 = arith.constant 0 : i32
      %gather3A_1391 = tpu.memref_slice %arg13[%gather3A_1387, %gather3A_1388, %gather3A_1389, %gather3A_1390] : memref<2x3x4x4096xf32, #tpu.memory_space<vmem>> -> memref<1x3x4x4096xf32, #tpu.memory_space<vmem>>
      %gather3A_1392 = tpu.memref_squeeze %gather3A_1391 : memref<1x3x4x4096xf32, #tpu.memory_space<vmem>> -> memref<3x4x4096xf32, #tpu.memory_space<vmem>>
      %gather3A_1393 = tpu.vector_load_idx %gather3A_1392[%get3A_1357, %broadcast_in_dim3A_1386, %get3A_1353] : memref<3x4x4096xf32, #tpu.memory_space<vmem>>[vector<16xi32>, vector<16xi32>, vector<16xi32>], vector<16xf32>,
      %mul3A_1394 = arith.constant 16 : i32
      %mul3A_1395 = arith.muli %scan3A_1350, %mul3A_1394 : i32
      %swap3A_1396 = arith.constant 2 : i32
      %swap3A_1397 = arith.index_cast %swap3A_1396 : i32 to index
      %swap3A_1398 = arith.index_cast %mul3A_1395 : i32 to index
      %swap3A_1399 = tpu.vector_load %arg14[%swap3A_1397, %swap3A_1398] {strides = array<i32>} : memref<8x1024xf32, #tpu.memory_space<vmem>>, vector<16xf32>,
      tpu.vector_store %arg14[%swap3A_1397, %swap3A_1398], %gather3A_1393 {strides = array<i32>} : memref<8x1024xf32, #tpu.memory_space<vmem>>, vector<16xf32>,
      %broadcast_in_dim3A_1400 = arith.constant 3 : i32
      %broadcast_in_dim3A_1401 = vector.broadcast %broadcast_in_dim3A_1400 : i32 to vector<16xi32>
      %gather3A_1402 = arith.constant 0 : i32
      %gather3A_1403 = arith.constant 0 : i32
      %gather3A_1404 = arith.constant 0 : i32
      %gather3A_1405 = arith.constant 0 : i32
      %gather3A_1406 = tpu.memref_slice %arg13[%gather3A_1402, %gather3A_1403, %gather3A_1404, %gather3A_1405] : memref<2x3x4x4096xf32, #tpu.memory_space<vmem>> -> memref<1x3x4x4096xf32, #tpu.memory_space<vmem>>
      %gather3A_1407 = tpu.memref_squeeze %gather3A_1406 : memref<1x3x4x4096xf32, #tpu.memory_space<vmem>> -> memref<3x4x4096xf32, #tpu.memory_space<vmem>>
      %gather3A_1408 = tpu.vector_load_idx %gather3A_1407[%get3A_1357, %broadcast_in_dim3A_1401, %get3A_1353] : memref<3x4x4096xf32, #tpu.memory_space<vmem>>[vector<16xi32>, vector<16xi32>, vector<16xi32>], vector<16xf32>,
      %mul3A_1409 = arith.constant 16 : i32
      %mul3A_1410 = arith.muli %scan3A_1350, %mul3A_1409 : i32
      %swap3A_1411 = arith.constant 3 : i32
      %swap3A_1412 = arith.index_cast %swap3A_1411 : i32 to index
      %swap3A_1413 = arith.index_cast %mul3A_1410 : i32 to index
      %swap3A_1414 = tpu.vector_load %arg14[%swap3A_1412, %swap3A_1413] {strides = array<i32>} : memref<8x1024xf32, #tpu.memory_space<vmem>>, vector<16xf32>,
      tpu.vector_store %arg14[%swap3A_1412, %swap3A_1413], %gather3A_1408 {strides = array<i32>} : memref<8x1024xf32, #tpu.memory_space<vmem>>, vector<16xf32>,
    }
    %scan3A_556 = arith.constant 64 : i32
    %add3A_557 = arith.constant 8 : i32
    %add3A_558 = arith.addi %mul3A_11, %add3A_557 : i32
    %dma_start3A_559 = arith.constant 0 : i32
    %dma_start3A_560 = arith.constant 0 : i32
    %dma_start3A_561 = arith.constant 0 : i32
    %dma_start3A_562 = arith.constant 0 : i32
    %dma_start3A_563 = arith.constant 0 : i32
    %dma_start3A_564 = tpu.memref_slice %arg13[%dma_start3A_560, %dma_start3A_561, %dma_start3A_562, %dma_start3A_563] : memref<2x3x4x4096xf32, #tpu.memory_space<vmem>> -> memref<1x1x4x4096xf32, #tpu.memory_space<vmem>>
    %dma_start3A_565 = tpu.memref_squeeze %dma_start3A_564 : memref<1x1x4x4096xf32, #tpu.memory_space<vmem>> -> memref<4x4096xf32, #tpu.memory_space<vmem>>
    %dma_start3A_566 = arith.constant 0 : i32
    %dma_start3A_567 = tpu.memref_slice %arg5[%shift_right_arithmetic3A_1, %dma_start3A_559, %add3A_558, %dma_start3A_566] : memref<4x3x256x4096xf32, #tpu.memory_space<hbm>> -> memref<1x1x4x4096xf32, #tpu.memory_space<hbm>>
    %dma_start3A_568 = tpu.memref_squeeze %dma_start3A_567 : memref<1x1x4x4096xf32, #tpu.memory_space<hbm>> -> memref<4x4096xf32, #tpu.memory_space<hbm>>
    %dma_start3A_569 = arith.constant 0 : i32
    %dma_start3A_570 = arith.constant 0 : i32
    %dma_start3A_571 = tpu.memref_slice %arg13[%dma_start3A_560, %dma_start3A_561, %dma_start3A_569, %dma_start3A_570] : memref<2x3x4x4096xf32, #tpu.memory_space<vmem>> -> memref<1x1x4x4096xf32, #tpu.memory_space<vmem>>
    %dma_start3A_572 = tpu.memref_squeeze %dma_start3A_571 : memref<1x1x4x4096xf32, #tpu.memory_space<vmem>> -> memref<4x4096xf32, #tpu.memory_space<vmem>>
    %dma_start3A_573 = arith.constant 0 : i32
    %dma_start3A_574 = tpu.memref_slice %arg5[%shift_right_arithmetic3A_1, %dma_start3A_559, %add3A_558, %dma_start3A_573] : memref<4x3x256x4096xf32, #tpu.memory_space<hbm>> -> memref<1x1x4x4096xf32, #tpu.memory_space<hbm>>
    %dma_start3A_575 = tpu.memref_squeeze %dma_start3A_574 : memref<1x1x4x4096xf32, #tpu.memory_space<hbm>> -> memref<4x4096xf32, #tpu.memory_space<hbm>>
    tpu.enqueue_dma source(%dma_start3A_575 : memref<4x4096xf32, #tpu.memory_space<hbm>>) target(%dma_start3A_572 : memref<4x4096xf32, #tpu.memory_space<vmem>>) target_semaphore(%arg19 : memref<!tpu.dma_semaphore, #tpu.memory_space<semaphore_mem>>)
    %dma_start3A_576 = arith.constant 1 : i32
    %dma_start3A_577 = arith.constant 0 : i32
    %dma_start3A_578 = arith.constant 1 : i32
    %dma_start3A_579 = arith.constant 0 : i32
    %dma_start3A_580 = arith.constant 0 : i32
    %dma_start3A_581 = tpu.memref_slice %arg13[%dma_start3A_577, %dma_start3A_578, %dma_start3A_579, %dma_start3A_580] : memref<2x3x4x4096xf32, #tpu.memory_space<vmem>> -> memref<1x1x4x4096xf32, #tpu.memory_space<vmem>>
    %dma_start3A_582 = tpu.memref_squeeze %dma_start3A_581 : memref<1x1x4x4096xf32, #tpu.memory_space<vmem>> -> memref<4x4096xf32, #tpu.memory_space<vmem>>
    %dma_start3A_583 = arith.constant 0 : i32
    %dma_start3A_584 = tpu.memref_slice %arg5[%shift_right_arithmetic3A_1, %dma_start3A_576, %add3A_558, %dma_start3A_583] : memref<4x3x256x4096xf32, #tpu.memory_space<hbm>> -> memref<1x1x4x4096xf32, #tpu.memory_space<hbm>>
    %dma_start3A_585 = tpu.memref_squeeze %dma_start3A_584 : memref<1x1x4x4096xf32, #tpu.memory_space<hbm>> -> memref<4x4096xf32, #tpu.memory_space<hbm>>
    %dma_start3A_586 = arith.constant 0 : i32
    %dma_start3A_587 = arith.constant 0 : i32
    %dma_start3A_588 = tpu.memref_slice %arg13[%dma_start3A_577, %dma_start3A_578, %dma_start3A_586, %dma_start3A_587] : memref<2x3x4x4096xf32, #tpu.memory_space<vmem>> -> memref<1x1x4x4096xf32, #tpu.memory_space<vmem>>
    %dma_start3A_589 = tpu.memref_squeeze %dma_start3A_588 : memref<1x1x4x4096xf32, #tpu.memory_space<vmem>> -> memref<4x4096xf32, #tpu.memory_space<vmem>>
    %dma_start3A_590 = arith.constant 0 : i32
    %dma_start3A_591 = tpu.memref_slice %arg5[%shift_right_arithmetic3A_1, %dma_start3A_576, %add3A_558, %dma_start3A_590] : memref<4x3x256x4096xf32, #tpu.memory_space<hbm>> -> memref<1x1x4x4096xf32, #tpu.memory_space<hbm>>
    %dma_start3A_592 = tpu.memref_squeeze %dma_start3A_591 : memref<1x1x4x4096xf32, #tpu.memory_space<hbm>> -> memref<4x4096xf32, #tpu.memory_space<hbm>>
    tpu.enqueue_dma source(%dma_start3A_592 : memref<4x4096xf32, #tpu.memory_space<hbm>>) target(%dma_start3A_589 : memref<4x4096xf32, #tpu.memory_space<vmem>>) target_semaphore(%arg19 : memref<!tpu.dma_semaphore, #tpu.memory_space<semaphore_mem>>)
    %dma_start3A_593 = arith.constant 2 : i32
    %dma_start3A_594 = arith.constant 0 : i32
    %dma_start3A_595 = arith.constant 2 : i32
    %dma_start3A_596 = arith.constant 0 : i32
    %dma_start3A_597 = arith.constant 0 : i32
    %dma_start3A_598 = tpu.memref_slice %arg13[%dma_start3A_594, %dma_start3A_595, %dma_start3A_596, %dma_start3A_597] : memref<2x3x4x4096xf32, #tpu.memory_space<vmem>> -> memref<1x1x4x4096xf32, #tpu.memory_space<vmem>>
    %dma_start3A_599 = tpu.memref_squeeze %dma_start3A_598 : memref<1x1x4x4096xf32, #tpu.memory_space<vmem>> -> memref<4x4096xf32, #tpu.memory_space<vmem>>
    %dma_start3A_600 = arith.constant 0 : i32
    %dma_start3A_601 = tpu.memref_slice %arg5[%shift_right_arithmetic3A_1, %dma_start3A_593, %add3A_558, %dma_start3A_600] : memref<4x3x256x4096xf32, #tpu.memory_space<hbm>> -> memref<1x1x4x4096xf32, #tpu.memory_space<hbm>>
    %dma_start3A_602 = tpu.memref_squeeze %dma_start3A_601 : memref<1x1x4x4096xf32, #tpu.memory_space<hbm>> -> memref<4x4096xf32, #tpu.memory_space<hbm>>
    %dma_start3A_603 = arith.constant 0 : i32
    %dma_start3A_604 = arith.constant 0 : i32
    %dma_start3A_605 = tpu.memref_slice %arg13[%dma_start3A_594, %dma_start3A_595, %dma_start3A_603, %dma_start3A_604] : memref<2x3x4x4096xf32, #tpu.memory_space<vmem>> -> memref<1x1x4x4096xf32, #tpu.memory_space<vmem>>
    %dma_start3A_606 = tpu.memref_squeeze %dma_start3A_605 : memref<1x1x4x4096xf32, #tpu.memory_space<vmem>> -> memref<4x4096xf32, #tpu.memory_space<vmem>>
    %dma_start3A_607 = arith.constant 0 : i32
    %dma_start3A_608 = tpu.memref_slice %arg5[%shift_right_arithmetic3A_1, %dma_start3A_593, %add3A_558, %dma_start3A_607] : memref<4x3x256x4096xf32, #tpu.memory_space<hbm>> -> memref<1x1x4x4096xf32, #tpu.memory_space<hbm>>
    %dma_start3A_609 = tpu.memref_squeeze %dma_start3A_608 : memref<1x1x4x4096xf32, #tpu.memory_space<hbm>> -> memref<4x4096xf32, #tpu.memory_space<hbm>>
    tpu.enqueue_dma source(%dma_start3A_609 : memref<4x4096xf32, #tpu.memory_space<hbm>>) target(%dma_start3A_606 : memref<4x4096xf32, #tpu.memory_space<vmem>>) target_semaphore(%arg19 : memref<!tpu.dma_semaphore, #tpu.memory_space<semaphore_mem>>)
    %dma_wait3A_610 = arith.constant 0 : i32
    %dma_wait3A_611 = arith.constant 1 : i32
    %dma_wait3A_612 = arith.constant 0 : i32
    %dma_wait3A_613 = arith.constant 0 : i32
    %dma_wait3A_614 = arith.constant 0 : i32
    %dma_wait3A_615 = tpu.memref_slice %arg13[%dma_wait3A_611, %dma_wait3A_612, %dma_wait3A_613, %dma_wait3A_614] : memref<2x3x4x4096xf32, #tpu.memory_space<vmem>> -> memref<1x1x4x4096xf32, #tpu.memory_space<vmem>>
    %dma_wait3A_616 = tpu.memref_squeeze %dma_wait3A_615 : memref<1x1x4x4096xf32, #tpu.memory_space<vmem>> -> memref<4x4096xf32, #tpu.memory_space<vmem>>
    %dma_wait3A_617 = arith.constant 0 : i32
    %dma_wait3A_618 = tpu.memref_slice %arg5[%shift_right_arithmetic3A_1, %dma_wait3A_610, %add3A_442, %dma_wait3A_617] : memref<4x3x256x4096xf32, #tpu.memory_space<hbm>> -> memref<1x1x4x4096xf32, #tpu.memory_space<hbm>>
    %dma_wait3A_619 = tpu.memref_squeeze %dma_wait3A_618 : memref<1x1x4x4096xf32, #tpu.memory_space<hbm>> -> memref<4x4096xf32, #tpu.memory_space<hbm>>
    %dma_wait3A_620 = arith.constant 0 : i32
    %dma_wait3A_621 = arith.constant 0 : i32
    %dma_wait3A_622 = tpu.memref_slice %arg13[%dma_wait3A_611, %dma_wait3A_612, %dma_wait3A_620, %dma_wait3A_621] : memref<2x3x4x4096xf32, #tpu.memory_space<vmem>> -> memref<1x1x4x4096xf32, #tpu.memory_space<vmem>>
    %dma_wait3A_623 = tpu.memref_squeeze %dma_wait3A_622 : memref<1x1x4x4096xf32, #tpu.memory_space<vmem>> -> memref<4x4096xf32, #tpu.memory_space<vmem>>
    %dma_wait3A_624 = arith.constant 0 : i32
    %dma_wait3A_625 = tpu.memref_slice %arg5[%shift_right_arithmetic3A_1, %dma_wait3A_610, %add3A_442, %dma_wait3A_624] : memref<4x3x256x4096xf32, #tpu.memory_space<hbm>> -> memref<1x1x4x4096xf32, #tpu.memory_space<hbm>>
    %dma_wait3A_626 = tpu.memref_squeeze %dma_wait3A_625 : memref<1x1x4x4096xf32, #tpu.memory_space<hbm>> -> memref<4x4096xf32, #tpu.memory_space<hbm>>
    tpu.wait_dma2 semaphore(%arg20 : memref<!tpu.dma_semaphore, #tpu.memory_space<semaphore_mem>>) src(%dma_wait3A_626 : memref<4x4096xf32, #tpu.memory_space<hbm>>) dst(%dma_wait3A_623 : memref<4x4096xf32, #tpu.memory_space<vmem>>)
    %dma_wait3A_627 = arith.constant 1 : i32
    %dma_wait3A_628 = arith.constant 1 : i32
    %dma_wait3A_629 = arith.constant 1 : i32
    %dma_wait3A_630 = arith.constant 0 : i32
    %dma_wait3A_631 = arith.constant 0 : i32
    %dma_wait3A_632 = tpu.memref_slice %arg13[%dma_wait3A_628, %dma_wait3A_629, %dma_wait3A_630, %dma_wait3A_631] : memref<2x3x4x4096xf32, #tpu.memory_space<vmem>> -> memref<1x1x4x4096xf32, #tpu.memory_space<vmem>>
    %dma_wait3A_633 = tpu.memref_squeeze %dma_wait3A_632 : memref<1x1x4x4096xf32, #tpu.memory_space<vmem>> -> memref<4x4096xf32, #tpu.memory_space<vmem>>
    %dma_wait3A_634 = arith.constant 0 : i32
    %dma_wait3A_635 = tpu.memref_slice %arg5[%shift_right_arithmetic3A_1, %dma_wait3A_627, %add3A_442, %dma_wait3A_634] : memref<4x3x256x4096xf32, #tpu.memory_space<hbm>> -> memref<1x1x4x4096xf32, #tpu.memory_space<hbm>>
    %dma_wait3A_636 = tpu.memref_squeeze %dma_wait3A_635 : memref<1x1x4x4096xf32, #tpu.memory_space<hbm>> -> memref<4x4096xf32, #tpu.memory_space<hbm>>
    %dma_wait3A_637 = arith.constant 0 : i32
    %dma_wait3A_638 = arith.constant 0 : i32
    %dma_wait3A_639 = tpu.memref_slice %arg13[%dma_wait3A_628, %dma_wait3A_629, %dma_wait3A_637, %dma_wait3A_638] : memref<2x3x4x4096xf32, #tpu.memory_space<vmem>> -> memref<1x1x4x4096xf32, #tpu.memory_space<vmem>>
    %dma_wait3A_640 = tpu.memref_squeeze %dma_wait3A_639 : memref<1x1x4x4096xf32, #tpu.memory_space<vmem>> -> memref<4x4096xf32, #tpu.memory_space<vmem>>
    %dma_wait3A_641 = arith.constant 0 : i32
    %dma_wait3A_642 = tpu.memref_slice %arg5[%shift_right_arithmetic3A_1, %dma_wait3A_627, %add3A_442, %dma_wait3A_641] : memref<4x3x256x4096xf32, #tpu.memory_space<hbm>> -> memref<1x1x4x4096xf32, #tpu.memory_space<hbm>>
    %dma_wait3A_643 = tpu.memref_squeeze %dma_wait3A_642 : memref<1x1x4x4096xf32, #tpu.memory_space<hbm>> -> memref<4x4096xf32, #tpu.memory_space<hbm>>
    tpu.wait_dma2 semaphore(%arg20 : memref<!tpu.dma_semaphore, #tpu.memory_space<semaphore_mem>>) src(%dma_wait3A_643 : memref<4x4096xf32, #tpu.memory_space<hbm>>) dst(%dma_wait3A_640 : memref<4x4096xf32, #tpu.memory_space<vmem>>)
    %dma_wait3A_644 = arith.constant 2 : i32
    %dma_wait3A_645 = arith.constant 1 : i32
    %dma_wait3A_646 = arith.constant 2 : i32
    %dma_wait3A_647 = arith.constant 0 : i32
    %dma_wait3A_648 = arith.constant 0 : i32
    %dma_wait3A_649 = tpu.memref_slice %arg13[%dma_wait3A_645, %dma_wait3A_646, %dma_wait3A_647, %dma_wait3A_648] : memref<2x3x4x4096xf32, #tpu.memory_space<vmem>> -> memref<1x1x4x4096xf32, #tpu.memory_space<vmem>>
    %dma_wait3A_650 = tpu.memref_squeeze %dma_wait3A_649 : memref<1x1x4x4096xf32, #tpu.memory_space<vmem>> -> memref<4x4096xf32, #tpu.memory_space<vmem>>
    %dma_wait3A_651 = arith.constant 0 : i32
    %dma_wait3A_652 = tpu.memref_slice %arg5[%shift_right_arithmetic3A_1, %dma_wait3A_644, %add3A_442, %dma_wait3A_651] : memref<4x3x256x4096xf32, #tpu.memory_space<hbm>> -> memref<1x1x4x4096xf32, #tpu.memory_space<hbm>>
    %dma_wait3A_653 = tpu.memref_squeeze %dma_wait3A_652 : memref<1x1x4x4096xf32, #tpu.memory_space<hbm>> -> memref<4x4096xf32, #tpu.memory_space<hbm>>
    %dma_wait3A_654 = arith.constant 0 : i32
    %dma_wait3A_655 = arith.constant 0 : i32
    %dma_wait3A_656 = tpu.memref_slice %arg13[%dma_wait3A_645, %dma_wait3A_646, %dma_wait3A_654, %dma_wait3A_655] : memref<2x3x4x4096xf32, #tpu.memory_space<vmem>> -> memref<1x1x4x4096xf32, #tpu.memory_space<vmem>>
    %dma_wait3A_657 = tpu.memref_squeeze %dma_wait3A_656 : memref<1x1x4x4096xf32, #tpu.memory_space<vmem>> -> memref<4x4096xf32, #tpu.memory_space<vmem>>
    %dma_wait3A_658 = arith.constant 0 : i32
    %dma_wait3A_659 = tpu.memref_slice %arg5[%shift_right_arithmetic3A_1, %dma_wait3A_644, %add3A_442, %dma_wait3A_658] : memref<4x3x256x4096xf32, #tpu.memory_space<hbm>> -> memref<1x1x4x4096xf32, #tpu.memory_space<hbm>>
    %dma_wait3A_660 = tpu.memref_squeeze %dma_wait3A_659 : memref<1x1x4x4096xf32, #tpu.memory_space<hbm>> -> memref<4x4096xf32, #tpu.memory_space<hbm>>
    tpu.wait_dma2 semaphore(%arg20 : memref<!tpu.dma_semaphore, #tpu.memory_space<semaphore_mem>>) src(%dma_wait3A_660 : memref<4x4096xf32, #tpu.memory_space<hbm>>) dst(%dma_wait3A_657 : memref<4x4096xf32, #tpu.memory_space<vmem>>)
    %scan3A_661 = arith.constant 0 : i32
    %scan3A_662 = arith.constant 0 : i32
    %scan3A_663 = arith.constant 64 : i32
    %scan3A_664 = arith.addi %scan3A_662, %scan3A_663 : i32
    %scan3A_665 = arith.constant 1 : i32
    scf.for %scan3A_1350 = %scan3A_662 to %scan3A_664 step %scan3A_665  : i32 {
      %mul3A_1351 = arith.constant 16 : i32
      %mul3A_1352 = arith.muli %scan3A_1350, %mul3A_1351 : i32
      %get3A = arith.index_cast %mul3A_1352 : i32 to index
      %get3A_1353 = tpu.vector_load %arg11[%get3A] {strides = array<i32>} : memref<1024xi32, #tpu.memory_space<vmem>>, vector<16xi32>,
      %mul3A_1354 = arith.constant 16 : i32
      %mul3A_1355 = arith.muli %scan3A_1350, %mul3A_1354 : i32
      %get3A_1356 = arith.index_cast %mul3A_1355 : i32 to index
      %get3A_1357 = tpu.vector_load %arg12[%get3A_1356] {strides = array<i32>} : memref<1024xi32, #tpu.memory_space<vmem>>, vector<16xi32>,
      %broadcast_in_dim3A = arith.constant 0 : i32
      %broadcast_in_dim3A_1358 = vector.broadcast %broadcast_in_dim3A : i32 to vector<16xi32>
      %gather3A = arith.constant 1 : i32
      %gather3A_1359 = arith.constant 0 : i32
      %gather3A_1360 = arith.constant 0 : i32
      %gather3A_1361 = arith.constant 0 : i32
      %gather3A_1362 = tpu.memref_slice %arg13[%gather3A, %gather3A_1359, %gather3A_1360, %gather3A_1361] : memref<2x3x4x4096xf32, #tpu.memory_space<vmem>> -> memref<1x3x4x4096xf32, #tpu.memory_space<vmem>>
      %gather3A_1363 = tpu.memref_squeeze %gather3A_1362 : memref<1x3x4x4096xf32, #tpu.memory_space<vmem>> -> memref<3x4x4096xf32, #tpu.memory_space<vmem>>
      %gather3A_1364 = tpu.vector_load_idx %gather3A_1363[%get3A_1357, %broadcast_in_dim3A_1358, %get3A_1353] : memref<3x4x4096xf32, #tpu.memory_space<vmem>>[vector<16xi32>, vector<16xi32>, vector<16xi32>], vector<16xf32>,
      %mul3A_1365 = arith.constant 16 : i32
      %mul3A_1366 = arith.muli %scan3A_1350, %mul3A_1365 : i32
      %swap3A = arith.constant 4 : i32
      %swap3A_1367 = arith.index_cast %swap3A : i32 to index
      %swap3A_1368 = arith.index_cast %mul3A_1366 : i32 to index
      %swap3A_1369 = tpu.vector_load %arg14[%swap3A_1367, %swap3A_1368] {strides = array<i32>} : memref<8x1024xf32, #tpu.memory_space<vmem>>, vector<16xf32>,
      tpu.vector_store %arg14[%swap3A_1367, %swap3A_1368], %gather3A_1364 {strides = array<i32>} : memref<8x1024xf32, #tpu.memory_space<vmem>>, vector<16xf32>,
      %broadcast_in_dim3A_1370 = arith.constant 1 : i32
      %broadcast_in_dim3A_1371 = vector.broadcast %broadcast_in_dim3A_1370 : i32 to vector<16xi32>
      %gather3A_1372 = arith.constant 1 : i32
      %gather3A_1373 = arith.constant 0 : i32
      %gather3A_1374 = arith.constant 0 : i32
      %gather3A_1375 = arith.constant 0 : i32
      %gather3A_1376 = tpu.memref_slice %arg13[%gather3A_1372, %gather3A_1373, %gather3A_1374, %gather3A_1375] : memref<2x3x4x4096xf32, #tpu.memory_space<vmem>> -> memref<1x3x4x4096xf32, #tpu.memory_space<vmem>>
      %gather3A_1377 = tpu.memref_squeeze %gather3A_1376 : memref<1x3x4x4096xf32, #tpu.memory_space<vmem>> -> memref<3x4x4096xf32, #tpu.memory_space<vmem>>
      %gather3A_1378 = tpu.vector_load_idx %gather3A_1377[%get3A_1357, %broadcast_in_dim3A_1371, %get3A_1353] : memref<3x4x4096xf32, #tpu.memory_space<vmem>>[vector<16xi32>, vector<16xi32>, vector<16xi32>], vector<16xf32>,
      %mul3A_1379 = arith.constant 16 : i32
      %mul3A_1380 = arith.muli %scan3A_1350, %mul3A_1379 : i32
      %swap3A_1381 = arith.constant 5 : i32
      %swap3A_1382 = arith.index_cast %swap3A_1381 : i32 to index
      %swap3A_1383 = arith.index_cast %mul3A_1380 : i32 to index
      %swap3A_1384 = tpu.vector_load %arg14[%swap3A_1382, %swap3A_1383] {strides = array<i32>} : memref<8x1024xf32, #tpu.memory_space<vmem>>, vector<16xf32>,
      tpu.vector_store %arg14[%swap3A_1382, %swap3A_1383], %gather3A_1378 {strides = array<i32>} : memref<8x1024xf32, #tpu.memory_space<vmem>>, vector<16xf32>,
      %broadcast_in_dim3A_1385 = arith.constant 2 : i32
      %broadcast_in_dim3A_1386 = vector.broadcast %broadcast_in_dim3A_1385 : i32 to vector<16xi32>
      %gather3A_1387 = arith.constant 1 : i32
      %gather3A_1388 = arith.constant 0 : i32
      %gather3A_1389 = arith.constant 0 : i32
      %gather3A_1390 = arith.constant 0 : i32
      %gather3A_1391 = tpu.memref_slice %arg13[%gather3A_1387, %gather3A_1388, %gather3A_1389, %gather3A_1390] : memref<2x3x4x4096xf32, #tpu.memory_space<vmem>> -> memref<1x3x4x4096xf32, #tpu.memory_space<vmem>>
      %gather3A_1392 = tpu.memref_squeeze %gather3A_1391 : memref<1x3x4x4096xf32, #tpu.memory_space<vmem>> -> memref<3x4x4096xf32, #tpu.memory_space<vmem>>
      %gather3A_1393 = tpu.vector_load_idx %gather3A_1392[%get3A_1357, %broadcast_in_dim3A_1386, %get3A_1353] : memref<3x4x4096xf32, #tpu.memory_space<vmem>>[vector<16xi32>, vector<16xi32>, vector<16xi32>], vector<16xf32>,
      %mul3A_1394 = arith.constant 16 : i32
      %mul3A_1395 = arith.muli %scan3A_1350, %mul3A_1394 : i32
      %swap3A_1396 = arith.constant 6 : i32
      %swap3A_1397 = arith.index_cast %swap3A_1396 : i32 to index
      %swap3A_1398 = arith.index_cast %mul3A_1395 : i32 to index
      %swap3A_1399 = tpu.vector_load %arg14[%swap3A_1397, %swap3A_1398] {strides = array<i32>} : memref<8x1024xf32, #tpu.memory_space<vmem>>, vector<16xf32>,
      tpu.vector_store %arg14[%swap3A_1397, %swap3A_1398], %gather3A_1393 {strides = array<i32>} : memref<8x1024xf32, #tpu.memory_space<vmem>>, vector<16xf32>,
      %broadcast_in_dim3A_1400 = arith.constant 3 : i32
      %broadcast_in_dim3A_1401 = vector.broadcast %broadcast_in_dim3A_1400 : i32 to vector<16xi32>
      %gather3A_1402 = arith.constant 1 : i32
      %gather3A_1403 = arith.constant 0 : i32
      %gather3A_1404 = arith.constant 0 : i32
      %gather3A_1405 = arith.constant 0 : i32
      %gather3A_1406 = tpu.memref_slice %arg13[%gather3A_1402, %gather3A_1403, %gather3A_1404, %gather3A_1405] : memref<2x3x4x4096xf32, #tpu.memory_space<vmem>> -> memref<1x3x4x4096xf32, #tpu.memory_space<vmem>>
      %gather3A_1407 = tpu.memref_squeeze %gather3A_1406 : memref<1x3x4x4096xf32, #tpu.memory_space<vmem>> -> memref<3x4x4096xf32, #tpu.memory_space<vmem>>
      %gather3A_1408 = tpu.vector_load_idx %gather3A_1407[%get3A_1357, %broadcast_in_dim3A_1401, %get3A_1353] : memref<3x4x4096xf32, #tpu.memory_space<vmem>>[vector<16xi32>, vector<16xi32>, vector<16xi32>], vector<16xf32>,
      %mul3A_1409 = arith.constant 16 : i32
      %mul3A_1410 = arith.muli %scan3A_1350, %mul3A_1409 : i32
      %swap3A_1411 = arith.constant 7 : i32
      %swap3A_1412 = arith.index_cast %swap3A_1411 : i32 to index
      %swap3A_1413 = arith.index_cast %mul3A_1410 : i32 to index
      %swap3A_1414 = tpu.vector_load %arg14[%swap3A_1412, %swap3A_1413] {strides = array<i32>} : memref<8x1024xf32, #tpu.memory_space<vmem>>, vector<16xf32>,
      tpu.vector_store %arg14[%swap3A_1412, %swap3A_1413], %gather3A_1408 {strides = array<i32>} : memref<8x1024xf32, #tpu.memory_space<vmem>>, vector<16xf32>,
    }
    %scan3A_666 = arith.constant 64 : i32
    %add3A_667 = arith.constant 0 : i32
    %add3A_668 = arith.addi %mul3A_11, %add3A_667 : i32
    %add3A_669 = arith.constant 256 : i32
    %add3A_670 = arith.addi %add3A_668, %add3A_669 : i32
    %dma_start3A_671 = arith.constant 0 : i32
    %dma_start3A_672 = tpu.memref_slice %arg8[%shift_right_arithmetic3A_1, %add3A_670, %dma_start3A_671] : memref<4x520x1024xf32, #tpu.memory_space<hbm>> -> memref<1x8x1024xf32, #tpu.memory_space<hbm>>
    %dma_start3A_673 = tpu.memref_squeeze %dma_start3A_672 : memref<1x8x1024xf32, #tpu.memory_space<hbm>> -> memref<8x1024xf32, #tpu.memory_space<hbm>>
    %dma_start3A_674 = arith.constant 0 : i32
    %dma_start3A_675 = tpu.memref_slice %arg8[%shift_right_arithmetic3A_1, %add3A_670, %dma_start3A_674] : memref<4x520x1024xf32, #tpu.memory_space<hbm>> -> memref<1x8x1024xf32, #tpu.memory_space<hbm>>
    %dma_start3A_676 = tpu.memref_squeeze %dma_start3A_675 : memref<1x8x1024xf32, #tpu.memory_space<hbm>> -> memref<8x1024xf32, #tpu.memory_space<hbm>>
    tpu.enqueue_dma source(%arg14 : memref<8x1024xf32, #tpu.memory_space<vmem>>) target(%dma_start3A_676 : memref<8x1024xf32, #tpu.memory_space<hbm>>) target_semaphore(%arg21 : memref<!tpu.dma_semaphore, #tpu.memory_space<semaphore_mem>>)
    %add3A_677 = arith.constant 12 : i32
    %add3A_678 = arith.addi %mul3A_11, %add3A_677 : i32
    %dma_start3A_679 = arith.constant 0 : i32
    %dma_start3A_680 = arith.constant 1 : i32
    %dma_start3A_681 = arith.constant 0 : i32
    %dma_start3A_682 = arith.constant 0 : i32
    %dma_start3A_683 = arith.constant 0 : i32
    %dma_start3A_684 = tpu.memref_slice %arg13[%dma_start3A_680, %dma_start3A_681, %dma_start3A_682, %dma_start3A_683] : memref<2x3x4x4096xf32, #tpu.memory_space<vmem>> -> memref<1x1x4x4096xf32, #tpu.memory_space<vmem>>
    %dma_start3A_685 = tpu.memref_squeeze %dma_start3A_684 : memref<1x1x4x4096xf32, #tpu.memory_space<vmem>> -> memref<4x4096xf32, #tpu.memory_space<vmem>>
    %dma_start3A_686 = arith.constant 0 : i32
    %dma_start3A_687 = tpu.memref_slice %arg5[%shift_right_arithmetic3A_1, %dma_start3A_679, %add3A_678, %dma_start3A_686] : memref<4x3x256x4096xf32, #tpu.memory_space<hbm>> -> memref<1x1x4x4096xf32, #tpu.memory_space<hbm>>
    %dma_start3A_688 = tpu.memref_squeeze %dma_start3A_687 : memref<1x1x4x4096xf32, #tpu.memory_space<hbm>> -> memref<4x4096xf32, #tpu.memory_space<hbm>>
    %dma_start3A_689 = arith.constant 0 : i32
    %dma_start3A_690 = arith.constant 0 : i32
    %dma_start3A_691 = tpu.memref_slice %arg13[%dma_start3A_680, %dma_start3A_681, %dma_start3A_689, %dma_start3A_690] : memref<2x3x4x4096xf32, #tpu.memory_space<vmem>> -> memref<1x1x4x4096xf32, #tpu.memory_space<vmem>>
    %dma_start3A_692 = tpu.memref_squeeze %dma_start3A_691 : memref<1x1x4x4096xf32, #tpu.memory_space<vmem>> -> memref<4x4096xf32, #tpu.memory_space<vmem>>
    %dma_start3A_693 = arith.constant 0 : i32
    %dma_start3A_694 = tpu.memref_slice %arg5[%shift_right_arithmetic3A_1, %dma_start3A_679, %add3A_678, %dma_start3A_693] : memref<4x3x256x4096xf32, #tpu.memory_space<hbm>> -> memref<1x1x4x4096xf32, #tpu.memory_space<hbm>>
    %dma_start3A_695 = tpu.memref_squeeze %dma_start3A_694 : memref<1x1x4x4096xf32, #tpu.memory_space<hbm>> -> memref<4x4096xf32, #tpu.memory_space<hbm>>
    tpu.enqueue_dma source(%dma_start3A_695 : memref<4x4096xf32, #tpu.memory_space<hbm>>) target(%dma_start3A_692 : memref<4x4096xf32, #tpu.memory_space<vmem>>) target_semaphore(%arg20 : memref<!tpu.dma_semaphore, #tpu.memory_space<semaphore_mem>>)
    %dma_start3A_696 = arith.constant 1 : i32
    %dma_start3A_697 = arith.constant 1 : i32
    %dma_start3A_698 = arith.constant 1 : i32
    %dma_start3A_699 = arith.constant 0 : i32
    %dma_start3A_700 = arith.constant 0 : i32
    %dma_start3A_701 = tpu.memref_slice %arg13[%dma_start3A_697, %dma_start3A_698, %dma_start3A_699, %dma_start3A_700] : memref<2x3x4x4096xf32, #tpu.memory_space<vmem>> -> memref<1x1x4x4096xf32, #tpu.memory_space<vmem>>
    %dma_start3A_702 = tpu.memref_squeeze %dma_start3A_701 : memref<1x1x4x4096xf32, #tpu.memory_space<vmem>> -> memref<4x4096xf32, #tpu.memory_space<vmem>>
    %dma_start3A_703 = arith.constant 0 : i32
    %dma_start3A_704 = tpu.memref_slice %arg5[%shift_right_arithmetic3A_1, %dma_start3A_696, %add3A_678, %dma_start3A_703] : memref<4x3x256x4096xf32, #tpu.memory_space<hbm>> -> memref<1x1x4x4096xf32, #tpu.memory_space<hbm>>
    %dma_start3A_705 = tpu.memref_squeeze %dma_start3A_704 : memref<1x1x4x4096xf32, #tpu.memory_space<hbm>> -> memref<4x4096xf32, #tpu.memory_space<hbm>>
    %dma_start3A_706 = arith.constant 0 : i32
    %dma_start3A_707 = arith.constant 0 : i32
    %dma_start3A_708 = tpu.memref_slice %arg13[%dma_start3A_697, %dma_start3A_698, %dma_start3A_706, %dma_start3A_707] : memref<2x3x4x4096xf32, #tpu.memory_space<vmem>> -> memref<1x1x4x4096xf32, #tpu.memory_space<vmem>>
    %dma_start3A_709 = tpu.memref_squeeze %dma_start3A_708 : memref<1x1x4x4096xf32, #tpu.memory_space<vmem>> -> memref<4x4096xf32, #tpu.memory_space<vmem>>
    %dma_start3A_710 = arith.constant 0 : i32
    %dma_start3A_711 = tpu.memref_slice %arg5[%shift_right_arithmetic3A_1, %dma_start3A_696, %add3A_678, %dma_start3A_710] : memref<4x3x256x4096xf32, #tpu.memory_space<hbm>> -> memref<1x1x4x4096xf32, #tpu.memory_space<hbm>>
    %dma_start3A_712 = tpu.memref_squeeze %dma_start3A_711 : memref<1x1x4x4096xf32, #tpu.memory_space<hbm>> -> memref<4x4096xf32, #tpu.memory_space<hbm>>
    tpu.enqueue_dma source(%dma_start3A_712 : memref<4x4096xf32, #tpu.memory_space<hbm>>) target(%dma_start3A_709 : memref<4x4096xf32, #tpu.memory_space<vmem>>) target_semaphore(%arg20 : memref<!tpu.dma_semaphore, #tpu.memory_space<semaphore_mem>>)
    %dma_start3A_713 = arith.constant 2 : i32
    %dma_start3A_714 = arith.constant 1 : i32
    %dma_start3A_715 = arith.constant 2 : i32
    %dma_start3A_716 = arith.constant 0 : i32
    %dma_start3A_717 = arith.constant 0 : i32
    %dma_start3A_718 = tpu.memref_slice %arg13[%dma_start3A_714, %dma_start3A_715, %dma_start3A_716, %dma_start3A_717] : memref<2x3x4x4096xf32, #tpu.memory_space<vmem>> -> memref<1x1x4x4096xf32, #tpu.memory_space<vmem>>
    %dma_start3A_719 = tpu.memref_squeeze %dma_start3A_718 : memref<1x1x4x4096xf32, #tpu.memory_space<vmem>> -> memref<4x4096xf32, #tpu.memory_space<vmem>>
    %dma_start3A_720 = arith.constant 0 : i32
    %dma_start3A_721 = tpu.memref_slice %arg5[%shift_right_arithmetic3A_1, %dma_start3A_713, %add3A_678, %dma_start3A_720] : memref<4x3x256x4096xf32, #tpu.memory_space<hbm>> -> memref<1x1x4x4096xf32, #tpu.memory_space<hbm>>
    %dma_start3A_722 = tpu.memref_squeeze %dma_start3A_721 : memref<1x1x4x4096xf32, #tpu.memory_space<hbm>> -> memref<4x4096xf32, #tpu.memory_space<hbm>>
    %dma_start3A_723 = arith.constant 0 : i32
    %dma_start3A_724 = arith.constant 0 : i32
    %dma_start3A_725 = tpu.memref_slice %arg13[%dma_start3A_714, %dma_start3A_715, %dma_start3A_723, %dma_start3A_724] : memref<2x3x4x4096xf32, #tpu.memory_space<vmem>> -> memref<1x1x4x4096xf32, #tpu.memory_space<vmem>>
    %dma_start3A_726 = tpu.memref_squeeze %dma_start3A_725 : memref<1x1x4x4096xf32, #tpu.memory_space<vmem>> -> memref<4x4096xf32, #tpu.memory_space<vmem>>
    %dma_start3A_727 = arith.constant 0 : i32
    %dma_start3A_728 = tpu.memref_slice %arg5[%shift_right_arithmetic3A_1, %dma_start3A_713, %add3A_678, %dma_start3A_727] : memref<4x3x256x4096xf32, #tpu.memory_space<hbm>> -> memref<1x1x4x4096xf32, #tpu.memory_space<hbm>>
    %dma_start3A_729 = tpu.memref_squeeze %dma_start3A_728 : memref<1x1x4x4096xf32, #tpu.memory_space<hbm>> -> memref<4x4096xf32, #tpu.memory_space<hbm>>
    tpu.enqueue_dma source(%dma_start3A_729 : memref<4x4096xf32, #tpu.memory_space<hbm>>) target(%dma_start3A_726 : memref<4x4096xf32, #tpu.memory_space<vmem>>) target_semaphore(%arg20 : memref<!tpu.dma_semaphore, #tpu.memory_space<semaphore_mem>>)
    %dma_wait3A_730 = arith.constant 0 : i32
    %dma_wait3A_731 = arith.constant 0 : i32
    %dma_wait3A_732 = arith.constant 0 : i32
    %dma_wait3A_733 = arith.constant 0 : i32
    %dma_wait3A_734 = arith.constant 0 : i32
    %dma_wait3A_735 = tpu.memref_slice %arg13[%dma_wait3A_731, %dma_wait3A_732, %dma_wait3A_733, %dma_wait3A_734] : memref<2x3x4x4096xf32, #tpu.memory_space<vmem>> -> memref<1x1x4x4096xf32, #tpu.memory_space<vmem>>
    %dma_wait3A_736 = tpu.memref_squeeze %dma_wait3A_735 : memref<1x1x4x4096xf32, #tpu.memory_space<vmem>> -> memref<4x4096xf32, #tpu.memory_space<vmem>>
    %dma_wait3A_737 = arith.constant 0 : i32
    %dma_wait3A_738 = tpu.memref_slice %arg5[%shift_right_arithmetic3A_1, %dma_wait3A_730, %add3A_558, %dma_wait3A_737] : memref<4x3x256x4096xf32, #tpu.memory_space<hbm>> -> memref<1x1x4x4096xf32, #tpu.memory_space<hbm>>
    %dma_wait3A_739 = tpu.memref_squeeze %dma_wait3A_738 : memref<1x1x4x4096xf32, #tpu.memory_space<hbm>> -> memref<4x4096xf32, #tpu.memory_space<hbm>>
    %dma_wait3A_740 = arith.constant 0 : i32
    %dma_wait3A_741 = arith.constant 0 : i32
    %dma_wait3A_742 = tpu.memref_slice %arg13[%dma_wait3A_731, %dma_wait3A_732, %dma_wait3A_740, %dma_wait3A_741] : memref<2x3x4x4096xf32, #tpu.memory_space<vmem>> -> memref<1x1x4x4096xf32, #tpu.memory_space<vmem>>
    %dma_wait3A_743 = tpu.memref_squeeze %dma_wait3A_742 : memref<1x1x4x4096xf32, #tpu.memory_space<vmem>> -> memref<4x4096xf32, #tpu.memory_space<vmem>>
    %dma_wait3A_744 = arith.constant 0 : i32
    %dma_wait3A_745 = tpu.memref_slice %arg5[%shift_right_arithmetic3A_1, %dma_wait3A_730, %add3A_558, %dma_wait3A_744] : memref<4x3x256x4096xf32, #tpu.memory_space<hbm>> -> memref<1x1x4x4096xf32, #tpu.memory_space<hbm>>
    %dma_wait3A_746 = tpu.memref_squeeze %dma_wait3A_745 : memref<1x1x4x4096xf32, #tpu.memory_space<hbm>> -> memref<4x4096xf32, #tpu.memory_space<hbm>>
    tpu.wait_dma2 semaphore(%arg19 : memref<!tpu.dma_semaphore, #tpu.memory_space<semaphore_mem>>) src(%dma_wait3A_746 : memref<4x4096xf32, #tpu.memory_space<hbm>>) dst(%dma_wait3A_743 : memref<4x4096xf32, #tpu.memory_space<vmem>>)
    %dma_wait3A_747 = arith.constant 1 : i32
    %dma_wait3A_748 = arith.constant 0 : i32
    %dma_wait3A_749 = arith.constant 1 : i32
    %dma_wait3A_750 = arith.constant 0 : i32
    %dma_wait3A_751 = arith.constant 0 : i32
    %dma_wait3A_752 = tpu.memref_slice %arg13[%dma_wait3A_748, %dma_wait3A_749, %dma_wait3A_750, %dma_wait3A_751] : memref<2x3x4x4096xf32, #tpu.memory_space<vmem>> -> memref<1x1x4x4096xf32, #tpu.memory_space<vmem>>
    %dma_wait3A_753 = tpu.memref_squeeze %dma_wait3A_752 : memref<1x1x4x4096xf32, #tpu.memory_space<vmem>> -> memref<4x4096xf32, #tpu.memory_space<vmem>>
    %dma_wait3A_754 = arith.constant 0 : i32
    %dma_wait3A_755 = tpu.memref_slice %arg5[%shift_right_arithmetic3A_1, %dma_wait3A_747, %add3A_558, %dma_wait3A_754] : memref<4x3x256x4096xf32, #tpu.memory_space<hbm>> -> memref<1x1x4x4096xf32, #tpu.memory_space<hbm>>
    %dma_wait3A_756 = tpu.memref_squeeze %dma_wait3A_755 : memref<1x1x4x4096xf32, #tpu.memory_space<hbm>> -> memref<4x4096xf32, #tpu.memory_space<hbm>>
    %dma_wait3A_757 = arith.constant 0 : i32
    %dma_wait3A_758 = arith.constant 0 : i32
    %dma_wait3A_759 = tpu.memref_slice %arg13[%dma_wait3A_748, %dma_wait3A_749, %dma_wait3A_757, %dma_wait3A_758] : memref<2x3x4x4096xf32, #tpu.memory_space<vmem>> -> memref<1x1x4x4096xf32, #tpu.memory_space<vmem>>
    %dma_wait3A_760 = tpu.memref_squeeze %dma_wait3A_759 : memref<1x1x4x4096xf32, #tpu.memory_space<vmem>> -> memref<4x4096xf32, #tpu.memory_space<vmem>>
    %dma_wait3A_761 = arith.constant 0 : i32
    %dma_wait3A_762 = tpu.memref_slice %arg5[%shift_right_arithmetic3A_1, %dma_wait3A_747, %add3A_558, %dma_wait3A_761] : memref<4x3x256x4096xf32, #tpu.memory_space<hbm>> -> memref<1x1x4x4096xf32, #tpu.memory_space<hbm>>
    %dma_wait3A_763 = tpu.memref_squeeze %dma_wait3A_762 : memref<1x1x4x4096xf32, #tpu.memory_space<hbm>> -> memref<4x4096xf32, #tpu.memory_space<hbm>>
    tpu.wait_dma2 semaphore(%arg19 : memref<!tpu.dma_semaphore, #tpu.memory_space<semaphore_mem>>) src(%dma_wait3A_763 : memref<4x4096xf32, #tpu.memory_space<hbm>>) dst(%dma_wait3A_760 : memref<4x4096xf32, #tpu.memory_space<vmem>>)
    %dma_wait3A_764 = arith.constant 2 : i32
    %dma_wait3A_765 = arith.constant 0 : i32
    %dma_wait3A_766 = arith.constant 2 : i32
    %dma_wait3A_767 = arith.constant 0 : i32
    %dma_wait3A_768 = arith.constant 0 : i32
    %dma_wait3A_769 = tpu.memref_slice %arg13[%dma_wait3A_765, %dma_wait3A_766, %dma_wait3A_767, %dma_wait3A_768] : memref<2x3x4x4096xf32, #tpu.memory_space<vmem>> -> memref<1x1x4x4096xf32, #tpu.memory_space<vmem>>
    %dma_wait3A_770 = tpu.memref_squeeze %dma_wait3A_769 : memref<1x1x4x4096xf32, #tpu.memory_space<vmem>> -> memref<4x4096xf32, #tpu.memory_space<vmem>>
    %dma_wait3A_771 = arith.constant 0 : i32
    %dma_wait3A_772 = tpu.memref_slice %arg5[%shift_right_arithmetic3A_1, %dma_wait3A_764, %add3A_558, %dma_wait3A_771] : memref<4x3x256x4096xf32, #tpu.memory_space<hbm>> -> memref<1x1x4x4096xf32, #tpu.memory_space<hbm>>
    %dma_wait3A_773 = tpu.memref_squeeze %dma_wait3A_772 : memref<1x1x4x4096xf32, #tpu.memory_space<hbm>> -> memref<4x4096xf32, #tpu.memory_space<hbm>>
    %dma_wait3A_774 = arith.constant 0 : i32
    %dma_wait3A_775 = arith.constant 0 : i32
    %dma_wait3A_776 = tpu.memref_slice %arg13[%dma_wait3A_765, %dma_wait3A_766, %dma_wait3A_774, %dma_wait3A_775] : memref<2x3x4x4096xf32, #tpu.memory_space<vmem>> -> memref<1x1x4x4096xf32, #tpu.memory_space<vmem>>
    %dma_wait3A_777 = tpu.memref_squeeze %dma_wait3A_776 : memref<1x1x4x4096xf32, #tpu.memory_space<vmem>> -> memref<4x4096xf32, #tpu.memory_space<vmem>>
    %dma_wait3A_778 = arith.constant 0 : i32
    %dma_wait3A_779 = tpu.memref_slice %arg5[%shift_right_arithmetic3A_1, %dma_wait3A_764, %add3A_558, %dma_wait3A_778] : memref<4x3x256x4096xf32, #tpu.memory_space<hbm>> -> memref<1x1x4x4096xf32, #tpu.memory_space<hbm>>
    %dma_wait3A_780 = tpu.memref_squeeze %dma_wait3A_779 : memref<1x1x4x4096xf32, #tpu.memory_space<hbm>> -> memref<4x4096xf32, #tpu.memory_space<hbm>>
    tpu.wait_dma2 semaphore(%arg19 : memref<!tpu.dma_semaphore, #tpu.memory_space<semaphore_mem>>) src(%dma_wait3A_780 : memref<4x4096xf32, #tpu.memory_space<hbm>>) dst(%dma_wait3A_777 : memref<4x4096xf32, #tpu.memory_space<vmem>>)
    %dma_wait3A_781 = arith.constant 0 : i32
    %dma_wait3A_782 = tpu.memref_slice %arg8[%shift_right_arithmetic3A_1, %add3A_670, %dma_wait3A_781] : memref<4x520x1024xf32, #tpu.memory_space<hbm>> -> memref<1x8x1024xf32, #tpu.memory_space<hbm>>
    %dma_wait3A_783 = tpu.memref_squeeze %dma_wait3A_782 : memref<1x8x1024xf32, #tpu.memory_space<hbm>> -> memref<8x1024xf32, #tpu.memory_space<hbm>>
    %dma_wait3A_784 = arith.constant 0 : i32
    %dma_wait3A_785 = tpu.memref_slice %arg8[%shift_right_arithmetic3A_1, %add3A_670, %dma_wait3A_784] : memref<4x520x1024xf32, #tpu.memory_space<hbm>> -> memref<1x8x1024xf32, #tpu.memory_space<hbm>>
    %dma_wait3A_786 = tpu.memref_squeeze %dma_wait3A_785 : memref<1x8x1024xf32, #tpu.memory_space<hbm>> -> memref<8x1024xf32, #tpu.memory_space<hbm>>
    tpu.wait_dma2 semaphore(%arg21 : memref<!tpu.dma_semaphore, #tpu.memory_space<semaphore_mem>>) src(%arg14 : memref<8x1024xf32, #tpu.memory_space<vmem>>) dst(%dma_wait3A_786 : memref<8x1024xf32, #tpu.memory_space<hbm>>)
    %scan3A_787 = arith.constant 0 : i32
    %scan3A_788 = arith.constant 0 : i32
    %scan3A_789 = arith.constant 64 : i32
    %scan3A_790 = arith.addi %scan3A_788, %scan3A_789 : i32
    %scan3A_791 = arith.constant 1 : i32
    scf.for %scan3A_1350 = %scan3A_788 to %scan3A_790 step %scan3A_791  : i32 {
      %mul3A_1351 = arith.constant 16 : i32
      %mul3A_1352 = arith.muli %scan3A_1350, %mul3A_1351 : i32
      %get3A = arith.index_cast %mul3A_1352 : i32 to index
      %get3A_1353 = tpu.vector_load %arg11[%get3A] {strides = array<i32>} : memref<1024xi32, #tpu.memory_space<vmem>>, vector<16xi32>,
      %mul3A_1354 = arith.constant 16 : i32
      %mul3A_1355 = arith.muli %scan3A_1350, %mul3A_1354 : i32
      %get3A_1356 = arith.index_cast %mul3A_1355 : i32 to index
      %get3A_1357 = tpu.vector_load %arg12[%get3A_1356] {strides = array<i32>} : memref<1024xi32, #tpu.memory_space<vmem>>, vector<16xi32>,
      %broadcast_in_dim3A = arith.constant 0 : i32
      %broadcast_in_dim3A_1358 = vector.broadcast %broadcast_in_dim3A : i32 to vector<16xi32>
      %gather3A = arith.constant 0 : i32
      %gather3A_1359 = arith.constant 0 : i32
      %gather3A_1360 = arith.constant 0 : i32
      %gather3A_1361 = arith.constant 0 : i32
      %gather3A_1362 = tpu.memref_slice %arg13[%gather3A, %gather3A_1359, %gather3A_1360, %gather3A_1361] : memref<2x3x4x4096xf32, #tpu.memory_space<vmem>> -> memref<1x3x4x4096xf32, #tpu.memory_space<vmem>>
      %gather3A_1363 = tpu.memref_squeeze %gather3A_1362 : memref<1x3x4x4096xf32, #tpu.memory_space<vmem>> -> memref<3x4x4096xf32, #tpu.memory_space<vmem>>
      %gather3A_1364 = tpu.vector_load_idx %gather3A_1363[%get3A_1357, %broadcast_in_dim3A_1358, %get3A_1353] : memref<3x4x4096xf32, #tpu.memory_space<vmem>>[vector<16xi32>, vector<16xi32>, vector<16xi32>], vector<16xf32>,
      %mul3A_1365 = arith.constant 16 : i32
      %mul3A_1366 = arith.muli %scan3A_1350, %mul3A_1365 : i32
      %swap3A = arith.constant 0 : i32
      %swap3A_1367 = arith.index_cast %swap3A : i32 to index
      %swap3A_1368 = arith.index_cast %mul3A_1366 : i32 to index
      %swap3A_1369 = tpu.vector_load %arg14[%swap3A_1367, %swap3A_1368] {strides = array<i32>} : memref<8x1024xf32, #tpu.memory_space<vmem>>, vector<16xf32>,
      tpu.vector_store %arg14[%swap3A_1367, %swap3A_1368], %gather3A_1364 {strides = array<i32>} : memref<8x1024xf32, #tpu.memory_space<vmem>>, vector<16xf32>,
      %broadcast_in_dim3A_1370 = arith.constant 1 : i32
      %broadcast_in_dim3A_1371 = vector.broadcast %broadcast_in_dim3A_1370 : i32 to vector<16xi32>
      %gather3A_1372 = arith.constant 0 : i32
      %gather3A_1373 = arith.constant 0 : i32
      %gather3A_1374 = arith.constant 0 : i32
      %gather3A_1375 = arith.constant 0 : i32
      %gather3A_1376 = tpu.memref_slice %arg13[%gather3A_1372, %gather3A_1373, %gather3A_1374, %gather3A_1375] : memref<2x3x4x4096xf32, #tpu.memory_space<vmem>> -> memref<1x3x4x4096xf32, #tpu.memory_space<vmem>>
      %gather3A_1377 = tpu.memref_squeeze %gather3A_1376 : memref<1x3x4x4096xf32, #tpu.memory_space<vmem>> -> memref<3x4x4096xf32, #tpu.memory_space<vmem>>
      %gather3A_1378 = tpu.vector_load_idx %gather3A_1377[%get3A_1357, %broadcast_in_dim3A_1371, %get3A_1353] : memref<3x4x4096xf32, #tpu.memory_space<vmem>>[vector<16xi32>, vector<16xi32>, vector<16xi32>], vector<16xf32>,
      %mul3A_1379 = arith.constant 16 : i32
      %mul3A_1380 = arith.muli %scan3A_1350, %mul3A_1379 : i32
      %swap3A_1381 = arith.constant 1 : i32
      %swap3A_1382 = arith.index_cast %swap3A_1381 : i32 to index
      %swap3A_1383 = arith.index_cast %mul3A_1380 : i32 to index
      %swap3A_1384 = tpu.vector_load %arg14[%swap3A_1382, %swap3A_1383] {strides = array<i32>} : memref<8x1024xf32, #tpu.memory_space<vmem>>, vector<16xf32>,
      tpu.vector_store %arg14[%swap3A_1382, %swap3A_1383], %gather3A_1378 {strides = array<i32>} : memref<8x1024xf32, #tpu.memory_space<vmem>>, vector<16xf32>,
      %broadcast_in_dim3A_1385 = arith.constant 2 : i32
      %broadcast_in_dim3A_1386 = vector.broadcast %broadcast_in_dim3A_1385 : i32 to vector<16xi32>
      %gather3A_1387 = arith.constant 0 : i32
      %gather3A_1388 = arith.constant 0 : i32
      %gather3A_1389 = arith.constant 0 : i32
      %gather3A_1390 = arith.constant 0 : i32
      %gather3A_1391 = tpu.memref_slice %arg13[%gather3A_1387, %gather3A_1388, %gather3A_1389, %gather3A_1390] : memref<2x3x4x4096xf32, #tpu.memory_space<vmem>> -> memref<1x3x4x4096xf32, #tpu.memory_space<vmem>>
      %gather3A_1392 = tpu.memref_squeeze %gather3A_1391 : memref<1x3x4x4096xf32, #tpu.memory_space<vmem>> -> memref<3x4x4096xf32, #tpu.memory_space<vmem>>
      %gather3A_1393 = tpu.vector_load_idx %gather3A_1392[%get3A_1357, %broadcast_in_dim3A_1386, %get3A_1353] : memref<3x4x4096xf32, #tpu.memory_space<vmem>>[vector<16xi32>, vector<16xi32>, vector<16xi32>], vector<16xf32>,
      %mul3A_1394 = arith.constant 16 : i32
      %mul3A_1395 = arith.muli %scan3A_1350, %mul3A_1394 : i32
      %swap3A_1396 = arith.constant 2 : i32
      %swap3A_1397 = arith.index_cast %swap3A_1396 : i32 to index
      %swap3A_1398 = arith.index_cast %mul3A_1395 : i32 to index
      %swap3A_1399 = tpu.vector_load %arg14[%swap3A_1397, %swap3A_1398] {strides = array<i32>} : memref<8x1024xf32, #tpu.memory_space<vmem>>, vector<16xf32>,
      tpu.vector_store %arg14[%swap3A_1397, %swap3A_1398], %gather3A_1393 {strides = array<i32>} : memref<8x1024xf32, #tpu.memory_space<vmem>>, vector<16xf32>,
      %broadcast_in_dim3A_1400 = arith.constant 3 : i32
      %broadcast_in_dim3A_1401 = vector.broadcast %broadcast_in_dim3A_1400 : i32 to vector<16xi32>
      %gather3A_1402 = arith.constant 0 : i32
      %gather3A_1403 = arith.constant 0 : i32
      %gather3A_1404 = arith.constant 0 : i32
      %gather3A_1405 = arith.constant 0 : i32
      %gather3A_1406 = tpu.memref_slice %arg13[%gather3A_1402, %gather3A_1403, %gather3A_1404, %gather3A_1405] : memref<2x3x4x4096xf32, #tpu.memory_space<vmem>> -> memref<1x3x4x4096xf32, #tpu.memory_space<vmem>>
      %gather3A_1407 = tpu.memref_squeeze %gather3A_1406 : memref<1x3x4x4096xf32, #tpu.memory_space<vmem>> -> memref<3x4x4096xf32, #tpu.memory_space<vmem>>
      %gather3A_1408 = tpu.vector_load_idx %gather3A_1407[%get3A_1357, %broadcast_in_dim3A_1401, %get3A_1353] : memref<3x4x4096xf32, #tpu.memory_space<vmem>>[vector<16xi32>, vector<16xi32>, vector<16xi32>], vector<16xf32>,
      %mul3A_1409 = arith.constant 16 : i32
      %mul3A_1410 = arith.muli %scan3A_1350, %mul3A_1409 : i32
      %swap3A_1411 = arith.constant 3 : i32
      %swap3A_1412 = arith.index_cast %swap3A_1411 : i32 to index
      %swap3A_1413 = arith.index_cast %mul3A_1410 : i32 to index
      %swap3A_1414 = tpu.vector_load %arg14[%swap3A_1412, %swap3A_1413] {strides = array<i32>} : memref<8x1024xf32, #tpu.memory_space<vmem>>, vector<16xf32>,
      tpu.vector_store %arg14[%swap3A_1412, %swap3A_1413], %gather3A_1408 {strides = array<i32>} : memref<8x1024xf32, #tpu.memory_space<vmem>>, vector<16xf32>,
    }
    %scan3A_792 = arith.constant 64 : i32
    %add3A_793 = arith.constant 16 : i32
    %add3A_794 = arith.addi %mul3A_11, %add3A_793 : i32
    %dma_start3A_795 = arith.constant 0 : i32
    %dma_start3A_796 = arith.constant 0 : i32
    %dma_start3A_797 = arith.constant 0 : i32
    %dma_start3A_798 = arith.constant 0 : i32
    %dma_start3A_799 = arith.constant 0 : i32
    %dma_start3A_800 = tpu.memref_slice %arg13[%dma_start3A_796, %dma_start3A_797, %dma_start3A_798, %dma_start3A_799] : memref<2x3x4x4096xf32, #tpu.memory_space<vmem>> -> memref<1x1x4x4096xf32, #tpu.memory_space<vmem>>
    %dma_start3A_801 = tpu.memref_squeeze %dma_start3A_800 : memref<1x1x4x4096xf32, #tpu.memory_space<vmem>> -> memref<4x4096xf32, #tpu.memory_space<vmem>>
    %dma_start3A_802 = arith.constant 0 : i32
    %dma_start3A_803 = tpu.memref_slice %arg5[%shift_right_arithmetic3A_1, %dma_start3A_795, %add3A_794, %dma_start3A_802] : memref<4x3x256x4096xf32, #tpu.memory_space<hbm>> -> memref<1x1x4x4096xf32, #tpu.memory_space<hbm>>
    %dma_start3A_804 = tpu.memref_squeeze %dma_start3A_803 : memref<1x1x4x4096xf32, #tpu.memory_space<hbm>> -> memref<4x4096xf32, #tpu.memory_space<hbm>>
    %dma_start3A_805 = arith.constant 0 : i32
    %dma_start3A_806 = arith.constant 0 : i32
    %dma_start3A_807 = tpu.memref_slice %arg13[%dma_start3A_796, %dma_start3A_797, %dma_start3A_805, %dma_start3A_806] : memref<2x3x4x4096xf32, #tpu.memory_space<vmem>> -> memref<1x1x4x4096xf32, #tpu.memory_space<vmem>>
    %dma_start3A_808 = tpu.memref_squeeze %dma_start3A_807 : memref<1x1x4x4096xf32, #tpu.memory_space<vmem>> -> memref<4x4096xf32, #tpu.memory_space<vmem>>
    %dma_start3A_809 = arith.constant 0 : i32
    %dma_start3A_810 = tpu.memref_slice %arg5[%shift_right_arithmetic3A_1, %dma_start3A_795, %add3A_794, %dma_start3A_809] : memref<4x3x256x4096xf32, #tpu.memory_space<hbm>> -> memref<1x1x4x4096xf32, #tpu.memory_space<hbm>>
    %dma_start3A_811 = tpu.memref_squeeze %dma_start3A_810 : memref<1x1x4x4096xf32, #tpu.memory_space<hbm>> -> memref<4x4096xf32, #tpu.memory_space<hbm>>
    tpu.enqueue_dma source(%dma_start3A_811 : memref<4x4096xf32, #tpu.memory_space<hbm>>) target(%dma_start3A_808 : memref<4x4096xf32, #tpu.memory_space<vmem>>) target_semaphore(%arg19 : memref<!tpu.dma_semaphore, #tpu.memory_space<semaphore_mem>>)
    %dma_start3A_812 = arith.constant 1 : i32
    %dma_start3A_813 = arith.constant 0 : i32
    %dma_start3A_814 = arith.constant 1 : i32
    %dma_start3A_815 = arith.constant 0 : i32
    %dma_start3A_816 = arith.constant 0 : i32
    %dma_start3A_817 = tpu.memref_slice %arg13[%dma_start3A_813, %dma_start3A_814, %dma_start3A_815, %dma_start3A_816] : memref<2x3x4x4096xf32, #tpu.memory_space<vmem>> -> memref<1x1x4x4096xf32, #tpu.memory_space<vmem>>
    %dma_start3A_818 = tpu.memref_squeeze %dma_start3A_817 : memref<1x1x4x4096xf32, #tpu.memory_space<vmem>> -> memref<4x4096xf32, #tpu.memory_space<vmem>>
    %dma_start3A_819 = arith.constant 0 : i32
    %dma_start3A_820 = tpu.memref_slice %arg5[%shift_right_arithmetic3A_1, %dma_start3A_812, %add3A_794, %dma_start3A_819] : memref<4x3x256x4096xf32, #tpu.memory_space<hbm>> -> memref<1x1x4x4096xf32, #tpu.memory_space<hbm>>
    %dma_start3A_821 = tpu.memref_squeeze %dma_start3A_820 : memref<1x1x4x4096xf32, #tpu.memory_space<hbm>> -> memref<4x4096xf32, #tpu.memory_space<hbm>>
    %dma_start3A_822 = arith.constant 0 : i32
    %dma_start3A_823 = arith.constant 0 : i32
    %dma_start3A_824 = tpu.memref_slice %arg13[%dma_start3A_813, %dma_start3A_814, %dma_start3A_822, %dma_start3A_823] : memref<2x3x4x4096xf32, #tpu.memory_space<vmem>> -> memref<1x1x4x4096xf32, #tpu.memory_space<vmem>>
    %dma_start3A_825 = tpu.memref_squeeze %dma_start3A_824 : memref<1x1x4x4096xf32, #tpu.memory_space<vmem>> -> memref<4x4096xf32, #tpu.memory_space<vmem>>
    %dma_start3A_826 = arith.constant 0 : i32
    %dma_start3A_827 = tpu.memref_slice %arg5[%shift_right_arithmetic3A_1, %dma_start3A_812, %add3A_794, %dma_start3A_826] : memref<4x3x256x4096xf32, #tpu.memory_space<hbm>> -> memref<1x1x4x4096xf32, #tpu.memory_space<hbm>>
    %dma_start3A_828 = tpu.memref_squeeze %dma_start3A_827 : memref<1x1x4x4096xf32, #tpu.memory_space<hbm>> -> memref<4x4096xf32, #tpu.memory_space<hbm>>
    tpu.enqueue_dma source(%dma_start3A_828 : memref<4x4096xf32, #tpu.memory_space<hbm>>) target(%dma_start3A_825 : memref<4x4096xf32, #tpu.memory_space<vmem>>) target_semaphore(%arg19 : memref<!tpu.dma_semaphore, #tpu.memory_space<semaphore_mem>>)
    %dma_start3A_829 = arith.constant 2 : i32
    %dma_start3A_830 = arith.constant 0 : i32
    %dma_start3A_831 = arith.constant 2 : i32
    %dma_start3A_832 = arith.constant 0 : i32
    %dma_start3A_833 = arith.constant 0 : i32
    %dma_start3A_834 = tpu.memref_slice %arg13[%dma_start3A_830, %dma_start3A_831, %dma_start3A_832, %dma_start3A_833] : memref<2x3x4x4096xf32, #tpu.memory_space<vmem>> -> memref<1x1x4x4096xf32, #tpu.memory_space<vmem>>
    %dma_start3A_835 = tpu.memref_squeeze %dma_start3A_834 : memref<1x1x4x4096xf32, #tpu.memory_space<vmem>> -> memref<4x4096xf32, #tpu.memory_space<vmem>>
    %dma_start3A_836 = arith.constant 0 : i32
    %dma_start3A_837 = tpu.memref_slice %arg5[%shift_right_arithmetic3A_1, %dma_start3A_829, %add3A_794, %dma_start3A_836] : memref<4x3x256x4096xf32, #tpu.memory_space<hbm>> -> memref<1x1x4x4096xf32, #tpu.memory_space<hbm>>
    %dma_start3A_838 = tpu.memref_squeeze %dma_start3A_837 : memref<1x1x4x4096xf32, #tpu.memory_space<hbm>> -> memref<4x4096xf32, #tpu.memory_space<hbm>>
    %dma_start3A_839 = arith.constant 0 : i32
    %dma_start3A_840 = arith.constant 0 : i32
    %dma_start3A_841 = tpu.memref_slice %arg13[%dma_start3A_830, %dma_start3A_831, %dma_start3A_839, %dma_start3A_840] : memref<2x3x4x4096xf32, #tpu.memory_space<vmem>> -> memref<1x1x4x4096xf32, #tpu.memory_space<vmem>>
    %dma_start3A_842 = tpu.memref_squeeze %dma_start3A_841 : memref<1x1x4x4096xf32, #tpu.memory_space<vmem>> -> memref<4x4096xf32, #tpu.memory_space<vmem>>
    %dma_start3A_843 = arith.constant 0 : i32
    %dma_start3A_844 = tpu.memref_slice %arg5[%shift_right_arithmetic3A_1, %dma_start3A_829, %add3A_794, %dma_start3A_843] : memref<4x3x256x4096xf32, #tpu.memory_space<hbm>> -> memref<1x1x4x4096xf32, #tpu.memory_space<hbm>>
    %dma_start3A_845 = tpu.memref_squeeze %dma_start3A_844 : memref<1x1x4x4096xf32, #tpu.memory_space<hbm>> -> memref<4x4096xf32, #tpu.memory_space<hbm>>
    tpu.enqueue_dma source(%dma_start3A_845 : memref<4x4096xf32, #tpu.memory_space<hbm>>) target(%dma_start3A_842 : memref<4x4096xf32, #tpu.memory_space<vmem>>) target_semaphore(%arg19 : memref<!tpu.dma_semaphore, #tpu.memory_space<semaphore_mem>>)
    %dma_wait3A_846 = arith.constant 0 : i32
    %dma_wait3A_847 = arith.constant 1 : i32
    %dma_wait3A_848 = arith.constant 0 : i32
    %dma_wait3A_849 = arith.constant 0 : i32
    %dma_wait3A_850 = arith.constant 0 : i32
    %dma_wait3A_851 = tpu.memref_slice %arg13[%dma_wait3A_847, %dma_wait3A_848, %dma_wait3A_849, %dma_wait3A_850] : memref<2x3x4x4096xf32, #tpu.memory_space<vmem>> -> memref<1x1x4x4096xf32, #tpu.memory_space<vmem>>
    %dma_wait3A_852 = tpu.memref_squeeze %dma_wait3A_851 : memref<1x1x4x4096xf32, #tpu.memory_space<vmem>> -> memref<4x4096xf32, #tpu.memory_space<vmem>>
    %dma_wait3A_853 = arith.constant 0 : i32
    %dma_wait3A_854 = tpu.memref_slice %arg5[%shift_right_arithmetic3A_1, %dma_wait3A_846, %add3A_678, %dma_wait3A_853] : memref<4x3x256x4096xf32, #tpu.memory_space<hbm>> -> memref<1x1x4x4096xf32, #tpu.memory_space<hbm>>
    %dma_wait3A_855 = tpu.memref_squeeze %dma_wait3A_854 : memref<1x1x4x4096xf32, #tpu.memory_space<hbm>> -> memref<4x4096xf32, #tpu.memory_space<hbm>>
    %dma_wait3A_856 = arith.constant 0 : i32
    %dma_wait3A_857 = arith.constant 0 : i32
    %dma_wait3A_858 = tpu.memref_slice %arg13[%dma_wait3A_847, %dma_wait3A_848, %dma_wait3A_856, %dma_wait3A_857] : memref<2x3x4x4096xf32, #tpu.memory_space<vmem>> -> memref<1x1x4x4096xf32, #tpu.memory_space<vmem>>
    %dma_wait3A_859 = tpu.memref_squeeze %dma_wait3A_858 : memref<1x1x4x4096xf32, #tpu.memory_space<vmem>> -> memref<4x4096xf32, #tpu.memory_space<vmem>>
    %dma_wait3A_860 = arith.constant 0 : i32
    %dma_wait3A_861 = tpu.memref_slice %arg5[%shift_right_arithmetic3A_1, %dma_wait3A_846, %add3A_678, %dma_wait3A_860] : memref<4x3x256x4096xf32, #tpu.memory_space<hbm>> -> memref<1x1x4x4096xf32, #tpu.memory_space<hbm>>
    %dma_wait3A_862 = tpu.memref_squeeze %dma_wait3A_861 : memref<1x1x4x4096xf32, #tpu.memory_space<hbm>> -> memref<4x4096xf32, #tpu.memory_space<hbm>>
    tpu.wait_dma2 semaphore(%arg20 : memref<!tpu.dma_semaphore, #tpu.memory_space<semaphore_mem>>) src(%dma_wait3A_862 : memref<4x4096xf32, #tpu.memory_space<hbm>>) dst(%dma_wait3A_859 : memref<4x4096xf32, #tpu.memory_space<vmem>>)
    %dma_wait3A_863 = arith.constant 1 : i32
    %dma_wait3A_864 = arith.constant 1 : i32
    %dma_wait3A_865 = arith.constant 1 : i32
    %dma_wait3A_866 = arith.constant 0 : i32
    %dma_wait3A_867 = arith.constant 0 : i32
    %dma_wait3A_868 = tpu.memref_slice %arg13[%dma_wait3A_864, %dma_wait3A_865, %dma_wait3A_866, %dma_wait3A_867] : memref<2x3x4x4096xf32, #tpu.memory_space<vmem>> -> memref<1x1x4x4096xf32, #tpu.memory_space<vmem>>
    %dma_wait3A_869 = tpu.memref_squeeze %dma_wait3A_868 : memref<1x1x4x4096xf32, #tpu.memory_space<vmem>> -> memref<4x4096xf32, #tpu.memory_space<vmem>>
    %dma_wait3A_870 = arith.constant 0 : i32
    %dma_wait3A_871 = tpu.memref_slice %arg5[%shift_right_arithmetic3A_1, %dma_wait3A_863, %add3A_678, %dma_wait3A_870] : memref<4x3x256x4096xf32, #tpu.memory_space<hbm>> -> memref<1x1x4x4096xf32, #tpu.memory_space<hbm>>
    %dma_wait3A_872 = tpu.memref_squeeze %dma_wait3A_871 : memref<1x1x4x4096xf32, #tpu.memory_space<hbm>> -> memref<4x4096xf32, #tpu.memory_space<hbm>>
    %dma_wait3A_873 = arith.constant 0 : i32
    %dma_wait3A_874 = arith.constant 0 : i32
    %dma_wait3A_875 = tpu.memref_slice %arg13[%dma_wait3A_864, %dma_wait3A_865, %dma_wait3A_873, %dma_wait3A_874] : memref<2x3x4x4096xf32, #tpu.memory_space<vmem>> -> memref<1x1x4x4096xf32, #tpu.memory_space<vmem>>
    %dma_wait3A_876 = tpu.memref_squeeze %dma_wait3A_875 : memref<1x1x4x4096xf32, #tpu.memory_space<vmem>> -> memref<4x4096xf32, #tpu.memory_space<vmem>>
    %dma_wait3A_877 = arith.constant 0 : i32
    %dma_wait3A_878 = tpu.memref_slice %arg5[%shift_right_arithmetic3A_1, %dma_wait3A_863, %add3A_678, %dma_wait3A_877] : memref<4x3x256x4096xf32, #tpu.memory_space<hbm>> -> memref<1x1x4x4096xf32, #tpu.memory_space<hbm>>
    %dma_wait3A_879 = tpu.memref_squeeze %dma_wait3A_878 : memref<1x1x4x4096xf32, #tpu.memory_space<hbm>> -> memref<4x4096xf32, #tpu.memory_space<hbm>>
    tpu.wait_dma2 semaphore(%arg20 : memref<!tpu.dma_semaphore, #tpu.memory_space<semaphore_mem>>) src(%dma_wait3A_879 : memref<4x4096xf32, #tpu.memory_space<hbm>>) dst(%dma_wait3A_876 : memref<4x4096xf32, #tpu.memory_space<vmem>>)
    %dma_wait3A_880 = arith.constant 2 : i32
    %dma_wait3A_881 = arith.constant 1 : i32
    %dma_wait3A_882 = arith.constant 2 : i32
    %dma_wait3A_883 = arith.constant 0 : i32
    %dma_wait3A_884 = arith.constant 0 : i32
    %dma_wait3A_885 = tpu.memref_slice %arg13[%dma_wait3A_881, %dma_wait3A_882, %dma_wait3A_883, %dma_wait3A_884] : memref<2x3x4x4096xf32, #tpu.memory_space<vmem>> -> memref<1x1x4x4096xf32, #tpu.memory_space<vmem>>
    %dma_wait3A_886 = tpu.memref_squeeze %dma_wait3A_885 : memref<1x1x4x4096xf32, #tpu.memory_space<vmem>> -> memref<4x4096xf32, #tpu.memory_space<vmem>>
    %dma_wait3A_887 = arith.constant 0 : i32
    %dma_wait3A_888 = tpu.memref_slice %arg5[%shift_right_arithmetic3A_1, %dma_wait3A_880, %add3A_678, %dma_wait3A_887] : memref<4x3x256x4096xf32, #tpu.memory_space<hbm>> -> memref<1x1x4x4096xf32, #tpu.memory_space<hbm>>
    %dma_wait3A_889 = tpu.memref_squeeze %dma_wait3A_888 : memref<1x1x4x4096xf32, #tpu.memory_space<hbm>> -> memref<4x4096xf32, #tpu.memory_space<hbm>>
    %dma_wait3A_890 = arith.constant 0 : i32
    %dma_wait3A_891 = arith.constant 0 : i32
    %dma_wait3A_892 = tpu.memref_slice %arg13[%dma_wait3A_881, %dma_wait3A_882, %dma_wait3A_890, %dma_wait3A_891] : memref<2x3x4x4096xf32, #tpu.memory_space<vmem>> -> memref<1x1x4x4096xf32, #tpu.memory_space<vmem>>
    %dma_wait3A_893 = tpu.memref_squeeze %dma_wait3A_892 : memref<1x1x4x4096xf32, #tpu.memory_space<vmem>> -> memref<4x4096xf32, #tpu.memory_space<vmem>>
    %dma_wait3A_894 = arith.constant 0 : i32
    %dma_wait3A_895 = tpu.memref_slice %arg5[%shift_right_arithmetic3A_1, %dma_wait3A_880, %add3A_678, %dma_wait3A_894] : memref<4x3x256x4096xf32, #tpu.memory_space<hbm>> -> memref<1x1x4x4096xf32, #tpu.memory_space<hbm>>
    %dma_wait3A_896 = tpu.memref_squeeze %dma_wait3A_895 : memref<1x1x4x4096xf32, #tpu.memory_space<hbm>> -> memref<4x4096xf32, #tpu.memory_space<hbm>>
    tpu.wait_dma2 semaphore(%arg20 : memref<!tpu.dma_semaphore, #tpu.memory_space<semaphore_mem>>) src(%dma_wait3A_896 : memref<4x4096xf32, #tpu.memory_space<hbm>>) dst(%dma_wait3A_893 : memref<4x4096xf32, #tpu.memory_space<vmem>>)
    %scan3A_897 = arith.constant 0 : i32
    %scan3A_898 = arith.constant 0 : i32
    %scan3A_899 = arith.constant 64 : i32
    %scan3A_900 = arith.addi %scan3A_898, %scan3A_899 : i32
    %scan3A_901 = arith.constant 1 : i32
    scf.for %scan3A_1350 = %scan3A_898 to %scan3A_900 step %scan3A_901  : i32 {
      %mul3A_1351 = arith.constant 16 : i32
      %mul3A_1352 = arith.muli %scan3A_1350, %mul3A_1351 : i32
      %get3A = arith.index_cast %mul3A_1352 : i32 to index
      %get3A_1353 = tpu.vector_load %arg11[%get3A] {strides = array<i32>} : memref<1024xi32, #tpu.memory_space<vmem>>, vector<16xi32>,
      %mul3A_1354 = arith.constant 16 : i32
      %mul3A_1355 = arith.muli %scan3A_1350, %mul3A_1354 : i32
      %get3A_1356 = arith.index_cast %mul3A_1355 : i32 to index
      %get3A_1357 = tpu.vector_load %arg12[%get3A_1356] {strides = array<i32>} : memref<1024xi32, #tpu.memory_space<vmem>>, vector<16xi32>,
      %broadcast_in_dim3A = arith.constant 0 : i32
      %broadcast_in_dim3A_1358 = vector.broadcast %broadcast_in_dim3A : i32 to vector<16xi32>
      %gather3A = arith.constant 1 : i32
      %gather3A_1359 = arith.constant 0 : i32
      %gather3A_1360 = arith.constant 0 : i32
      %gather3A_1361 = arith.constant 0 : i32
      %gather3A_1362 = tpu.memref_slice %arg13[%gather3A, %gather3A_1359, %gather3A_1360, %gather3A_1361] : memref<2x3x4x4096xf32, #tpu.memory_space<vmem>> -> memref<1x3x4x4096xf32, #tpu.memory_space<vmem>>
      %gather3A_1363 = tpu.memref_squeeze %gather3A_1362 : memref<1x3x4x4096xf32, #tpu.memory_space<vmem>> -> memref<3x4x4096xf32, #tpu.memory_space<vmem>>
      %gather3A_1364 = tpu.vector_load_idx %gather3A_1363[%get3A_1357, %broadcast_in_dim3A_1358, %get3A_1353] : memref<3x4x4096xf32, #tpu.memory_space<vmem>>[vector<16xi32>, vector<16xi32>, vector<16xi32>], vector<16xf32>,
      %mul3A_1365 = arith.constant 16 : i32
      %mul3A_1366 = arith.muli %scan3A_1350, %mul3A_1365 : i32
      %swap3A = arith.constant 4 : i32
      %swap3A_1367 = arith.index_cast %swap3A : i32 to index
      %swap3A_1368 = arith.index_cast %mul3A_1366 : i32 to index
      %swap3A_1369 = tpu.vector_load %arg14[%swap3A_1367, %swap3A_1368] {strides = array<i32>} : memref<8x1024xf32, #tpu.memory_space<vmem>>, vector<16xf32>,
      tpu.vector_store %arg14[%swap3A_1367, %swap3A_1368], %gather3A_1364 {strides = array<i32>} : memref<8x1024xf32, #tpu.memory_space<vmem>>, vector<16xf32>,
      %broadcast_in_dim3A_1370 = arith.constant 1 : i32
      %broadcast_in_dim3A_1371 = vector.broadcast %broadcast_in_dim3A_1370 : i32 to vector<16xi32>
      %gather3A_1372 = arith.constant 1 : i32
      %gather3A_1373 = arith.constant 0 : i32
      %gather3A_1374 = arith.constant 0 : i32
      %gather3A_1375 = arith.constant 0 : i32
      %gather3A_1376 = tpu.memref_slice %arg13[%gather3A_1372, %gather3A_1373, %gather3A_1374, %gather3A_1375] : memref<2x3x4x4096xf32, #tpu.memory_space<vmem>> -> memref<1x3x4x4096xf32, #tpu.memory_space<vmem>>
      %gather3A_1377 = tpu.memref_squeeze %gather3A_1376 : memref<1x3x4x4096xf32, #tpu.memory_space<vmem>> -> memref<3x4x4096xf32, #tpu.memory_space<vmem>>
      %gather3A_1378 = tpu.vector_load_idx %gather3A_1377[%get3A_1357, %broadcast_in_dim3A_1371, %get3A_1353] : memref<3x4x4096xf32, #tpu.memory_space<vmem>>[vector<16xi32>, vector<16xi32>, vector<16xi32>], vector<16xf32>,
      %mul3A_1379 = arith.constant 16 : i32
      %mul3A_1380 = arith.muli %scan3A_1350, %mul3A_1379 : i32
      %swap3A_1381 = arith.constant 5 : i32
      %swap3A_1382 = arith.index_cast %swap3A_1381 : i32 to index
      %swap3A_1383 = arith.index_cast %mul3A_1380 : i32 to index
      %swap3A_1384 = tpu.vector_load %arg14[%swap3A_1382, %swap3A_1383] {strides = array<i32>} : memref<8x1024xf32, #tpu.memory_space<vmem>>, vector<16xf32>,
      tpu.vector_store %arg14[%swap3A_1382, %swap3A_1383], %gather3A_1378 {strides = array<i32>} : memref<8x1024xf32, #tpu.memory_space<vmem>>, vector<16xf32>,
      %broadcast_in_dim3A_1385 = arith.constant 2 : i32
      %broadcast_in_dim3A_1386 = vector.broadcast %broadcast_in_dim3A_1385 : i32 to vector<16xi32>
      %gather3A_1387 = arith.constant 1 : i32
      %gather3A_1388 = arith.constant 0 : i32
      %gather3A_1389 = arith.constant 0 : i32
      %gather3A_1390 = arith.constant 0 : i32
      %gather3A_1391 = tpu.memref_slice %arg13[%gather3A_1387, %gather3A_1388, %gather3A_1389, %gather3A_1390] : memref<2x3x4x4096xf32, #tpu.memory_space<vmem>> -> memref<1x3x4x4096xf32, #tpu.memory_space<vmem>>
      %gather3A_1392 = tpu.memref_squeeze %gather3A_1391 : memref<1x3x4x4096xf32, #tpu.memory_space<vmem>> -> memref<3x4x4096xf32, #tpu.memory_space<vmem>>
      %gather3A_1393 = tpu.vector_load_idx %gather3A_1392[%get3A_1357, %broadcast_in_dim3A_1386, %get3A_1353] : memref<3x4x4096xf32, #tpu.memory_space<vmem>>[vector<16xi32>, vector<16xi32>, vector<16xi32>], vector<16xf32>,
      %mul3A_1394 = arith.constant 16 : i32
      %mul3A_1395 = arith.muli %scan3A_1350, %mul3A_1394 : i32
      %swap3A_1396 = arith.constant 6 : i32
      %swap3A_1397 = arith.index_cast %swap3A_1396 : i32 to index
      %swap3A_1398 = arith.index_cast %mul3A_1395 : i32 to index
      %swap3A_1399 = tpu.vector_load %arg14[%swap3A_1397, %swap3A_1398] {strides = array<i32>} : memref<8x1024xf32, #tpu.memory_space<vmem>>, vector<16xf32>,
      tpu.vector_store %arg14[%swap3A_1397, %swap3A_1398], %gather3A_1393 {strides = array<i32>} : memref<8x1024xf32, #tpu.memory_space<vmem>>, vector<16xf32>,
      %broadcast_in_dim3A_1400 = arith.constant 3 : i32
      %broadcast_in_dim3A_1401 = vector.broadcast %broadcast_in_dim3A_1400 : i32 to vector<16xi32>
      %gather3A_1402 = arith.constant 1 : i32
      %gather3A_1403 = arith.constant 0 : i32
      %gather3A_1404 = arith.constant 0 : i32
      %gather3A_1405 = arith.constant 0 : i32
      %gather3A_1406 = tpu.memref_slice %arg13[%gather3A_1402, %gather3A_1403, %gather3A_1404, %gather3A_1405] : memref<2x3x4x4096xf32, #tpu.memory_space<vmem>> -> memref<1x3x4x4096xf32, #tpu.memory_space<vmem>>
      %gather3A_1407 = tpu.memref_squeeze %gather3A_1406 : memref<1x3x4x4096xf32, #tpu.memory_space<vmem>> -> memref<3x4x4096xf32, #tpu.memory_space<vmem>>
      %gather3A_1408 = tpu.vector_load_idx %gather3A_1407[%get3A_1357, %broadcast_in_dim3A_1401, %get3A_1353] : memref<3x4x4096xf32, #tpu.memory_space<vmem>>[vector<16xi32>, vector<16xi32>, vector<16xi32>], vector<16xf32>,
      %mul3A_1409 = arith.constant 16 : i32
      %mul3A_1410 = arith.muli %scan3A_1350, %mul3A_1409 : i32
      %swap3A_1411 = arith.constant 7 : i32
      %swap3A_1412 = arith.index_cast %swap3A_1411 : i32 to index
      %swap3A_1413 = arith.index_cast %mul3A_1410 : i32 to index
      %swap3A_1414 = tpu.vector_load %arg14[%swap3A_1412, %swap3A_1413] {strides = array<i32>} : memref<8x1024xf32, #tpu.memory_space<vmem>>, vector<16xf32>,
      tpu.vector_store %arg14[%swap3A_1412, %swap3A_1413], %gather3A_1408 {strides = array<i32>} : memref<8x1024xf32, #tpu.memory_space<vmem>>, vector<16xf32>,
    }
    %scan3A_902 = arith.constant 64 : i32
    %add3A_903 = arith.constant 8 : i32
    %add3A_904 = arith.addi %mul3A_11, %add3A_903 : i32
    %add3A_905 = arith.constant 256 : i32
    %add3A_906 = arith.addi %add3A_904, %add3A_905 : i32
    %dma_start3A_907 = arith.constant 0 : i32
    %dma_start3A_908 = tpu.memref_slice %arg8[%shift_right_arithmetic3A_1, %add3A_906, %dma_start3A_907] : memref<4x520x1024xf32, #tpu.memory_space<hbm>> -> memref<1x8x1024xf32, #tpu.memory_space<hbm>>
    %dma_start3A_909 = tpu.memref_squeeze %dma_start3A_908 : memref<1x8x1024xf32, #tpu.memory_space<hbm>> -> memref<8x1024xf32, #tpu.memory_space<hbm>>
    %dma_start3A_910 = arith.constant 0 : i32
    %dma_start3A_911 = tpu.memref_slice %arg8[%shift_right_arithmetic3A_1, %add3A_906, %dma_start3A_910] : memref<4x520x1024xf32, #tpu.memory_space<hbm>> -> memref<1x8x1024xf32, #tpu.memory_space<hbm>>
    %dma_start3A_912 = tpu.memref_squeeze %dma_start3A_911 : memref<1x8x1024xf32, #tpu.memory_space<hbm>> -> memref<8x1024xf32, #tpu.memory_space<hbm>>
    tpu.enqueue_dma source(%arg14 : memref<8x1024xf32, #tpu.memory_space<vmem>>) target(%dma_start3A_912 : memref<8x1024xf32, #tpu.memory_space<hbm>>) target_semaphore(%arg21 : memref<!tpu.dma_semaphore, #tpu.memory_space<semaphore_mem>>)
    %add3A_913 = arith.constant 20 : i32
    %add3A_914 = arith.addi %mul3A_11, %add3A_913 : i32
    %dma_start3A_915 = arith.constant 0 : i32
    %dma_start3A_916 = arith.constant 1 : i32
    %dma_start3A_917 = arith.constant 0 : i32
    %dma_start3A_918 = arith.constant 0 : i32
    %dma_start3A_919 = arith.constant 0 : i32
    %dma_start3A_920 = tpu.memref_slice %arg13[%dma_start3A_916, %dma_start3A_917, %dma_start3A_918, %dma_start3A_919] : memref<2x3x4x4096xf32, #tpu.memory_space<vmem>> -> memref<1x1x4x4096xf32, #tpu.memory_space<vmem>>
    %dma_start3A_921 = tpu.memref_squeeze %dma_start3A_920 : memref<1x1x4x4096xf32, #tpu.memory_space<vmem>> -> memref<4x4096xf32, #tpu.memory_space<vmem>>
    %dma_start3A_922 = arith.constant 0 : i32
    %dma_start3A_923 = tpu.memref_slice %arg5[%shift_right_arithmetic3A_1, %dma_start3A_915, %add3A_914, %dma_start3A_922] : memref<4x3x256x4096xf32, #tpu.memory_space<hbm>> -> memref<1x1x4x4096xf32, #tpu.memory_space<hbm>>
    %dma_start3A_924 = tpu.memref_squeeze %dma_start3A_923 : memref<1x1x4x4096xf32, #tpu.memory_space<hbm>> -> memref<4x4096xf32, #tpu.memory_space<hbm>>
    %dma_start3A_925 = arith.constant 0 : i32
    %dma_start3A_926 = arith.constant 0 : i32
    %dma_start3A_927 = tpu.memref_slice %arg13[%dma_start3A_916, %dma_start3A_917, %dma_start3A_925, %dma_start3A_926] : memref<2x3x4x4096xf32, #tpu.memory_space<vmem>> -> memref<1x1x4x4096xf32, #tpu.memory_space<vmem>>
    %dma_start3A_928 = tpu.memref_squeeze %dma_start3A_927 : memref<1x1x4x4096xf32, #tpu.memory_space<vmem>> -> memref<4x4096xf32, #tpu.memory_space<vmem>>
    %dma_start3A_929 = arith.constant 0 : i32
    %dma_start3A_930 = tpu.memref_slice %arg5[%shift_right_arithmetic3A_1, %dma_start3A_915, %add3A_914, %dma_start3A_929] : memref<4x3x256x4096xf32, #tpu.memory_space<hbm>> -> memref<1x1x4x4096xf32, #tpu.memory_space<hbm>>
    %dma_start3A_931 = tpu.memref_squeeze %dma_start3A_930 : memref<1x1x4x4096xf32, #tpu.memory_space<hbm>> -> memref<4x4096xf32, #tpu.memory_space<hbm>>
    tpu.enqueue_dma source(%dma_start3A_931 : memref<4x4096xf32, #tpu.memory_space<hbm>>) target(%dma_start3A_928 : memref<4x4096xf32, #tpu.memory_space<vmem>>) target_semaphore(%arg20 : memref<!tpu.dma_semaphore, #tpu.memory_space<semaphore_mem>>)
    %dma_start3A_932 = arith.constant 1 : i32
    %dma_start3A_933 = arith.constant 1 : i32
    %dma_start3A_934 = arith.constant 1 : i32
    %dma_start3A_935 = arith.constant 0 : i32
    %dma_start3A_936 = arith.constant 0 : i32
    %dma_start3A_937 = tpu.memref_slice %arg13[%dma_start3A_933, %dma_start3A_934, %dma_start3A_935, %dma_start3A_936] : memref<2x3x4x4096xf32, #tpu.memory_space<vmem>> -> memref<1x1x4x4096xf32, #tpu.memory_space<vmem>>
    %dma_start3A_938 = tpu.memref_squeeze %dma_start3A_937 : memref<1x1x4x4096xf32, #tpu.memory_space<vmem>> -> memref<4x4096xf32, #tpu.memory_space<vmem>>
    %dma_start3A_939 = arith.constant 0 : i32
    %dma_start3A_940 = tpu.memref_slice %arg5[%shift_right_arithmetic3A_1, %dma_start3A_932, %add3A_914, %dma_start3A_939] : memref<4x3x256x4096xf32, #tpu.memory_space<hbm>> -> memref<1x1x4x4096xf32, #tpu.memory_space<hbm>>
    %dma_start3A_941 = tpu.memref_squeeze %dma_start3A_940 : memref<1x1x4x4096xf32, #tpu.memory_space<hbm>> -> memref<4x4096xf32, #tpu.memory_space<hbm>>
    %dma_start3A_942 = arith.constant 0 : i32
    %dma_start3A_943 = arith.constant 0 : i32
    %dma_start3A_944 = tpu.memref_slice %arg13[%dma_start3A_933, %dma_start3A_934, %dma_start3A_942, %dma_start3A_943] : memref<2x3x4x4096xf32, #tpu.memory_space<vmem>> -> memref<1x1x4x4096xf32, #tpu.memory_space<vmem>>
    %dma_start3A_945 = tpu.memref_squeeze %dma_start3A_944 : memref<1x1x4x4096xf32, #tpu.memory_space<vmem>> -> memref<4x4096xf32, #tpu.memory_space<vmem>>
    %dma_start3A_946 = arith.constant 0 : i32
    %dma_start3A_947 = tpu.memref_slice %arg5[%shift_right_arithmetic3A_1, %dma_start3A_932, %add3A_914, %dma_start3A_946] : memref<4x3x256x4096xf32, #tpu.memory_space<hbm>> -> memref<1x1x4x4096xf32, #tpu.memory_space<hbm>>
    %dma_start3A_948 = tpu.memref_squeeze %dma_start3A_947 : memref<1x1x4x4096xf32, #tpu.memory_space<hbm>> -> memref<4x4096xf32, #tpu.memory_space<hbm>>
    tpu.enqueue_dma source(%dma_start3A_948 : memref<4x4096xf32, #tpu.memory_space<hbm>>) target(%dma_start3A_945 : memref<4x4096xf32, #tpu.memory_space<vmem>>) target_semaphore(%arg20 : memref<!tpu.dma_semaphore, #tpu.memory_space<semaphore_mem>>)
    %dma_start3A_949 = arith.constant 2 : i32
    %dma_start3A_950 = arith.constant 1 : i32
    %dma_start3A_951 = arith.constant 2 : i32
    %dma_start3A_952 = arith.constant 0 : i32
    %dma_start3A_953 = arith.constant 0 : i32
    %dma_start3A_954 = tpu.memref_slice %arg13[%dma_start3A_950, %dma_start3A_951, %dma_start3A_952, %dma_start3A_953] : memref<2x3x4x4096xf32, #tpu.memory_space<vmem>> -> memref<1x1x4x4096xf32, #tpu.memory_space<vmem>>
    %dma_start3A_955 = tpu.memref_squeeze %dma_start3A_954 : memref<1x1x4x4096xf32, #tpu.memory_space<vmem>> -> memref<4x4096xf32, #tpu.memory_space<vmem>>
    %dma_start3A_956 = arith.constant 0 : i32
    %dma_start3A_957 = tpu.memref_slice %arg5[%shift_right_arithmetic3A_1, %dma_start3A_949, %add3A_914, %dma_start3A_956] : memref<4x3x256x4096xf32, #tpu.memory_space<hbm>> -> memref<1x1x4x4096xf32, #tpu.memory_space<hbm>>
    %dma_start3A_958 = tpu.memref_squeeze %dma_start3A_957 : memref<1x1x4x4096xf32, #tpu.memory_space<hbm>> -> memref<4x4096xf32, #tpu.memory_space<hbm>>
    %dma_start3A_959 = arith.constant 0 : i32
    %dma_start3A_960 = arith.constant 0 : i32
    %dma_start3A_961 = tpu.memref_slice %arg13[%dma_start3A_950, %dma_start3A_951, %dma_start3A_959, %dma_start3A_960] : memref<2x3x4x4096xf32, #tpu.memory_space<vmem>> -> memref<1x1x4x4096xf32, #tpu.memory_space<vmem>>
    %dma_start3A_962 = tpu.memref_squeeze %dma_start3A_961 : memref<1x1x4x4096xf32, #tpu.memory_space<vmem>> -> memref<4x4096xf32, #tpu.memory_space<vmem>>
    %dma_start3A_963 = arith.constant 0 : i32
    %dma_start3A_964 = tpu.memref_slice %arg5[%shift_right_arithmetic3A_1, %dma_start3A_949, %add3A_914, %dma_start3A_963] : memref<4x3x256x4096xf32, #tpu.memory_space<hbm>> -> memref<1x1x4x4096xf32, #tpu.memory_space<hbm>>
    %dma_start3A_965 = tpu.memref_squeeze %dma_start3A_964 : memref<1x1x4x4096xf32, #tpu.memory_space<hbm>> -> memref<4x4096xf32, #tpu.memory_space<hbm>>
    tpu.enqueue_dma source(%dma_start3A_965 : memref<4x4096xf32, #tpu.memory_space<hbm>>) target(%dma_start3A_962 : memref<4x4096xf32, #tpu.memory_space<vmem>>) target_semaphore(%arg20 : memref<!tpu.dma_semaphore, #tpu.memory_space<semaphore_mem>>)
    %dma_wait3A_966 = arith.constant 0 : i32
    %dma_wait3A_967 = arith.constant 0 : i32
    %dma_wait3A_968 = arith.constant 0 : i32
    %dma_wait3A_969 = arith.constant 0 : i32
    %dma_wait3A_970 = arith.constant 0 : i32
    %dma_wait3A_971 = tpu.memref_slice %arg13[%dma_wait3A_967, %dma_wait3A_968, %dma_wait3A_969, %dma_wait3A_970] : memref<2x3x4x4096xf32, #tpu.memory_space<vmem>> -> memref<1x1x4x4096xf32, #tpu.memory_space<vmem>>
    %dma_wait3A_972 = tpu.memref_squeeze %dma_wait3A_971 : memref<1x1x4x4096xf32, #tpu.memory_space<vmem>> -> memref<4x4096xf32, #tpu.memory_space<vmem>>
    %dma_wait3A_973 = arith.constant 0 : i32
    %dma_wait3A_974 = tpu.memref_slice %arg5[%shift_right_arithmetic3A_1, %dma_wait3A_966, %add3A_794, %dma_wait3A_973] : memref<4x3x256x4096xf32, #tpu.memory_space<hbm>> -> memref<1x1x4x4096xf32, #tpu.memory_space<hbm>>
    %dma_wait3A_975 = tpu.memref_squeeze %dma_wait3A_974 : memref<1x1x4x4096xf32, #tpu.memory_space<hbm>> -> memref<4x4096xf32, #tpu.memory_space<hbm>>
    %dma_wait3A_976 = arith.constant 0 : i32
    %dma_wait3A_977 = arith.constant 0 : i32
    %dma_wait3A_978 = tpu.memref_slice %arg13[%dma_wait3A_967, %dma_wait3A_968, %dma_wait3A_976, %dma_wait3A_977] : memref<2x3x4x4096xf32, #tpu.memory_space<vmem>> -> memref<1x1x4x4096xf32, #tpu.memory_space<vmem>>
    %dma_wait3A_979 = tpu.memref_squeeze %dma_wait3A_978 : memref<1x1x4x4096xf32, #tpu.memory_space<vmem>> -> memref<4x4096xf32, #tpu.memory_space<vmem>>
    %dma_wait3A_980 = arith.constant 0 : i32
    %dma_wait3A_981 = tpu.memref_slice %arg5[%shift_right_arithmetic3A_1, %dma_wait3A_966, %add3A_794, %dma_wait3A_980] : memref<4x3x256x4096xf32, #tpu.memory_space<hbm>> -> memref<1x1x4x4096xf32, #tpu.memory_space<hbm>>
    %dma_wait3A_982 = tpu.memref_squeeze %dma_wait3A_981 : memref<1x1x4x4096xf32, #tpu.memory_space<hbm>> -> memref<4x4096xf32, #tpu.memory_space<hbm>>
    tpu.wait_dma2 semaphore(%arg19 : memref<!tpu.dma_semaphore, #tpu.memory_space<semaphore_mem>>) src(%dma_wait3A_982 : memref<4x4096xf32, #tpu.memory_space<hbm>>) dst(%dma_wait3A_979 : memref<4x4096xf32, #tpu.memory_space<vmem>>)
    %dma_wait3A_983 = arith.constant 1 : i32
    %dma_wait3A_984 = arith.constant 0 : i32
    %dma_wait3A_985 = arith.constant 1 : i32
    %dma_wait3A_986 = arith.constant 0 : i32
    %dma_wait3A_987 = arith.constant 0 : i32
    %dma_wait3A_988 = tpu.memref_slice %arg13[%dma_wait3A_984, %dma_wait3A_985, %dma_wait3A_986, %dma_wait3A_987] : memref<2x3x4x4096xf32, #tpu.memory_space<vmem>> -> memref<1x1x4x4096xf32, #tpu.memory_space<vmem>>
    %dma_wait3A_989 = tpu.memref_squeeze %dma_wait3A_988 : memref<1x1x4x4096xf32, #tpu.memory_space<vmem>> -> memref<4x4096xf32, #tpu.memory_space<vmem>>
    %dma_wait3A_990 = arith.constant 0 : i32
    %dma_wait3A_991 = tpu.memref_slice %arg5[%shift_right_arithmetic3A_1, %dma_wait3A_983, %add3A_794, %dma_wait3A_990] : memref<4x3x256x4096xf32, #tpu.memory_space<hbm>> -> memref<1x1x4x4096xf32, #tpu.memory_space<hbm>>
    %dma_wait3A_992 = tpu.memref_squeeze %dma_wait3A_991 : memref<1x1x4x4096xf32, #tpu.memory_space<hbm>> -> memref<4x4096xf32, #tpu.memory_space<hbm>>
    %dma_wait3A_993 = arith.constant 0 : i32
    %dma_wait3A_994 = arith.constant 0 : i32
    %dma_wait3A_995 = tpu.memref_slice %arg13[%dma_wait3A_984, %dma_wait3A_985, %dma_wait3A_993, %dma_wait3A_994] : memref<2x3x4x4096xf32, #tpu.memory_space<vmem>> -> memref<1x1x4x4096xf32, #tpu.memory_space<vmem>>
    %dma_wait3A_996 = tpu.memref_squeeze %dma_wait3A_995 : memref<1x1x4x4096xf32, #tpu.memory_space<vmem>> -> memref<4x4096xf32, #tpu.memory_space<vmem>>
    %dma_wait3A_997 = arith.constant 0 : i32
    %dma_wait3A_998 = tpu.memref_slice %arg5[%shift_right_arithmetic3A_1, %dma_wait3A_983, %add3A_794, %dma_wait3A_997] : memref<4x3x256x4096xf32, #tpu.memory_space<hbm>> -> memref<1x1x4x4096xf32, #tpu.memory_space<hbm>>
    %dma_wait3A_999 = tpu.memref_squeeze %dma_wait3A_998 : memref<1x1x4x4096xf32, #tpu.memory_space<hbm>> -> memref<4x4096xf32, #tpu.memory_space<hbm>>
    tpu.wait_dma2 semaphore(%arg19 : memref<!tpu.dma_semaphore, #tpu.memory_space<semaphore_mem>>) src(%dma_wait3A_999 : memref<4x4096xf32, #tpu.memory_space<hbm>>) dst(%dma_wait3A_996 : memref<4x4096xf32, #tpu.memory_space<vmem>>)
    %dma_wait3A_1000 = arith.constant 2 : i32
    %dma_wait3A_1001 = arith.constant 0 : i32
    %dma_wait3A_1002 = arith.constant 2 : i32
    %dma_wait3A_1003 = arith.constant 0 : i32
    %dma_wait3A_1004 = arith.constant 0 : i32
    %dma_wait3A_1005 = tpu.memref_slice %arg13[%dma_wait3A_1001, %dma_wait3A_1002, %dma_wait3A_1003, %dma_wait3A_1004] : memref<2x3x4x4096xf32, #tpu.memory_space<vmem>> -> memref<1x1x4x4096xf32, #tpu.memory_space<vmem>>
    %dma_wait3A_1006 = tpu.memref_squeeze %dma_wait3A_1005 : memref<1x1x4x4096xf32, #tpu.memory_space<vmem>> -> memref<4x4096xf32, #tpu.memory_space<vmem>>
    %dma_wait3A_1007 = arith.constant 0 : i32
    %dma_wait3A_1008 = tpu.memref_slice %arg5[%shift_right_arithmetic3A_1, %dma_wait3A_1000, %add3A_794, %dma_wait3A_1007] : memref<4x3x256x4096xf32, #tpu.memory_space<hbm>> -> memref<1x1x4x4096xf32, #tpu.memory_space<hbm>>
    %dma_wait3A_1009 = tpu.memref_squeeze %dma_wait3A_1008 : memref<1x1x4x4096xf32, #tpu.memory_space<hbm>> -> memref<4x4096xf32, #tpu.memory_space<hbm>>
    %dma_wait3A_1010 = arith.constant 0 : i32
    %dma_wait3A_1011 = arith.constant 0 : i32
    %dma_wait3A_1012 = tpu.memref_slice %arg13[%dma_wait3A_1001, %dma_wait3A_1002, %dma_wait3A_1010, %dma_wait3A_1011] : memref<2x3x4x4096xf32, #tpu.memory_space<vmem>> -> memref<1x1x4x4096xf32, #tpu.memory_space<vmem>>
    %dma_wait3A_1013 = tpu.memref_squeeze %dma_wait3A_1012 : memref<1x1x4x4096xf32, #tpu.memory_space<vmem>> -> memref<4x4096xf32, #tpu.memory_space<vmem>>
    %dma_wait3A_1014 = arith.constant 0 : i32
    %dma_wait3A_1015 = tpu.memref_slice %arg5[%shift_right_arithmetic3A_1, %dma_wait3A_1000, %add3A_794, %dma_wait3A_1014] : memref<4x3x256x4096xf32, #tpu.memory_space<hbm>> -> memref<1x1x4x4096xf32, #tpu.memory_space<hbm>>
    %dma_wait3A_1016 = tpu.memref_squeeze %dma_wait3A_1015 : memref<1x1x4x4096xf32, #tpu.memory_space<hbm>> -> memref<4x4096xf32, #tpu.memory_space<hbm>>
    tpu.wait_dma2 semaphore(%arg19 : memref<!tpu.dma_semaphore, #tpu.memory_space<semaphore_mem>>) src(%dma_wait3A_1016 : memref<4x4096xf32, #tpu.memory_space<hbm>>) dst(%dma_wait3A_1013 : memref<4x4096xf32, #tpu.memory_space<vmem>>)
    %dma_wait3A_1017 = arith.constant 0 : i32
    %dma_wait3A_1018 = tpu.memref_slice %arg8[%shift_right_arithmetic3A_1, %add3A_906, %dma_wait3A_1017] : memref<4x520x1024xf32, #tpu.memory_space<hbm>> -> memref<1x8x1024xf32, #tpu.memory_space<hbm>>
    %dma_wait3A_1019 = tpu.memref_squeeze %dma_wait3A_1018 : memref<1x8x1024xf32, #tpu.memory_space<hbm>> -> memref<8x1024xf32, #tpu.memory_space<hbm>>
    %dma_wait3A_1020 = arith.constant 0 : i32
    %dma_wait3A_1021 = tpu.memref_slice %arg8[%shift_right_arithmetic3A_1, %add3A_906, %dma_wait3A_1020] : memref<4x520x1024xf32, #tpu.memory_space<hbm>> -> memref<1x8x1024xf32, #tpu.memory_space<hbm>>
    %dma_wait3A_1022 = tpu.memref_squeeze %dma_wait3A_1021 : memref<1x8x1024xf32, #tpu.memory_space<hbm>> -> memref<8x1024xf32, #tpu.memory_space<hbm>>
    tpu.wait_dma2 semaphore(%arg21 : memref<!tpu.dma_semaphore, #tpu.memory_space<semaphore_mem>>) src(%arg14 : memref<8x1024xf32, #tpu.memory_space<vmem>>) dst(%dma_wait3A_1022 : memref<8x1024xf32, #tpu.memory_space<hbm>>)
    %scan3A_1023 = arith.constant 0 : i32
    %scan3A_1024 = arith.constant 0 : i32
    %scan3A_1025 = arith.constant 64 : i32
    %scan3A_1026 = arith.addi %scan3A_1024, %scan3A_1025 : i32
    %scan3A_1027 = arith.constant 1 : i32
    scf.for %scan3A_1350 = %scan3A_1024 to %scan3A_1026 step %scan3A_1027  : i32 {
      %mul3A_1351 = arith.constant 16 : i32
      %mul3A_1352 = arith.muli %scan3A_1350, %mul3A_1351 : i32
      %get3A = arith.index_cast %mul3A_1352 : i32 to index
      %get3A_1353 = tpu.vector_load %arg11[%get3A] {strides = array<i32>} : memref<1024xi32, #tpu.memory_space<vmem>>, vector<16xi32>,
      %mul3A_1354 = arith.constant 16 : i32
      %mul3A_1355 = arith.muli %scan3A_1350, %mul3A_1354 : i32
      %get3A_1356 = arith.index_cast %mul3A_1355 : i32 to index
      %get3A_1357 = tpu.vector_load %arg12[%get3A_1356] {strides = array<i32>} : memref<1024xi32, #tpu.memory_space<vmem>>, vector<16xi32>,
      %broadcast_in_dim3A = arith.constant 0 : i32
      %broadcast_in_dim3A_1358 = vector.broadcast %broadcast_in_dim3A : i32 to vector<16xi32>
      %gather3A = arith.constant 0 : i32
      %gather3A_1359 = arith.constant 0 : i32
      %gather3A_1360 = arith.constant 0 : i32
      %gather3A_1361 = arith.constant 0 : i32
      %gather3A_1362 = tpu.memref_slice %arg13[%gather3A, %gather3A_1359, %gather3A_1360, %gather3A_1361] : memref<2x3x4x4096xf32, #tpu.memory_space<vmem>> -> memref<1x3x4x4096xf32, #tpu.memory_space<vmem>>
      %gather3A_1363 = tpu.memref_squeeze %gather3A_1362 : memref<1x3x4x4096xf32, #tpu.memory_space<vmem>> -> memref<3x4x4096xf32, #tpu.memory_space<vmem>>
      %gather3A_1364 = tpu.vector_load_idx %gather3A_1363[%get3A_1357, %broadcast_in_dim3A_1358, %get3A_1353] : memref<3x4x4096xf32, #tpu.memory_space<vmem>>[vector<16xi32>, vector<16xi32>, vector<16xi32>], vector<16xf32>,
      %mul3A_1365 = arith.constant 16 : i32
      %mul3A_1366 = arith.muli %scan3A_1350, %mul3A_1365 : i32
      %swap3A = arith.constant 0 : i32
      %swap3A_1367 = arith.index_cast %swap3A : i32 to index
      %swap3A_1368 = arith.index_cast %mul3A_1366 : i32 to index
      %swap3A_1369 = tpu.vector_load %arg14[%swap3A_1367, %swap3A_1368] {strides = array<i32>} : memref<8x1024xf32, #tpu.memory_space<vmem>>, vector<16xf32>,
      tpu.vector_store %arg14[%swap3A_1367, %swap3A_1368], %gather3A_1364 {strides = array<i32>} : memref<8x1024xf32, #tpu.memory_space<vmem>>, vector<16xf32>,
      %broadcast_in_dim3A_1370 = arith.constant 1 : i32
      %broadcast_in_dim3A_1371 = vector.broadcast %broadcast_in_dim3A_1370 : i32 to vector<16xi32>
      %gather3A_1372 = arith.constant 0 : i32
      %gather3A_1373 = arith.constant 0 : i32
      %gather3A_1374 = arith.constant 0 : i32
      %gather3A_1375 = arith.constant 0 : i32
      %gather3A_1376 = tpu.memref_slice %arg13[%gather3A_1372, %gather3A_1373, %gather3A_1374, %gather3A_1375] : memref<2x3x4x4096xf32, #tpu.memory_space<vmem>> -> memref<1x3x4x4096xf32, #tpu.memory_space<vmem>>
      %gather3A_1377 = tpu.memref_squeeze %gather3A_1376 : memref<1x3x4x4096xf32, #tpu.memory_space<vmem>> -> memref<3x4x4096xf32, #tpu.memory_space<vmem>>
      %gather3A_1378 = tpu.vector_load_idx %gather3A_1377[%get3A_1357, %broadcast_in_dim3A_1371, %get3A_1353] : memref<3x4x4096xf32, #tpu.memory_space<vmem>>[vector<16xi32>, vector<16xi32>, vector<16xi32>], vector<16xf32>,
      %mul3A_1379 = arith.constant 16 : i32
      %mul3A_1380 = arith.muli %scan3A_1350, %mul3A_1379 : i32
      %swap3A_1381 = arith.constant 1 : i32
      %swap3A_1382 = arith.index_cast %swap3A_1381 : i32 to index
      %swap3A_1383 = arith.index_cast %mul3A_1380 : i32 to index
      %swap3A_1384 = tpu.vector_load %arg14[%swap3A_1382, %swap3A_1383] {strides = array<i32>} : memref<8x1024xf32, #tpu.memory_space<vmem>>, vector<16xf32>,
      tpu.vector_store %arg14[%swap3A_1382, %swap3A_1383], %gather3A_1378 {strides = array<i32>} : memref<8x1024xf32, #tpu.memory_space<vmem>>, vector<16xf32>,
      %broadcast_in_dim3A_1385 = arith.constant 2 : i32
      %broadcast_in_dim3A_1386 = vector.broadcast %broadcast_in_dim3A_1385 : i32 to vector<16xi32>
      %gather3A_1387 = arith.constant 0 : i32
      %gather3A_1388 = arith.constant 0 : i32
      %gather3A_1389 = arith.constant 0 : i32
      %gather3A_1390 = arith.constant 0 : i32
      %gather3A_1391 = tpu.memref_slice %arg13[%gather3A_1387, %gather3A_1388, %gather3A_1389, %gather3A_1390] : memref<2x3x4x4096xf32, #tpu.memory_space<vmem>> -> memref<1x3x4x4096xf32, #tpu.memory_space<vmem>>
      %gather3A_1392 = tpu.memref_squeeze %gather3A_1391 : memref<1x3x4x4096xf32, #tpu.memory_space<vmem>> -> memref<3x4x4096xf32, #tpu.memory_space<vmem>>
      %gather3A_1393 = tpu.vector_load_idx %gather3A_1392[%get3A_1357, %broadcast_in_dim3A_1386, %get3A_1353] : memref<3x4x4096xf32, #tpu.memory_space<vmem>>[vector<16xi32>, vector<16xi32>, vector<16xi32>], vector<16xf32>,
      %mul3A_1394 = arith.constant 16 : i32
      %mul3A_1395 = arith.muli %scan3A_1350, %mul3A_1394 : i32
      %swap3A_1396 = arith.constant 2 : i32
      %swap3A_1397 = arith.index_cast %swap3A_1396 : i32 to index
      %swap3A_1398 = arith.index_cast %mul3A_1395 : i32 to index
      %swap3A_1399 = tpu.vector_load %arg14[%swap3A_1397, %swap3A_1398] {strides = array<i32>} : memref<8x1024xf32, #tpu.memory_space<vmem>>, vector<16xf32>,
      tpu.vector_store %arg14[%swap3A_1397, %swap3A_1398], %gather3A_1393 {strides = array<i32>} : memref<8x1024xf32, #tpu.memory_space<vmem>>, vector<16xf32>,
      %broadcast_in_dim3A_1400 = arith.constant 3 : i32
      %broadcast_in_dim3A_1401 = vector.broadcast %broadcast_in_dim3A_1400 : i32 to vector<16xi32>
      %gather3A_1402 = arith.constant 0 : i32
      %gather3A_1403 = arith.constant 0 : i32
      %gather3A_1404 = arith.constant 0 : i32
      %gather3A_1405 = arith.constant 0 : i32
      %gather3A_1406 = tpu.memref_slice %arg13[%gather3A_1402, %gather3A_1403, %gather3A_1404, %gather3A_1405] : memref<2x3x4x4096xf32, #tpu.memory_space<vmem>> -> memref<1x3x4x4096xf32, #tpu.memory_space<vmem>>
      %gather3A_1407 = tpu.memref_squeeze %gather3A_1406 : memref<1x3x4x4096xf32, #tpu.memory_space<vmem>> -> memref<3x4x4096xf32, #tpu.memory_space<vmem>>
      %gather3A_1408 = tpu.vector_load_idx %gather3A_1407[%get3A_1357, %broadcast_in_dim3A_1401, %get3A_1353] : memref<3x4x4096xf32, #tpu.memory_space<vmem>>[vector<16xi32>, vector<16xi32>, vector<16xi32>], vector<16xf32>,
      %mul3A_1409 = arith.constant 16 : i32
      %mul3A_1410 = arith.muli %scan3A_1350, %mul3A_1409 : i32
      %swap3A_1411 = arith.constant 3 : i32
      %swap3A_1412 = arith.index_cast %swap3A_1411 : i32 to index
      %swap3A_1413 = arith.index_cast %mul3A_1410 : i32 to index
      %swap3A_1414 = tpu.vector_load %arg14[%swap3A_1412, %swap3A_1413] {strides = array<i32>} : memref<8x1024xf32, #tpu.memory_space<vmem>>, vector<16xf32>,
      tpu.vector_store %arg14[%swap3A_1412, %swap3A_1413], %gather3A_1408 {strides = array<i32>} : memref<8x1024xf32, #tpu.memory_space<vmem>>, vector<16xf32>,
    }
    %scan3A_1028 = arith.constant 64 : i32
    %add3A_1029 = arith.constant 24 : i32
    %add3A_1030 = arith.addi %mul3A_11, %add3A_1029 : i32
    %dma_start3A_1031 = arith.constant 0 : i32
    %dma_start3A_1032 = arith.constant 0 : i32
    %dma_start3A_1033 = arith.constant 0 : i32
    %dma_start3A_1034 = arith.constant 0 : i32
    %dma_start3A_1035 = arith.constant 0 : i32
    %dma_start3A_1036 = tpu.memref_slice %arg13[%dma_start3A_1032, %dma_start3A_1033, %dma_start3A_1034, %dma_start3A_1035] : memref<2x3x4x4096xf32, #tpu.memory_space<vmem>> -> memref<1x1x4x4096xf32, #tpu.memory_space<vmem>>
    %dma_start3A_1037 = tpu.memref_squeeze %dma_start3A_1036 : memref<1x1x4x4096xf32, #tpu.memory_space<vmem>> -> memref<4x4096xf32, #tpu.memory_space<vmem>>
    %dma_start3A_1038 = arith.constant 0 : i32
    %dma_start3A_1039 = tpu.memref_slice %arg5[%shift_right_arithmetic3A_1, %dma_start3A_1031, %add3A_1030, %dma_start3A_1038] : memref<4x3x256x4096xf32, #tpu.memory_space<hbm>> -> memref<1x1x4x4096xf32, #tpu.memory_space<hbm>>
    %dma_start3A_1040 = tpu.memref_squeeze %dma_start3A_1039 : memref<1x1x4x4096xf32, #tpu.memory_space<hbm>> -> memref<4x4096xf32, #tpu.memory_space<hbm>>
    %dma_start3A_1041 = arith.constant 0 : i32
    %dma_start3A_1042 = arith.constant 0 : i32
    %dma_start3A_1043 = tpu.memref_slice %arg13[%dma_start3A_1032, %dma_start3A_1033, %dma_start3A_1041, %dma_start3A_1042] : memref<2x3x4x4096xf32, #tpu.memory_space<vmem>> -> memref<1x1x4x4096xf32, #tpu.memory_space<vmem>>
    %dma_start3A_1044 = tpu.memref_squeeze %dma_start3A_1043 : memref<1x1x4x4096xf32, #tpu.memory_space<vmem>> -> memref<4x4096xf32, #tpu.memory_space<vmem>>
    %dma_start3A_1045 = arith.constant 0 : i32
    %dma_start3A_1046 = tpu.memref_slice %arg5[%shift_right_arithmetic3A_1, %dma_start3A_1031, %add3A_1030, %dma_start3A_1045] : memref<4x3x256x4096xf32, #tpu.memory_space<hbm>> -> memref<1x1x4x4096xf32, #tpu.memory_space<hbm>>
    %dma_start3A_1047 = tpu.memref_squeeze %dma_start3A_1046 : memref<1x1x4x4096xf32, #tpu.memory_space<hbm>> -> memref<4x4096xf32, #tpu.memory_space<hbm>>
    tpu.enqueue_dma source(%dma_start3A_1047 : memref<4x4096xf32, #tpu.memory_space<hbm>>) target(%dma_start3A_1044 : memref<4x4096xf32, #tpu.memory_space<vmem>>) target_semaphore(%arg19 : memref<!tpu.dma_semaphore, #tpu.memory_space<semaphore_mem>>)
    %dma_start3A_1048 = arith.constant 1 : i32
    %dma_start3A_1049 = arith.constant 0 : i32
    %dma_start3A_1050 = arith.constant 1 : i32
    %dma_start3A_1051 = arith.constant 0 : i32
    %dma_start3A_1052 = arith.constant 0 : i32
    %dma_start3A_1053 = tpu.memref_slice %arg13[%dma_start3A_1049, %dma_start3A_1050, %dma_start3A_1051, %dma_start3A_1052] : memref<2x3x4x4096xf32, #tpu.memory_space<vmem>> -> memref<1x1x4x4096xf32, #tpu.memory_space<vmem>>
    %dma_start3A_1054 = tpu.memref_squeeze %dma_start3A_1053 : memref<1x1x4x4096xf32, #tpu.memory_space<vmem>> -> memref<4x4096xf32, #tpu.memory_space<vmem>>
    %dma_start3A_1055 = arith.constant 0 : i32
    %dma_start3A_1056 = tpu.memref_slice %arg5[%shift_right_arithmetic3A_1, %dma_start3A_1048, %add3A_1030, %dma_start3A_1055] : memref<4x3x256x4096xf32, #tpu.memory_space<hbm>> -> memref<1x1x4x4096xf32, #tpu.memory_space<hbm>>
    %dma_start3A_1057 = tpu.memref_squeeze %dma_start3A_1056 : memref<1x1x4x4096xf32, #tpu.memory_space<hbm>> -> memref<4x4096xf32, #tpu.memory_space<hbm>>
    %dma_start3A_1058 = arith.constant 0 : i32
    %dma_start3A_1059 = arith.constant 0 : i32
    %dma_start3A_1060 = tpu.memref_slice %arg13[%dma_start3A_1049, %dma_start3A_1050, %dma_start3A_1058, %dma_start3A_1059] : memref<2x3x4x4096xf32, #tpu.memory_space<vmem>> -> memref<1x1x4x4096xf32, #tpu.memory_space<vmem>>
    %dma_start3A_1061 = tpu.memref_squeeze %dma_start3A_1060 : memref<1x1x4x4096xf32, #tpu.memory_space<vmem>> -> memref<4x4096xf32, #tpu.memory_space<vmem>>
    %dma_start3A_1062 = arith.constant 0 : i32
    %dma_start3A_1063 = tpu.memref_slice %arg5[%shift_right_arithmetic3A_1, %dma_start3A_1048, %add3A_1030, %dma_start3A_1062] : memref<4x3x256x4096xf32, #tpu.memory_space<hbm>> -> memref<1x1x4x4096xf32, #tpu.memory_space<hbm>>
    %dma_start3A_1064 = tpu.memref_squeeze %dma_start3A_1063 : memref<1x1x4x4096xf32, #tpu.memory_space<hbm>> -> memref<4x4096xf32, #tpu.memory_space<hbm>>
    tpu.enqueue_dma source(%dma_start3A_1064 : memref<4x4096xf32, #tpu.memory_space<hbm>>) target(%dma_start3A_1061 : memref<4x4096xf32, #tpu.memory_space<vmem>>) target_semaphore(%arg19 : memref<!tpu.dma_semaphore, #tpu.memory_space<semaphore_mem>>)
    %dma_start3A_1065 = arith.constant 2 : i32
    %dma_start3A_1066 = arith.constant 0 : i32
    %dma_start3A_1067 = arith.constant 2 : i32
    %dma_start3A_1068 = arith.constant 0 : i32
    %dma_start3A_1069 = arith.constant 0 : i32
    %dma_start3A_1070 = tpu.memref_slice %arg13[%dma_start3A_1066, %dma_start3A_1067, %dma_start3A_1068, %dma_start3A_1069] : memref<2x3x4x4096xf32, #tpu.memory_space<vmem>> -> memref<1x1x4x4096xf32, #tpu.memory_space<vmem>>
    %dma_start3A_1071 = tpu.memref_squeeze %dma_start3A_1070 : memref<1x1x4x4096xf32, #tpu.memory_space<vmem>> -> memref<4x4096xf32, #tpu.memory_space<vmem>>
    %dma_start3A_1072 = arith.constant 0 : i32
    %dma_start3A_1073 = tpu.memref_slice %arg5[%shift_right_arithmetic3A_1, %dma_start3A_1065, %add3A_1030, %dma_start3A_1072] : memref<4x3x256x4096xf32, #tpu.memory_space<hbm>> -> memref<1x1x4x4096xf32, #tpu.memory_space<hbm>>
    %dma_start3A_1074 = tpu.memref_squeeze %dma_start3A_1073 : memref<1x1x4x4096xf32, #tpu.memory_space<hbm>> -> memref<4x4096xf32, #tpu.memory_space<hbm>>
    %dma_start3A_1075 = arith.constant 0 : i32
    %dma_start3A_1076 = arith.constant 0 : i32
    %dma_start3A_1077 = tpu.memref_slice %arg13[%dma_start3A_1066, %dma_start3A_1067, %dma_start3A_1075, %dma_start3A_1076] : memref<2x3x4x4096xf32, #tpu.memory_space<vmem>> -> memref<1x1x4x4096xf32, #tpu.memory_space<vmem>>
    %dma_start3A_1078 = tpu.memref_squeeze %dma_start3A_1077 : memref<1x1x4x4096xf32, #tpu.memory_space<vmem>> -> memref<4x4096xf32, #tpu.memory_space<vmem>>
    %dma_start3A_1079 = arith.constant 0 : i32
    %dma_start3A_1080 = tpu.memref_slice %arg5[%shift_right_arithmetic3A_1, %dma_start3A_1065, %add3A_1030, %dma_start3A_1079] : memref<4x3x256x4096xf32, #tpu.memory_space<hbm>> -> memref<1x1x4x4096xf32, #tpu.memory_space<hbm>>
    %dma_start3A_1081 = tpu.memref_squeeze %dma_start3A_1080 : memref<1x1x4x4096xf32, #tpu.memory_space<hbm>> -> memref<4x4096xf32, #tpu.memory_space<hbm>>
    tpu.enqueue_dma source(%dma_start3A_1081 : memref<4x4096xf32, #tpu.memory_space<hbm>>) target(%dma_start3A_1078 : memref<4x4096xf32, #tpu.memory_space<vmem>>) target_semaphore(%arg19 : memref<!tpu.dma_semaphore, #tpu.memory_space<semaphore_mem>>)
    %dma_wait3A_1082 = arith.constant 0 : i32
    %dma_wait3A_1083 = arith.constant 1 : i32
    %dma_wait3A_1084 = arith.constant 0 : i32
    %dma_wait3A_1085 = arith.constant 0 : i32
    %dma_wait3A_1086 = arith.constant 0 : i32
    %dma_wait3A_1087 = tpu.memref_slice %arg13[%dma_wait3A_1083, %dma_wait3A_1084, %dma_wait3A_1085, %dma_wait3A_1086] : memref<2x3x4x4096xf32, #tpu.memory_space<vmem>> -> memref<1x1x4x4096xf32, #tpu.memory_space<vmem>>
    %dma_wait3A_1088 = tpu.memref_squeeze %dma_wait3A_1087 : memref<1x1x4x4096xf32, #tpu.memory_space<vmem>> -> memref<4x4096xf32, #tpu.memory_space<vmem>>
    %dma_wait3A_1089 = arith.constant 0 : i32
    %dma_wait3A_1090 = tpu.memref_slice %arg5[%shift_right_arithmetic3A_1, %dma_wait3A_1082, %add3A_914, %dma_wait3A_1089] : memref<4x3x256x4096xf32, #tpu.memory_space<hbm>> -> memref<1x1x4x4096xf32, #tpu.memory_space<hbm>>
    %dma_wait3A_1091 = tpu.memref_squeeze %dma_wait3A_1090 : memref<1x1x4x4096xf32, #tpu.memory_space<hbm>> -> memref<4x4096xf32, #tpu.memory_space<hbm>>
    %dma_wait3A_1092 = arith.constant 0 : i32
    %dma_wait3A_1093 = arith.constant 0 : i32
    %dma_wait3A_1094 = tpu.memref_slice %arg13[%dma_wait3A_1083, %dma_wait3A_1084, %dma_wait3A_1092, %dma_wait3A_1093] : memref<2x3x4x4096xf32, #tpu.memory_space<vmem>> -> memref<1x1x4x4096xf32, #tpu.memory_space<vmem>>
    %dma_wait3A_1095 = tpu.memref_squeeze %dma_wait3A_1094 : memref<1x1x4x4096xf32, #tpu.memory_space<vmem>> -> memref<4x4096xf32, #tpu.memory_space<vmem>>
    %dma_wait3A_1096 = arith.constant 0 : i32
    %dma_wait3A_1097 = tpu.memref_slice %arg5[%shift_right_arithmetic3A_1, %dma_wait3A_1082, %add3A_914, %dma_wait3A_1096] : memref<4x3x256x4096xf32, #tpu.memory_space<hbm>> -> memref<1x1x4x4096xf32, #tpu.memory_space<hbm>>
    %dma_wait3A_1098 = tpu.memref_squeeze %dma_wait3A_1097 : memref<1x1x4x4096xf32, #tpu.memory_space<hbm>> -> memref<4x4096xf32, #tpu.memory_space<hbm>>
    tpu.wait_dma2 semaphore(%arg20 : memref<!tpu.dma_semaphore, #tpu.memory_space<semaphore_mem>>) src(%dma_wait3A_1098 : memref<4x4096xf32, #tpu.memory_space<hbm>>) dst(%dma_wait3A_1095 : memref<4x4096xf32, #tpu.memory_space<vmem>>)
    %dma_wait3A_1099 = arith.constant 1 : i32
    %dma_wait3A_1100 = arith.constant 1 : i32
    %dma_wait3A_1101 = arith.constant 1 : i32
    %dma_wait3A_1102 = arith.constant 0 : i32
    %dma_wait3A_1103 = arith.constant 0 : i32
    %dma_wait3A_1104 = tpu.memref_slice %arg13[%dma_wait3A_1100, %dma_wait3A_1101, %dma_wait3A_1102, %dma_wait3A_1103] : memref<2x3x4x4096xf32, #tpu.memory_space<vmem>> -> memref<1x1x4x4096xf32, #tpu.memory_space<vmem>>
    %dma_wait3A_1105 = tpu.memref_squeeze %dma_wait3A_1104 : memref<1x1x4x4096xf32, #tpu.memory_space<vmem>> -> memref<4x4096xf32, #tpu.memory_space<vmem>>
    %dma_wait3A_1106 = arith.constant 0 : i32
    %dma_wait3A_1107 = tpu.memref_slice %arg5[%shift_right_arithmetic3A_1, %dma_wait3A_1099, %add3A_914, %dma_wait3A_1106] : memref<4x3x256x4096xf32, #tpu.memory_space<hbm>> -> memref<1x1x4x4096xf32, #tpu.memory_space<hbm>>
    %dma_wait3A_1108 = tpu.memref_squeeze %dma_wait3A_1107 : memref<1x1x4x4096xf32, #tpu.memory_space<hbm>> -> memref<4x4096xf32, #tpu.memory_space<hbm>>
    %dma_wait3A_1109 = arith.constant 0 : i32
    %dma_wait3A_1110 = arith.constant 0 : i32
    %dma_wait3A_1111 = tpu.memref_slice %arg13[%dma_wait3A_1100, %dma_wait3A_1101, %dma_wait3A_1109, %dma_wait3A_1110] : memref<2x3x4x4096xf32, #tpu.memory_space<vmem>> -> memref<1x1x4x4096xf32, #tpu.memory_space<vmem>>
    %dma_wait3A_1112 = tpu.memref_squeeze %dma_wait3A_1111 : memref<1x1x4x4096xf32, #tpu.memory_space<vmem>> -> memref<4x4096xf32, #tpu.memory_space<vmem>>
    %dma_wait3A_1113 = arith.constant 0 : i32
    %dma_wait3A_1114 = tpu.memref_slice %arg5[%shift_right_arithmetic3A_1, %dma_wait3A_1099, %add3A_914, %dma_wait3A_1113] : memref<4x3x256x4096xf32, #tpu.memory_space<hbm>> -> memref<1x1x4x4096xf32, #tpu.memory_space<hbm>>
    %dma_wait3A_1115 = tpu.memref_squeeze %dma_wait3A_1114 : memref<1x1x4x4096xf32, #tpu.memory_space<hbm>> -> memref<4x4096xf32, #tpu.memory_space<hbm>>
    tpu.wait_dma2 semaphore(%arg20 : memref<!tpu.dma_semaphore, #tpu.memory_space<semaphore_mem>>) src(%dma_wait3A_1115 : memref<4x4096xf32, #tpu.memory_space<hbm>>) dst(%dma_wait3A_1112 : memref<4x4096xf32, #tpu.memory_space<vmem>>)
    %dma_wait3A_1116 = arith.constant 2 : i32
    %dma_wait3A_1117 = arith.constant 1 : i32
    %dma_wait3A_1118 = arith.constant 2 : i32
    %dma_wait3A_1119 = arith.constant 0 : i32
    %dma_wait3A_1120 = arith.constant 0 : i32
    %dma_wait3A_1121 = tpu.memref_slice %arg13[%dma_wait3A_1117, %dma_wait3A_1118, %dma_wait3A_1119, %dma_wait3A_1120] : memref<2x3x4x4096xf32, #tpu.memory_space<vmem>> -> memref<1x1x4x4096xf32, #tpu.memory_space<vmem>>
    %dma_wait3A_1122 = tpu.memref_squeeze %dma_wait3A_1121 : memref<1x1x4x4096xf32, #tpu.memory_space<vmem>> -> memref<4x4096xf32, #tpu.memory_space<vmem>>
    %dma_wait3A_1123 = arith.constant 0 : i32
    %dma_wait3A_1124 = tpu.memref_slice %arg5[%shift_right_arithmetic3A_1, %dma_wait3A_1116, %add3A_914, %dma_wait3A_1123] : memref<4x3x256x4096xf32, #tpu.memory_space<hbm>> -> memref<1x1x4x4096xf32, #tpu.memory_space<hbm>>
    %dma_wait3A_1125 = tpu.memref_squeeze %dma_wait3A_1124 : memref<1x1x4x4096xf32, #tpu.memory_space<hbm>> -> memref<4x4096xf32, #tpu.memory_space<hbm>>
    %dma_wait3A_1126 = arith.constant 0 : i32
    %dma_wait3A_1127 = arith.constant 0 : i32
    %dma_wait3A_1128 = tpu.memref_slice %arg13[%dma_wait3A_1117, %dma_wait3A_1118, %dma_wait3A_1126, %dma_wait3A_1127] : memref<2x3x4x4096xf32, #tpu.memory_space<vmem>> -> memref<1x1x4x4096xf32, #tpu.memory_space<vmem>>
    %dma_wait3A_1129 = tpu.memref_squeeze %dma_wait3A_1128 : memref<1x1x4x4096xf32, #tpu.memory_space<vmem>> -> memref<4x4096xf32, #tpu.memory_space<vmem>>
    %dma_wait3A_1130 = arith.constant 0 : i32
    %dma_wait3A_1131 = tpu.memref_slice %arg5[%shift_right_arithmetic3A_1, %dma_wait3A_1116, %add3A_914, %dma_wait3A_1130] : memref<4x3x256x4096xf32, #tpu.memory_space<hbm>> -> memref<1x1x4x4096xf32, #tpu.memory_space<hbm>>
    %dma_wait3A_1132 = tpu.memref_squeeze %dma_wait3A_1131 : memref<1x1x4x4096xf32, #tpu.memory_space<hbm>> -> memref<4x4096xf32, #tpu.memory_space<hbm>>
    tpu.wait_dma2 semaphore(%arg20 : memref<!tpu.dma_semaphore, #tpu.memory_space<semaphore_mem>>) src(%dma_wait3A_1132 : memref<4x4096xf32, #tpu.memory_space<hbm>>) dst(%dma_wait3A_1129 : memref<4x4096xf32, #tpu.memory_space<vmem>>)
    %scan3A_1133 = arith.constant 0 : i32
    %scan3A_1134 = arith.constant 0 : i32
    %scan3A_1135 = arith.constant 64 : i32
    %scan3A_1136 = arith.addi %scan3A_1134, %scan3A_1135 : i32
    %scan3A_1137 = arith.constant 1 : i32
    scf.for %scan3A_1350 = %scan3A_1134 to %scan3A_1136 step %scan3A_1137  : i32 {
      %mul3A_1351 = arith.constant 16 : i32
      %mul3A_1352 = arith.muli %scan3A_1350, %mul3A_1351 : i32
      %get3A = arith.index_cast %mul3A_1352 : i32 to index
      %get3A_1353 = tpu.vector_load %arg11[%get3A] {strides = array<i32>} : memref<1024xi32, #tpu.memory_space<vmem>>, vector<16xi32>,
      %mul3A_1354 = arith.constant 16 : i32
      %mul3A_1355 = arith.muli %scan3A_1350, %mul3A_1354 : i32
      %get3A_1356 = arith.index_cast %mul3A_1355 : i32 to index
      %get3A_1357 = tpu.vector_load %arg12[%get3A_1356] {strides = array<i32>} : memref<1024xi32, #tpu.memory_space<vmem>>, vector<16xi32>,
      %broadcast_in_dim3A = arith.constant 0 : i32
      %broadcast_in_dim3A_1358 = vector.broadcast %broadcast_in_dim3A : i32 to vector<16xi32>
      %gather3A = arith.constant 1 : i32
      %gather3A_1359 = arith.constant 0 : i32
      %gather3A_1360 = arith.constant 0 : i32
      %gather3A_1361 = arith.constant 0 : i32
      %gather3A_1362 = tpu.memref_slice %arg13[%gather3A, %gather3A_1359, %gather3A_1360, %gather3A_1361] : memref<2x3x4x4096xf32, #tpu.memory_space<vmem>> -> memref<1x3x4x4096xf32, #tpu.memory_space<vmem>>
      %gather3A_1363 = tpu.memref_squeeze %gather3A_1362 : memref<1x3x4x4096xf32, #tpu.memory_space<vmem>> -> memref<3x4x4096xf32, #tpu.memory_space<vmem>>
      %gather3A_1364 = tpu.vector_load_idx %gather3A_1363[%get3A_1357, %broadcast_in_dim3A_1358, %get3A_1353] : memref<3x4x4096xf32, #tpu.memory_space<vmem>>[vector<16xi32>, vector<16xi32>, vector<16xi32>], vector<16xf32>,
      %mul3A_1365 = arith.constant 16 : i32
      %mul3A_1366 = arith.muli %scan3A_1350, %mul3A_1365 : i32
      %swap3A = arith.constant 4 : i32
      %swap3A_1367 = arith.index_cast %swap3A : i32 to index
      %swap3A_1368 = arith.index_cast %mul3A_1366 : i32 to index
      %swap3A_1369 = tpu.vector_load %arg14[%swap3A_1367, %swap3A_1368] {strides = array<i32>} : memref<8x1024xf32, #tpu.memory_space<vmem>>, vector<16xf32>,
      tpu.vector_store %arg14[%swap3A_1367, %swap3A_1368], %gather3A_1364 {strides = array<i32>} : memref<8x1024xf32, #tpu.memory_space<vmem>>, vector<16xf32>,
      %broadcast_in_dim3A_1370 = arith.constant 1 : i32
      %broadcast_in_dim3A_1371 = vector.broadcast %broadcast_in_dim3A_1370 : i32 to vector<16xi32>
      %gather3A_1372 = arith.constant 1 : i32
      %gather3A_1373 = arith.constant 0 : i32
      %gather3A_1374 = arith.constant 0 : i32
      %gather3A_1375 = arith.constant 0 : i32
      %gather3A_1376 = tpu.memref_slice %arg13[%gather3A_1372, %gather3A_1373, %gather3A_1374, %gather3A_1375] : memref<2x3x4x4096xf32, #tpu.memory_space<vmem>> -> memref<1x3x4x4096xf32, #tpu.memory_space<vmem>>
      %gather3A_1377 = tpu.memref_squeeze %gather3A_1376 : memref<1x3x4x4096xf32, #tpu.memory_space<vmem>> -> memref<3x4x4096xf32, #tpu.memory_space<vmem>>
      %gather3A_1378 = tpu.vector_load_idx %gather3A_1377[%get3A_1357, %broadcast_in_dim3A_1371, %get3A_1353] : memref<3x4x4096xf32, #tpu.memory_space<vmem>>[vector<16xi32>, vector<16xi32>, vector<16xi32>], vector<16xf32>,
      %mul3A_1379 = arith.constant 16 : i32
      %mul3A_1380 = arith.muli %scan3A_1350, %mul3A_1379 : i32
      %swap3A_1381 = arith.constant 5 : i32
      %swap3A_1382 = arith.index_cast %swap3A_1381 : i32 to index
      %swap3A_1383 = arith.index_cast %mul3A_1380 : i32 to index
      %swap3A_1384 = tpu.vector_load %arg14[%swap3A_1382, %swap3A_1383] {strides = array<i32>} : memref<8x1024xf32, #tpu.memory_space<vmem>>, vector<16xf32>,
      tpu.vector_store %arg14[%swap3A_1382, %swap3A_1383], %gather3A_1378 {strides = array<i32>} : memref<8x1024xf32, #tpu.memory_space<vmem>>, vector<16xf32>,
      %broadcast_in_dim3A_1385 = arith.constant 2 : i32
      %broadcast_in_dim3A_1386 = vector.broadcast %broadcast_in_dim3A_1385 : i32 to vector<16xi32>
      %gather3A_1387 = arith.constant 1 : i32
      %gather3A_1388 = arith.constant 0 : i32
      %gather3A_1389 = arith.constant 0 : i32
      %gather3A_1390 = arith.constant 0 : i32
      %gather3A_1391 = tpu.memref_slice %arg13[%gather3A_1387, %gather3A_1388, %gather3A_1389, %gather3A_1390] : memref<2x3x4x4096xf32, #tpu.memory_space<vmem>> -> memref<1x3x4x4096xf32, #tpu.memory_space<vmem>>
      %gather3A_1392 = tpu.memref_squeeze %gather3A_1391 : memref<1x3x4x4096xf32, #tpu.memory_space<vmem>> -> memref<3x4x4096xf32, #tpu.memory_space<vmem>>
      %gather3A_1393 = tpu.vector_load_idx %gather3A_1392[%get3A_1357, %broadcast_in_dim3A_1386, %get3A_1353] : memref<3x4x4096xf32, #tpu.memory_space<vmem>>[vector<16xi32>, vector<16xi32>, vector<16xi32>], vector<16xf32>,
      %mul3A_1394 = arith.constant 16 : i32
      %mul3A_1395 = arith.muli %scan3A_1350, %mul3A_1394 : i32
      %swap3A_1396 = arith.constant 6 : i32
      %swap3A_1397 = arith.index_cast %swap3A_1396 : i32 to index
      %swap3A_1398 = arith.index_cast %mul3A_1395 : i32 to index
      %swap3A_1399 = tpu.vector_load %arg14[%swap3A_1397, %swap3A_1398] {strides = array<i32>} : memref<8x1024xf32, #tpu.memory_space<vmem>>, vector<16xf32>,
      tpu.vector_store %arg14[%swap3A_1397, %swap3A_1398], %gather3A_1393 {strides = array<i32>} : memref<8x1024xf32, #tpu.memory_space<vmem>>, vector<16xf32>,
      %broadcast_in_dim3A_1400 = arith.constant 3 : i32
      %broadcast_in_dim3A_1401 = vector.broadcast %broadcast_in_dim3A_1400 : i32 to vector<16xi32>
      %gather3A_1402 = arith.constant 1 : i32
      %gather3A_1403 = arith.constant 0 : i32
      %gather3A_1404 = arith.constant 0 : i32
      %gather3A_1405 = arith.constant 0 : i32
      %gather3A_1406 = tpu.memref_slice %arg13[%gather3A_1402, %gather3A_1403, %gather3A_1404, %gather3A_1405] : memref<2x3x4x4096xf32, #tpu.memory_space<vmem>> -> memref<1x3x4x4096xf32, #tpu.memory_space<vmem>>
      %gather3A_1407 = tpu.memref_squeeze %gather3A_1406 : memref<1x3x4x4096xf32, #tpu.memory_space<vmem>> -> memref<3x4x4096xf32, #tpu.memory_space<vmem>>
      %gather3A_1408 = tpu.vector_load_idx %gather3A_1407[%get3A_1357, %broadcast_in_dim3A_1401, %get3A_1353] : memref<3x4x4096xf32, #tpu.memory_space<vmem>>[vector<16xi32>, vector<16xi32>, vector<16xi32>], vector<16xf32>,
      %mul3A_1409 = arith.constant 16 : i32
      %mul3A_1410 = arith.muli %scan3A_1350, %mul3A_1409 : i32
      %swap3A_1411 = arith.constant 7 : i32
      %swap3A_1412 = arith.index_cast %swap3A_1411 : i32 to index
      %swap3A_1413 = arith.index_cast %mul3A_1410 : i32 to index
      %swap3A_1414 = tpu.vector_load %arg14[%swap3A_1412, %swap3A_1413] {strides = array<i32>} : memref<8x1024xf32, #tpu.memory_space<vmem>>, vector<16xf32>,
      tpu.vector_store %arg14[%swap3A_1412, %swap3A_1413], %gather3A_1408 {strides = array<i32>} : memref<8x1024xf32, #tpu.memory_space<vmem>>, vector<16xf32>,
    }
    %scan3A_1138 = arith.constant 64 : i32
    %add3A_1139 = arith.constant 16 : i32
    %add3A_1140 = arith.addi %mul3A_11, %add3A_1139 : i32
    %add3A_1141 = arith.constant 256 : i32
    %add3A_1142 = arith.addi %add3A_1140, %add3A_1141 : i32
    %dma_start3A_1143 = arith.constant 0 : i32
    %dma_start3A_1144 = tpu.memref_slice %arg8[%shift_right_arithmetic3A_1, %add3A_1142, %dma_start3A_1143] : memref<4x520x1024xf32, #tpu.memory_space<hbm>> -> memref<1x8x1024xf32, #tpu.memory_space<hbm>>
    %dma_start3A_1145 = tpu.memref_squeeze %dma_start3A_1144 : memref<1x8x1024xf32, #tpu.memory_space<hbm>> -> memref<8x1024xf32, #tpu.memory_space<hbm>>
    %dma_start3A_1146 = arith.constant 0 : i32
    %dma_start3A_1147 = tpu.memref_slice %arg8[%shift_right_arithmetic3A_1, %add3A_1142, %dma_start3A_1146] : memref<4x520x1024xf32, #tpu.memory_space<hbm>> -> memref<1x8x1024xf32, #tpu.memory_space<hbm>>
    %dma_start3A_1148 = tpu.memref_squeeze %dma_start3A_1147 : memref<1x8x1024xf32, #tpu.memory_space<hbm>> -> memref<8x1024xf32, #tpu.memory_space<hbm>>
    tpu.enqueue_dma source(%arg14 : memref<8x1024xf32, #tpu.memory_space<vmem>>) target(%dma_start3A_1148 : memref<8x1024xf32, #tpu.memory_space<hbm>>) target_semaphore(%arg21 : memref<!tpu.dma_semaphore, #tpu.memory_space<semaphore_mem>>)
    %add3A_1149 = arith.constant 28 : i32
    %add3A_1150 = arith.addi %mul3A_11, %add3A_1149 : i32
    %dma_start3A_1151 = arith.constant 0 : i32
    %dma_start3A_1152 = arith.constant 1 : i32
    %dma_start3A_1153 = arith.constant 0 : i32
    %dma_start3A_1154 = arith.constant 0 : i32
    %dma_start3A_1155 = arith.constant 0 : i32
    %dma_start3A_1156 = tpu.memref_slice %arg13[%dma_start3A_1152, %dma_start3A_1153, %dma_start3A_1154, %dma_start3A_1155] : memref<2x3x4x4096xf32, #tpu.memory_space<vmem>> -> memref<1x1x4x4096xf32, #tpu.memory_space<vmem>>
    %dma_start3A_1157 = tpu.memref_squeeze %dma_start3A_1156 : memref<1x1x4x4096xf32, #tpu.memory_space<vmem>> -> memref<4x4096xf32, #tpu.memory_space<vmem>>
    %dma_start3A_1158 = arith.constant 0 : i32
    %dma_start3A_1159 = tpu.memref_slice %arg5[%shift_right_arithmetic3A_1, %dma_start3A_1151, %add3A_1150, %dma_start3A_1158] : memref<4x3x256x4096xf32, #tpu.memory_space<hbm>> -> memref<1x1x4x4096xf32, #tpu.memory_space<hbm>>
    %dma_start3A_1160 = tpu.memref_squeeze %dma_start3A_1159 : memref<1x1x4x4096xf32, #tpu.memory_space<hbm>> -> memref<4x4096xf32, #tpu.memory_space<hbm>>
    %dma_start3A_1161 = arith.constant 0 : i32
    %dma_start3A_1162 = arith.constant 0 : i32
    %dma_start3A_1163 = tpu.memref_slice %arg13[%dma_start3A_1152, %dma_start3A_1153, %dma_start3A_1161, %dma_start3A_1162] : memref<2x3x4x4096xf32, #tpu.memory_space<vmem>> -> memref<1x1x4x4096xf32, #tpu.memory_space<vmem>>
    %dma_start3A_1164 = tpu.memref_squeeze %dma_start3A_1163 : memref<1x1x4x4096xf32, #tpu.memory_space<vmem>> -> memref<4x4096xf32, #tpu.memory_space<vmem>>
    %dma_start3A_1165 = arith.constant 0 : i32
    %dma_start3A_1166 = tpu.memref_slice %arg5[%shift_right_arithmetic3A_1, %dma_start3A_1151, %add3A_1150, %dma_start3A_1165] : memref<4x3x256x4096xf32, #tpu.memory_space<hbm>> -> memref<1x1x4x4096xf32, #tpu.memory_space<hbm>>
    %dma_start3A_1167 = tpu.memref_squeeze %dma_start3A_1166 : memref<1x1x4x4096xf32, #tpu.memory_space<hbm>> -> memref<4x4096xf32, #tpu.memory_space<hbm>>
    tpu.enqueue_dma source(%dma_start3A_1167 : memref<4x4096xf32, #tpu.memory_space<hbm>>) target(%dma_start3A_1164 : memref<4x4096xf32, #tpu.memory_space<vmem>>) target_semaphore(%arg20 : memref<!tpu.dma_semaphore, #tpu.memory_space<semaphore_mem>>)
    %dma_start3A_1168 = arith.constant 1 : i32
    %dma_start3A_1169 = arith.constant 1 : i32
    %dma_start3A_1170 = arith.constant 1 : i32
    %dma_start3A_1171 = arith.constant 0 : i32
    %dma_start3A_1172 = arith.constant 0 : i32
    %dma_start3A_1173 = tpu.memref_slice %arg13[%dma_start3A_1169, %dma_start3A_1170, %dma_start3A_1171, %dma_start3A_1172] : memref<2x3x4x4096xf32, #tpu.memory_space<vmem>> -> memref<1x1x4x4096xf32, #tpu.memory_space<vmem>>
    %dma_start3A_1174 = tpu.memref_squeeze %dma_start3A_1173 : memref<1x1x4x4096xf32, #tpu.memory_space<vmem>> -> memref<4x4096xf32, #tpu.memory_space<vmem>>
    %dma_start3A_1175 = arith.constant 0 : i32
    %dma_start3A_1176 = tpu.memref_slice %arg5[%shift_right_arithmetic3A_1, %dma_start3A_1168, %add3A_1150, %dma_start3A_1175] : memref<4x3x256x4096xf32, #tpu.memory_space<hbm>> -> memref<1x1x4x4096xf32, #tpu.memory_space<hbm>>
    %dma_start3A_1177 = tpu.memref_squeeze %dma_start3A_1176 : memref<1x1x4x4096xf32, #tpu.memory_space<hbm>> -> memref<4x4096xf32, #tpu.memory_space<hbm>>
    %dma_start3A_1178 = arith.constant 0 : i32
    %dma_start3A_1179 = arith.constant 0 : i32
    %dma_start3A_1180 = tpu.memref_slice %arg13[%dma_start3A_1169, %dma_start3A_1170, %dma_start3A_1178, %dma_start3A_1179] : memref<2x3x4x4096xf32, #tpu.memory_space<vmem>> -> memref<1x1x4x4096xf32, #tpu.memory_space<vmem>>
    %dma_start3A_1181 = tpu.memref_squeeze %dma_start3A_1180 : memref<1x1x4x4096xf32, #tpu.memory_space<vmem>> -> memref<4x4096xf32, #tpu.memory_space<vmem>>
    %dma_start3A_1182 = arith.constant 0 : i32
    %dma_start3A_1183 = tpu.memref_slice %arg5[%shift_right_arithmetic3A_1, %dma_start3A_1168, %add3A_1150, %dma_start3A_1182] : memref<4x3x256x4096xf32, #tpu.memory_space<hbm>> -> memref<1x1x4x4096xf32, #tpu.memory_space<hbm>>
    %dma_start3A_1184 = tpu.memref_squeeze %dma_start3A_1183 : memref<1x1x4x4096xf32, #tpu.memory_space<hbm>> -> memref<4x4096xf32, #tpu.memory_space<hbm>>
    tpu.enqueue_dma source(%dma_start3A_1184 : memref<4x4096xf32, #tpu.memory_space<hbm>>) target(%dma_start3A_1181 : memref<4x4096xf32, #tpu.memory_space<vmem>>) target_semaphore(%arg20 : memref<!tpu.dma_semaphore, #tpu.memory_space<semaphore_mem>>)
    %dma_start3A_1185 = arith.constant 2 : i32
    %dma_start3A_1186 = arith.constant 1 : i32
    %dma_start3A_1187 = arith.constant 2 : i32
    %dma_start3A_1188 = arith.constant 0 : i32
    %dma_start3A_1189 = arith.constant 0 : i32
    %dma_start3A_1190 = tpu.memref_slice %arg13[%dma_start3A_1186, %dma_start3A_1187, %dma_start3A_1188, %dma_start3A_1189] : memref<2x3x4x4096xf32, #tpu.memory_space<vmem>> -> memref<1x1x4x4096xf32, #tpu.memory_space<vmem>>
    %dma_start3A_1191 = tpu.memref_squeeze %dma_start3A_1190 : memref<1x1x4x4096xf32, #tpu.memory_space<vmem>> -> memref<4x4096xf32, #tpu.memory_space<vmem>>
    %dma_start3A_1192 = arith.constant 0 : i32
    %dma_start3A_1193 = tpu.memref_slice %arg5[%shift_right_arithmetic3A_1, %dma_start3A_1185, %add3A_1150, %dma_start3A_1192] : memref<4x3x256x4096xf32, #tpu.memory_space<hbm>> -> memref<1x1x4x4096xf32, #tpu.memory_space<hbm>>
    %dma_start3A_1194 = tpu.memref_squeeze %dma_start3A_1193 : memref<1x1x4x4096xf32, #tpu.memory_space<hbm>> -> memref<4x4096xf32, #tpu.memory_space<hbm>>
    %dma_start3A_1195 = arith.constant 0 : i32
    %dma_start3A_1196 = arith.constant 0 : i32
    %dma_start3A_1197 = tpu.memref_slice %arg13[%dma_start3A_1186, %dma_start3A_1187, %dma_start3A_1195, %dma_start3A_1196] : memref<2x3x4x4096xf32, #tpu.memory_space<vmem>> -> memref<1x1x4x4096xf32, #tpu.memory_space<vmem>>
    %dma_start3A_1198 = tpu.memref_squeeze %dma_start3A_1197 : memref<1x1x4x4096xf32, #tpu.memory_space<vmem>> -> memref<4x4096xf32, #tpu.memory_space<vmem>>
    %dma_start3A_1199 = arith.constant 0 : i32
    %dma_start3A_1200 = tpu.memref_slice %arg5[%shift_right_arithmetic3A_1, %dma_start3A_1185, %add3A_1150, %dma_start3A_1199] : memref<4x3x256x4096xf32, #tpu.memory_space<hbm>> -> memref<1x1x4x4096xf32, #tpu.memory_space<hbm>>
    %dma_start3A_1201 = tpu.memref_squeeze %dma_start3A_1200 : memref<1x1x4x4096xf32, #tpu.memory_space<hbm>> -> memref<4x4096xf32, #tpu.memory_space<hbm>>
    tpu.enqueue_dma source(%dma_start3A_1201 : memref<4x4096xf32, #tpu.memory_space<hbm>>) target(%dma_start3A_1198 : memref<4x4096xf32, #tpu.memory_space<vmem>>) target_semaphore(%arg20 : memref<!tpu.dma_semaphore, #tpu.memory_space<semaphore_mem>>)
    %dma_wait3A_1202 = arith.constant 0 : i32
    %dma_wait3A_1203 = arith.constant 0 : i32
    %dma_wait3A_1204 = arith.constant 0 : i32
    %dma_wait3A_1205 = arith.constant 0 : i32
    %dma_wait3A_1206 = arith.constant 0 : i32
    %dma_wait3A_1207 = tpu.memref_slice %arg13[%dma_wait3A_1203, %dma_wait3A_1204, %dma_wait3A_1205, %dma_wait3A_1206] : memref<2x3x4x4096xf32, #tpu.memory_space<vmem>> -> memref<1x1x4x4096xf32, #tpu.memory_space<vmem>>
    %dma_wait3A_1208 = tpu.memref_squeeze %dma_wait3A_1207 : memref<1x1x4x4096xf32, #tpu.memory_space<vmem>> -> memref<4x4096xf32, #tpu.memory_space<vmem>>
    %dma_wait3A_1209 = arith.constant 0 : i32
    %dma_wait3A_1210 = tpu.memref_slice %arg5[%shift_right_arithmetic3A_1, %dma_wait3A_1202, %add3A_1030, %dma_wait3A_1209] : memref<4x3x256x4096xf32, #tpu.memory_space<hbm>> -> memref<1x1x4x4096xf32, #tpu.memory_space<hbm>>
    %dma_wait3A_1211 = tpu.memref_squeeze %dma_wait3A_1210 : memref<1x1x4x4096xf32, #tpu.memory_space<hbm>> -> memref<4x4096xf32, #tpu.memory_space<hbm>>
    %dma_wait3A_1212 = arith.constant 0 : i32
    %dma_wait3A_1213 = arith.constant 0 : i32
    %dma_wait3A_1214 = tpu.memref_slice %arg13[%dma_wait3A_1203, %dma_wait3A_1204, %dma_wait3A_1212, %dma_wait3A_1213] : memref<2x3x4x4096xf32, #tpu.memory_space<vmem>> -> memref<1x1x4x4096xf32, #tpu.memory_space<vmem>>
    %dma_wait3A_1215 = tpu.memref_squeeze %dma_wait3A_1214 : memref<1x1x4x4096xf32, #tpu.memory_space<vmem>> -> memref<4x4096xf32, #tpu.memory_space<vmem>>
    %dma_wait3A_1216 = arith.constant 0 : i32
    %dma_wait3A_1217 = tpu.memref_slice %arg5[%shift_right_arithmetic3A_1, %dma_wait3A_1202, %add3A_1030, %dma_wait3A_1216] : memref<4x3x256x4096xf32, #tpu.memory_space<hbm>> -> memref<1x1x4x4096xf32, #tpu.memory_space<hbm>>
    %dma_wait3A_1218 = tpu.memref_squeeze %dma_wait3A_1217 : memref<1x1x4x4096xf32, #tpu.memory_space<hbm>> -> memref<4x4096xf32, #tpu.memory_space<hbm>>
    tpu.wait_dma2 semaphore(%arg19 : memref<!tpu.dma_semaphore, #tpu.memory_space<semaphore_mem>>) src(%dma_wait3A_1218 : memref<4x4096xf32, #tpu.memory_space<hbm>>) dst(%dma_wait3A_1215 : memref<4x4096xf32, #tpu.memory_space<vmem>>)
    %dma_wait3A_1219 = arith.constant 1 : i32
    %dma_wait3A_1220 = arith.constant 0 : i32
    %dma_wait3A_1221 = arith.constant 1 : i32
    %dma_wait3A_1222 = arith.constant 0 : i32
    %dma_wait3A_1223 = arith.constant 0 : i32
    %dma_wait3A_1224 = tpu.memref_slice %arg13[%dma_wait3A_1220, %dma_wait3A_1221, %dma_wait3A_1222, %dma_wait3A_1223] : memref<2x3x4x4096xf32, #tpu.memory_space<vmem>> -> memref<1x1x4x4096xf32, #tpu.memory_space<vmem>>
    %dma_wait3A_1225 = tpu.memref_squeeze %dma_wait3A_1224 : memref<1x1x4x4096xf32, #tpu.memory_space<vmem>> -> memref<4x4096xf32, #tpu.memory_space<vmem>>
    %dma_wait3A_1226 = arith.constant 0 : i32
    %dma_wait3A_1227 = tpu.memref_slice %arg5[%shift_right_arithmetic3A_1, %dma_wait3A_1219, %add3A_1030, %dma_wait3A_1226] : memref<4x3x256x4096xf32, #tpu.memory_space<hbm>> -> memref<1x1x4x4096xf32, #tpu.memory_space<hbm>>
    %dma_wait3A_1228 = tpu.memref_squeeze %dma_wait3A_1227 : memref<1x1x4x4096xf32, #tpu.memory_space<hbm>> -> memref<4x4096xf32, #tpu.memory_space<hbm>>
    %dma_wait3A_1229 = arith.constant 0 : i32
    %dma_wait3A_1230 = arith.constant 0 : i32
    %dma_wait3A_1231 = tpu.memref_slice %arg13[%dma_wait3A_1220, %dma_wait3A_1221, %dma_wait3A_1229, %dma_wait3A_1230] : memref<2x3x4x4096xf32, #tpu.memory_space<vmem>> -> memref<1x1x4x4096xf32, #tpu.memory_space<vmem>>
    %dma_wait3A_1232 = tpu.memref_squeeze %dma_wait3A_1231 : memref<1x1x4x4096xf32, #tpu.memory_space<vmem>> -> memref<4x4096xf32, #tpu.memory_space<vmem>>
    %dma_wait3A_1233 = arith.constant 0 : i32
    %dma_wait3A_1234 = tpu.memref_slice %arg5[%shift_right_arithmetic3A_1, %dma_wait3A_1219, %add3A_1030, %dma_wait3A_1233] : memref<4x3x256x4096xf32, #tpu.memory_space<hbm>> -> memref<1x1x4x4096xf32, #tpu.memory_space<hbm>>
    %dma_wait3A_1235 = tpu.memref_squeeze %dma_wait3A_1234 : memref<1x1x4x4096xf32, #tpu.memory_space<hbm>> -> memref<4x4096xf32, #tpu.memory_space<hbm>>
    tpu.wait_dma2 semaphore(%arg19 : memref<!tpu.dma_semaphore, #tpu.memory_space<semaphore_mem>>) src(%dma_wait3A_1235 : memref<4x4096xf32, #tpu.memory_space<hbm>>) dst(%dma_wait3A_1232 : memref<4x4096xf32, #tpu.memory_space<vmem>>)
    %dma_wait3A_1236 = arith.constant 2 : i32
    %dma_wait3A_1237 = arith.constant 0 : i32
    %dma_wait3A_1238 = arith.constant 2 : i32
    %dma_wait3A_1239 = arith.constant 0 : i32
    %dma_wait3A_1240 = arith.constant 0 : i32
    %dma_wait3A_1241 = tpu.memref_slice %arg13[%dma_wait3A_1237, %dma_wait3A_1238, %dma_wait3A_1239, %dma_wait3A_1240] : memref<2x3x4x4096xf32, #tpu.memory_space<vmem>> -> memref<1x1x4x4096xf32, #tpu.memory_space<vmem>>
    %dma_wait3A_1242 = tpu.memref_squeeze %dma_wait3A_1241 : memref<1x1x4x4096xf32, #tpu.memory_space<vmem>> -> memref<4x4096xf32, #tpu.memory_space<vmem>>
    %dma_wait3A_1243 = arith.constant 0 : i32
    %dma_wait3A_1244 = tpu.memref_slice %arg5[%shift_right_arithmetic3A_1, %dma_wait3A_1236, %add3A_1030, %dma_wait3A_1243] : memref<4x3x256x4096xf32, #tpu.memory_space<hbm>> -> memref<1x1x4x4096xf32, #tpu.memory_space<hbm>>
    %dma_wait3A_1245 = tpu.memref_squeeze %dma_wait3A_1244 : memref<1x1x4x4096xf32, #tpu.memory_space<hbm>> -> memref<4x4096xf32, #tpu.memory_space<hbm>>
    %dma_wait3A_1246 = arith.constant 0 : i32
    %dma_wait3A_1247 = arith.constant 0 : i32
    %dma_wait3A_1248 = tpu.memref_slice %arg13[%dma_wait3A_1237, %dma_wait3A_1238, %dma_wait3A_1246, %dma_wait3A_1247] : memref<2x3x4x4096xf32, #tpu.memory_space<vmem>> -> memref<1x1x4x4096xf32, #tpu.memory_space<vmem>>
    %dma_wait3A_1249 = tpu.memref_squeeze %dma_wait3A_1248 : memref<1x1x4x4096xf32, #tpu.memory_space<vmem>> -> memref<4x4096xf32, #tpu.memory_space<vmem>>
    %dma_wait3A_1250 = arith.constant 0 : i32
    %dma_wait3A_1251 = tpu.memref_slice %arg5[%shift_right_arithmetic3A_1, %dma_wait3A_1236, %add3A_1030, %dma_wait3A_1250] : memref<4x3x256x4096xf32, #tpu.memory_space<hbm>> -> memref<1x1x4x4096xf32, #tpu.memory_space<hbm>>
    %dma_wait3A_1252 = tpu.memref_squeeze %dma_wait3A_1251 : memref<1x1x4x4096xf32, #tpu.memory_space<hbm>> -> memref<4x4096xf32, #tpu.memory_space<hbm>>
    tpu.wait_dma2 semaphore(%arg19 : memref<!tpu.dma_semaphore, #tpu.memory_space<semaphore_mem>>) src(%dma_wait3A_1252 : memref<4x4096xf32, #tpu.memory_space<hbm>>) dst(%dma_wait3A_1249 : memref<4x4096xf32, #tpu.memory_space<vmem>>)
    %dma_wait3A_1253 = arith.constant 0 : i32
    %dma_wait3A_1254 = tpu.memref_slice %arg8[%shift_right_arithmetic3A_1, %add3A_1142, %dma_wait3A_1253] : memref<4x520x1024xf32, #tpu.memory_space<hbm>> -> memref<1x8x1024xf32, #tpu.memory_space<hbm>>
    %dma_wait3A_1255 = tpu.memref_squeeze %dma_wait3A_1254 : memref<1x8x1024xf32, #tpu.memory_space<hbm>> -> memref<8x1024xf32, #tpu.memory_space<hbm>>
    %dma_wait3A_1256 = arith.constant 0 : i32
    %dma_wait3A_1257 = tpu.memref_slice %arg8[%shift_right_arithmetic3A_1, %add3A_1142, %dma_wait3A_1256] : memref<4x520x1024xf32, #tpu.memory_space<hbm>> -> memref<1x8x1024xf32, #tpu.memory_space<hbm>>
    %dma_wait3A_1258 = tpu.memref_squeeze %dma_wait3A_1257 : memref<1x8x1024xf32, #tpu.memory_space<hbm>> -> memref<8x1024xf32, #tpu.memory_space<hbm>>
    tpu.wait_dma2 semaphore(%arg21 : memref<!tpu.dma_semaphore, #tpu.memory_space<semaphore_mem>>) src(%arg14 : memref<8x1024xf32, #tpu.memory_space<vmem>>) dst(%dma_wait3A_1258 : memref<8x1024xf32, #tpu.memory_space<hbm>>)
    %scan3A_1259 = arith.constant 0 : i32
    %scan3A_1260 = arith.constant 0 : i32
    %scan3A_1261 = arith.constant 64 : i32
    %scan3A_1262 = arith.addi %scan3A_1260, %scan3A_1261 : i32
    %scan3A_1263 = arith.constant 1 : i32
    scf.for %scan3A_1350 = %scan3A_1260 to %scan3A_1262 step %scan3A_1263  : i32 {
      %mul3A_1351 = arith.constant 16 : i32
      %mul3A_1352 = arith.muli %scan3A_1350, %mul3A_1351 : i32
      %get3A = arith.index_cast %mul3A_1352 : i32 to index
      %get3A_1353 = tpu.vector_load %arg11[%get3A] {strides = array<i32>} : memref<1024xi32, #tpu.memory_space<vmem>>, vector<16xi32>,
      %mul3A_1354 = arith.constant 16 : i32
      %mul3A_1355 = arith.muli %scan3A_1350, %mul3A_1354 : i32
      %get3A_1356 = arith.index_cast %mul3A_1355 : i32 to index
      %get3A_1357 = tpu.vector_load %arg12[%get3A_1356] {strides = array<i32>} : memref<1024xi32, #tpu.memory_space<vmem>>, vector<16xi32>,
      %broadcast_in_dim3A = arith.constant 0 : i32
      %broadcast_in_dim3A_1358 = vector.broadcast %broadcast_in_dim3A : i32 to vector<16xi32>
      %gather3A = arith.constant 0 : i32
      %gather3A_1359 = arith.constant 0 : i32
      %gather3A_1360 = arith.constant 0 : i32
      %gather3A_1361 = arith.constant 0 : i32
      %gather3A_1362 = tpu.memref_slice %arg13[%gather3A, %gather3A_1359, %gather3A_1360, %gather3A_1361] : memref<2x3x4x4096xf32, #tpu.memory_space<vmem>> -> memref<1x3x4x4096xf32, #tpu.memory_space<vmem>>
      %gather3A_1363 = tpu.memref_squeeze %gather3A_1362 : memref<1x3x4x4096xf32, #tpu.memory_space<vmem>> -> memref<3x4x4096xf32, #tpu.memory_space<vmem>>
      %gather3A_1364 = tpu.vector_load_idx %gather3A_1363[%get3A_1357, %broadcast_in_dim3A_1358, %get3A_1353] : memref<3x4x4096xf32, #tpu.memory_space<vmem>>[vector<16xi32>, vector<16xi32>, vector<16xi32>], vector<16xf32>,
      %mul3A_1365 = arith.constant 16 : i32
      %mul3A_1366 = arith.muli %scan3A_1350, %mul3A_1365 : i32
      %swap3A = arith.constant 0 : i32
      %swap3A_1367 = arith.index_cast %swap3A : i32 to index
      %swap3A_1368 = arith.index_cast %mul3A_1366 : i32 to index
      %swap3A_1369 = tpu.vector_load %arg14[%swap3A_1367, %swap3A_1368] {strides = array<i32>} : memref<8x1024xf32, #tpu.memory_space<vmem>>, vector<16xf32>,
      tpu.vector_store %arg14[%swap3A_1367, %swap3A_1368], %gather3A_1364 {strides = array<i32>} : memref<8x1024xf32, #tpu.memory_space<vmem>>, vector<16xf32>,
      %broadcast_in_dim3A_1370 = arith.constant 1 : i32
      %broadcast_in_dim3A_1371 = vector.broadcast %broadcast_in_dim3A_1370 : i32 to vector<16xi32>
      %gather3A_1372 = arith.constant 0 : i32
      %gather3A_1373 = arith.constant 0 : i32
      %gather3A_1374 = arith.constant 0 : i32
      %gather3A_1375 = arith.constant 0 : i32
      %gather3A_1376 = tpu.memref_slice %arg13[%gather3A_1372, %gather3A_1373, %gather3A_1374, %gather3A_1375] : memref<2x3x4x4096xf32, #tpu.memory_space<vmem>> -> memref<1x3x4x4096xf32, #tpu.memory_space<vmem>>
      %gather3A_1377 = tpu.memref_squeeze %gather3A_1376 : memref<1x3x4x4096xf32, #tpu.memory_space<vmem>> -> memref<3x4x4096xf32, #tpu.memory_space<vmem>>
      %gather3A_1378 = tpu.vector_load_idx %gather3A_1377[%get3A_1357, %broadcast_in_dim3A_1371, %get3A_1353] : memref<3x4x4096xf32, #tpu.memory_space<vmem>>[vector<16xi32>, vector<16xi32>, vector<16xi32>], vector<16xf32>,
      %mul3A_1379 = arith.constant 16 : i32
      %mul3A_1380 = arith.muli %scan3A_1350, %mul3A_1379 : i32
      %swap3A_1381 = arith.constant 1 : i32
      %swap3A_1382 = arith.index_cast %swap3A_1381 : i32 to index
      %swap3A_1383 = arith.index_cast %mul3A_1380 : i32 to index
      %swap3A_1384 = tpu.vector_load %arg14[%swap3A_1382, %swap3A_1383] {strides = array<i32>} : memref<8x1024xf32, #tpu.memory_space<vmem>>, vector<16xf32>,
      tpu.vector_store %arg14[%swap3A_1382, %swap3A_1383], %gather3A_1378 {strides = array<i32>} : memref<8x1024xf32, #tpu.memory_space<vmem>>, vector<16xf32>,
      %broadcast_in_dim3A_1385 = arith.constant 2 : i32
      %broadcast_in_dim3A_1386 = vector.broadcast %broadcast_in_dim3A_1385 : i32 to vector<16xi32>
      %gather3A_1387 = arith.constant 0 : i32
      %gather3A_1388 = arith.constant 0 : i32
      %gather3A_1389 = arith.constant 0 : i32
      %gather3A_1390 = arith.constant 0 : i32
      %gather3A_1391 = tpu.memref_slice %arg13[%gather3A_1387, %gather3A_1388, %gather3A_1389, %gather3A_1390] : memref<2x3x4x4096xf32, #tpu.memory_space<vmem>> -> memref<1x3x4x4096xf32, #tpu.memory_space<vmem>>
      %gather3A_1392 = tpu.memref_squeeze %gather3A_1391 : memref<1x3x4x4096xf32, #tpu.memory_space<vmem>> -> memref<3x4x4096xf32, #tpu.memory_space<vmem>>
      %gather3A_1393 = tpu.vector_load_idx %gather3A_1392[%get3A_1357, %broadcast_in_dim3A_1386, %get3A_1353] : memref<3x4x4096xf32, #tpu.memory_space<vmem>>[vector<16xi32>, vector<16xi32>, vector<16xi32>], vector<16xf32>,
      %mul3A_1394 = arith.constant 16 : i32
      %mul3A_1395 = arith.muli %scan3A_1350, %mul3A_1394 : i32
      %swap3A_1396 = arith.constant 2 : i32
      %swap3A_1397 = arith.index_cast %swap3A_1396 : i32 to index
      %swap3A_1398 = arith.index_cast %mul3A_1395 : i32 to index
      %swap3A_1399 = tpu.vector_load %arg14[%swap3A_1397, %swap3A_1398] {strides = array<i32>} : memref<8x1024xf32, #tpu.memory_space<vmem>>, vector<16xf32>,
      tpu.vector_store %arg14[%swap3A_1397, %swap3A_1398], %gather3A_1393 {strides = array<i32>} : memref<8x1024xf32, #tpu.memory_space<vmem>>, vector<16xf32>,
      %broadcast_in_dim3A_1400 = arith.constant 3 : i32
      %broadcast_in_dim3A_1401 = vector.broadcast %broadcast_in_dim3A_1400 : i32 to vector<16xi32>
      %gather3A_1402 = arith.constant 0 : i32
      %gather3A_1403 = arith.constant 0 : i32
      %gather3A_1404 = arith.constant 0 : i32
      %gather3A_1405 = arith.constant 0 : i32
      %gather3A_1406 = tpu.memref_slice %arg13[%gather3A_1402, %gather3A_1403, %gather3A_1404, %gather3A_1405] : memref<2x3x4x4096xf32, #tpu.memory_space<vmem>> -> memref<1x3x4x4096xf32, #tpu.memory_space<vmem>>
      %gather3A_1407 = tpu.memref_squeeze %gather3A_1406 : memref<1x3x4x4096xf32, #tpu.memory_space<vmem>> -> memref<3x4x4096xf32, #tpu.memory_space<vmem>>
      %gather3A_1408 = tpu.vector_load_idx %gather3A_1407[%get3A_1357, %broadcast_in_dim3A_1401, %get3A_1353] : memref<3x4x4096xf32, #tpu.memory_space<vmem>>[vector<16xi32>, vector<16xi32>, vector<16xi32>], vector<16xf32>,
      %mul3A_1409 = arith.constant 16 : i32
      %mul3A_1410 = arith.muli %scan3A_1350, %mul3A_1409 : i32
      %swap3A_1411 = arith.constant 3 : i32
      %swap3A_1412 = arith.index_cast %swap3A_1411 : i32 to index
      %swap3A_1413 = arith.index_cast %mul3A_1410 : i32 to index
      %swap3A_1414 = tpu.vector_load %arg14[%swap3A_1412, %swap3A_1413] {strides = array<i32>} : memref<8x1024xf32, #tpu.memory_space<vmem>>, vector<16xf32>,
      tpu.vector_store %arg14[%swap3A_1412, %swap3A_1413], %gather3A_1408 {strides = array<i32>} : memref<8x1024xf32, #tpu.memory_space<vmem>>, vector<16xf32>,
    }
    %scan3A_1264 = arith.constant 64 : i32
    %dma_wait3A_1265 = arith.constant 0 : i32
    %dma_wait3A_1266 = arith.constant 1 : i32
    %dma_wait3A_1267 = arith.constant 0 : i32
    %dma_wait3A_1268 = arith.constant 0 : i32
    %dma_wait3A_1269 = arith.constant 0 : i32
    %dma_wait3A_1270 = tpu.memref_slice %arg13[%dma_wait3A_1266, %dma_wait3A_1267, %dma_wait3A_1268, %dma_wait3A_1269] : memref<2x3x4x4096xf32, #tpu.memory_space<vmem>> -> memref<1x1x4x4096xf32, #tpu.memory_space<vmem>>
    %dma_wait3A_1271 = tpu.memref_squeeze %dma_wait3A_1270 : memref<1x1x4x4096xf32, #tpu.memory_space<vmem>> -> memref<4x4096xf32, #tpu.memory_space<vmem>>
    %dma_wait3A_1272 = arith.constant 0 : i32
    %dma_wait3A_1273 = tpu.memref_slice %arg5[%shift_right_arithmetic3A_1, %dma_wait3A_1265, %add3A_1150, %dma_wait3A_1272] : memref<4x3x256x4096xf32, #tpu.memory_space<hbm>> -> memref<1x1x4x4096xf32, #tpu.memory_space<hbm>>
    %dma_wait3A_1274 = tpu.memref_squeeze %dma_wait3A_1273 : memref<1x1x4x4096xf32, #tpu.memory_space<hbm>> -> memref<4x4096xf32, #tpu.memory_space<hbm>>
    %dma_wait3A_1275 = arith.constant 0 : i32
    %dma_wait3A_1276 = arith.constant 0 : i32
    %dma_wait3A_1277 = tpu.memref_slice %arg13[%dma_wait3A_1266, %dma_wait3A_1267, %dma_wait3A_1275, %dma_wait3A_1276] : memref<2x3x4x4096xf32, #tpu.memory_space<vmem>> -> memref<1x1x4x4096xf32, #tpu.memory_space<vmem>>
    %dma_wait3A_1278 = tpu.memref_squeeze %dma_wait3A_1277 : memref<1x1x4x4096xf32, #tpu.memory_space<vmem>> -> memref<4x4096xf32, #tpu.memory_space<vmem>>
    %dma_wait3A_1279 = arith.constant 0 : i32
    %dma_wait3A_1280 = tpu.memref_slice %arg5[%shift_right_arithmetic3A_1, %dma_wait3A_1265, %add3A_1150, %dma_wait3A_1279] : memref<4x3x256x4096xf32, #tpu.memory_space<hbm>> -> memref<1x1x4x4096xf32, #tpu.memory_space<hbm>>
    %dma_wait3A_1281 = tpu.memref_squeeze %dma_wait3A_1280 : memref<1x1x4x4096xf32, #tpu.memory_space<hbm>> -> memref<4x4096xf32, #tpu.memory_space<hbm>>
    tpu.wait_dma2 semaphore(%arg20 : memref<!tpu.dma_semaphore, #tpu.memory_space<semaphore_mem>>) src(%dma_wait3A_1281 : memref<4x4096xf32, #tpu.memory_space<hbm>>) dst(%dma_wait3A_1278 : memref<4x4096xf32, #tpu.memory_space<vmem>>)
    %dma_wait3A_1282 = arith.constant 1 : i32
    %dma_wait3A_1283 = arith.constant 1 : i32
    %dma_wait3A_1284 = arith.constant 1 : i32
    %dma_wait3A_1285 = arith.constant 0 : i32
    %dma_wait3A_1286 = arith.constant 0 : i32
    %dma_wait3A_1287 = tpu.memref_slice %arg13[%dma_wait3A_1283, %dma_wait3A_1284, %dma_wait3A_1285, %dma_wait3A_1286] : memref<2x3x4x4096xf32, #tpu.memory_space<vmem>> -> memref<1x1x4x4096xf32, #tpu.memory_space<vmem>>
    %dma_wait3A_1288 = tpu.memref_squeeze %dma_wait3A_1287 : memref<1x1x4x4096xf32, #tpu.memory_space<vmem>> -> memref<4x4096xf32, #tpu.memory_space<vmem>>
    %dma_wait3A_1289 = arith.constant 0 : i32
    %dma_wait3A_1290 = tpu.memref_slice %arg5[%shift_right_arithmetic3A_1, %dma_wait3A_1282, %add3A_1150, %dma_wait3A_1289] : memref<4x3x256x4096xf32, #tpu.memory_space<hbm>> -> memref<1x1x4x4096xf32, #tpu.memory_space<hbm>>
    %dma_wait3A_1291 = tpu.memref_squeeze %dma_wait3A_1290 : memref<1x1x4x4096xf32, #tpu.memory_space<hbm>> -> memref<4x4096xf32, #tpu.memory_space<hbm>>
    %dma_wait3A_1292 = arith.constant 0 : i32
    %dma_wait3A_1293 = arith.constant 0 : i32
    %dma_wait3A_1294 = tpu.memref_slice %arg13[%dma_wait3A_1283, %dma_wait3A_1284, %dma_wait3A_1292, %dma_wait3A_1293] : memref<2x3x4x4096xf32, #tpu.memory_space<vmem>> -> memref<1x1x4x4096xf32, #tpu.memory_space<vmem>>
    %dma_wait3A_1295 = tpu.memref_squeeze %dma_wait3A_1294 : memref<1x1x4x4096xf32, #tpu.memory_space<vmem>> -> memref<4x4096xf32, #tpu.memory_space<vmem>>
    %dma_wait3A_1296 = arith.constant 0 : i32
    %dma_wait3A_1297 = tpu.memref_slice %arg5[%shift_right_arithmetic3A_1, %dma_wait3A_1282, %add3A_1150, %dma_wait3A_1296] : memref<4x3x256x4096xf32, #tpu.memory_space<hbm>> -> memref<1x1x4x4096xf32, #tpu.memory_space<hbm>>
    %dma_wait3A_1298 = tpu.memref_squeeze %dma_wait3A_1297 : memref<1x1x4x4096xf32, #tpu.memory_space<hbm>> -> memref<4x4096xf32, #tpu.memory_space<hbm>>
    tpu.wait_dma2 semaphore(%arg20 : memref<!tpu.dma_semaphore, #tpu.memory_space<semaphore_mem>>) src(%dma_wait3A_1298 : memref<4x4096xf32, #tpu.memory_space<hbm>>) dst(%dma_wait3A_1295 : memref<4x4096xf32, #tpu.memory_space<vmem>>)
    %dma_wait3A_1299 = arith.constant 2 : i32
    %dma_wait3A_1300 = arith.constant 1 : i32
    %dma_wait3A_1301 = arith.constant 2 : i32
    %dma_wait3A_1302 = arith.constant 0 : i32
    %dma_wait3A_1303 = arith.constant 0 : i32
    %dma_wait3A_1304 = tpu.memref_slice %arg13[%dma_wait3A_1300, %dma_wait3A_1301, %dma_wait3A_1302, %dma_wait3A_1303] : memref<2x3x4x4096xf32, #tpu.memory_space<vmem>> -> memref<1x1x4x4096xf32, #tpu.memory_space<vmem>>
    %dma_wait3A_1305 = tpu.memref_squeeze %dma_wait3A_1304 : memref<1x1x4x4096xf32, #tpu.memory_space<vmem>> -> memref<4x4096xf32, #tpu.memory_space<vmem>>
    %dma_wait3A_1306 = arith.constant 0 : i32
    %dma_wait3A_1307 = tpu.memref_slice %arg5[%shift_right_arithmetic3A_1, %dma_wait3A_1299, %add3A_1150, %dma_wait3A_1306] : memref<4x3x256x4096xf32, #tpu.memory_space<hbm>> -> memref<1x1x4x4096xf32, #tpu.memory_space<hbm>>
    %dma_wait3A_1308 = tpu.memref_squeeze %dma_wait3A_1307 : memref<1x1x4x4096xf32, #tpu.memory_space<hbm>> -> memref<4x4096xf32, #tpu.memory_space<hbm>>
    %dma_wait3A_1309 = arith.constant 0 : i32
    %dma_wait3A_1310 = arith.constant 0 : i32
    %dma_wait3A_1311 = tpu.memref_slice %arg13[%dma_wait3A_1300, %dma_wait3A_1301, %dma_wait3A_1309, %dma_wait3A_1310] : memref<2x3x4x4096xf32, #tpu.memory_space<vmem>> -> memref<1x1x4x4096xf32, #tpu.memory_space<vmem>>
    %dma_wait3A_1312 = tpu.memref_squeeze %dma_wait3A_1311 : memref<1x1x4x4096xf32, #tpu.memory_space<vmem>> -> memref<4x4096xf32, #tpu.memory_space<vmem>>
    %dma_wait3A_1313 = arith.constant 0 : i32
    %dma_wait3A_1314 = tpu.memref_slice %arg5[%shift_right_arithmetic3A_1, %dma_wait3A_1299, %add3A_1150, %dma_wait3A_1313] : memref<4x3x256x4096xf32, #tpu.memory_space<hbm>> -> memref<1x1x4x4096xf32, #tpu.memory_space<hbm>>
    %dma_wait3A_1315 = tpu.memref_squeeze %dma_wait3A_1314 : memref<1x1x4x4096xf32, #tpu.memory_space<hbm>> -> memref<4x4096xf32, #tpu.memory_space<hbm>>
    tpu.wait_dma2 semaphore(%arg20 : memref<!tpu.dma_semaphore, #tpu.memory_space<semaphore_mem>>) src(%dma_wait3A_1315 : memref<4x4096xf32, #tpu.memory_space<hbm>>) dst(%dma_wait3A_1312 : memref<4x4096xf32, #tpu.memory_space<vmem>>)
    %scan3A_1316 = arith.constant 0 : i32
    %scan3A_1317 = arith.constant 0 : i32
    %scan3A_1318 = arith.constant 64 : i32
    %scan3A_1319 = arith.addi %scan3A_1317, %scan3A_1318 : i32
    %scan3A_1320 = arith.constant 1 : i32
    scf.for %scan3A_1350 = %scan3A_1317 to %scan3A_1319 step %scan3A_1320  : i32 {
      %mul3A_1351 = arith.constant 16 : i32
      %mul3A_1352 = arith.muli %scan3A_1350, %mul3A_1351 : i32
      %get3A = arith.index_cast %mul3A_1352 : i32 to index
      %get3A_1353 = tpu.vector_load %arg11[%get3A] {strides = array<i32>} : memref<1024xi32, #tpu.memory_space<vmem>>, vector<16xi32>,
      %mul3A_1354 = arith.constant 16 : i32
      %mul3A_1355 = arith.muli %scan3A_1350, %mul3A_1354 : i32
      %get3A_1356 = arith.index_cast %mul3A_1355 : i32 to index
      %get3A_1357 = tpu.vector_load %arg12[%get3A_1356] {strides = array<i32>} : memref<1024xi32, #tpu.memory_space<vmem>>, vector<16xi32>,
      %broadcast_in_dim3A = arith.constant 0 : i32
      %broadcast_in_dim3A_1358 = vector.broadcast %broadcast_in_dim3A : i32 to vector<16xi32>
      %gather3A = arith.constant 1 : i32
      %gather3A_1359 = arith.constant 0 : i32
      %gather3A_1360 = arith.constant 0 : i32
      %gather3A_1361 = arith.constant 0 : i32
      %gather3A_1362 = tpu.memref_slice %arg13[%gather3A, %gather3A_1359, %gather3A_1360, %gather3A_1361] : memref<2x3x4x4096xf32, #tpu.memory_space<vmem>> -> memref<1x3x4x4096xf32, #tpu.memory_space<vmem>>
      %gather3A_1363 = tpu.memref_squeeze %gather3A_1362 : memref<1x3x4x4096xf32, #tpu.memory_space<vmem>> -> memref<3x4x4096xf32, #tpu.memory_space<vmem>>
      %gather3A_1364 = tpu.vector_load_idx %gather3A_1363[%get3A_1357, %broadcast_in_dim3A_1358, %get3A_1353] : memref<3x4x4096xf32, #tpu.memory_space<vmem>>[vector<16xi32>, vector<16xi32>, vector<16xi32>], vector<16xf32>,
      %mul3A_1365 = arith.constant 16 : i32
      %mul3A_1366 = arith.muli %scan3A_1350, %mul3A_1365 : i32
      %swap3A = arith.constant 4 : i32
      %swap3A_1367 = arith.index_cast %swap3A : i32 to index
      %swap3A_1368 = arith.index_cast %mul3A_1366 : i32 to index
      %swap3A_1369 = tpu.vector_load %arg14[%swap3A_1367, %swap3A_1368] {strides = array<i32>} : memref<8x1024xf32, #tpu.memory_space<vmem>>, vector<16xf32>,
      tpu.vector_store %arg14[%swap3A_1367, %swap3A_1368], %gather3A_1364 {strides = array<i32>} : memref<8x1024xf32, #tpu.memory_space<vmem>>, vector<16xf32>,
      %broadcast_in_dim3A_1370 = arith.constant 1 : i32
      %broadcast_in_dim3A_1371 = vector.broadcast %broadcast_in_dim3A_1370 : i32 to vector<16xi32>
      %gather3A_1372 = arith.constant 1 : i32
      %gather3A_1373 = arith.constant 0 : i32
      %gather3A_1374 = arith.constant 0 : i32
      %gather3A_1375 = arith.constant 0 : i32
      %gather3A_1376 = tpu.memref_slice %arg13[%gather3A_1372, %gather3A_1373, %gather3A_1374, %gather3A_1375] : memref<2x3x4x4096xf32, #tpu.memory_space<vmem>> -> memref<1x3x4x4096xf32, #tpu.memory_space<vmem>>
      %gather3A_1377 = tpu.memref_squeeze %gather3A_1376 : memref<1x3x4x4096xf32, #tpu.memory_space<vmem>> -> memref<3x4x4096xf32, #tpu.memory_space<vmem>>
      %gather3A_1378 = tpu.vector_load_idx %gather3A_1377[%get3A_1357, %broadcast_in_dim3A_1371, %get3A_1353] : memref<3x4x4096xf32, #tpu.memory_space<vmem>>[vector<16xi32>, vector<16xi32>, vector<16xi32>], vector<16xf32>,
      %mul3A_1379 = arith.constant 16 : i32
      %mul3A_1380 = arith.muli %scan3A_1350, %mul3A_1379 : i32
      %swap3A_1381 = arith.constant 5 : i32
      %swap3A_1382 = arith.index_cast %swap3A_1381 : i32 to index
      %swap3A_1383 = arith.index_cast %mul3A_1380 : i32 to index
      %swap3A_1384 = tpu.vector_load %arg14[%swap3A_1382, %swap3A_1383] {strides = array<i32>} : memref<8x1024xf32, #tpu.memory_space<vmem>>, vector<16xf32>,
      tpu.vector_store %arg14[%swap3A_1382, %swap3A_1383], %gather3A_1378 {strides = array<i32>} : memref<8x1024xf32, #tpu.memory_space<vmem>>, vector<16xf32>,
      %broadcast_in_dim3A_1385 = arith.constant 2 : i32
      %broadcast_in_dim3A_1386 = vector.broadcast %broadcast_in_dim3A_1385 : i32 to vector<16xi32>
      %gather3A_1387 = arith.constant 1 : i32
      %gather3A_1388 = arith.constant 0 : i32
      %gather3A_1389 = arith.constant 0 : i32
      %gather3A_1390 = arith.constant 0 : i32
      %gather3A_1391 = tpu.memref_slice %arg13[%gather3A_1387, %gather3A_1388, %gather3A_1389, %gather3A_1390] : memref<2x3x4x4096xf32, #tpu.memory_space<vmem>> -> memref<1x3x4x4096xf32, #tpu.memory_space<vmem>>
      %gather3A_1392 = tpu.memref_squeeze %gather3A_1391 : memref<1x3x4x4096xf32, #tpu.memory_space<vmem>> -> memref<3x4x4096xf32, #tpu.memory_space<vmem>>
      %gather3A_1393 = tpu.vector_load_idx %gather3A_1392[%get3A_1357, %broadcast_in_dim3A_1386, %get3A_1353] : memref<3x4x4096xf32, #tpu.memory_space<vmem>>[vector<16xi32>, vector<16xi32>, vector<16xi32>], vector<16xf32>,
      %mul3A_1394 = arith.constant 16 : i32
      %mul3A_1395 = arith.muli %scan3A_1350, %mul3A_1394 : i32
      %swap3A_1396 = arith.constant 6 : i32
      %swap3A_1397 = arith.index_cast %swap3A_1396 : i32 to index
      %swap3A_1398 = arith.index_cast %mul3A_1395 : i32 to index
      %swap3A_1399 = tpu.vector_load %arg14[%swap3A_1397, %swap3A_1398] {strides = array<i32>} : memref<8x1024xf32, #tpu.memory_space<vmem>>, vector<16xf32>,
      tpu.vector_store %arg14[%swap3A_1397, %swap3A_1398], %gather3A_1393 {strides = array<i32>} : memref<8x1024xf32, #tpu.memory_space<vmem>>, vector<16xf32>,
      %broadcast_in_dim3A_1400 = arith.constant 3 : i32
      %broadcast_in_dim3A_1401 = vector.broadcast %broadcast_in_dim3A_1400 : i32 to vector<16xi32>
      %gather3A_1402 = arith.constant 1 : i32
      %gather3A_1403 = arith.constant 0 : i32
      %gather3A_1404 = arith.constant 0 : i32
      %gather3A_1405 = arith.constant 0 : i32
      %gather3A_1406 = tpu.memref_slice %arg13[%gather3A_1402, %gather3A_1403, %gather3A_1404, %gather3A_1405] : memref<2x3x4x4096xf32, #tpu.memory_space<vmem>> -> memref<1x3x4x4096xf32, #tpu.memory_space<vmem>>
      %gather3A_1407 = tpu.memref_squeeze %gather3A_1406 : memref<1x3x4x4096xf32, #tpu.memory_space<vmem>> -> memref<3x4x4096xf32, #tpu.memory_space<vmem>>
      %gather3A_1408 = tpu.vector_load_idx %gather3A_1407[%get3A_1357, %broadcast_in_dim3A_1401, %get3A_1353] : memref<3x4x4096xf32, #tpu.memory_space<vmem>>[vector<16xi32>, vector<16xi32>, vector<16xi32>], vector<16xf32>,
      %mul3A_1409 = arith.constant 16 : i32
      %mul3A_1410 = arith.muli %scan3A_1350, %mul3A_1409 : i32
      %swap3A_1411 = arith.constant 7 : i32
      %swap3A_1412 = arith.index_cast %swap3A_1411 : i32 to index
      %swap3A_1413 = arith.index_cast %mul3A_1410 : i32 to index
      %swap3A_1414 = tpu.vector_load %arg14[%swap3A_1412, %swap3A_1413] {strides = array<i32>} : memref<8x1024xf32, #tpu.memory_space<vmem>>, vector<16xf32>,
      tpu.vector_store %arg14[%swap3A_1412, %swap3A_1413], %gather3A_1408 {strides = array<i32>} : memref<8x1024xf32, #tpu.memory_space<vmem>>, vector<16xf32>,
    }
    %scan3A_1321 = arith.constant 64 : i32
    %add3A_1322 = arith.constant 24 : i32
    %add3A_1323 = arith.addi %mul3A_11, %add3A_1322 : i32
    %add3A_1324 = arith.constant 256 : i32
    %add3A_1325 = arith.addi %add3A_1323, %add3A_1324 : i32
    %dma_start3A_1326 = arith.constant 0 : i32
    %dma_start3A_1327 = tpu.memref_slice %arg8[%shift_right_arithmetic3A_1, %add3A_1325, %dma_start3A_1326] : memref<4x520x1024xf32, #tpu.memory_space<hbm>> -> memref<1x8x1024xf32, #tpu.memory_space<hbm>>
    %dma_start3A_1328 = tpu.memref_squeeze %dma_start3A_1327 : memref<1x8x1024xf32, #tpu.memory_space<hbm>> -> memref<8x1024xf32, #tpu.memory_space<hbm>>
    %dma_start3A_1329 = arith.constant 0 : i32
    %dma_start3A_1330 = tpu.memref_slice %arg8[%shift_right_arithmetic3A_1, %add3A_1325, %dma_start3A_1329] : memref<4x520x1024xf32, #tpu.memory_space<hbm>> -> memref<1x8x1024xf32, #tpu.memory_space<hbm>>
    %dma_start3A_1331 = tpu.memref_squeeze %dma_start3A_1330 : memref<1x8x1024xf32, #tpu.memory_space<hbm>> -> memref<8x1024xf32, #tpu.memory_space<hbm>>
    tpu.enqueue_dma source(%arg14 : memref<8x1024xf32, #tpu.memory_space<vmem>>) target(%dma_start3A_1331 : memref<8x1024xf32, #tpu.memory_space<hbm>>) target_semaphore(%arg21 : memref<!tpu.dma_semaphore, #tpu.memory_space<semaphore_mem>>)
    %dma_wait3A_1332 = arith.constant 0 : i32
    %dma_wait3A_1333 = tpu.memref_slice %arg8[%shift_right_arithmetic3A_1, %add3A_1325, %dma_wait3A_1332] : memref<4x520x1024xf32, #tpu.memory_space<hbm>> -> memref<1x8x1024xf32, #tpu.memory_space<hbm>>
    %dma_wait3A_1334 = tpu.memref_squeeze %dma_wait3A_1333 : memref<1x8x1024xf32, #tpu.memory_space<hbm>> -> memref<8x1024xf32, #tpu.memory_space<hbm>>
    %dma_wait3A_1335 = arith.constant 0 : i32
    %dma_wait3A_1336 = tpu.memref_slice %arg8[%shift_right_arithmetic3A_1, %add3A_1325, %dma_wait3A_1335] : memref<4x520x1024xf32, #tpu.memory_space<hbm>> -> memref<1x8x1024xf32, #tpu.memory_space<hbm>>
    %dma_wait3A_1337 = tpu.memref_squeeze %dma_wait3A_1336 : memref<1x8x1024xf32, #tpu.memory_space<hbm>> -> memref<8x1024xf32, #tpu.memory_space<hbm>>
    tpu.wait_dma2 semaphore(%arg21 : memref<!tpu.dma_semaphore, #tpu.memory_space<semaphore_mem>>) src(%arg14 : memref<8x1024xf32, #tpu.memory_space<vmem>>) dst(%dma_wait3A_1337 : memref<8x1024xf32, #tpu.memory_space<hbm>>)
    %eq3A = arith.constant 0 : i32
    %eq3A_1338 = arith.cmpi eq, %and3A_2, %eq3A : i32
    %convert_element_type3A = arith.extui %eq3A_1338 : i1 to i32
    %cond3A = arith.constant 0 : i32
    %cond3A_1339 = arith.cmpi ne, %convert_element_type3A, %cond3A : i32
    scf.if %cond3A_1339 {
      %mul3A_1350 = arith.constant 128 : i32
      %mul3A_1351 = arith.muli %shift_right_arithmetic3A_1, %mul3A_1350 : i32
      "tpu.region"() ({
        %run_scoped3A = tpu.sem_alloc : memref<!tpu.dma_semaphore, #tpu.memory_space<semaphore_mem>>
        %dma_start3A_1359 = tpu.memref_slice %arg3[%mul3A_1351] : memref<512xi32, #tpu.memory_space<hbm>> -> memref<128xi32, #tpu.memory_space<hbm>>
        %dma_start3A_1360 = tpu.memref_slice %arg3[%mul3A_1351] : memref<512xi32, #tpu.memory_space<hbm>> -> memref<128xi32, #tpu.memory_space<hbm>>
        tpu.enqueue_dma source(%dma_start3A_1360 : memref<128xi32, #tpu.memory_space<hbm>>) target(%arg18 : memref<128xi32, #tpu.memory_space<vmem>>) target_semaphore(%run_scoped3A : memref<!tpu.dma_semaphore, #tpu.memory_space<semaphore_mem>>)
        %dma_wait3A_1361 = tpu.memref_slice %arg3[%mul3A_1351] : memref<512xi32, #tpu.memory_space<hbm>> -> memref<128xi32, #tpu.memory_space<hbm>>
        %dma_wait3A_1362 = tpu.memref_slice %arg3[%mul3A_1351] : memref<512xi32, #tpu.memory_space<hbm>> -> memref<128xi32, #tpu.memory_space<hbm>>
        tpu.wait_dma2 semaphore(%run_scoped3A : memref<!tpu.dma_semaphore, #tpu.memory_space<semaphore_mem>>) src(%dma_wait3A_1362 : memref<128xi32, #tpu.memory_space<hbm>>) dst(%arg18 : memref<128xi32, #tpu.memory_space<vmem>>)
        tpu.yield
      }) : () -> ()
      %get3A = arith.constant 0 : index
      %get3A_1352 = tpu.vector_load %arg18[%get3A] {strides = array<i32>} : memref<128xi32, #tpu.memory_space<vmem>>, vector<16xi32>,
      %scan3A_1353 = arith.constant 0 : i32
      %scan3A_1354 = arith.constant 0 : i32
      %scan3A_1355 = arith.constant 64 : i32
      %scan3A_1356 = arith.addi %scan3A_1354, %scan3A_1355 : i32
      %scan3A_1357 = arith.constant 1 : i32
      scf.for %scan3A_1359 = %scan3A_1354 to %scan3A_1356 step %scan3A_1357  : i32 {
        %mul3A_1360 = arith.constant 16 : i32
        %mul3A_1361 = arith.muli %scan3A_1359, %mul3A_1360 : i32
        %add3A_1362 = vector.broadcast %mul3A_1361 : i32 to vector<16xi32>
        %add3A_1363 = arith.addi %add3A_1362, %iota3A : vector<16xi32>
        %lt3A = arith.cmpi slt, %add3A_1363, %get3A_1352 : vector<16xi32>
        %convert_element_type3A_1364 = arith.extui %lt3A : vector<16xi1> to vector<16xi32>
        %convert_element_type3A_1365 = arith.sitofp %convert_element_type3A_1364 : vector<16xi32> to vector<16xf32>
        %mul3A_1366 = arith.constant 16 : i32
        %mul3A_1367 = arith.muli %scan3A_1359, %mul3A_1366 : i32
        %swap3A = arith.constant 0 : i32
        %swap3A_1368 = arith.index_cast %swap3A : i32 to index
        %swap3A_1369 = arith.index_cast %mul3A_1367 : i32 to index
        %swap3A_1370 = tpu.vector_load %arg14[%swap3A_1368, %swap3A_1369] {strides = array<i32>} : memref<8x1024xf32, #tpu.memory_space<vmem>>, vector<16xf32>,
        tpu.vector_store %arg14[%swap3A_1368, %swap3A_1369], %convert_element_type3A_1365 {strides = array<i32>} : memref<8x1024xf32, #tpu.memory_space<vmem>>, vector<16xf32>,
      }
      %scan3A_1358 = arith.constant 64 : i32
      "tpu.region"() ({
        %run_scoped3A = tpu.sem_alloc : memref<!tpu.dma_semaphore, #tpu.memory_space<semaphore_mem>>
        %dma_start3A_1359 = arith.constant 512 : i32
        %dma_start3A_1360 = arith.constant 0 : i32
        %dma_start3A_1361 = tpu.memref_slice %arg8[%shift_right_arithmetic3A_1, %dma_start3A_1359, %dma_start3A_1360] : memref<4x520x1024xf32, #tpu.memory_space<hbm>> -> memref<1x8x1024xf32, #tpu.memory_space<hbm>>
        %dma_start3A_1362 = tpu.memref_squeeze %dma_start3A_1361 : memref<1x8x1024xf32, #tpu.memory_space<hbm>> -> memref<8x1024xf32, #tpu.memory_space<hbm>>
        %dma_start3A_1363 = arith.constant 512 : i32
        %dma_start3A_1364 = arith.constant 0 : i32
        %dma_start3A_1365 = tpu.memref_slice %arg8[%shift_right_arithmetic3A_1, %dma_start3A_1363, %dma_start3A_1364] : memref<4x520x1024xf32, #tpu.memory_space<hbm>> -> memref<1x8x1024xf32, #tpu.memory_space<hbm>>
        %dma_start3A_1366 = tpu.memref_squeeze %dma_start3A_1365 : memref<1x8x1024xf32, #tpu.memory_space<hbm>> -> memref<8x1024xf32, #tpu.memory_space<hbm>>
        tpu.enqueue_dma source(%arg14 : memref<8x1024xf32, #tpu.memory_space<vmem>>) target(%dma_start3A_1366 : memref<8x1024xf32, #tpu.memory_space<hbm>>) target_semaphore(%run_scoped3A : memref<!tpu.dma_semaphore, #tpu.memory_space<semaphore_mem>>)
        %dma_wait3A_1367 = arith.constant 512 : i32
        %dma_wait3A_1368 = arith.constant 0 : i32
        %dma_wait3A_1369 = tpu.memref_slice %arg8[%shift_right_arithmetic3A_1, %dma_wait3A_1367, %dma_wait3A_1368] : memref<4x520x1024xf32, #tpu.memory_space<hbm>> -> memref<1x8x1024xf32, #tpu.memory_space<hbm>>
        %dma_wait3A_1370 = tpu.memref_squeeze %dma_wait3A_1369 : memref<1x8x1024xf32, #tpu.memory_space<hbm>> -> memref<8x1024xf32, #tpu.memory_space<hbm>>
        %dma_wait3A_1371 = arith.constant 512 : i32
        %dma_wait3A_1372 = arith.constant 0 : i32
        %dma_wait3A_1373 = tpu.memref_slice %arg8[%shift_right_arithmetic3A_1, %dma_wait3A_1371, %dma_wait3A_1372] : memref<4x520x1024xf32, #tpu.memory_space<hbm>> -> memref<1x8x1024xf32, #tpu.memory_space<hbm>>
        %dma_wait3A_1374 = tpu.memref_squeeze %dma_wait3A_1373 : memref<1x8x1024xf32, #tpu.memory_space<hbm>> -> memref<8x1024xf32, #tpu.memory_space<hbm>>
        tpu.wait_dma2 semaphore(%run_scoped3A : memref<!tpu.dma_semaphore, #tpu.memory_space<semaphore_mem>>) src(%arg14 : memref<8x1024xf32, #tpu.memory_space<vmem>>) dst(%dma_wait3A_1374 : memref<8x1024xf32, #tpu.memory_space<hbm>>)
        tpu.yield
      }) : () -> ()
    } else {
    }
    %eq3A_1340 = arith.constant 1 : i32
    %eq3A_1341 = arith.cmpi eq, %and3A_2, %eq3A_1340 : i32
    %convert_element_type3A_1342 = arith.extui %eq3A_1341 : i1 to i32
    %cond3A_1343 = arith.constant 0 : i32
    %cond3A_1344 = arith.cmpi ne, %convert_element_type3A_1342, %cond3A_1343 : i32
    scf.if %cond3A_1344 {
      %mul3A_1350 = arith.constant 4096 : i32
      %mul3A_1351 = arith.muli %shift_right_arithmetic3A_1, %mul3A_1350 : i32
      "tpu.region"() ({
        %run_scoped3A = tpu.sem_alloc : memref<!tpu.dma_semaphore, #tpu.memory_space<semaphore_mem>>
        %dma_start3A_1360 = tpu.memref_slice %arg7[%mul3A_1351] : memref<16384xi32, #tpu.memory_space<hbm>> -> memref<4096xi32, #tpu.memory_space<hbm>>
        %dma_start3A_1361 = tpu.memref_slice %arg7[%mul3A_1351] : memref<16384xi32, #tpu.memory_space<hbm>> -> memref<4096xi32, #tpu.memory_space<hbm>>
        tpu.enqueue_dma source(%dma_start3A_1361 : memref<4096xi32, #tpu.memory_space<hbm>>) target(%arg15 : memref<4096xi32, #tpu.memory_space<vmem>>) target_semaphore(%run_scoped3A : memref<!tpu.dma_semaphore, #tpu.memory_space<semaphore_mem>>)
        %dma_wait3A_1362 = tpu.memref_slice %arg7[%mul3A_1351] : memref<16384xi32, #tpu.memory_space<hbm>> -> memref<4096xi32, #tpu.memory_space<hbm>>
        %dma_wait3A_1363 = tpu.memref_slice %arg7[%mul3A_1351] : memref<16384xi32, #tpu.memory_space<hbm>> -> memref<4096xi32, #tpu.memory_space<hbm>>
        tpu.wait_dma2 semaphore(%run_scoped3A : memref<!tpu.dma_semaphore, #tpu.memory_space<semaphore_mem>>) src(%dma_wait3A_1363 : memref<4096xi32, #tpu.memory_space<hbm>>) dst(%arg15 : memref<4096xi32, #tpu.memory_space<vmem>>)
        tpu.yield
      }) : () -> ()
      %scan3A_1352 = arith.constant 0 : i32
      %scan3A_1353 = arith.constant 0 : i32
      %scan3A_1354 = arith.constant 64 : i32
      %scan3A_1355 = arith.addi %scan3A_1353, %scan3A_1354 : i32
      %scan3A_1356 = arith.constant 1 : i32
      scf.for %scan3A_1360 = %scan3A_1353 to %scan3A_1355 step %scan3A_1356  : i32 {
        %mul3A_1361 = arith.constant 16 : i32
        %mul3A_1362 = arith.muli %scan3A_1360, %mul3A_1361 : i32
        %get3A = arith.index_cast %mul3A_1362 : i32 to index
        %get3A_1363 = tpu.vector_load %arg11[%get3A] {strides = array<i32>} : memref<1024xi32, #tpu.memory_space<vmem>>, vector<16xi32>,
        %gather3A = tpu.vector_load_idx %arg15[%get3A_1363] : memref<4096xi32, #tpu.memory_space<vmem>>[vector<16xi32>], vector<16xi32>,
        %mul3A_1364 = arith.constant 16 : i32
        %mul3A_1365 = arith.muli %scan3A_1360, %mul3A_1364 : i32
        %swap3A = arith.index_cast %mul3A_1365 : i32 to index
        %swap3A_1366 = tpu.vector_load %arg12[%swap3A] {strides = array<i32>} : memref<1024xi32, #tpu.memory_space<vmem>>, vector<16xi32>,
        tpu.vector_store %arg12[%swap3A], %gather3A {strides = array<i32>} : memref<1024xi32, #tpu.memory_space<vmem>>, vector<16xi32>,
      }
      %scan3A_1357 = arith.constant 64 : i32
      %mul3A_1358 = arith.constant 1024 : i32
      %mul3A_1359 = arith.muli %shift_right_arithmetic3A_1, %mul3A_1358 : i32
      "tpu.region"() ({
        %run_scoped3A = tpu.sem_alloc : memref<!tpu.dma_semaphore, #tpu.memory_space<semaphore_mem>>
        %dma_start3A_1360 = tpu.memref_slice %arg10[%mul3A_1359] : memref<4096xi32, #tpu.memory_space<hbm>> -> memref<1024xi32, #tpu.memory_space<hbm>>
        %dma_start3A_1361 = tpu.memref_slice %arg10[%mul3A_1359] : memref<4096xi32, #tpu.memory_space<hbm>> -> memref<1024xi32, #tpu.memory_space<hbm>>
        tpu.enqueue_dma source(%arg12 : memref<1024xi32, #tpu.memory_space<vmem>>) target(%dma_start3A_1361 : memref<1024xi32, #tpu.memory_space<hbm>>) target_semaphore(%run_scoped3A : memref<!tpu.dma_semaphore, #tpu.memory_space<semaphore_mem>>)
        %dma_wait3A_1362 = tpu.memref_slice %arg10[%mul3A_1359] : memref<4096xi32, #tpu.memory_space<hbm>> -> memref<1024xi32, #tpu.memory_space<hbm>>
        %dma_wait3A_1363 = tpu.memref_slice %arg10[%mul3A_1359] : memref<4096xi32, #tpu.memory_space<hbm>> -> memref<1024xi32, #tpu.memory_space<hbm>>
        tpu.wait_dma2 semaphore(%run_scoped3A : memref<!tpu.dma_semaphore, #tpu.memory_space<semaphore_mem>>) src(%arg12 : memref<1024xi32, #tpu.memory_space<vmem>>) dst(%dma_wait3A_1363 : memref<1024xi32, #tpu.memory_space<hbm>>)
        tpu.yield
      }) : () -> ()
    } else {
    }
    %eq3A_1345 = arith.constant 2 : i32
    %eq3A_1346 = arith.cmpi eq, %and3A_2, %eq3A_1345 : i32
    %convert_element_type3A_1347 = arith.extui %eq3A_1346 : i1 to i32
    %cond3A_1348 = arith.constant 0 : i32
    %cond3A_1349 = arith.cmpi ne, %convert_element_type3A_1347, %cond3A_1348 : i32
    scf.if %cond3A_1349 {
      %mul3A_1350 = arith.constant 4096 : i32
      %mul3A_1351 = arith.muli %shift_right_arithmetic3A_1, %mul3A_1350 : i32
      %mul3A_1352 = arith.constant 3 : i32
      %mul3A_1353 = arith.muli %mul3A_1351, %mul3A_1352 : i32
      "tpu.region"() ({
        %run_scoped3A = tpu.sem_alloc : memref<!tpu.dma_semaphore, #tpu.memory_space<semaphore_mem>>
        %dma_start3A_1364 = tpu.memref_slice %arg6[%mul3A_1353] : memref<49152xf32, #tpu.memory_space<hbm>> -> memref<12288xf32, #tpu.memory_space<hbm>>
        %dma_start3A_1365 = tpu.memref_slice %arg6[%mul3A_1353] : memref<49152xf32, #tpu.memory_space<hbm>> -> memref<12288xf32, #tpu.memory_space<hbm>>
        tpu.enqueue_dma source(%dma_start3A_1365 : memref<12288xf32, #tpu.memory_space<hbm>>) target(%arg16 : memref<12288xf32, #tpu.memory_space<vmem>>) target_semaphore(%run_scoped3A : memref<!tpu.dma_semaphore, #tpu.memory_space<semaphore_mem>>)
        %dma_wait3A_1366 = tpu.memref_slice %arg6[%mul3A_1353] : memref<49152xf32, #tpu.memory_space<hbm>> -> memref<12288xf32, #tpu.memory_space<hbm>>
        %dma_wait3A_1367 = tpu.memref_slice %arg6[%mul3A_1353] : memref<49152xf32, #tpu.memory_space<hbm>> -> memref<12288xf32, #tpu.memory_space<hbm>>
        tpu.wait_dma2 semaphore(%run_scoped3A : memref<!tpu.dma_semaphore, #tpu.memory_space<semaphore_mem>>) src(%dma_wait3A_1367 : memref<12288xf32, #tpu.memory_space<hbm>>) dst(%arg16 : memref<12288xf32, #tpu.memory_space<vmem>>)
        tpu.yield
      }) : () -> ()
      %scan3A_1354 = arith.constant 0 : i32
      %scan3A_1355 = arith.constant 0 : i32
      %scan3A_1356 = arith.constant 192 : i32
      %scan3A_1357 = arith.addi %scan3A_1355, %scan3A_1356 : i32
      %scan3A_1358 = arith.constant 1 : i32
      scf.for %scan3A_1364 = %scan3A_1355 to %scan3A_1357 step %scan3A_1358  : i32 {
        %mul3A_1365 = arith.constant 16 : i32
        %mul3A_1366 = arith.muli %scan3A_1364, %mul3A_1365 : i32
        %add3A_1367 = vector.broadcast %mul3A_1366 : i32 to vector<16xi32>
        %add3A_1368 = arith.addi %add3A_1367, %iota3A : vector<16xi32>
        %jit3A = arith.constant 3 : i32
        %div3A = vector.broadcast %jit3A : i32 to vector<16xi32>
        %div3A_1369 = arith.divsi %add3A_1368, %div3A : vector<16xi32>
        %sign3A = arith.constant 0 : i32
        %sign3A_1370 = vector.broadcast %sign3A : i32 to vector<16xi32>
        %sign3A_1371 = arith.cmpi sgt, %add3A_1368, %sign3A_1370 : vector<16xi32>
        %sign3A_1372 = arith.extui %sign3A_1371 : vector<16xi1> to vector<16xi32>
        %sign3A_1373 = arith.constant 0 : i32
        %sign3A_1374 = vector.broadcast %sign3A_1373 : i32 to vector<16xi32>
        %sign3A_1375 = arith.cmpi slt, %add3A_1368, %sign3A_1374 : vector<16xi32>
        %sign3A_1376 = arith.extui %sign3A_1375 : vector<16xi1> to vector<16xi32>
        %sign3A_1377 = arith.subi %sign3A_1372, %sign3A_1376 : vector<16xi32>
        %sign3A_1378 = arith.constant 0 : i32
        %sign3A_1379 = arith.cmpi sgt, %jit3A, %sign3A_1378 : i32
        %sign3A_1380 = arith.extui %sign3A_1379 : i1 to i32
        %sign3A_1381 = arith.constant 0 : i32
        %sign3A_1382 = arith.cmpi slt, %jit3A, %sign3A_1381 : i32
        %sign3A_1383 = arith.extui %sign3A_1382 : i1 to i32
        %sign3A_1384 = arith.subi %sign3A_1380, %sign3A_1383 : i32
        %ne3A = vector.broadcast %sign3A_1384 : i32 to vector<16xi32>
        %ne3A_1385 = arith.cmpi ne, %sign3A_1377, %ne3A : vector<16xi32>
        %rem3A = vector.broadcast %jit3A : i32 to vector<16xi32>
        %rem3A_1386 = arith.remsi %add3A_1368, %rem3A : vector<16xi32>
        %ne3A_1387 = arith.constant 0 : i32
        %ne3A_1388 = vector.broadcast %ne3A_1387 : i32 to vector<16xi32>
        %ne3A_1389 = arith.cmpi ne, %rem3A_1386, %ne3A_1388 : vector<16xi32>
        %and3A_1390 = arith.andi %ne3A_1385, %ne3A_1389 : vector<16xi1>
        %sub3A = arith.constant 1 : i32
        %sub3A_1391 = vector.broadcast %sub3A : i32 to vector<16xi32>
        %sub3A_1392 = arith.subi %div3A_1369, %sub3A_1391 : vector<16xi32>
        %select_n3A = arith.select %and3A_1390, %sub3A_1392, %div3A_1369 : vector<16xi1>, vector<16xi32>
        %mul3A_1393 = arith.constant 3 : i32
        %mul3A_1394 = vector.broadcast %mul3A_1393 : i32 to vector<16xi32>
        %mul3A_1395 = arith.muli %select_n3A, %mul3A_1394 : vector<16xi32>
        %sub3A_1396 = arith.subi %add3A_1368, %mul3A_1395 : vector<16xi32>
        %gather3A = tpu.vector_load_idx %arg11[%select_n3A] : memref<1024xi32, #tpu.memory_space<vmem>>[vector<16xi32>], vector<16xi32>,
        %mul3A_1397 = arith.constant 3 : i32
        %mul3A_1398 = vector.broadcast %mul3A_1397 : i32 to vector<16xi32>
        %mul3A_1399 = arith.muli %gather3A, %mul3A_1398 : vector<16xi32>
        %add3A_1400 = arith.addi %mul3A_1399, %sub3A_1396 : vector<16xi32>
        %gather3A_1401 = tpu.vector_load_idx %arg16[%add3A_1400] : memref<12288xf32, #tpu.memory_space<vmem>>[vector<16xi32>], vector<16xf32>,
        %mul3A_1402 = arith.constant 16 : i32
        %mul3A_1403 = arith.muli %scan3A_1364, %mul3A_1402 : i32
        %swap3A = arith.index_cast %mul3A_1403 : i32 to index
        %swap3A_1404 = tpu.vector_load %arg17[%swap3A] {strides = array<i32>} : memref<3072xf32, #tpu.memory_space<vmem>>, vector<16xf32>,
        tpu.vector_store %arg17[%swap3A], %gather3A_1401 {strides = array<i32>} : memref<3072xf32, #tpu.memory_space<vmem>>, vector<16xf32>,
      }
      %scan3A_1359 = arith.constant 192 : i32
      %mul3A_1360 = arith.constant 1024 : i32
      %mul3A_1361 = arith.muli %shift_right_arithmetic3A_1, %mul3A_1360 : i32
      %mul3A_1362 = arith.constant 3 : i32
      %mul3A_1363 = arith.muli %mul3A_1361, %mul3A_1362 : i32
      "tpu.region"() ({
        %run_scoped3A = tpu.sem_alloc : memref<!tpu.dma_semaphore, #tpu.memory_space<semaphore_mem>>
        %dma_start3A_1364 = tpu.memref_slice %arg9[%mul3A_1363] : memref<12288xf32, #tpu.memory_space<hbm>> -> memref<3072xf32, #tpu.memory_space<hbm>>
        %dma_start3A_1365 = tpu.memref_slice %arg9[%mul3A_1363] : memref<12288xf32, #tpu.memory_space<hbm>> -> memref<3072xf32, #tpu.memory_space<hbm>>
        tpu.enqueue_dma source(%arg17 : memref<3072xf32, #tpu.memory_space<vmem>>) target(%dma_start3A_1365 : memref<3072xf32, #tpu.memory_space<hbm>>) target_semaphore(%run_scoped3A : memref<!tpu.dma_semaphore, #tpu.memory_space<semaphore_mem>>)
        %dma_wait3A_1366 = tpu.memref_slice %arg9[%mul3A_1363] : memref<12288xf32, #tpu.memory_space<hbm>> -> memref<3072xf32, #tpu.memory_space<hbm>>
        %dma_wait3A_1367 = tpu.memref_slice %arg9[%mul3A_1363] : memref<12288xf32, #tpu.memory_space<hbm>> -> memref<3072xf32, #tpu.memory_space<hbm>>
        tpu.wait_dma2 semaphore(%run_scoped3A : memref<!tpu.dma_semaphore, #tpu.memory_space<semaphore_mem>>) src(%arg17 : memref<3072xf32, #tpu.memory_space<vmem>>) dst(%dma_wait3A_1367 : memref<3072xf32, #tpu.memory_space<hbm>>)
        tpu.yield
      }) : () -> ()
    } else {
    }
    return
  }
}

#map = affine_map<(d0, d1) -> (0, 0, 0)>
#map1 = affine_map<(d0, d1) -> (0)>
module attributes {stable_mosaic.version = 14 : i64} {
  func.func @_select_body(%arg0: i32, %arg1: i32, %arg2: memref<4x3x4096xf32, #tpu.memory_space<hbm>>, %arg3: memref<4096xi32, #tpu.memory_space<hbm>>, %arg4: memref<512xi32, #tpu.memory_space<hbm>>, %arg5: memref<3x4096xf32, #tpu.memory_space<vmem>>, %arg6: memref<12288xi32, #tpu.memory_space<vmem>>, %arg7: memref<1024xi32, #tpu.memory_space<vmem>>, %arg8: memref<128xi32, #tpu.memory_space<vmem>>) attributes {dimension_semantics = [#tpu.dimension_semantics<core_parallel>, #tpu.dimension_semantics<subcore_parallel>], iteration_bounds = array<i64: 2, 16>, scalar_prefetch = 0 : i64, scratch_operands = 4 : i64, tpu.core_type = #tpu.core_type<sc_vector_subcore>, window_params = [{transform_indices = #map}, {transform_indices = #map1}, {transform_indices = #map1}]} {
    %mul3A = arith.constant 2 : i32
    %mul3A_0 = arith.muli %arg1, %mul3A : i32
    %add3A = arith.addi %mul3A_0, %arg0 : i32
    %lt3A = arith.constant 4 : i32
    %lt3A_1 = arith.cmpi slt, %add3A, %lt3A : i32
    %convert_element_type3A = arith.extui %lt3A_1 : i1 to i32
    %cond3A = arith.constant 0 : i32
    %cond3A_2 = arith.cmpi ne, %convert_element_type3A, %cond3A : i32
    scf.if %cond3A_2 {
      "tpu.region"() ({
        %run_scoped3A = tpu.sem_alloc : memref<!tpu.dma_semaphore, #tpu.memory_space<semaphore_mem>>
        %dma_start3A = arith.constant 0 : i32
        %dma_start3A_24 = arith.constant 0 : i32
        %dma_start3A_25 = tpu.memref_slice %arg2[%add3A, %dma_start3A, %dma_start3A_24] : memref<4x3x4096xf32, #tpu.memory_space<hbm>> -> memref<1x3x4096xf32, #tpu.memory_space<hbm>>
        %dma_start3A_26 = tpu.memref_squeeze %dma_start3A_25 : memref<1x3x4096xf32, #tpu.memory_space<hbm>> -> memref<3x4096xf32, #tpu.memory_space<hbm>>
        %dma_start3A_27 = arith.constant 0 : i32
        %dma_start3A_28 = arith.constant 0 : i32
        %dma_start3A_29 = tpu.memref_slice %arg2[%add3A, %dma_start3A_27, %dma_start3A_28] : memref<4x3x4096xf32, #tpu.memory_space<hbm>> -> memref<1x3x4096xf32, #tpu.memory_space<hbm>>
        %dma_start3A_30 = tpu.memref_squeeze %dma_start3A_29 : memref<1x3x4096xf32, #tpu.memory_space<hbm>> -> memref<3x4096xf32, #tpu.memory_space<hbm>>
        tpu.enqueue_dma source(%dma_start3A_30 : memref<3x4096xf32, #tpu.memory_space<hbm>>) target(%arg5 : memref<3x4096xf32, #tpu.memory_space<vmem>>) target_semaphore(%run_scoped3A : memref<!tpu.dma_semaphore, #tpu.memory_space<semaphore_mem>>)
        %dma_wait3A = arith.constant 0 : i32
        %dma_wait3A_31 = arith.constant 0 : i32
        %dma_wait3A_32 = tpu.memref_slice %arg2[%add3A, %dma_wait3A, %dma_wait3A_31] : memref<4x3x4096xf32, #tpu.memory_space<hbm>> -> memref<1x3x4096xf32, #tpu.memory_space<hbm>>
        %dma_wait3A_33 = tpu.memref_squeeze %dma_wait3A_32 : memref<1x3x4096xf32, #tpu.memory_space<hbm>> -> memref<3x4096xf32, #tpu.memory_space<hbm>>
        %dma_wait3A_34 = arith.constant 0 : i32
        %dma_wait3A_35 = arith.constant 0 : i32
        %dma_wait3A_36 = tpu.memref_slice %arg2[%add3A, %dma_wait3A_34, %dma_wait3A_35] : memref<4x3x4096xf32, #tpu.memory_space<hbm>> -> memref<1x3x4096xf32, #tpu.memory_space<hbm>>
        %dma_wait3A_37 = tpu.memref_squeeze %dma_wait3A_36 : memref<1x3x4096xf32, #tpu.memory_space<hbm>> -> memref<3x4096xf32, #tpu.memory_space<hbm>>
        tpu.wait_dma2 semaphore(%run_scoped3A : memref<!tpu.dma_semaphore, #tpu.memory_space<semaphore_mem>>) src(%dma_wait3A_37 : memref<3x4096xf32, #tpu.memory_space<hbm>>) dst(%arg5 : memref<3x4096xf32, #tpu.memory_space<vmem>>)
        tpu.yield
      }) : () -> ()
      %iota3A = tpu.iota {dimensions = array<i32: 0>} : vector<16xi32>
      %scan3A = arith.constant 0 : i32
      %scan3A_3 = arith.constant 0 : i32
      %scan3A_4 = arith.constant 0 : i32
      %scan3A_5 = arith.constant 768 : i32
      %scan3A_6 = arith.addi %scan3A_4, %scan3A_5 : i32
      %scan3A_7 = arith.constant 1 : i32
      %scan3A_8:2 = scf.for %scan3A_24 = %scan3A_4 to %scan3A_6 step %scan3A_7 iter_args(%scan3A_25 = %scan3A, %scan3A_26 = %scan3A_3) -> (i32, i32)  : i32 {
        %jit3A = arith.constant 256 : i32
        %div3A = arith.divsi %scan3A_24, %jit3A : i32
        %sign3A = arith.constant 0 : i32
        %sign3A_27 = arith.cmpi sgt, %scan3A_24, %sign3A : i32
        %sign3A_28 = arith.extui %sign3A_27 : i1 to i32
        %sign3A_29 = arith.constant 0 : i32
        %sign3A_30 = arith.cmpi slt, %scan3A_24, %sign3A_29 : i32
        %sign3A_31 = arith.extui %sign3A_30 : i1 to i32
        %sign3A_32 = arith.subi %sign3A_28, %sign3A_31 : i32
        %sign3A_33 = arith.constant 0 : i32
        %sign3A_34 = arith.cmpi sgt, %jit3A, %sign3A_33 : i32
        %sign3A_35 = arith.extui %sign3A_34 : i1 to i32
        %sign3A_36 = arith.constant 0 : i32
        %sign3A_37 = arith.cmpi slt, %jit3A, %sign3A_36 : i32
        %sign3A_38 = arith.extui %sign3A_37 : i1 to i32
        %sign3A_39 = arith.subi %sign3A_35, %sign3A_38 : i32
        %ne3A = arith.cmpi ne, %sign3A_32, %sign3A_39 : i32
        %rem3A = arith.remsi %scan3A_24, %jit3A : i32
        %ne3A_40 = arith.constant 0 : i32
        %ne3A_41 = arith.cmpi ne, %rem3A, %ne3A_40 : i32
        %and3A = arith.andi %ne3A, %ne3A_41 : i1
        %sub3A = arith.constant 1 : i32
        %sub3A_42 = arith.subi %div3A, %sub3A : i32
        %select_n3A = arith.select %and3A, %sub3A_42, %div3A : i32
        %mul3A_43 = arith.constant 256 : i32
        %mul3A_44 = arith.muli %select_n3A, %mul3A_43 : i32
        %sub3A_45 = arith.subi %scan3A_24, %mul3A_44 : i32
        %mul3A_46 = arith.constant 16 : i32
        %mul3A_47 = arith.muli %sub3A_45, %mul3A_46 : i32
        %get3A = arith.index_cast %select_n3A : i32 to index
        %get3A_48 = arith.index_cast %mul3A_47 : i32 to index
        %get3A_49 = tpu.vector_load %arg5[%get3A, %get3A_48] {strides = array<i32>} : memref<3x4096xf32, #tpu.memory_space<vmem>>, vector<16xf32>,
        %ne3A_50 = arith.constant 0.000000e+00 : f32
        %ne3A_51 = vector.broadcast %ne3A_50 : f32 to vector<16xf32>
        %ne3A_52 = arith.cmpf one, %get3A_49, %ne3A_51 : vector<16xf32>
        %convert_element_type3A_53 = arith.extui %ne3A_52 : vector<16xi1> to vector<16xi32>
        %broadcast_in_dim3A_54 = arith.constant true
        %broadcast_in_dim3A_55 = vector.broadcast %broadcast_in_dim3A_54 : i1 to vector<16xi1>
        %masked_cumsum3A = tpu.scan <sum>, %convert_element_type3A_53 masked %broadcast_in_dim3A_55 : vector<16xi32>, vector<16xi1> -> vector<16xi32>
        %add3A_56 = arith.constant 1 : i32
        %add3A_57 = vector.broadcast %add3A_56 : i32 to vector<16xi32>
        %add3A_58 = arith.addi %iota3A, %add3A_57 : vector<16xi32>
        %add3A_59 = vector.broadcast %scan3A_25 : i32 to vector<16xi32>
        %add3A_60 = arith.addi %add3A_59, %masked_cumsum3A : vector<16xi32>
        %sub3A_61 = arith.constant 1 : i32
        %sub3A_62 = vector.broadcast %sub3A_61 : i32 to vector<16xi32>
        %sub3A_63 = arith.subi %add3A_60, %sub3A_62 : vector<16xi32>
        %sub3A_64 = arith.subi %add3A_58, %masked_cumsum3A : vector<16xi32>
        %add3A_65 = vector.broadcast %scan3A_26 : i32 to vector<16xi32>
        %add3A_66 = arith.addi %add3A_65, %sub3A_64 : vector<16xi32>
        %sub3A_67 = arith.constant 1 : i32
        %sub3A_68 = vector.broadcast %sub3A_67 : i32 to vector<16xi32>
        %sub3A_69 = arith.subi %add3A_66, %sub3A_68 : vector<16xi32>
        %sub3A_70 = arith.constant 12287 : i32
        %sub3A_71 = vector.broadcast %sub3A_70 : i32 to vector<16xi32>
        %sub3A_72 = arith.subi %sub3A_71, %sub3A_69 : vector<16xi32>
        %select_n3A_73 = arith.select %ne3A_52, %sub3A_63, %sub3A_72 : vector<16xi1>, vector<16xi32>
        %mul3A_74 = arith.constant 16 : i32
        %mul3A_75 = arith.muli %scan3A_24, %mul3A_74 : i32
        %add3A_76 = vector.broadcast %mul3A_75 : i32 to vector<16xi32>
        %add3A_77 = arith.addi %add3A_76, %iota3A : vector<16xi32>
        tpu.vector_store_idx %arg6[%select_n3A_73], %add3A_77 : memref<12288xi32, #tpu.memory_space<vmem>>[vector<16xi32>], vector<16xi32>,
        %reduce_sum3A = arith.constant true
        %reduce_sum3A_78 = vector.broadcast %reduce_sum3A : i1 to vector<16xi1>
        %reduce_sum3A_79 = tpu.scan <sum>, %convert_element_type3A_53 masked %reduce_sum3A_78 : vector<16xi32>, vector<16xi1> -> vector<16xi32>
        %reduce_sum3A_80 = vector.extract %reduce_sum3A_79[15] : i32 from vector<16xi32>
        %add3A_81 = arith.addi %scan3A_25, %reduce_sum3A_80 : i32
        %sub3A_82 = arith.constant 16 : i32
        %sub3A_83 = arith.subi %sub3A_82, %reduce_sum3A_80 : i32
        %add3A_84 = arith.addi %scan3A_26, %sub3A_83 : i32
        scf.yield %add3A_81, %add3A_84 : i32, i32
      }
      %scan3A_9 = arith.constant 768 : i32
      %scan3A_10 = arith.constant 0 : i32
      %scan3A_11 = arith.constant 0 : i32
      %scan3A_12 = arith.constant 64 : i32
      %scan3A_13 = arith.addi %scan3A_11, %scan3A_12 : i32
      %scan3A_14 = arith.constant 1 : i32
      scf.for %scan3A_24 = %scan3A_11 to %scan3A_13 step %scan3A_14  : i32 {
        %mul3A_25 = arith.constant 16 : i32
        %mul3A_26 = arith.muli %scan3A_24, %mul3A_25 : i32
        %add3A_27 = vector.broadcast %mul3A_26 : i32 to vector<16xi32>
        %add3A_28 = arith.addi %add3A_27, %iota3A : vector<16xi32>
        %lt3A_29 = vector.broadcast %scan3A_8#0 : i32 to vector<16xi32>
        %lt3A_30 = arith.cmpi slt, %add3A_28, %lt3A_29 : vector<16xi32>
        %sub3A = vector.broadcast %scan3A_8#0 : i32 to vector<16xi32>
        %sub3A_31 = arith.subi %add3A_28, %sub3A : vector<16xi32>
        %sub3A_32 = arith.constant 12287 : i32
        %sub3A_33 = vector.broadcast %sub3A_32 : i32 to vector<16xi32>
        %sub3A_34 = arith.subi %sub3A_33, %sub3A_31 : vector<16xi32>
        %select_n3A = arith.select %lt3A_30, %add3A_28, %sub3A_34 : vector<16xi1>, vector<16xi32>
        %gather3A = tpu.vector_load_idx %arg6[%select_n3A] : memref<12288xi32, #tpu.memory_space<vmem>>[vector<16xi32>], vector<16xi32>,
        %mul3A_35 = arith.constant 16 : i32
        %mul3A_36 = arith.muli %scan3A_24, %mul3A_35 : i32
        %swap3A_37 = arith.index_cast %mul3A_36 : i32 to index
        %swap3A_38 = tpu.vector_load %arg7[%swap3A_37] {strides = array<i32>} : memref<1024xi32, #tpu.memory_space<vmem>>, vector<16xi32>,
        tpu.vector_store %arg7[%swap3A_37], %gather3A {strides = array<i32>} : memref<1024xi32, #tpu.memory_space<vmem>>, vector<16xi32>,
      }
      %scan3A_15 = arith.constant 64 : i32
      %mul3A_16 = arith.constant 1024 : i32
      %mul3A_17 = arith.muli %add3A, %mul3A_16 : i32
      "tpu.region"() ({
        %run_scoped3A = tpu.sem_alloc : memref<!tpu.dma_semaphore, #tpu.memory_space<semaphore_mem>>
        %dma_start3A = tpu.memref_slice %arg3[%mul3A_17] : memref<4096xi32, #tpu.memory_space<hbm>> -> memref<1024xi32, #tpu.memory_space<hbm>>
        %dma_start3A_24 = tpu.memref_slice %arg3[%mul3A_17] : memref<4096xi32, #tpu.memory_space<hbm>> -> memref<1024xi32, #tpu.memory_space<hbm>>
        tpu.enqueue_dma source(%arg7 : memref<1024xi32, #tpu.memory_space<vmem>>) target(%dma_start3A_24 : memref<1024xi32, #tpu.memory_space<hbm>>) target_semaphore(%run_scoped3A : memref<!tpu.dma_semaphore, #tpu.memory_space<semaphore_mem>>)
        %dma_wait3A = tpu.memref_slice %arg3[%mul3A_17] : memref<4096xi32, #tpu.memory_space<hbm>> -> memref<1024xi32, #tpu.memory_space<hbm>>
        %dma_wait3A_25 = tpu.memref_slice %arg3[%mul3A_17] : memref<4096xi32, #tpu.memory_space<hbm>> -> memref<1024xi32, #tpu.memory_space<hbm>>
        tpu.wait_dma2 semaphore(%run_scoped3A : memref<!tpu.dma_semaphore, #tpu.memory_space<semaphore_mem>>) src(%arg7 : memref<1024xi32, #tpu.memory_space<vmem>>) dst(%dma_wait3A_25 : memref<1024xi32, #tpu.memory_space<hbm>>)
        tpu.yield
      }) : () -> ()
      %broadcast_in_dim3A = arith.constant 0 : i32
      %broadcast_in_dim3A_18 = vector.broadcast %broadcast_in_dim3A : i32 to vector<16xi32>
      %add3A_19 = vector.broadcast %scan3A_8#0 : i32 to vector<16xi32>
      %add3A_20 = arith.addi %broadcast_in_dim3A_18, %add3A_19 : vector<16xi32>
      %swap3A = arith.constant 0 : index
      %swap3A_21 = tpu.vector_load %arg8[%swap3A] {strides = array<i32>} : memref<128xi32, #tpu.memory_space<vmem>>, vector<16xi32>,
      tpu.vector_store %arg8[%swap3A], %add3A_20 {strides = array<i32>} : memref<128xi32, #tpu.memory_space<vmem>>, vector<16xi32>,
      %mul3A_22 = arith.constant 128 : i32
      %mul3A_23 = arith.muli %add3A, %mul3A_22 : i32
      "tpu.region"() ({
        %run_scoped3A = tpu.sem_alloc : memref<!tpu.dma_semaphore, #tpu.memory_space<semaphore_mem>>
        %dma_start3A = tpu.memref_slice %arg4[%mul3A_23] : memref<512xi32, #tpu.memory_space<hbm>> -> memref<128xi32, #tpu.memory_space<hbm>>
        %dma_start3A_24 = tpu.memref_slice %arg4[%mul3A_23] : memref<512xi32, #tpu.memory_space<hbm>> -> memref<128xi32, #tpu.memory_space<hbm>>
        tpu.enqueue_dma source(%arg8 : memref<128xi32, #tpu.memory_space<vmem>>) target(%dma_start3A_24 : memref<128xi32, #tpu.memory_space<hbm>>) target_semaphore(%run_scoped3A : memref<!tpu.dma_semaphore, #tpu.memory_space<semaphore_mem>>)
        %dma_wait3A = tpu.memref_slice %arg4[%mul3A_23] : memref<512xi32, #tpu.memory_space<hbm>> -> memref<128xi32, #tpu.memory_space<hbm>>
        %dma_wait3A_25 = tpu.memref_slice %arg4[%mul3A_23] : memref<512xi32, #tpu.memory_space<hbm>> -> memref<128xi32, #tpu.memory_space<hbm>>
        tpu.wait_dma2 semaphore(%run_scoped3A : memref<!tpu.dma_semaphore, #tpu.memory_space<semaphore_mem>>) src(%arg8 : memref<128xi32, #tpu.memory_space<vmem>>) dst(%dma_wait3A_25 : memref<128xi32, #tpu.memory_space<hbm>>)
        tpu.yield
      }) : () -> ()
    } else {
    }
    return
  }
}

module attributes {stable_mosaic.version = 14 : i64} {
  func.func @_mlp_body(%arg0: i32, %arg1: memref<1x520x1024xf32, #tpu.memory_space<vmem>>, %arg2: memref<1024x257xf32, #tpu.memory_space<vmem>>, %arg3: memref<1024x1xf32, #tpu.memory_space<vmem>>, %arg4: memref<1024x1024xf32, #tpu.memory_space<vmem>>, %arg5: memref<1024x1xf32, #tpu.memory_space<vmem>>, %arg6: memref<1x1024x1024xf32, #tpu.memory_space<vmem>>, %arg7: memref<1x256x1024xf32, #tpu.memory_space<vmem>>, %arg8: memref<1x1280x1024xf32, #tpu.memory_space<vmem>>) attributes {dimension_semantics = [#tpu.dimension_semantics<arbitrary>], iteration_bounds = array<i64: 4>, scalar_prefetch = 0 : i64, scratch_operands = 0 : i64, tpu.core_type = #tpu.core_type<tc>, window_params = [{transform_indices = @transform_0, window_bounds = array<i64: 1, 520, 1024>}, {pipeline_mode = #tpu.pipeline_mode<synchronous>, transform_indices = @transform_1, window_bounds = array<i64: 1024, 257>}, {pipeline_mode = #tpu.pipeline_mode<synchronous>, transform_indices = @transform_2, window_bounds = array<i64: 1024, 1>}, {pipeline_mode = #tpu.pipeline_mode<synchronous>, transform_indices = @transform_3, window_bounds = array<i64: 1024, 1024>}, {pipeline_mode = #tpu.pipeline_mode<synchronous>, transform_indices = @transform_4, window_bounds = array<i64: 1024, 1>}, {transform_indices = @transform_5, window_bounds = array<i64: 1, 1024, 1024>}, {transform_indices = @transform_6, window_bounds = array<i64: 1, 256, 1024>}, {transform_indices = @transform_7, window_bounds = array<i64: 1, 1280, 1024>}]} {
    %get3A = arith.constant 0 : index
    %get3A_0 = arith.constant 256 : index
    %get3A_1 = arith.constant 0 : index
    %get3A_2 = vector.load %arg1[%get3A, %get3A_0, %get3A_1] : memref<1x520x1024xf32, #tpu.memory_space<vmem>>, vector<1x257x1024xf32>
    %get3A_3 = vector.shape_cast %get3A_2 : vector<1x257x1024xf32> to vector<257x1024xf32>
    %get3A_4 = arith.constant 0 : index
    %get3A_5 = arith.constant 0 : index
    %get3A_6 = vector.load %arg2[%get3A_4, %get3A_5] : memref<1024x257xf32, #tpu.memory_space<vmem>>, vector<1024x257xf32>
    %convert_element_type3A = arith.truncf %get3A_6 : vector<1024x257xf32> to vector<1024x257xbf16>
    %convert_element_type3A_7 = arith.truncf %get3A_3 : vector<257x1024xf32> to vector<257x1024xbf16>
    %dot_general3A = arith.constant dense<0.000000e+00> : vector<1024x1024xf32>
    %dot_general3A_8 = tpu.matmul %convert_element_type3A, %convert_element_type3A_7, %dot_general3A {dimension_numbers = #tpu.dot_dimension_numbers<[1], [0], [0], [1], [0, 0, 1, 1], [], []>, transpose_lhs_hint = false} : vector<1024x257xbf16>, vector<257x1024xbf16>, vector<1024x1024xf32> -> vector<1024x1024xf32>
    %get3A_9 = arith.constant 0 : index
    %get3A_10 = arith.constant 0 : index
    %get3A_11 = vector.load %arg3[%get3A_9, %get3A_10] : memref<1024x1xf32, #tpu.memory_space<vmem>>, vector<1024x1xf32>
    %add3A = vector.broadcast %get3A_11 : vector<1024x1xf32> to vector<1024x1024xf32>
    %add3A_12 = arith.addf %dot_general3A_8, %add3A : vector<1024x1024xf32>
    %max3A = arith.constant 0.000000e+00 : f32
    %max3A_13 = vector.broadcast %max3A : f32 to vector<1024x1024xf32>
    %max3A_14 = arith.maximumf %add3A_12, %max3A_13 : vector<1024x1024xf32>
    %get3A_15 = arith.constant 0 : index
    %get3A_16 = arith.constant 0 : index
    %get3A_17 = vector.load %arg4[%get3A_15, %get3A_16] : memref<1024x1024xf32, #tpu.memory_space<vmem>>, vector<1024x1024xf32>
    %convert_element_type3A_18 = arith.truncf %get3A_17 : vector<1024x1024xf32> to vector<1024x1024xbf16>
    %convert_element_type3A_19 = arith.truncf %max3A_14 : vector<1024x1024xf32> to vector<1024x1024xbf16>
    %dot_general3A_20 = arith.constant dense<0.000000e+00> : vector<1024x1024xf32>
    %dot_general3A_21 = tpu.matmul %convert_element_type3A_18, %convert_element_type3A_19, %dot_general3A_20 {dimension_numbers = #tpu.dot_dimension_numbers<[1], [0], [0], [1], [0, 0, 1, 1], [], []>, transpose_lhs_hint = false} : vector<1024x1024xbf16>, vector<1024x1024xbf16>, vector<1024x1024xf32> -> vector<1024x1024xf32>
    %get3A_22 = arith.constant 0 : index
    %get3A_23 = arith.constant 0 : index
    %get3A_24 = vector.load %arg5[%get3A_22, %get3A_23] : memref<1024x1xf32, #tpu.memory_space<vmem>>, vector<1024x1xf32>
    %add3A_25 = vector.broadcast %get3A_24 : vector<1024x1xf32> to vector<1024x1024xf32>
    %add3A_26 = arith.addf %dot_general3A_21, %add3A_25 : vector<1024x1024xf32>
    %max3A_27 = arith.constant 0.000000e+00 : f32
    %max3A_28 = vector.broadcast %max3A_27 : f32 to vector<1024x1024xf32>
    %max3A_29 = arith.maximumf %add3A_26, %max3A_28 : vector<1024x1024xf32>
    %swap3A = arith.constant 0 : index
    %swap3A_30 = arith.constant 0 : index
    %swap3A_31 = arith.constant 0 : index
    %swap3A_32 = vector.load %arg6[%swap3A, %swap3A_30, %swap3A_31] : memref<1x1024x1024xf32, #tpu.memory_space<vmem>>, vector<1x1024x1024xf32>
    %swap3A_33 = vector.shape_cast %swap3A_32 : vector<1x1024x1024xf32> to vector<1024x1024xf32>
    %swap3A_34 = vector.shape_cast %max3A_29 : vector<1024x1024xf32> to vector<1x1024x1024xf32>
    tpu.vector_store %arg6[%swap3A, %swap3A_30, %swap3A_31], %swap3A_34 {strides = array<i32>} : memref<1x1024x1024xf32, #tpu.memory_space<vmem>>, vector<1x1024x1024xf32>,
    %get3A_35 = arith.constant 0 : index
    %get3A_36 = arith.constant 0 : index
    %get3A_37 = arith.constant 0 : index
    %get3A_38 = vector.load %arg1[%get3A_35, %get3A_36, %get3A_37] : memref<1x520x1024xf32, #tpu.memory_space<vmem>>, vector<1x256x1024xf32>
    %get3A_39 = vector.shape_cast %get3A_38 : vector<1x256x1024xf32> to vector<256x1024xf32>
    %swap3A_40 = arith.constant 0 : index
    %swap3A_41 = arith.constant 0 : index
    %swap3A_42 = arith.constant 0 : index
    %swap3A_43 = vector.load %arg7[%swap3A_40, %swap3A_41, %swap3A_42] : memref<1x256x1024xf32, #tpu.memory_space<vmem>>, vector<1x256x1024xf32>
    %swap3A_44 = vector.shape_cast %swap3A_43 : vector<1x256x1024xf32> to vector<256x1024xf32>
    %swap3A_45 = vector.shape_cast %get3A_39 : vector<256x1024xf32> to vector<1x256x1024xf32>
    tpu.vector_store %arg7[%swap3A_40, %swap3A_41, %swap3A_42], %swap3A_45 {strides = array<i32>} : memref<1x256x1024xf32, #tpu.memory_space<vmem>>, vector<1x256x1024xf32>,
    %swap3A_46 = arith.constant 0 : index
    %swap3A_47 = arith.constant 0 : index
    %swap3A_48 = arith.constant 0 : index
    %swap3A_49 = vector.load %arg8[%swap3A_46, %swap3A_47, %swap3A_48] : memref<1x1280x1024xf32, #tpu.memory_space<vmem>>, vector<1x256x1024xf32>
    %swap3A_50 = vector.shape_cast %swap3A_49 : vector<1x256x1024xf32> to vector<256x1024xf32>
    %swap3A_51 = vector.shape_cast %get3A_39 : vector<256x1024xf32> to vector<1x256x1024xf32>
    tpu.vector_store %arg8[%swap3A_46, %swap3A_47, %swap3A_48], %swap3A_51 {strides = array<i32>} : memref<1x1280x1024xf32, #tpu.memory_space<vmem>>, vector<1x256x1024xf32>,
    %swap3A_52 = arith.constant 0 : index
    %swap3A_53 = arith.constant 256 : index
    %swap3A_54 = arith.constant 0 : index
    %swap3A_55 = vector.load %arg8[%swap3A_52, %swap3A_53, %swap3A_54] : memref<1x1280x1024xf32, #tpu.memory_space<vmem>>, vector<1x1024x1024xf32>
    %swap3A_56 = vector.shape_cast %swap3A_55 : vector<1x1024x1024xf32> to vector<1024x1024xf32>
    %swap3A_57 = vector.shape_cast %max3A_29 : vector<1024x1024xf32> to vector<1x1024x1024xf32>
    tpu.vector_store %arg8[%swap3A_52, %swap3A_53, %swap3A_54], %swap3A_57 {strides = array<i32>} : memref<1x1280x1024xf32, #tpu.memory_space<vmem>>, vector<1x1024x1024xf32>,
    return
  }
  func.func @transform_0(%arg0: i32) -> (i32, i32, i32) {
    %c0_i32 = arith.constant 0 : i32
    %c0_i32_0 = arith.constant 0 : i32
    %c0_i32_1 = arith.constant 0 : i32
    return %arg0, %c0_i32, %c0_i32_0 : i32, i32, i32
  }
  func.func @transform_1(%arg0: i32) -> (i32, i32) {
    %c0_i32 = arith.constant 0 : i32
    %c0_i32_0 = arith.constant 0 : i32
    %c0_i32_1 = arith.constant 0 : i32
    return %c0_i32, %c0_i32_0 : i32, i32
  }
  func.func @transform_2(%arg0: i32) -> (i32, i32) {
    %c0_i32 = arith.constant 0 : i32
    %c0_i32_0 = arith.constant 0 : i32
    %c0_i32_1 = arith.constant 0 : i32
    return %c0_i32, %c0_i32_0 : i32, i32
  }
  func.func @transform_3(%arg0: i32) -> (i32, i32) {
    %c0_i32 = arith.constant 0 : i32
    %c0_i32_0 = arith.constant 0 : i32
    %c0_i32_1 = arith.constant 0 : i32
    return %c0_i32, %c0_i32_0 : i32, i32
  }
  func.func @transform_4(%arg0: i32) -> (i32, i32) {
    %c0_i32 = arith.constant 0 : i32
    %c0_i32_0 = arith.constant 0 : i32
    %c0_i32_1 = arith.constant 0 : i32
    return %c0_i32, %c0_i32_0 : i32, i32
  }
  func.func @transform_5(%arg0: i32) -> (i32, i32, i32) {
    %c0_i32 = arith.constant 0 : i32
    %c0_i32_0 = arith.constant 0 : i32
    %c0_i32_1 = arith.constant 0 : i32
    return %arg0, %c0_i32, %c0_i32_0 : i32, i32, i32
  }
  func.func @transform_6(%arg0: i32) -> (i32, i32, i32) {
    %c0_i32 = arith.constant 0 : i32
    %c0_i32_0 = arith.constant 0 : i32
    %c0_i32_1 = arith.constant 0 : i32
    return %arg0, %c0_i32, %c0_i32_0 : i32, i32, i32
  }
  func.func @transform_7(%arg0: i32) -> (i32, i32, i32) {
    %c0_i32 = arith.constant 0 : i32
    %c0_i32_0 = arith.constant 0 : i32
    %c0_i32_1 = arith.constant 0 : i32
    return %arg0, %c0_i32, %c0_i32_0 : i32, i32, i32
  }
}

</mosaic_0001>

<sc_bundles>
// kernel: kernel.5.cloned.1.call-start
scs
__scs_entry_jumppad:
0x0: {  	(pc) =	sbr.rel $0x88, $3  }
0x1: {  	(tag) =	ssettag $0x0;
	lr =	simm.s32 $0x1  }
0x2: {  	[smem:$0x3F98] =	sst lr;
	_ =	strace $0xD0000000  }
0x3: {  	_ = 	snop  }
0x4: {  	_ = 	snop  }
0x5: {  	_ = 	snop  }
0x6: {  	_ = 	snop  }
0x7: {  	_ = 	snop  }
__scs_overlays_trampoline_lowered:
0x8: {  	[smem:$0x3FA7] =	sst s0  }
0x9: {  	[smem:$0x3FA8] =	sst s1  }
0xa: {  	[smem:$0x3FA9] =	sst s2  }
0xb: {  	[smem:$0x3FAA] =	sst s3  }
0xc: {  	[smem:$0x3FAB] =	sst s4  }
0xd: {  	[smem:$0x3FAC] =	sst s5  }
0xe: {  	[smem:$0x3FAD] =	sst s6  }
0xf: {  	[smem:$0x3FAE] =	sst s7  }
0x10: {  	[smem:$0x3FAF] =	sst s8  }
0x11: {  	[smem:$0x3FB0] =	sst s9;
	s0 =	simm.s32 @!p0 $0x0  }
0x12: {  	s1 =	sld [smem:$0x3F96];
	s0 =	simm.s32 @p0 $0x1  }
0x13: {  	[smem:$0x3FB1] =	sst s0;
	s0 =	simm.s32 @!p1 $0x0  }
0x14: {  	s2 =	sld [smem:$0x3F95];
	s0 =	simm.s32 @p1 $0x1  }
0x15: {  	[smem:$0x3FB2] =	sst s0;
	s0 =	simm.s32 @!p2 $0x0  }
0x16: {  	s3 =	sld [smem:$0x3FDB];
	s0 =	simm.s32 @p2 $0x1  }
0x17: {  	s4 =	simm.s32 $0x1BF5;
	[smem:$0x3FB4] =	sst s0  }
0x18: {  	s0 =	sld [smem:$0x3F97];
	_ =	swait.ge [sflag:s4], $0x0  }
0x19: {  	s7 =	sld [smem:$0x3F98]  }
0x1a: {  	s8 =	sadd.s32 $0xFFFFE003, lr  }
0x1b: {  	s9 =	sadd.s32 $0xFFFFFEF7, lr;
	s5 =	simm.s32 $0xFFFFFFFF;
	p2 =	slt.u32 s8, $0xFFFFF086  }
0x1c: {  	p1 =	slt.u32 s9, $0xF7A;
	s5 =	simm.s32 @!p2 $0x0  }
0x1d: {  	s5 =	simm.s32 @p1 $0x1;
	p0 =	seq.s32 s7, s2  }
0x1e: {  	s7 =	smul.u32 @!p0 $0xF7A, s2;
	p2 =	seq.s32 @!p0 s5, $0x0  }
0x1f: {  	s9 =	smul.u32 $0xF7A, s1;
	s8 =	simm.s32 @!p0 $0x1BF5;
	p2 =	por !p2, p0  }
0x20: {  	[sflag:s8] =	ssyncset.s32 @!p0 $0xFFFFF086;
	s6 =	sadd.s32 @!p0 s3, s7;
	s7 =	simm.s32 @!p0 $0x108  }
0x21: {  	s3 =	sadd.s32 s3, s9;
	s6 =	sadd.s32 @!p0 $0x88, s6;
	s7 =	simm.s32 @p2 $0x1082  }
0x22: {  	[simem:s7], [sflag:s8] =	dma.local @!p0 [hbm:s6], $0xF7A  }
0x23: {  	s9 =	sor.u32 $0xD0000000, s2;
	s6 =	simm.s32 $0x108;
	_ =	swait.ge @!p0 [sflag:s8], $0x0  }
0x24: {  	s3 =	sadd.s32 $0x88, s3;
	s6 =	simm.s32 @!p1 $0x1082;
	[sflag:s4] =	ssyncset.s32 $0xFFFFF086  }
0x25: {  	[simem:s6], [sflag:s4] =	dma.local [hbm:s3], $0xF7A  }
0x26: {  	[smem:$0x3F98] =	sst s1;
	(tag) =	ssettag s2;
	_ =	strace s9  }
0x27: {  	s1 =	sld [smem:$0x3FA8]  }
0x28: {  	s2 =	sld [smem:$0x3FA9]  }
0x29: {  	s4 =	sld [smem:$0x3FAB]  }
0x2a: {  	p0 =	seq.s32 s5, $0x0;
	s5 =	sld [smem:$0x3FAC]  }
0x2b: {  	s6 =	sld [smem:$0x3FAD]  }
0x2c: {  	s7 =	sld [smem:$0x3FAE]  }
0x2d: {  	s3 =	simm.s32 $0x108;
	s8 =	sld [smem:$0x3FAF]  }
0x2e: {  	s3 =	simm.s32 @!p0 $0x1082;
	s9 =	sld [smem:$0x3FB0]  }
0x2f: {  	lr =	sadd.s32 s0, s3;
	s0 =	sld [smem:$0x3FA7]  }
0x30: {  	s3 =	sld [smem:$0x3FAA]  }
0x31: {  	[smem:$0x3FB3] =	sst s10  }
0x32: {  	s10 =	sld [smem:$0x3FB1];
	_ =	sdelay $0x3  }
0x33: {  	p0 =	seq.s32 s10, $0x1;
	s10 =	sld [smem:$0x3FB3];
	_ =	sdelay $0x3  }
0x34: {  	[smem:$0x3FB3] =	sst s10  }
0x35: {  	s10 =	sld [smem:$0x3FB2];
	_ =	sdelay $0x3  }
0x36: {  	p1 =	seq.s32 s10, $0x1;
	s10 =	sld [smem:$0x3FB3];
	_ =	sdelay $0x3  }
0x37: {  	[smem:$0x3FB3] =	sst s10  }
0x38: {  	s10 =	sld [smem:$0x3FB4]  }
0x39: {  	_ = 	snop;
	(pc) =	sbr.ind lr, $3  }
0x3a: {  	_ = 	snop  }
0x3b: {  	_ = 	snop  }
0x3c: {  	p2 =	seq.s32 s10, $0x1;
	s10 =	sld [smem:$0x3FB3]  }
0x3d: {  	_ =	shalt  }
0x3e: {  	_ =	shalt  }
0x3f: {  	_ =	shalt  }
0x40: {  	_ =	shalt  }
0x41: {  	_ =	shalt  }
0x42: {  	_ =	shalt  }
0x43: {  	_ =	shalt  }
0x44: {  	_ =	shalt  }
0x45: {  	_ =	shalt  }
0x46: {  	_ =	shalt  }
0x47: {  	_ =	shalt  }
0x48: {  	_ =	shalt  }
0x49: {  	_ =	shalt  }
0x4a: {  	_ =	shalt  }
0x4b: {  	_ =	shalt  }
0x4c: {  	_ =	shalt  }
0x4d: {  	_ =	shalt  }
0x4e: {  	_ =	shalt  }
0x4f: {  	_ =	shalt  }
0x50: {  	_ =	shalt  }
0x51: {  	_ =	shalt  }
0x52: {  	_ =	shalt  }
0x53: {  	_ =	shalt  }
0x54: {  	_ =	shalt  }
0x55: {  	_ =	shalt  }
0x56: {  	_ =	shalt  }
0x57: {  	_ =	shalt  }
0x58: {  	_ =	shalt  }
0x59: {  	_ =	shalt  }
0x5a: {  	_ =	shalt  }
0x5b: {  	_ =	shalt  }
0x5c: {  	_ =	shalt  }
0x5d: {  	_ =	shalt  }
0x5e: {  	_ =	shalt  }
0x5f: {  	_ =	shalt  }
0x60: {  	_ =	shalt  }
0x61: {  	_ =	shalt  }
0x62: {  	_ =	shalt  }
0x63: {  	_ =	shalt  }
0x64: {  	_ =	shalt  }
0x65: {  	_ =	shalt  }
0x66: {  	_ =	shalt  }
0x67: {  	_ =	shalt  }
0x68: {  	_ =	shalt  }
0x69: {  	_ =	shalt  }
0x6a: {  	_ =	shalt  }
0x6b: {  	_ =	shalt  }
0x6c: {  	_ =	shalt  }
0x6d: {  	_ =	shalt  }
0x6e: {  	_ =	shalt  }
0x6f: {  	_ =	shalt  }
0x70: {  	_ =	shalt  }
0x71: {  	_ =	shalt  }
0x72: {  	_ =	shalt  }
0x73: {  	_ =	shalt  }
0x74: {  	_ =	shalt  }
0x75: {  	_ =	shalt  }
0x76: {  	_ =	shalt  }
0x77: {  	_ =	shalt  }
0x78: {  	_ =	shalt  }
0x79: {  	_ =	shalt  }
0x7a: {  	_ =	shalt  }
0x7b: {  	_ =	shalt  }
0x7c: {  	_ =	shalt  }
0x7d: {  	_ =	shalt  }
0x7e: {  	_ =	shalt  }
0x7f: {  	_ =	shalt  }
0x80: {  	_ =	shalt  }
0x81: {  	_ =	shalt  }
0x82: {  	_ =	shalt  }
0x83: {  	_ =	shalt  }
0x84: {  	_ =	shalt  }
0x85: {  	_ =	shalt  }
0x86: {  	_ =	shalt  }
0x87: {  	_ =	shalt  }
.Lfunc_end0:
.L_simem_size_0:
called_computation_lowered:
.L_overlay_start_0:
0x88: {  	s2 =	sld [smem:$0x3FD9]  }
0x89: {  	s3 =	sld [smem:$0x3FFE];
	_ =	sdelay $0x1  }
0x8a: {  	s1 =	srdreg.scid  }
0x8b: {  	s0 =	sand.u32 $0x1, s1  }
0x8c: {  	s14 =	sshll.u32 s0, $0xA;
	s2 =	sadd.s32 s3, s2  }
0x8d: {  	s2 =	sadd.s32 s2, s14  }
0x8e: {  	[smem:$0x3FBF] =	sst s2  }
0x8f: {  	_ = 	snop  }
0x90: {  	s2 =	sld [smem:$0x3FD0];
	_ =	sdelay $0x2  }
0x91: {  	s15 =	simm.s32 $0xA;
	s4 =	simm.s32 $0x10  }
0x92: {  	[smem:s4], [sflag:s15] =	dma.local [hbm:s2], $0x1  }
0x93: {  	_ =	swait.eq [sflag:s15], $0x1  }
0x94: {  	[sflag:s15] =	ssyncset.done $0x0  }
0x95: {  	[sflag:s15] =	ssyncadd.s32 $0xFFFFFFFF  }
0x96: {  	s16 =	sld [smem:$0x14];
	(tm) =	ssettm $0x1  }
0x97: {  	s17 =	sld [smem:$0x3FFB];
	_ =	sdelay $0x3  }
0x98: {  	_ =	strace s17  }
0x99: {  	s3 =	sld [smem:$0x3FFC];
	_ =	sdelay $0x3  }
0x9a: {  	_ =	strace s3  }
0x9b: {  	s3 =	sld [smem:$0x3FFD];
	_ =	sdelay $0x3  }
0x9c: {  	_ =	strace s3  }
0x9d: {  	_ =	strace $0x8FFFFFFF  }
0x9e: {  	s18 =	sld [smem:$0x3FDB];
	_ =	sdelay $0x1  }
0x9f: {  	s19 =	simm.s32 $_scs_section_size  }
0xa0: {  	s5 =	simm.s32 $_size__tile_overlayer_lowered;
	s6 =	simm.s32 $_tile_overlayer_lowered  }
0xa1: {  	s22 =	simm.s32 $0x1BFF;
	s21 =	sshll.u32 s6, $0x1;
	s3 =	sadd.s32 s19, s18  }
0xa2: {  	s7 =	simm.s32 $0x0;
	s20 =	sshll.u32 s5, $0x1;
	s5 =	sadd.s32 s21, s3  }
0xa3: {  	[timem:s7], [sflag:s22] =	dma.local [hbm:s5], s20  }
0xa4: {  	_ =	swait.ge [sflag:s22], s20  }
0xa5: {  	s4 =	ssub.s32 $0x0, s20;
	[sflag:s22] =	ssyncset.done $0x0  }
0xa6: {  	[sflag:s22] =	ssyncadd.s32 s4;
	_ =	sdelay $0x1  }
0xa7: {  	s23 =	simm.s32 $0x1B8B  }
0xa8: {  	_ =	swait.ge [sflag:s23], $0x1  }
0xa9: {  	[sflag:s23] =	ssyncset.done $0x0  }
0xaa: {  	s25 =	simm.s32 $0x1B8E;
	s24 =	sld [smem:$0x3FFE];
	[sflag:s23] =	ssyncadd.s32 $0xFFFFFFFF  }
0xab: {  	s26 =	simm.s32 $execute0_lowered;
	[smem:$0x3FD2] =	sst s25  }
0xac: {  	s5 =	sshll.u32 s26, $0x1;
	_ =	strace $0x80000046;
	[dreg:$0x1] =	wrdreg $0xFFFFFFFF  }
0xad: {  	s28 =	simm.s32 $_size_execute0_lowered;
	s3 =	sadd.s32 s3, s5;
	[dreg:$0x0] =	wrdreg $0x0  }
0xae: {  	s5 =	sshll.u32 s28, $0x1;
	[dreg:$0x2] =	wrdreg s3  }
0xaf: {  	[dreg:$0x3] =	wrdreg s5  }
0xb0: {  	[dreg:$0x4] =	wrdreg $0xC0  }
0xb1: {  	_ =	task [dreg:s7], $0x5FFFF  }
0xb2: {  	[dreg:$0x1] =	wrdreg $0xFFFFFFFF  }
0xb3: {  	[dreg:$0x0] =	wrdreg $0x60  }
0xb4: {  	[dreg:$0x2] =	wrdreg s16  }
0xb5: {  	[dreg:$0x3] =	wrdreg s24  }
0xb6: {  	[dreg:$0x4] =	wrdreg $0x9  }
0xb7: {  	_ =	task.clear_ibuf [dreg:s7], $0x5FFFF;
	_ =	strace $0x90000046  }
0xb8: {  	s29 =	simm.s32 $0x9;
	_ =	strace $0x80000048  }
0xb9: {  	_ =	swait.ge [sflag:s29], $0x1  }
0xba: {  	[sflag:s29] =	ssyncadd.s32 $0xFFFFFFFF  }
0xbb: {  	_ =	strace $0x90000048  }
0xbc: {  	_ =	sfence  }
0xbd: {  	s30 =	sld [smem:$0x0];
	_ =	sdelay $0x2  }
0xbe: {  	s31 =	sshll.u32 s1, $0xD;
	s1 =	sshrl.u32 s1, $0x2  }
0xbf: {  	s3 =	sand.u32 $0x4000, s31;
	s1 =	sadd.s32 s1, s30  }
0xc0: {  	s0 =	sor.u32 s3, s0;
	s1 =	sshll.u32 s1, $0x11  }
0xc1: {  	s0 =	sor.u32 s1, s0  }
0xc2: {  	s0 =	sadd.s32 $0x8F2B, s0  }
0xc3: {  	[sflag:s0] =	ssyncadd.remote.s32 $0x1  }
0xc4: {  	_ =	sfence.sel $0xFFFF  }
0xc5: {  	[dreg:$0x0] =	wrdreg $0xFFFFFFFF;
	(pc) =	sbr.abs _section_cstart, $3  }
0xc6: {  	[dreg:$0x1] =	wrdreg $0xFFFFFFFF  }
0xc7: {  	_ =	task.clear_ibuf [dreg:s7], $0x2FFFF;
	_ =	strace $0x9FFFFFFF  }
0xc8: {  	(tm) =	ssettm $0x7FFFFFFF  }
0xc9: {  	_ =	shalt  }
tec
execute0_lowered:
.L_overlay_start_1:
0x0: {  	(tag) =	ssettag $0x1  }
0x1: {  	s1 =	stileid.u32  }
0x2: {  	p0 =	sgt.u32 s1, $0x1  }
.Ltmp0:
0x3: {  	_ = 	snop;
	(pc) =	sbr.rel @p0 .LBB2_7-.Ltmp0, $4  }
0x4: {  	s5 =	rddreg [dreg:$0x0]  }
0x5: {  	s3 =	rddreg [dreg:$0x1];
	s2 =	simm.s32 $0x0  }
0x6: {  	[smem:$0x7FF] =	sst s2  }
0x7: {  	s0 =	rddreg [dreg:$0x2];
	_ =	strace $0x80000047  }
0x8: {  	s4 =	srdreg.scid  }
0x9: {  	s6 =	sshll.u32 s1, $0x1;
	s4 =	sand.u32 $0x1, s4  }
0xa: {  	s10 =	simm.s32 $0x6400;
	s11 =	simm.s32 $0x0;
	s6 =	sor.u32 s4, s6  }
0xb: {  	s9 =	ssub.s32 $0x2, s4;
	s7 =	sshll.u32 s6, $0x7;
	s8 =	sshll.u32 s6, $0x4  }
0xc: {  	v0 =	vlaneseq.u32;
	s6 =	smul.u32 $0x600, s6;
	s31 =	sshrl.u32 s9, $0x1;
	s7 =	sadd.s32 s7, s3  }
0xd: {  	v2 =	vmul.u32 $0xFFFFFFFF, v0;
	s30 =	sadd.s32 s8, s3;
	s8 =	simm.s32 $0x3000;
	s3 =	sadd.s32 $0x2C00, s7  }
0xe: {  	s4 =	sadd.s32 $0x2E00, s30;
	s7 =	ssub.s32 s9, s31;
	s5 =	sadd.s32 s5, s6  }
0xf: {  	v1 =	vimm.s32 $0x0;
	v2 =	vadd.s32 $0x2FFF, v2;
	s9 =	simm.s32 $0x6000;
	s6 =	smax.u32 s7, $0x1;
	s7 =	simm.s32 $0x1  }
.LBB2_2:
0x10: {  	s12 =	simm.s32 $0x0  }
0x11: {  	[tilespmem:s12], [sflag:$0x1] =	stream.linear.gather [hbm4b:s5+s12], $0x3000, $0x38;
	[tilespmem:$0x6480] =	vst v63  }
0x12: {  	_ =	swait.ge [sflag:s7], $0x3000  }
0x13: {  	[sflag:s7] =	ssyncset.done $0x0  }
0x14: {  	[sflag:s7] =	ssyncadd.s32 $0xFFFFD000  }
0x15: {  	v3 =	vld [tilespmem:s12+$0x0];
	_ =	sdelay $0x4  }
0x16: {  	vm0 =	vlt.f32 v3, $0.0e+00;
	vm1 =	vgt.f32 v3, $0.0e+00  }
0x17: {  	vm0 =	vmor vm1, vm0  }
0x18: {  	v3 =	vsel vm0, $0x1, v1  }
0x19: {  	(xrf0) =	vadd.scan.msk.s32 $0xffff, v3;
	_ =	sdelay $0x2  }
0x1a: {  	v3 =	vmov s12  }
0x1b: {  	v4 =	vsub.s32 $0x0, v3  }
0x1c: {  	v3 =	vadd.s32 $0xFFFFFFFF, v3;
	v4 =	vbroadcast v4, $0x0  }
0x1d: {  	v3 =	vbroadcast v3, $0x0;
	v5, _, _ =	vpop (xrf0)  }
0x1e: {  	v4 =	vadd.s32 v2, v4;
	(v2sf) =	vpush v5, $0xF  }
0x1f: {  	v3 =	vsel vm0, v3, v4  }
0x20: {  	v3 =	vadd.s32 v5, v3;
	_ =	sdelay $0x3  }
0x21: {  	v4 =	vor.u32 s12, v0  }
0x22: {  	s15 =	simm.s32 $0x10;
	[tilespmem:v3+s8+$0x0] =	vst.idx.msk $0xffff, v4  }
0x23: {  	s16 =	simm.s32 $0x2;
	s14 =	simm.s32 $0x0;
	s13 =	simm.s32 $0x0;
	v3 =	vld [tilespmem:s15+$0x0]  }
.LBB2_3:
0x24: {  	p0 =	seq.s32 s16, $0x2FF;
	_ =	sdelay $0x3  }
0x25: {  	vm0 =	vlt.f32 v3, $0.0e+00;
	vm1 =	vgt.f32 v3, $0.0e+00  }
0x26: {  	vm0 =	vmor vm1, vm0  }
0x27: {  	v3 =	vsel vm0, $0x1, v1;
	s17 =	spop (v2sf)  }
0x28: {  	(xrf0) =	vadd.scan.msk.s32 $0xffff, v3;
	s12 =	sadd.s32 s12, s17;
	s14 =	ssub.s32 s14, s17  }
0x29: {  	s14 =	sadd.s32 $0x10, s14  }
0x2a: {  	v3 =	vmov s14  }
0x2b: {  	v4 =	vmov s12;
	v3 =	vsub.s32 $0x0, v3  }
0x2c: {  	v4 =	vadd.s32 $0xFFFFFFFF, v4;
	v3 =	vbroadcast v3, $0x0  }
0x2d: {  	v4 =	vbroadcast v4, $0x0  }
0x2e: {  	v3 =	vadd.s32 v2, v3;
	v5, _, _ =	vpop (xrf0)  }
0x2f: {  	v3 =	vsel vm0, v4, v3;
	(v2sf) =	vpush v5, $0xF  }
0x30: {  	v3 =	vadd.s32 v5, v3;
	_ =	sdelay $0x2  }
.Ltmp1:
0x31: {  	s13 =	sadd.s32 $0x10, s13;
	(pc) =	sbr.rel @!p0 .LBB2_3-.Ltmp1, $4  }
0x32: {  	v4 =	vor.u32 s13, v0  }
0x33: {  	[tilespmem:v3+s8+$0x0] =	vst.idx.msk $0xffff, v4  }
0x34: {  	s15 =	sadd.s32 $0x10, s15  }
0x35: {  	s16 =	sadd.s32 $0x1, s16;
	v3 =	vld [tilespmem:s15+$0x0]  }
0x36: {  	_ =	sdelay $0x3  }
0x37: {  	vm0 =	vlt.f32 v3, $0.0e+00;
	vm1 =	vgt.f32 v3, $0.0e+00  }
0x38: {  	vm0 =	vmor vm1, vm0  }
0x39: {  	v3 =	vsel vm0, $0x1, v1  }
0x3a: {  	(xrf0) =	vadd.scan.msk.s32 $0xffff, v3;
	_ =	sdelay $0x5  }
0x3b: {  	v3, _, _ =	vpop (xrf0)  }
0x3c: {  	(v2sf) =	vpush v3, $0xF;
	_ =	sdelay $0x2  }
0x3d: {  	s15 =	spop (v2sf)  }
0x3e: {  	s14 =	ssub.s32 s14, s15  }
0x3f: {  	s14 =	sadd.s32 $0x10, s14  }
0x40: {  	s12 =	sadd.s32 s12, s15;
	v4 =	vmov s14  }
0x41: {  	v5 =	vmov s12;
	v4 =	vsub.s32 $0x0, v4  }
0x42: {  	v5 =	vadd.s32 $0xFFFFFFFF, v5;
	v4 =	vbroadcast v4, $0x0  }
0x43: {  	v5 =	vbroadcast v5, $0x0  }
0x44: {  	v4 =	vadd.s32 v2, v4  }
0x45: {  	v4 =	vsel vm0, v5, v4  }
0x46: {  	v3 =	vadd.s32 v3, v4;
	_ =	sdelay $0x2  }
0x47: {  	s13 =	sadd.s32 $0x10, s13;
	s29 =	spop (v2sf)  }
0x48: {  	s30 =	simm.s32 $0x0;
	v4 =	vor.u32 s13, v0;
	s12 =	sadd.s32 s12, s29  }
0x49: {  	[tilespmem:v3+s8+$0x0] =	vst.idx.msk $0xffff, v4;
	v4 =	vmov s30;
	v3 =	vmov s12  }
0x4a: {  	v5 =	vor.u32 s30, v0;
	v4 =	vsub.s32 v3, v4  }
0x4b: {  	vm14 =	vlt.s32 v5, v3;
	v4 =	vadd.s32 v2, v4  }
0x4c: {  	v4 =	vsel vm14, v5, v4;
	_ =	sdelay $0x3  }
0x4d: {  	s31 =	simm.s32 $0x10  }
0x4e: {  	v6 =	vld.idx.msk [tilespmem:v4+s8+$0x0], $0xffff;
	v4 =	vmov s31  }
0x4f: {  	v5 =	vor.u32 s31, v0;
	v4 =	vsub.s32 v3, v4  }
0x50: {  	vm15 =	vlt.s32 v5, v3;
	v4 =	vadd.s32 v2, v4  }
0x51: {  	v4 =	vsel vm15, v5, v4;
	_ =	sdelay $0x2  }
0x52: {  	s13 =	simm.s32 $0x20;
	s12 =	simm.s32 $0x6000  }
0x53: {  	s14 =	simm.s32 $0x30;
	v5 =	vmov s13;
	[tilespmem:s12+$0x0] =	vst v6  }
.LBB2_5:
0x54: {  	p0 =	sne.s32 s14, $0x3F0;
	v6 =	vor.u32 s13, v0;
	v5 =	vsub.s32 v3, v5;
	v7 =	vld.idx.msk [tilespmem:v4+s8+$0x0], $0xffff;
	s13 =	smov.u32 s14  }
0x55: {  	vm0 =	vlt.s32 v6, v3;
	v4 =	vadd.s32 v2, v5  }
.Ltmp2:
0x56: {  	v4 =	vsel vm0, v6, v4;
	(pc) =	sbr.rel @p0 .LBB2_5-.Ltmp2, $3  }
0x57: {  	_ =	sdelay $0x1  }
0x58: {  	s12 =	sadd.s32 $0x10, s12  }
0x59: {  	s14 =	sadd.s32 $0x10, s14;
	v5 =	vmov s13;
	[tilespmem:s12+$0x0] =	vst v7  }
0x5a: {  	_ =	sdelay $0x2  }
0x5b: {  	v6 =	vor.u32 s13, v0;
	v5 =	vsub.s32 v3, v5  }
0x5c: {  	v4 =	vld.idx.msk [tilespmem:v4+s8+$0x0], $0xffff;
	vm0 =	vlt.s32 v6, v3;
	v5 =	vadd.s32 v2, v5  }
0x5d: {  	v5 =	vsel vm0, v6, v5;
	_ =	sdelay $0x2  }
0x5e: {  	s12 =	sadd.s32 $0x10, s12  }
0x5f: {  	[tilespmem:s12+$0x0] =	vst v4  }
0x60: {  	v4 =	vld.idx.msk [tilespmem:v5+s8+$0x0], $0xffff;
	_ =	sdelay $0x3  }
0x61: {  	s12 =	sadd.s32 $0x10, s12  }
0x62: {  	[tilespmem:s12+$0x0] =	vst v4  }
0x63: {  	[hbm4b:s3+s2] =	stream.linear.scatter [tilespmem:s9], [sflag:$0x1], $0x400, $0x38;
	[tilespmem:$0x6480] =	vst v63  }
0x64: {  	_ =	swait.ge [sflag:s7], $0x400  }
0x65: {  	s11 =	sadd.s32 $0x1, s11;
	[sflag:s7] =	ssyncset.done $0x0  }
0x66: {  	p0 =	sne.s32 s11, s6;
	[sflag:s7] =	ssyncadd.s32 $0xFFFFFC00  }
.Ltmp3:
0x67: {  	[tilespmem:$0x6400] =	vst v3;
	(pc) =	sbr.rel @p0 .LBB2_2-.Ltmp3, $4  }
0x68: {  	[hbm4b:s4+s2] =	stream.linear.scatter [tilespmem:s10], [sflag:$0x1], $0x80, $0x38;
	[tilespmem:$0x6480] =	vst v63  }
0x69: {  	_ =	swait.ge [sflag:s7], $0x80  }
0x6a: {  	[sflag:s7] =	ssyncset.done $0x0  }
0x6b: {  	[sflag:s7] =	ssyncadd.s32 $0xFFFFFF80  }
.LBB2_7:
0x6c: {  	_ =	sfence.sel $0x180000  }
0x6d: {  	[bflag:$0x0] =	sbarrier.arrive $0xFFFF  }
0x6e: {  	p0 =	sne.s32 s1, $0x0;
	_ =	strace $0x90000047  }
0x6f: {  	s0 =	sadd.s32 @!p0 $0x100000, s0;
	[bflag:$0x2] =	sbarrier.arrive $0xFFFF  }
0x70: {  	[sflag:s0] =	ssyncadd.tile.s32 @!p0 $0x1;
	_ =	shalt  }
.Lfunc_end2:
_tile_overlayer_lowered:
.L_overlay_start_2:
0x71: {  	(tag) =	ssettag $0x2  }
0x72: {  	s0 =	rddreg [dreg:$0x0];
	s2 =	stileid.u32  }
0x73: {  	s1 =	rddreg [dreg:$0x1];
	p0 =	sne.s32 s2, $0x0  }
0x74: {  	s3 =	rddreg [dreg:$0x2];
	[bflag:$0x3] =	sbarrier.arrive $0xFFFF;
	s2 =	simm.s32 @!p0 $0x1C01  }
0x75: {  	[timem:s3], [sflag:s2] =	dma.local @!p0 [hbm:s0], s1  }
0x76: {  	s0 =	simm.s32 @!p0 $0x1  }
0x77: {  	_ =	swait.ge @!p0 [sflag:s0], s1  }
0x78: {  	s1 =	ssub.s32 @!p0 $0x0, s1;
	[sflag:s0] =	ssyncset.done @!p0 $0x0  }
0x79: {  	[sflag:s0] =	ssyncadd.s32 @!p0 s1  }
0x7a: {  	[bflag:$0x3] =	sbarrier.arrive $0xFFFF  }
0x7b: {  	_ =	shalt  }

// kernel: kernel.8.cloned.1.call-start
scs
__scs_entry_jumppad:
0x0: {  	(pc) =	sbr.rel $0x88, $3  }
0x1: {  	(tag) =	ssettag $0x0;
	lr =	simm.s32 $0x1  }
0x2: {  	[smem:$0x3F98] =	sst lr;
	_ =	strace $0xD0000000  }
0x3: {  	_ = 	snop  }
0x4: {  	_ = 	snop  }
0x5: {  	_ = 	snop  }
0x6: {  	_ = 	snop  }
0x7: {  	_ = 	snop  }
__scs_overlays_trampoline_lowered:
0x8: {  	[smem:$0x3FA7] =	sst s0  }
0x9: {  	[smem:$0x3FA8] =	sst s1  }
0xa: {  	[smem:$0x3FA9] =	sst s2  }
0xb: {  	[smem:$0x3FAA] =	sst s3  }
0xc: {  	[smem:$0x3FAB] =	sst s4  }
0xd: {  	[smem:$0x3FAC] =	sst s5  }
0xe: {  	[smem:$0x3FAD] =	sst s6  }
0xf: {  	[smem:$0x3FAE] =	sst s7  }
0x10: {  	[smem:$0x3FAF] =	sst s8  }
0x11: {  	[smem:$0x3FB0] =	sst s9;
	s0 =	simm.s32 @!p0 $0x0  }
0x12: {  	s1 =	sld [smem:$0x3F96];
	s0 =	simm.s32 @p0 $0x1  }
0x13: {  	[smem:$0x3FB1] =	sst s0;
	s0 =	simm.s32 @!p1 $0x0  }
0x14: {  	s2 =	sld [smem:$0x3F95];
	s0 =	simm.s32 @p1 $0x1  }
0x15: {  	[smem:$0x3FB2] =	sst s0;
	s0 =	simm.s32 @!p2 $0x0  }
0x16: {  	s3 =	sld [smem:$0x3FDB];
	s0 =	simm.s32 @p2 $0x1  }
0x17: {  	s4 =	simm.s32 $0x1BF5;
	[smem:$0x3FB4] =	sst s0  }
0x18: {  	s0 =	sld [smem:$0x3F97];
	_ =	swait.ge [sflag:s4], $0x0  }
0x19: {  	s7 =	sld [smem:$0x3F98]  }
0x1a: {  	s8 =	sadd.s32 $0xFFFFE003, lr  }
0x1b: {  	s9 =	sadd.s32 $0xFFFFFEF7, lr;
	s5 =	simm.s32 $0xFFFFFFFF;
	p2 =	slt.u32 s8, $0xFFFFF086  }
0x1c: {  	p1 =	slt.u32 s9, $0xF7A;
	s5 =	simm.s32 @!p2 $0x0  }
0x1d: {  	s5 =	simm.s32 @p1 $0x1;
	p0 =	seq.s32 s7, s2  }
0x1e: {  	s7 =	smul.u32 @!p0 $0xF7A, s2;
	p2 =	seq.s32 @!p0 s5, $0x0  }
0x1f: {  	s9 =	smul.u32 $0xF7A, s1;
	s8 =	simm.s32 @!p0 $0x1BF5;
	p2 =	por !p2, p0  }
0x20: {  	[sflag:s8] =	ssyncset.s32 @!p0 $0xFFFFF086;
	s6 =	sadd.s32 @!p0 s3, s7;
	s7 =	simm.s32 @!p0 $0x108  }
0x21: {  	s3 =	sadd.s32 s3, s9;
	s6 =	sadd.s32 @!p0 $0x88, s6;
	s7 =	simm.s32 @p2 $0x1082  }
0x22: {  	[simem:s7], [sflag:s8] =	dma.local @!p0 [hbm:s6], $0xF7A  }
0x23: {  	s9 =	sor.u32 $0xD0000000, s2;
	s6 =	simm.s32 $0x108;
	_ =	swait.ge @!p0 [sflag:s8], $0x0  }
0x24: {  	s3 =	sadd.s32 $0x88, s3;
	s6 =	simm.s32 @!p1 $0x1082;
	[sflag:s4] =	ssyncset.s32 $0xFFFFF086  }
0x25: {  	[simem:s6], [sflag:s4] =	dma.local [hbm:s3], $0xF7A  }
0x26: {  	[smem:$0x3F98] =	sst s1;
	(tag) =	ssettag s2;
	_ =	strace s9  }
0x27: {  	s1 =	sld [smem:$0x3FA8]  }
0x28: {  	s2 =	sld [smem:$0x3FA9]  }
0x29: {  	s4 =	sld [smem:$0x3FAB]  }
0x2a: {  	p0 =	seq.s32 s5, $0x0;
	s5 =	sld [smem:$0x3FAC]  }
0x2b: {  	s6 =	sld [smem:$0x3FAD]  }
0x2c: {  	s7 =	sld [smem:$0x3FAE]  }
0x2d: {  	s3 =	simm.s32 $0x108;
	s8 =	sld [smem:$0x3FAF]  }
0x2e: {  	s3 =	simm.s32 @!p0 $0x1082;
	s9 =	sld [smem:$0x3FB0]  }
0x2f: {  	lr =	sadd.s32 s0, s3;
	s0 =	sld [smem:$0x3FA7]  }
0x30: {  	s3 =	sld [smem:$0x3FAA]  }
0x31: {  	[smem:$0x3FB3] =	sst s10  }
0x32: {  	s10 =	sld [smem:$0x3FB1];
	_ =	sdelay $0x3  }
0x33: {  	p0 =	seq.s32 s10, $0x1;
	s10 =	sld [smem:$0x3FB3];
	_ =	sdelay $0x3  }
0x34: {  	[smem:$0x3FB3] =	sst s10  }
0x35: {  	s10 =	sld [smem:$0x3FB2];
	_ =	sdelay $0x3  }
0x36: {  	p1 =	seq.s32 s10, $0x1;
	s10 =	sld [smem:$0x3FB3];
	_ =	sdelay $0x3  }
0x37: {  	[smem:$0x3FB3] =	sst s10  }
0x38: {  	s10 =	sld [smem:$0x3FB4]  }
0x39: {  	_ = 	snop;
	(pc) =	sbr.ind lr, $3  }
0x3a: {  	_ = 	snop  }
0x3b: {  	_ = 	snop  }
0x3c: {  	p2 =	seq.s32 s10, $0x1;
	s10 =	sld [smem:$0x3FB3]  }
0x3d: {  	_ =	shalt  }
0x3e: {  	_ =	shalt  }
0x3f: {  	_ =	shalt  }
0x40: {  	_ =	shalt  }
0x41: {  	_ =	shalt  }
0x42: {  	_ =	shalt  }
0x43: {  	_ =	shalt  }
0x44: {  	_ =	shalt  }
0x45: {  	_ =	shalt  }
0x46: {  	_ =	shalt  }
0x47: {  	_ =	shalt  }
0x48: {  	_ =	shalt  }
0x49: {  	_ =	shalt  }
0x4a: {  	_ =	shalt  }
0x4b: {  	_ =	shalt  }
0x4c: {  	_ =	shalt  }
0x4d: {  	_ =	shalt  }
0x4e: {  	_ =	shalt  }
0x4f: {  	_ =	shalt  }
0x50: {  	_ =	shalt  }
0x51: {  	_ =	shalt  }
0x52: {  	_ =	shalt  }
0x53: {  	_ =	shalt  }
0x54: {  	_ =	shalt  }
0x55: {  	_ =	shalt  }
0x56: {  	_ =	shalt  }
0x57: {  	_ =	shalt  }
0x58: {  	_ =	shalt  }
0x59: {  	_ =	shalt  }
0x5a: {  	_ =	shalt  }
0x5b: {  	_ =	shalt  }
0x5c: {  	_ =	shalt  }
0x5d: {  	_ =	shalt  }
0x5e: {  	_ =	shalt  }
0x5f: {  	_ =	shalt  }
0x60: {  	_ =	shalt  }
0x61: {  	_ =	shalt  }
0x62: {  	_ =	shalt  }
0x63: {  	_ =	shalt  }
0x64: {  	_ =	shalt  }
0x65: {  	_ =	shalt  }
0x66: {  	_ =	shalt  }
0x67: {  	_ =	shalt  }
0x68: {  	_ =	shalt  }
0x69: {  	_ =	shalt  }
0x6a: {  	_ =	shalt  }
0x6b: {  	_ =	shalt  }
0x6c: {  	_ =	shalt  }
0x6d: {  	_ =	shalt  }
0x6e: {  	_ =	shalt  }
0x6f: {  	_ =	shalt  }
0x70: {  	_ =	shalt  }
0x71: {  	_ =	shalt  }
0x72: {  	_ =	shalt  }
0x73: {  	_ =	shalt  }
0x74: {  	_ =	shalt  }
0x75: {  	_ =	shalt  }
0x76: {  	_ =	shalt  }
0x77: {  	_ =	shalt  }
0x78: {  	_ =	shalt  }
0x79: {  	_ =	shalt  }
0x7a: {  	_ =	shalt  }
0x7b: {  	_ =	shalt  }
0x7c: {  	_ =	shalt  }
0x7d: {  	_ =	shalt  }
0x7e: {  	_ =	shalt  }
0x7f: {  	_ =	shalt  }
0x80: {  	_ =	shalt  }
0x81: {  	_ =	shalt  }
0x82: {  	_ =	shalt  }
0x83: {  	_ =	shalt  }
0x84: {  	_ =	shalt  }
0x85: {  	_ =	shalt  }
0x86: {  	_ =	shalt  }
0x87: {  	_ =	shalt  }
.Lfunc_end0:
.L_simem_size_0:
called_computation.1_lowered:
.L_overlay_start_0:
0x88: {  	s2 =	sld [smem:$0x3FD9]  }
0x89: {  	s3 =	sld [smem:$0x3FFE];
	_ =	sdelay $0x1  }
0x8a: {  	s1 =	srdreg.scid  }
0x8b: {  	s0 =	sand.u32 $0x1, s1  }
0x8c: {  	s14 =	sshll.u32 s0, $0xA;
	s2 =	sadd.s32 s3, s2  }
0x8d: {  	s2 =	sadd.s32 s2, s14  }
0x8e: {  	[smem:$0x3FBF] =	sst s2  }
0x8f: {  	_ = 	snop  }
0x90: {  	s2 =	sld [smem:$0x3FD0];
	_ =	sdelay $0x1  }
0x91: {  	s15 =	sld [smem:$0x3FC8]  }
0x92: {  	s5 =	simm.s32 $0xA;
	s6 =	simm.s32 $0x10;
	s4 =	sld [smem:$0x3FC6]  }
0x93: {  	[smem:s6], [sflag:s5] =	dma.local [hbm:s2], $0x1  }
0x94: {  	_ =	swait.eq [sflag:s5], $0x1  }
0x95: {  	s16 =	sld [smem:$0x10]  }
0x96: {  	s17 =	sld [smem:$0x11]  }
0x97: {  	s7 =	sld [smem:$0x12];
	[sflag:s5] =	ssyncset.done $0x0  }
0x98: {  	s8 =	sld [smem:$0x13];
	[sflag:s5] =	ssyncadd.s32 $0xFFFFFFFF  }
0x99: {  	s18 =	sld [smem:$0x15];
	(tm) =	ssettm $0x1  }
0x9a: {  	s9 =	sld [smem:$0x3FFB];
	_ =	sdelay $0x3  }
0x9b: {  	_ =	strace s9  }
0x9c: {  	s9 =	sld [smem:$0x3FFC];
	_ =	sdelay $0x3  }
0x9d: {  	_ =	strace s9  }
0x9e: {  	s9 =	sld [smem:$0x3FFD];
	_ =	sdelay $0x3  }
0x9f: {  	_ =	strace s9  }
0xa0: {  	_ =	strace $0x8FFFFFFF  }
0xa1: {  	s19 =	sld [smem:$0x3FDB];
	_ =	sdelay $0x1  }
0xa2: {  	s10 =	simm.s32 $_scs_section_size  }
0xa3: {  	s11 =	simm.s32 $_size__tile_overlayer_lowered;
	s12 =	simm.s32 $_tile_overlayer_lowered  }
0xa4: {  	s22 =	simm.s32 $0x1BFF;
	s21 =	sshll.u32 s12, $0x1;
	s9 =	sadd.s32 s10, s19  }
0xa5: {  	s13 =	simm.s32 $0x0;
	s20 =	sshll.u32 s11, $0x1;
	s11 =	sadd.s32 s21, s9  }
0xa6: {  	[timem:s13], [sflag:s22] =	dma.local [hbm:s11], s20  }
0xa7: {  	_ =	swait.ge [sflag:s22], s20  }
0xa8: {  	s10 =	ssub.s32 $0x0, s20;
	[sflag:s22] =	ssyncset.done $0x0  }
0xa9: {  	[sflag:s22] =	ssyncadd.s32 s10;
	_ =	sdelay $0x1  }
0xaa: {  	s23 =	simm.s32 $0x1B8B  }
0xab: {  	_ =	swait.ge [sflag:s23], $0x1  }
0xac: {  	[sflag:s23] =	ssyncset.done $0x0  }
0xad: {  	s25 =	simm.s32 $0x1B8E;
	s24 =	sld [smem:$0x3FFE];
	[sflag:s23] =	ssyncadd.s32 $0xFFFFFFFF  }
0xae: {  	s26 =	simm.s32 $execute0_lowered;
	[smem:$0x3FD2] =	sst s25  }
0xaf: {  	s11 =	sshll.u32 s26, $0x1;
	_ =	strace $0x80000049;
	[dreg:$0x1] =	wrdreg $0xFFFFFFFF  }
0xb0: {  	s28 =	simm.s32 $_size_execute0_lowered;
	s9 =	sadd.s32 s9, s11;
	[dreg:$0x0] =	wrdreg $0x0  }
0xb1: {  	s11 =	sshll.u32 s28, $0x1;
	[dreg:$0x2] =	wrdreg s9  }
0xb2: {  	[dreg:$0x3] =	wrdreg s11  }
0xb3: {  	[dreg:$0x4] =	wrdreg $0xC0  }
0xb4: {  	_ =	task [dreg:s13], $0x5FFFF  }
0xb5: {  	[dreg:$0x1] =	wrdreg $0xFFFFFFFF  }
0xb6: {  	[dreg:$0x0] =	wrdreg $0x60  }
0xb7: {  	[dreg:$0x2] =	wrdreg s24  }
0xb8: {  	[dreg:$0x3] =	wrdreg s15  }
0xb9: {  	[dreg:$0x4] =	wrdreg s4  }
0xba: {  	[dreg:$0x5] =	wrdreg s7  }
0xbb: {  	[dreg:$0x6] =	wrdreg s18  }
0xbc: {  	[dreg:$0x7] =	wrdreg s8  }
0xbd: {  	[dreg:$0x8] =	wrdreg s17  }
0xbe: {  	[dreg:$0x9] =	wrdreg s16  }
0xbf: {  	[dreg:$0xa] =	wrdreg $0x9  }
0xc0: {  	_ =	task.clear_ibuf [dreg:s13], $0xBFFFF;
	_ =	strace $0x90000049  }
0xc1: {  	s29 =	simm.s32 $0x9;
	_ =	strace $0x8000004B  }
0xc2: {  	_ =	swait.ge [sflag:s29], $0x1  }
0xc3: {  	[sflag:s29] =	ssyncadd.s32 $0xFFFFFFFF  }
0xc4: {  	_ =	strace $0x9000004B  }
0xc5: {  	_ =	sfence  }
0xc6: {  	s30 =	sld [smem:$0x0];
	_ =	sdelay $0x2  }
0xc7: {  	s31 =	sshll.u32 s1, $0xD;
	s1 =	sshrl.u32 s1, $0x2  }
0xc8: {  	s3 =	sand.u32 $0x4000, s31;
	s1 =	sadd.s32 s1, s30  }
0xc9: {  	s0 =	sor.u32 s3, s0;
	s1 =	sshll.u32 s1, $0x11  }
0xca: {  	s0 =	sor.u32 s1, s0  }
0xcb: {  	s0 =	sadd.s32 $0x8F2B, s0  }
0xcc: {  	[sflag:s0] =	ssyncadd.remote.s32 $0x1  }
0xcd: {  	_ =	sfence.sel $0xFFFF  }
0xce: {  	[dreg:$0x0] =	wrdreg $0xFFFFFFFF;
	(pc) =	sbr.abs _section_cstart, $3  }
0xcf: {  	[dreg:$0x1] =	wrdreg $0xFFFFFFFF  }
0xd0: {  	_ =	task.clear_ibuf [dreg:s13], $0x2FFFF;
	_ =	strace $0x9FFFFFFF  }
0xd1: {  	(tm) =	ssettm $0x7FFFFFFF  }
tec
execute0_lowered:
.L_overlay_start_1:
0x0: {  	(tag) =	ssettag $0x1  }
0x1: {  	s29 =	stileid.u32  }
0x2: {  	s0 =	srdreg.scid;
	s9 =	rddreg [dreg:$0x1];
	s1 =	sshll.u32 s29, $0x1  }
0x3: {  	s0 =	sand.u32 $0x1, s0;
	s2 =	sshrl.u32 s29, $0x2;
	s1 =	sand.u32 $0x6, s1  }
0x4: {  	s10 =	sadd.s32 $0x40, s9;
	s20 =	sshll.u32 s2, $0x14;
	s7 =	sor.u32 s0, s1  }
0x5: {  	s18 =	smul.u32 $0x300000, s2;
	s0 =	ssub.s32 $0x2, s0;
	s6 =	sshll.u32 s7, $0x11  }
0x6: {  	s3 =	sshrl.u32 s0, $0x1;
	s22 =	sshll.u32 s7, $0x2;
	p0 =	seq.s32 s7, $0x2  }
0x7: {  	p1 =	seq.s32 s7, $0x1;
	p2 =	sne.s32 s7, $0x0;
	s4 =	sor.u32 s20, s6  }
0x8: {  	s8 =	ssub.s32 s0, s3;
	s3 =	sor.u32 $0x1, s22;
	s11 =	sor.u32 $0x8000, s6  }
0x9: {  	s14 =	sor.u32 $0x10000, s6;
	s17 =	sor.u32 $0x18000, s6;
	s21 =	sshrl.u32 s4, $0x3  }
0xa: {  	s24 =	sshll.u32 s3, $0xF;
	s12 =	sor.u32 s20, s11;
	s4 =	sor.u32 $0x2, s22  }
0xb: {  	s31 =	sor.u32 s20, s14;
	s1 =	sor.u32 s20, s17;
	s3 =	sshll.u32 s3, $0xD  }
0xc: {  	s8 =	smax.u32 s8, $0x1;
	s23 =	sadd.s32 s9, s21;
	s0 =	sadd.s32 s21, s10  }
0xd: {  	s5 =	sor.u32 s20, s24;
	s12 =	sshrl.u32 s12, $0x3;
	s13 =	sshll.u32 s4, $0xF  }
0xe: {  	s1 =	sshrl.u32 s1, $0x3;
	s4 =	sshll.u32 s4, $0xD;
	[dreg:$0x9] =	wrdreg s23  }
0xf: {  	[dreg:$0xa] =	wrdreg s0;
	s5 =	sshrl.u32 s5, $0x3;
	s25 =	sadd.s32 s12, s10  }
0x10: {  	s26 =	sor.u32 s20, s13;
	s1 =	sadd.s32 s1, s10;
	[dreg:$0xc] =	wrdreg s25  }
0x11: {  	s22 =	sor.u32 s18, s13;
	s5 =	sadd.s32 s9, s5;
	[dreg:$0x10] =	wrdreg s1  }
0x12: {  	s30 =	sshrl.u32 s26, $0x3;
	[dreg:$0xb] =	wrdreg s5;
	s5 =	sshllo.u32 s7, $0x2  }
0x13: {  	s12 =	sadd.s32 s9, s30;
	s30 =	sor.u32 s18, s24;
	s15 =	sshll.u32 s5, $0xF  }
0x14: {  	[dreg:$0xd] =	wrdreg s12;
	s12 =	sshrl.u32 s31, $0x3;
	s16 =	sor.u32 s20, s15  }
0x15: {  	s12 =	sadd.s32 s12, s10;
	s10 =	sadd.s32 $0x200000, s18;
	s16 =	sshrl.u32 s16, $0x3  }
0x16: {  	s20 =	sor.u32 s18, s11;
	[dreg:$0xe] =	wrdreg s12;
	s9 =	sadd.s32 s9, s16  }
0x17: {  	s26 =	sor.u32 s18, s15;
	[dreg:$0xf] =	wrdreg s9;
	s9 =	sadd.s32 $0x100000, s18  }
0x18: {  	s12 =	sor.u32 s18, s6;
	s0 =	sor.u32 s10, s24;
	s16 =	sor.u32 s9, s6  }
0x19: {  	s6 =	sor.u32 s10, s6;
	s19 =	sor.u32 s9, s24;
	s21 =	sor.u32 s9, s11  }
0x1a: {  	s11 =	sor.u32 s10, s11;
	s23 =	sor.u32 s9, s13;
	s13 =	sor.u32 s10, s13  }
0x1b: {  	s24 =	sor.u32 s18, s14;
	s25 =	sor.u32 s9, s14;
	s14 =	sor.u32 s10, s14  }
0x1c: {  	s28 =	sor.u32 s9, s15;
	s15 =	sor.u32 s10, s15;
	s1 =	sor.u32 s9, s17  }
0x1d: {  	s9 =	sor.u32 s10, s17;
	s10 =	sshrl.u32 s12, $0x3;
	s12 =	sshrl.u32 s16, $0x3  }
0x1e: {  	s16 =	sshrl.u32 s30, $0x3;
	s31 =	sshrl.u32 s19, $0x3;
	s19 =	rddreg [dreg:$0x2]  }
0x1f: {  	s22 =	sshrl.u32 s22, $0x3;
	s0 =	sshrl.u32 s0, $0x3;
	s16 =	sadd.s32 s19, s16  }
0x20: {  	s18 =	sor.u32 s18, s17;
	s17 =	sadd.s32 s19, s31;
	[dreg:$0x11] =	wrdreg s16  }
0x21: {  	s30 =	sshrl.u32 s23, $0x3;
	s0 =	sadd.s32 s19, s0;
	[dreg:$0x12] =	wrdreg s17  }
0x22: {  	s5 =	sshll.u32 s5, $0xD;
	s31 =	sadd.s32 s19, s30;
	[dreg:$0x13] =	wrdreg s0  }
0x23: {  	s6 =	sshrl.u32 s6, $0x3;
	s30 =	sadd.s32 s19, s12;
	[dreg:$0x15] =	wrdreg s31  }
0x24: {  	s13 =	sshrl.u32 s13, $0x3;
	s0 =	sadd.s32 s19, s22;
	[dreg:$0x1b] =	wrdreg s30  }
0x25: {  	s16 =	sshrl.u32 s26, $0x3;
	s26 =	sadd.s32 s19, s10;
	[dreg:$0x14] =	wrdreg s0  }
0x26: {  	s17 =	sshrl.u32 s28, $0x3;
	s31 =	sadd.s32 s19, s6;
	[dreg:$0x1a] =	wrdreg s26  }
0x27: {  	s23 =	sshrl.u32 s15, $0x3;
	s22 =	sadd.s32 s19, s17;
	[dreg:$0x1c] =	wrdreg s31  }
0x28: {  	s17 =	sshrl.u32 s21, $0x3;
	s21 =	sshrl.u32 s11, $0x3;
	s11 =	rddreg [dreg:$0x3]  }
0x29: {  	s1 =	sshrl.u32 s1, $0x3;
	s0 =	sadd.s32 s19, s13;
	s13 =	rddreg [dreg:$0x4]  }
0x2a: {  	s30 =	sshrl.u32 s18, $0x3;
	[dreg:$0x16] =	wrdreg s0;
	s0 =	sadd.s32 s19, s16  }
0x2b: {  	s18 =	smul.u32 $0x82000, s2;
	[dreg:$0x17] =	wrdreg s0;
	s0 =	sadd.s32 s19, s23  }
0x2c: {  	s28 =	simm.s32 $0x1A800;
	[dreg:$0x19] =	wrdreg s0;
	s0 =	sadd.s32 $0x40, s19  }
0x2d: {  	s26 =	sshrl.u32 s14, $0x3;
	[dreg:$0x18] =	wrdreg s22;
	s10 =	sadd.s32 s10, s0  }
0x2e: {  	s14 =	smul.u32 $0x180, s2;
	s15 =	sadd.s32 s12, s0;
	[dreg:$0x1d] =	wrdreg s10  }
0x2f: {  	s16 =	sshrl.u32 s20, $0x3;
	s6 =	sadd.s32 s6, s0;
	[dreg:$0x1e] =	wrdreg s15  }
0x30: {  	s22 =	sshrl.u32 s24, $0x3;
	s19 =	sadd.s32 s16, s0;
	[dreg:$0x1f] =	wrdreg s6  }
0x31: {  	s3 =	sadd.s32 s18, s3;
	s20 =	sadd.s32 s17, s0;
	[smem:$0x7EC] =	sst s19  }
0x32: {  	s23 =	sshrl.u32 s25, $0x3;
	s24 =	sadd.s32 s22, s0;
	[smem:$0x7ED] =	sst s20  }
0x33: {  	s4 =	sadd.s32 s18, s4;
	s25 =	sadd.s32 s23, s0;
	[smem:$0x7EF] =	sst s24  }
0x34: {  	s5 =	sadd.s32 s18, s5;
	s31 =	sadd.s32 s30, s0;
	[smem:$0x7F0] =	sst s25  }
0x35: {  	s3 =	sshrl.u32 s3, $0x3;
	s1 =	sadd.s32 s1, s0;
	[smem:$0x7F2] =	sst s31  }
0x36: {  	s4 =	sshrl.u32 s4, $0x3;
	s12 =	smul.u32 $0x600, s2;
	[smem:$0x7F3] =	sst s1  }
0x37: {  	s16 =	sshll.u32 s2, $0x9;
	s17 =	sshll.u32 s2, $0x4;
	s15 =	rddreg [dreg:$0x6]  }
0x38: {  	s30 =	sshrl.u32 s5, $0x3;
	s6 =	sadd.s32 s21, s0;
	s19 =	rddreg [dreg:$0x0]  }
0x39: {  	s10 =	sshrl.u32 s9, $0x3;
	s20 =	sshll.u32 s29, $0x5;
	s24 =	rddreg [dreg:$0x7]  }
0x3a: {  	s21 =	sshll.u32 s7, $0xF;
	s25 =	rddreg [dreg:$0x5];
	s29 =	simm.s32 $0x0  }
0x3b: {  	[smem:$0x7EE] =	sst s6;
	s6 =	sadd.s32 s26, s0;
	s0 =	sadd.s32 s10, s0  }
0x3c: {  	s1 =	sadd.s32 s15, s14;
	s23 =	sadd.s32 s18, s21;
	[smem:$0x7F1] =	sst s6  }
0x3d: {  	s3 =	sadd.s32 s25, s3;
	s26 =	sadd.s32 s25, s4;
	[smem:$0x7F4] =	sst s0  }
0x3e: {  	s14 =	simm.s32 $0x200;
	s15 =	simm.s32 $0x400;
	[smem:$0x7F6] =	sst s1  }
0x3f: {  	s21 =	simm.s32 $0x3;
	s6 =	sadd.s32 s11, s12;
	[smem:$0x7F9] =	sst s3  }
0x40: {  	s0 =	sadd.s32 s13, s16;
	s2 =	sshrl.u32 s23, $0x3;
	[smem:$0x7FA] =	sst s26  }
0x41: {  	s3 =	sadd.s32 s25, s30;
	s1 =	sshrl.u32 s18, $0x3;
	s13 =	simm.s32 $0x4  }
0x42: {  	s16 =	simm.s32 $0x800;
	s18 =	simm.s32 $0x1;
	[smem:$0x7F5] =	sst s6  }
0x43: {  	s23 =	simm.s32 $0x8800;
	s26 =	simm.s32 $0x1B800;
	[smem:$0x7F7] =	sst s0  }
0x44: {  	s6 =	sand.u32 $0x180, s20;
	s0 =	sadd.s32 s17, s19;
	s2 =	sadd.s32 s25, s2  }
0x45: {  	[smem:$0x7FB] =	sst s3;
	s1 =	sadd.s32 s25, s1;
	s17 =	simm.s32 $0xC800  }
0x46: {  	s20 =	simm.s32 $0x18800;
	s25 =	simm.s32 $0x14800;
	s22 =	sadd.s32 s6, s19  }
0x47: {  	s6 =	sadd.s32 s24, s6;
	s0 =	sadd.s32 $0x2E00, s0;
	s31 =	sadd.s32 $0x10000, s1  }
.Ltmp0:
0x48: {  	s9 =	sadd.s32 $0x8000, s2;
	s10 =	sadd.s32 $0x8400, s2;
	(pc) =	sbr.rel .LBB2_1-.Ltmp0, $4  }
0x49: {  	s11 =	sadd.s32 $0x8800, s2;
	[smem:$0x7F8] =	sst s6;
	s6 =	simm.s32 $0x0  }
0x4a: {  	s12 =	sadd.s32 $0x8C00, s2;
	s19 =	simm.s32 $0x2;
	[smem:$0x7FF] =	sst s6  }
0x4b: {  	s24 =	simm.s32 $0x10800;
	_ =	strace $0x8000004A;
	[smem:$0x7FC] =	sst s0  }
0x4c: {  	v0 =	vlaneseq.u32;
	v1 =	vimm.s32 $0x0;
	s7 =	sadd.s32 $0x2C00, s22;
	s22 =	simm.s32 $0x4800;
	[smem:$0x7FD] =	sst s31  }
.LBB2_47:
0x4d: {  	s29 =	sadd.s32 $0x1, s29  }
0x4e: {  	p3 =	sne.s32 s29, s8  }
.Ltmp1:
0x4f: {  	_ = 	snop;
	(pc) =	sbr.rel @!p3 .LBB2_48-.Ltmp1, $1  }
0x50: {  	_ =	sdelay $0x3  }
.LBB2_1:
0x51: {  	[tilespmem:s6], [sflag:$0x4] =	stream.linear.gather [hbm4b:s7+s6], $0x400, $0x38;
	[tilespmem:$0x1F480] =	vst v63  }
0x52: {  	_ =	swait.ge [sflag:s13], $0x400  }
0x53: {  	[sflag:s13] =	ssyncset.done $0x0  }
0x54: {  	s0 =	simm.s32 $0x0;
	[sflag:s13] =	ssyncadd.s32 $0xFFFFFC00  }
0x55: {  	v2 =	vld [tilespmem:s0+$0x0];
	_ =	sdelay $0x4  }
0x56: {  	v3 =	vand.u32 $0xFFF, v2  }
0x57: {  	s3 =	simm.s32 $0x10;
	s1 =	simm.s32 $0x80;
	v2 =	vshra.s32 v2, $0xC;
	[tilespmem:s0+$0x0] =	vst v3  }
.LBB2_2:
0x58: {  	p3 =	sne.s32 s1, $0xFC0;
	v3 =	vld [tilespmem:s3+$0x0];
	[tilespmem:s0+$0x400] =	vst v2;
	s0 =	smov.u32 s3;
	_ =	sdelay $0x1  }
.Ltmp2:
0x59: {  	(pc) =	sbr.rel @p3 .LBB2_2-.Ltmp2, $3  }
0x5a: {  	_ =	sdelay $0x1  }
0x5b: {  	v4 =	vand.u32 $0xFFF, v3;
	v2 =	vshra.s32 v3, $0xC  }
0x5c: {  	s3 =	sshra.s32 s1, $0x2;
	s1 =	sadd.s32 $0x40, s1;
	[tilespmem:s0+$0x0] =	vst v4  }
0x5d: {  	v3 =	vld [tilespmem:s3+$0x0];
	_ =	sdelay $0x4  }
0x5e: {  	[tilespmem:s0+$0x400] =	vst v2;
	v2 =	vand.u32 $0xFFF, v3  }
0x5f: {  	v3 =	vshra.s32 v3, $0xC;
	[tilespmem:s3+$0x0] =	vst v2  }
0x60: {  	s4 =	rddreg [dreg:$0x9];
	[tilespmem:s3+$0x400] =	vst v3  }
0x61: {  	[tilespmem:s16], [sflag:$0x1] =	stream.strided.gather [hbm4b:s4+s14], $0x4000, s15, s14, $0x38;
	[tilespmem:$0x1F480] =	vst v63  }
0x62: {  	s5 =	rddreg [dreg:$0xa]  }
0x63: {  	[tilespmem:s17], [sflag:$0x2] =	stream.strided.gather [hbm4b:s5+s14], $0x4000, s15, s14, $0x38;
	[tilespmem:$0x1F480] =	vst v63  }
0x64: {  	_ =	swait.ge [sflag:s18], $0x4000  }
0x65: {  	[sflag:s18] =	ssyncset.done $0x0  }
0x66: {  	s30 =	simm.s32 $0x0;
	[sflag:s18] =	ssyncadd.s32 $0xFFFFC000  }
0x67: {  	v2 =	vld [tilespmem:s30+$0x0];
	_ =	sdelay $0x4  }
0x68: {  	v3 =	vshll.u32 v2, $0x2  }
0x69: {  	v2 =	vand.u32 $0x7F, v2;
	v3 =	vand.u32 $0xFFFFFE00, v3  }
0x6a: {  	v2 =	vor.u32 v2, v3;
	_ =	sdelay $0x4  }
0x6b: {  	v3 =	vld.idx.msk [tilespmem:v2+s16+$0x0], $0xffff  }
0x6c: {  	v4 =	vor.u32 $0x80, v2;
	_ =	sdelay $0x1  }
0x6d: {  	s31 =	sand.u32 $0x70, s30;
	s1 =	sand.u32 $0x1C00, s30  }
0x6e: {  	s0 =	sor.u32 s31, s1  }
0x6f: {  	[tilespmem:s0+$0x18800] =	vst v3  }
0x70: {  	v3 =	vld.idx.msk [tilespmem:v4+s16+$0x0], $0xffff  }
0x71: {  	v63 =	vor.u32 $0x100, v2;
	_ =	sdelay $0x2  }
0x72: {  	s3 =	sadd.s32 $0x18800, s0  }
0x73: {  	[tilespmem:s3+$0x80] =	vst v3  }
0x74: {  	v3 =	vld.idx.msk [tilespmem:v63+s16+$0x0], $0xffff  }
0x75: {  	v2 =	vor.u32 $0x180, v2;
	_ =	sdelay $0x3  }
0x76: {  	[tilespmem:s3+$0x100] =	vst v3  }
0x77: {  	s1 =	simm.s32 $0x0;
	s0 =	simm.s32 $0x10;
	v2 =	vld.idx.msk [tilespmem:v2+s16+$0x0], $0xffff  }
.LBB2_4:
0x78: {  	_ =	sdelay $0x3  }
0x79: {  	p3 =	sne.s32 s0, $0x3F0;
	s30 =	sadd.s32 $0x80, s30;
	s1 =	sadd.s32 $0x10, s1;
	[tilespmem:s3+$0x180] =	vst v2  }
0x7a: {  	s3 =	smov.u32 s0;
	s0 =	sadd.s32 $0x10, s0;
	v2 =	vld [tilespmem:s1+$0x0];
	_ =	sdelay $0x4  }
0x7b: {  	v3 =	vshll.u32 v2, $0x2  }
0x7c: {  	v2 =	vand.u32 $0x7F, v2;
	v3 =	vand.u32 $0xFFFFFE00, v3  }
0x7d: {  	v2 =	vor.u32 v2, v3;
	_ =	sdelay $0x4  }
0x7e: {  	v3 =	vld.idx.msk [tilespmem:v2+s16+$0x0], $0xffff;
	_ =	sdelay $0x1  }
0x7f: {  	v4 =	vor.u32 $0x80, v2;
	_ =	sdelay $0x1  }
0x80: {  	s31 =	sand.u32 $0x1C00, s30;
	s3 =	sand.u32 $0x70, s3  }
0x81: {  	s3 =	sor.u32 s3, s31  }
0x82: {  	[tilespmem:s3+$0x18800] =	vst v3  }
0x83: {  	v3 =	vld.idx.msk [tilespmem:v4+s16+$0x0], $0xffff;
	_ =	sdelay $0x1  }
0x84: {  	v4 =	vor.u32 $0x100, v2;
	_ =	sdelay $0x2  }
0x85: {  	s3 =	sadd.s32 $0x18800, s3  }
0x86: {  	[tilespmem:s3+$0x80] =	vst v3  }
0x87: {  	v3 =	vld.idx.msk [tilespmem:v4+s16+$0x0], $0xffff;
	_ =	sdelay $0x1  }
0x88: {  	v2 =	vor.u32 $0x180, v2  }
.Ltmp3:
0x89: {  	(pc) =	sbr.rel @p3 .LBB2_4-.Ltmp3, $3  }
0x8a: {  	_ =	sdelay $0x1  }
0x8b: {  	[tilespmem:s3+$0x100] =	vst v3  }
0x8c: {  	v2 =	vld.idx.msk [tilespmem:v2+s16+$0x0], $0xffff  }
0x8d: {  	_ =	sdelay $0x3  }
0x8e: {  	s0 =	rddreg [dreg:$0xb];
	[tilespmem:s3+$0x180] =	vst v2  }
0x8f: {  	[tilespmem:s16], [sflag:$0x1] =	stream.strided.gather [hbm4b:s0+s14], $0x4000, s15, s14, $0x38;
	[tilespmem:$0x1F480] =	vst v63  }
0x90: {  	_ =	swait.ge [sflag:s19], $0x4000  }
0x91: {  	[sflag:s19] =	ssyncset.done $0x0  }
0x92: {  	s30 =	simm.s32 $0x0;
	[sflag:s19] =	ssyncadd.s32 $0xFFFFC000  }
0x93: {  	v2 =	vld [tilespmem:s30+$0x0];
	_ =	sdelay $0x4  }
0x94: {  	v3 =	vshll.u32 v2, $0x2  }
0x95: {  	v2 =	vand.u32 $0x7F, v2;
	v3 =	vand.u32 $0xFFFFFE00, v3  }
0x96: {  	v2 =	vor.u32 v2, v3;
	_ =	sdelay $0x4  }
0x97: {  	v3 =	vld.idx.msk [tilespmem:v2+s17+$0x0], $0xffff  }
0x98: {  	v4 =	vor.u32 $0x80, v2  }
0x99: {  	s5 =	sand.u32 $0x70, s30;
	s1 =	sand.u32 $0x1C00, s30  }
0x9a: {  	s0 =	sor.u32 s5, s1  }
0x9b: {  	s0 =	sadd.s32 $0x18800, s0  }
0x9c: {  	[tilespmem:s0+$0x200] =	vst v3  }
0x9d: {  	v3 =	vld.idx.msk [tilespmem:v4+s17+$0x0], $0xffff  }
0x9e: {  	v63 =	vor.u32 $0x100, v2;
	_ =	sdelay $0x3  }
0x9f: {  	[tilespmem:s0+$0x280] =	vst v3  }
0xa0: {  	v3 =	vld.idx.msk [tilespmem:v63+s17+$0x0], $0xffff  }
0xa1: {  	v2 =	vor.u32 $0x180, v2;
	_ =	sdelay $0x3  }
0xa2: {  	[tilespmem:s0+$0x300] =	vst v3  }
0xa3: {  	v2 =	vld.idx.msk [tilespmem:v2+s17+$0x0], $0xffff;
	_ =	sdelay $0x2  }
0xa4: {  	s31 =	sor.u32 s30, s30  }
0xa5: {  	s3 =	sor.u32 $0x380, s31;
	s1 =	simm.s32 $0x0;
	s0 =	simm.s32 $0x10  }
.LBB2_6:
0xa6: {  	p3 =	sne.s32 s0, $0x3F0;
	[tilespmem:s3+$0x18800] =	vst v2;
	s30 =	sadd.s32 $0x80, s30;
	s1 =	sadd.s32 $0x10, s1  }
0xa7: {  	s3 =	smov.u32 s0;
	s0 =	sadd.s32 $0x10, s0;
	v2 =	vld [tilespmem:s1+$0x0];
	_ =	sdelay $0x4  }
0xa8: {  	v3 =	vshll.u32 v2, $0x2  }
0xa9: {  	v2 =	vand.u32 $0x7F, v2;
	v3 =	vand.u32 $0xFFFFFE00, v3  }
0xaa: {  	v2 =	vor.u32 v2, v3;
	_ =	sdelay $0x4  }
0xab: {  	v3 =	vld.idx.msk [tilespmem:v2+s17+$0x0], $0xffff;
	_ =	sdelay $0x1  }
0xac: {  	v4 =	vor.u32 $0x80, v2  }
0xad: {  	s31 =	sand.u32 $0x70, s3;
	s4 =	sand.u32 $0x1C00, s30  }
0xae: {  	s4 =	sor.u32 s31, s4  }
0xaf: {  	s4 =	sadd.s32 $0x18800, s4  }
0xb0: {  	[tilespmem:s4+$0x200] =	vst v3  }
0xb1: {  	v3 =	vld.idx.msk [tilespmem:v4+s17+$0x0], $0xffff;
	_ =	sdelay $0x1  }
0xb2: {  	v4 =	vor.u32 $0x100, v2;
	_ =	sdelay $0x3  }
0xb3: {  	[tilespmem:s4+$0x280] =	vst v3  }
0xb4: {  	v3 =	vld.idx.msk [tilespmem:v4+s17+$0x0], $0xffff;
	_ =	sdelay $0x1  }
0xb5: {  	v2 =	vor.u32 $0x180, v2;
	_ =	sdelay $0x3  }
0xb6: {  	[tilespmem:s4+$0x300] =	vst v3  }
0xb7: {  	v2 =	vld.idx.msk [tilespmem:v2+s17+$0x0], $0xffff  }
.Ltmp4:
0xb8: {  	(pc) =	sbr.rel @p3 .LBB2_6-.Ltmp4, $3  }
0xb9: {  	_ =	sdelay $0x1  }
0xba: {  	s3 =	sor.u32 s30, s3  }
0xbb: {  	s3 =	sor.u32 $0x380, s3  }
0xbc: {  	[tilespmem:s3+$0x18800] =	vst v2;
	s30 =	simm.s32 $0x0  }
0xbd: {  	[hbm4b:s2+s30] =	stream.linear.scatter [tilespmem:s20], [sflag:$0x3], $0x2000, $0x38;
	[tilespmem:$0x1F480] =	vst v63  }
0xbe: {  	s0 =	rddreg [dreg:$0xc]  }
0xbf: {  	[tilespmem:s17], [sflag:$0x2] =	stream.strided.gather [hbm4b:s0+s14], $0x4000, s15, s14, $0x38;
	[tilespmem:$0x1F480] =	vst v63  }
0xc0: {  	_ =	swait.ge [sflag:s18], $0x4000  }
0xc1: {  	[sflag:s18] =	ssyncset.done $0x0  }
0xc2: {  	[sflag:s18] =	ssyncadd.s32 $0xFFFFC000  }
0xc3: {  	_ =	swait.ge [sflag:s21], $0x2000  }
0xc4: {  	[sflag:s21] =	ssyncset.done $0x0  }
0xc5: {  	[sflag:s21] =	ssyncadd.s32 $0xFFFFE000  }
0xc6: {  	v2 =	vld [tilespmem:s30+$0x0];
	_ =	sdelay $0x4  }
0xc7: {  	v3 =	vshll.u32 v2, $0x2  }
0xc8: {  	v2 =	vand.u32 $0x7F, v2;
	v3 =	vand.u32 $0xFFFFFE00, v3  }
0xc9: {  	v2 =	vor.u32 v2, v3;
	_ =	sdelay $0x4  }
0xca: {  	v3 =	vld.idx.msk [tilespmem:v2+s16+$0x0], $0xffff  }
0xcb: {  	v4 =	vor.u32 $0x80, v2;
	_ =	sdelay $0x1  }
0xcc: {  	s31 =	sand.u32 $0x70, s30;
	s1 =	sand.u32 $0x1C00, s30  }
0xcd: {  	s0 =	sor.u32 s31, s1  }
0xce: {  	[tilespmem:s0+$0x18800] =	vst v3  }
0xcf: {  	v3 =	vld.idx.msk [tilespmem:v4+s16+$0x0], $0xffff  }
0xd0: {  	v63 =	vor.u32 $0x100, v2;
	_ =	sdelay $0x2  }
0xd1: {  	s3 =	sadd.s32 $0x18800, s0  }
0xd2: {  	[tilespmem:s3+$0x80] =	vst v3  }
0xd3: {  	v3 =	vld.idx.msk [tilespmem:v63+s16+$0x0], $0xffff  }
0xd4: {  	v2 =	vor.u32 $0x180, v2;
	_ =	sdelay $0x3  }
0xd5: {  	[tilespmem:s3+$0x100] =	vst v3  }
0xd6: {  	s1 =	simm.s32 $0x0;
	s0 =	simm.s32 $0x10;
	v2 =	vld.idx.msk [tilespmem:v2+s16+$0x0], $0xffff  }
.LBB2_8:
0xd7: {  	_ =	sdelay $0x3  }
0xd8: {  	p3 =	sne.s32 s0, $0x3F0;
	s30 =	sadd.s32 $0x80, s30;
	s1 =	sadd.s32 $0x10, s1;
	[tilespmem:s3+$0x180] =	vst v2  }
0xd9: {  	s3 =	smov.u32 s0;
	s0 =	sadd.s32 $0x10, s0;
	v2 =	vld [tilespmem:s1+$0x0];
	_ =	sdelay $0x4  }
0xda: {  	v3 =	vshll.u32 v2, $0x2  }
0xdb: {  	v2 =	vand.u32 $0x7F, v2;
	v3 =	vand.u32 $0xFFFFFE00, v3  }
0xdc: {  	v2 =	vor.u32 v2, v3;
	_ =	sdelay $0x4  }
0xdd: {  	v3 =	vld.idx.msk [tilespmem:v2+s16+$0x0], $0xffff;
	_ =	sdelay $0x1  }
0xde: {  	v4 =	vor.u32 $0x80, v2;
	_ =	sdelay $0x1  }
0xdf: {  	s4 =	sand.u32 $0x1C00, s30;
	s3 =	sand.u32 $0x70, s3  }
0xe0: {  	s3 =	sor.u32 s3, s4  }
0xe1: {  	[tilespmem:s3+$0x18800] =	vst v3  }
0xe2: {  	v3 =	vld.idx.msk [tilespmem:v4+s16+$0x0], $0xffff;
	_ =	sdelay $0x1  }
0xe3: {  	v4 =	vor.u32 $0x100, v2;
	_ =	sdelay $0x2  }
0xe4: {  	s3 =	sadd.s32 $0x18800, s3  }
0xe5: {  	[tilespmem:s3+$0x80] =	vst v3  }
0xe6: {  	v3 =	vld.idx.msk [tilespmem:v4+s16+$0x0], $0xffff;
	_ =	sdelay $0x1  }
0xe7: {  	v2 =	vor.u32 $0x180, v2  }
.Ltmp5:
0xe8: {  	(pc) =	sbr.rel @p3 .LBB2_8-.Ltmp5, $3  }
0xe9: {  	_ =	sdelay $0x1  }
0xea: {  	[tilespmem:s3+$0x100] =	vst v3  }
0xeb: {  	v2 =	vld.idx.msk [tilespmem:v2+s16+$0x0], $0xffff  }
0xec: {  	_ =	sdelay $0x3  }
0xed: {  	s0 =	rddreg [dreg:$0xd];
	[tilespmem:s3+$0x180] =	vst v2  }
0xee: {  	[tilespmem:s16], [sflag:$0x1] =	stream.strided.gather [hbm4b:s0+s14], $0x4000, s15, s14, $0x38;
	[tilespmem:$0x1F480] =	vst v63  }
0xef: {  	_ =	swait.ge [sflag:s19], $0x4000  }
0xf0: {  	[sflag:s19] =	ssyncset.done $0x0  }
0xf1: {  	s30 =	simm.s32 $0x0;
	[sflag:s19] =	ssyncadd.s32 $0xFFFFC000  }
0xf2: {  	v2 =	vld [tilespmem:s30+$0x0];
	_ =	sdelay $0x4  }
0xf3: {  	v3 =	vshll.u32 v2, $0x2  }
0xf4: {  	v2 =	vand.u32 $0x7F, v2;
	v3 =	vand.u32 $0xFFFFFE00, v3  }
0xf5: {  	v2 =	vor.u32 v2, v3;
	_ =	sdelay $0x4  }
0xf6: {  	v3 =	vld.idx.msk [tilespmem:v2+s17+$0x0], $0xffff  }
0xf7: {  	v4 =	vor.u32 $0x80, v2  }
0xf8: {  	s5 =	sand.u32 $0x70, s30;
	s1 =	sand.u32 $0x1C00, s30  }
0xf9: {  	s0 =	sor.u32 s5, s1  }
0xfa: {  	s0 =	sadd.s32 $0x18800, s0  }
0xfb: {  	[tilespmem:s0+$0x200] =	vst v3  }
0xfc: {  	v3 =	vld.idx.msk [tilespmem:v4+s17+$0x0], $0xffff  }
0xfd: {  	v63 =	vor.u32 $0x100, v2;
	_ =	sdelay $0x3  }
0xfe: {  	[tilespmem:s0+$0x280] =	vst v3  }
0xff: {  	v3 =	vld.idx.msk [tilespmem:v63+s17+$0x0], $0xffff  }
0x100: {  	v2 =	vor.u32 $0x180, v2;
	_ =	sdelay $0x3  }
0x101: {  	[tilespmem:s0+$0x300] =	vst v3  }
0x102: {  	v2 =	vld.idx.msk [tilespmem:v2+s17+$0x0], $0xffff;
	_ =	sdelay $0x2  }
0x103: {  	s31 =	sor.u32 s30, s30  }
0x104: {  	s3 =	sor.u32 $0x380, s31;
	s1 =	simm.s32 $0x0;
	s0 =	simm.s32 $0x10  }
.LBB2_10:
0x105: {  	p3 =	sne.s32 s0, $0x3F0;
	[tilespmem:s3+$0x18800] =	vst v2;
	s30 =	sadd.s32 $0x80, s30;
	s1 =	sadd.s32 $0x10, s1  }
0x106: {  	s3 =	smov.u32 s0;
	s0 =	sadd.s32 $0x10, s0;
	v2 =	vld [tilespmem:s1+$0x0];
	_ =	sdelay $0x4  }
0x107: {  	v3 =	vshll.u32 v2, $0x2  }
0x108: {  	v2 =	vand.u32 $0x7F, v2;
	v3 =	vand.u32 $0xFFFFFE00, v3  }
0x109: {  	v2 =	vor.u32 v2, v3;
	_ =	sdelay $0x4  }
0x10a: {  	v3 =	vld.idx.msk [tilespmem:v2+s17+$0x0], $0xffff;
	_ =	sdelay $0x1  }
0x10b: {  	v4 =	vor.u32 $0x80, v2  }
0x10c: {  	s4 =	sand.u32 $0x70, s3;
	s31 =	sand.u32 $0x1C00, s30  }
0x10d: {  	s4 =	sor.u32 s4, s31  }
0x10e: {  	s4 =	sadd.s32 $0x18800, s4  }
0x10f: {  	[tilespmem:s4+$0x200] =	vst v3  }
0x110: {  	v3 =	vld.idx.msk [tilespmem:v4+s17+$0x0], $0xffff;
	_ =	sdelay $0x1  }
0x111: {  	v4 =	vor.u32 $0x100, v2;
	_ =	sdelay $0x3  }
0x112: {  	[tilespmem:s4+$0x280] =	vst v3  }
0x113: {  	v3 =	vld.idx.msk [tilespmem:v4+s17+$0x0], $0xffff;
	_ =	sdelay $0x1  }
0x114: {  	v2 =	vor.u32 $0x180, v2;
	_ =	sdelay $0x3  }
0x115: {  	[tilespmem:s4+$0x300] =	vst v3  }
0x116: {  	v2 =	vld.idx.msk [tilespmem:v2+s17+$0x0], $0xffff  }
.Ltmp6:
0x117: {  	(pc) =	sbr.rel @p3 .LBB2_10-.Ltmp6, $3  }
0x118: {  	_ =	sdelay $0x1  }
0x119: {  	s3 =	sor.u32 s30, s3  }
0x11a: {  	s3 =	sor.u32 $0x380, s3  }
0x11b: {  	s0 =	sld [smem:$0x7F9];
	_ =	sdelay $0x1  }
0x11c: {  	[tilespmem:s3+$0x18800] =	vst v2;
	s30 =	simm.s32 $0x0  }
0x11d: {  	[hbm4b:s0+s30] =	stream.linear.scatter [tilespmem:s20], [sflag:$0x3], $0x2000, $0x38;
	[tilespmem:$0x1F480] =	vst v63  }
0x11e: {  	s5 =	rddreg [dreg:$0xe]  }
0x11f: {  	[tilespmem:s17], [sflag:$0x2] =	stream.strided.gather [hbm4b:s5+s14], $0x4000, s15, s14, $0x38;
	[tilespmem:$0x1F480] =	vst v63  }
0x120: {  	_ =	swait.ge [sflag:s18], $0x4000  }
0x121: {  	[sflag:s18] =	ssyncset.done $0x0  }
0x122: {  	[sflag:s18] =	ssyncadd.s32 $0xFFFFC000  }
0x123: {  	_ =	swait.ge [sflag:s21], $0x2000  }
0x124: {  	[sflag:s21] =	ssyncset.done $0x0  }
0x125: {  	[sflag:s21] =	ssyncadd.s32 $0xFFFFE000  }
0x126: {  	v2 =	vld [tilespmem:s30+$0x0];
	_ =	sdelay $0x4  }
0x127: {  	v3 =	vshll.u32 v2, $0x2  }
0x128: {  	v2 =	vand.u32 $0x7F, v2;
	v3 =	vand.u32 $0xFFFFFE00, v3  }
0x129: {  	v2 =	vor.u32 v2, v3;
	_ =	sdelay $0x4  }
0x12a: {  	v3 =	vld.idx.msk [tilespmem:v2+s16+$0x0], $0xffff  }
0x12b: {  	v4 =	vor.u32 $0x80, v2;
	_ =	sdelay $0x1  }
0x12c: {  	s31 =	sand.u32 $0x70, s30;
	s1 =	sand.u32 $0x1C00, s30  }
0x12d: {  	s0 =	sor.u32 s31, s1  }
0x12e: {  	[tilespmem:s0+$0x18800] =	vst v3  }
0x12f: {  	v3 =	vld.idx.msk [tilespmem:v4+s16+$0x0], $0xffff  }
0x130: {  	v63 =	vor.u32 $0x100, v2;
	_ =	sdelay $0x2  }
0x131: {  	s3 =	sadd.s32 $0x18800, s0  }
0x132: {  	[tilespmem:s3+$0x80] =	vst v3  }
0x133: {  	v3 =	vld.idx.msk [tilespmem:v63+s16+$0x0], $0xffff  }
0x134: {  	v2 =	vor.u32 $0x180, v2;
	_ =	sdelay $0x3  }
0x135: {  	[tilespmem:s3+$0x100] =	vst v3  }
0x136: {  	s1 =	simm.s32 $0x0;
	s0 =	simm.s32 $0x10;
	v2 =	vld.idx.msk [tilespmem:v2+s16+$0x0], $0xffff  }
.LBB2_12:
0x137: {  	_ =	sdelay $0x3  }
0x138: {  	p3 =	sne.s32 s0, $0x3F0;
	s30 =	sadd.s32 $0x80, s30;
	s1 =	sadd.s32 $0x10, s1;
	[tilespmem:s3+$0x180] =	vst v2  }
0x139: {  	s3 =	smov.u32 s0;
	s0 =	sadd.s32 $0x10, s0;
	v2 =	vld [tilespmem:s1+$0x0];
	_ =	sdelay $0x4  }
0x13a: {  	v3 =	vshll.u32 v2, $0x2  }
0x13b: {  	v2 =	vand.u32 $0x7F, v2;
	v3 =	vand.u32 $0xFFFFFE00, v3  }
0x13c: {  	v2 =	vor.u32 v2, v3;
	_ =	sdelay $0x4  }
0x13d: {  	v3 =	vld.idx.msk [tilespmem:v2+s16+$0x0], $0xffff;
	_ =	sdelay $0x1  }
0x13e: {  	v4 =	vor.u32 $0x80, v2;
	_ =	sdelay $0x1  }
0x13f: {  	s4 =	sand.u32 $0x1C00, s30;
	s3 =	sand.u32 $0x70, s3  }
0x140: {  	s3 =	sor.u32 s3, s4  }
0x141: {  	[tilespmem:s3+$0x18800] =	vst v3  }
0x142: {  	v3 =	vld.idx.msk [tilespmem:v4+s16+$0x0], $0xffff;
	_ =	sdelay $0x1  }
0x143: {  	v4 =	vor.u32 $0x100, v2;
	_ =	sdelay $0x2  }
0x144: {  	s3 =	sadd.s32 $0x18800, s3  }
0x145: {  	[tilespmem:s3+$0x80] =	vst v3  }
0x146: {  	v3 =	vld.idx.msk [tilespmem:v4+s16+$0x0], $0xffff;
	_ =	sdelay $0x1  }
0x147: {  	v2 =	vor.u32 $0x180, v2  }
.Ltmp7:
0x148: {  	(pc) =	sbr.rel @p3 .LBB2_12-.Ltmp7, $3  }
0x149: {  	_ =	sdelay $0x1  }
0x14a: {  	[tilespmem:s3+$0x100] =	vst v3  }
0x14b: {  	v2 =	vld.idx.msk [tilespmem:v2+s16+$0x0], $0xffff  }
0x14c: {  	_ =	sdelay $0x3  }
0x14d: {  	s0 =	rddreg [dreg:$0xf];
	[tilespmem:s3+$0x180] =	vst v2  }
0x14e: {  	[tilespmem:s16], [sflag:$0x1] =	stream.strided.gather [hbm4b:s0+s14], $0x4000, s15, s14, $0x38;
	[tilespmem:$0x1F480] =	vst v63  }
0x14f: {  	_ =	swait.ge [sflag:s19], $0x4000  }
0x150: {  	[sflag:s19] =	ssyncset.done $0x0  }
0x151: {  	s30 =	simm.s32 $0x0;
	[sflag:s19] =	ssyncadd.s32 $0xFFFFC000  }
0x152: {  	v2 =	vld [tilespmem:s30+$0x0];
	_ =	sdelay $0x4  }
0x153: {  	v3 =	vshll.u32 v2, $0x2  }
0x154: {  	v2 =	vand.u32 $0x7F, v2;
	v3 =	vand.u32 $0xFFFFFE00, v3  }
0x155: {  	v2 =	vor.u32 v2, v3;
	_ =	sdelay $0x4  }
0x156: {  	v3 =	vld.idx.msk [tilespmem:v2+s17+$0x0], $0xffff  }
0x157: {  	v4 =	vor.u32 $0x80, v2  }
0x158: {  	s5 =	sand.u32 $0x70, s30;
	s1 =	sand.u32 $0x1C00, s30  }
0x159: {  	s0 =	sor.u32 s5, s1  }
0x15a: {  	s0 =	sadd.s32 $0x18800, s0  }
0x15b: {  	[tilespmem:s0+$0x200] =	vst v3  }
0x15c: {  	v3 =	vld.idx.msk [tilespmem:v4+s17+$0x0], $0xffff  }
0x15d: {  	v63 =	vor.u32 $0x100, v2;
	_ =	sdelay $0x3  }
0x15e: {  	[tilespmem:s0+$0x280] =	vst v3  }
0x15f: {  	v3 =	vld.idx.msk [tilespmem:v63+s17+$0x0], $0xffff  }
0x160: {  	v2 =	vor.u32 $0x180, v2;
	_ =	sdelay $0x3  }
0x161: {  	[tilespmem:s0+$0x300] =	vst v3  }
0x162: {  	v2 =	vld.idx.msk [tilespmem:v2+s17+$0x0], $0xffff;
	_ =	sdelay $0x2  }
0x163: {  	s31 =	sor.u32 s30, s30  }
0x164: {  	s3 =	sor.u32 $0x380, s31;
	s1 =	simm.s32 $0x0;
	s0 =	simm.s32 $0x10  }
.LBB2_14:
0x165: {  	p3 =	sne.s32 s0, $0x3F0;
	[tilespmem:s3+$0x18800] =	vst v2;
	s30 =	sadd.s32 $0x80, s30;
	s1 =	sadd.s32 $0x10, s1  }
0x166: {  	s3 =	smov.u32 s0;
	s0 =	sadd.s32 $0x10, s0;
	v2 =	vld [tilespmem:s1+$0x0];
	_ =	sdelay $0x4  }
0x167: {  	v3 =	vshll.u32 v2, $0x2  }
0x168: {  	v2 =	vand.u32 $0x7F, v2;
	v3 =	vand.u32 $0xFFFFFE00, v3  }
0x169: {  	v2 =	vor.u32 v2, v3;
	_ =	sdelay $0x4  }
0x16a: {  	v3 =	vld.idx.msk [tilespmem:v2+s17+$0x0], $0xffff;
	_ =	sdelay $0x1  }
0x16b: {  	v4 =	vor.u32 $0x80, v2  }
0x16c: {  	s4 =	sand.u32 $0x70, s3;
	s31 =	sand.u32 $0x1C00, s30  }
0x16d: {  	s4 =	sor.u32 s4, s31  }
0x16e: {  	s4 =	sadd.s32 $0x18800, s4  }
0x16f: {  	[tilespmem:s4+$0x200] =	vst v3  }
0x170: {  	v3 =	vld.idx.msk [tilespmem:v4+s17+$0x0], $0xffff;
	_ =	sdelay $0x1  }
0x171: {  	v4 =	vor.u32 $0x100, v2;
	_ =	sdelay $0x3  }
0x172: {  	[tilespmem:s4+$0x280] =	vst v3  }
0x173: {  	v3 =	vld.idx.msk [tilespmem:v4+s17+$0x0], $0xffff;
	_ =	sdelay $0x1  }
0x174: {  	v2 =	vor.u32 $0x180, v2;
	_ =	sdelay $0x3  }
0x175: {  	[tilespmem:s4+$0x300] =	vst v3  }
0x176: {  	v2 =	vld.idx.msk [tilespmem:v2+s17+$0x0], $0xffff  }
.Ltmp8:
0x177: {  	(pc) =	sbr.rel @p3 .LBB2_14-.Ltmp8, $3  }
0x178: {  	_ =	sdelay $0x1  }
0x179: {  	s3 =	sor.u32 s30, s3  }
0x17a: {  	s3 =	sor.u32 $0x380, s3  }
0x17b: {  	s0 =	sld [smem:$0x7FA];
	_ =	sdelay $0x1  }
0x17c: {  	[tilespmem:s3+$0x18800] =	vst v2;
	s30 =	simm.s32 $0x0  }
0x17d: {  	[hbm4b:s0+s30] =	stream.linear.scatter [tilespmem:s20], [sflag:$0x3], $0x2000, $0x38;
	[tilespmem:$0x1F480] =	vst v63  }
0x17e: {  	s5 =	rddreg [dreg:$0x10]  }
0x17f: {  	[tilespmem:s17], [sflag:$0x2] =	stream.strided.gather [hbm4b:s5+s14], $0x4000, s15, s14, $0x38;
	[tilespmem:$0x1F480] =	vst v63  }
0x180: {  	_ =	swait.ge [sflag:s18], $0x4000  }
0x181: {  	[sflag:s18] =	ssyncset.done $0x0  }
0x182: {  	[sflag:s18] =	ssyncadd.s32 $0xFFFFC000  }
0x183: {  	_ =	swait.ge [sflag:s21], $0x2000  }
0x184: {  	[sflag:s21] =	ssyncset.done $0x0  }
0x185: {  	[sflag:s21] =	ssyncadd.s32 $0xFFFFE000  }
0x186: {  	v2 =	vld [tilespmem:s30+$0x0];
	_ =	sdelay $0x4  }
0x187: {  	v3 =	vshll.u32 v2, $0x2  }
0x188: {  	v2 =	vand.u32 $0x7F, v2;
	v3 =	vand.u32 $0xFFFFFE00, v3  }
0x189: {  	v2 =	vor.u32 v2, v3;
	_ =	sdelay $0x4  }
0x18a: {  	v3 =	vld.idx.msk [tilespmem:v2+s16+$0x0], $0xffff  }
0x18b: {  	v4 =	vor.u32 $0x80, v2;
	_ =	sdelay $0x1  }
0x18c: {  	s31 =	sand.u32 $0x70, s30;
	s1 =	sand.u32 $0x1C00, s30  }
0x18d: {  	s0 =	sor.u32 s31, s1  }
0x18e: {  	[tilespmem:s0+$0x18800] =	vst v3  }
0x18f: {  	v3 =	vld.idx.msk [tilespmem:v4+s16+$0x0], $0xffff  }
0x190: {  	v63 =	vor.u32 $0x100, v2;
	_ =	sdelay $0x2  }
0x191: {  	s3 =	sadd.s32 $0x18800, s0  }
0x192: {  	[tilespmem:s3+$0x80] =	vst v3  }
0x193: {  	v3 =	vld.idx.msk [tilespmem:v63+s16+$0x0], $0xffff  }
0x194: {  	v2 =	vor.u32 $0x180, v2;
	_ =	sdelay $0x3  }
0x195: {  	[tilespmem:s3+$0x100] =	vst v3  }
0x196: {  	s1 =	simm.s32 $0x0;
	s0 =	simm.s32 $0x10;
	v2 =	vld.idx.msk [tilespmem:v2+s16+$0x0], $0xffff  }
.LBB2_16:
0x197: {  	_ =	sdelay $0x3  }
0x198: {  	p3 =	sne.s32 s0, $0x3F0;
	s30 =	sadd.s32 $0x80, s30;
	s1 =	sadd.s32 $0x10, s1;
	[tilespmem:s3+$0x180] =	vst v2  }
0x199: {  	s3 =	smov.u32 s0;
	s0 =	sadd.s32 $0x10, s0;
	v2 =	vld [tilespmem:s1+$0x0];
	_ =	sdelay $0x4  }
0x19a: {  	v3 =	vshll.u32 v2, $0x2  }
0x19b: {  	v2 =	vand.u32 $0x7F, v2;
	v3 =	vand.u32 $0xFFFFFE00, v3  }
0x19c: {  	v2 =	vor.u32 v2, v3;
	_ =	sdelay $0x4  }
0x19d: {  	v3 =	vld.idx.msk [tilespmem:v2+s16+$0x0], $0xffff;
	_ =	sdelay $0x1  }
0x19e: {  	v4 =	vor.u32 $0x80, v2;
	_ =	sdelay $0x1  }
0x19f: {  	s4 =	sand.u32 $0x1C00, s30;
	s3 =	sand.u32 $0x70, s3  }
0x1a0: {  	s3 =	sor.u32 s3, s4  }
0x1a1: {  	[tilespmem:s3+$0x18800] =	vst v3  }
0x1a2: {  	v3 =	vld.idx.msk [tilespmem:v4+s16+$0x0], $0xffff;
	_ =	sdelay $0x1  }
0x1a3: {  	v4 =	vor.u32 $0x100, v2;
	_ =	sdelay $0x2  }
0x1a4: {  	s3 =	sadd.s32 $0x18800, s3  }
0x1a5: {  	[tilespmem:s3+$0x80] =	vst v3  }
0x1a6: {  	v3 =	vld.idx.msk [tilespmem:v4+s16+$0x0], $0xffff;
	_ =	sdelay $0x1  }
0x1a7: {  	v2 =	vor.u32 $0x180, v2  }
.Ltmp9:
0x1a8: {  	(pc) =	sbr.rel @p3 .LBB2_16-.Ltmp9, $3  }
0x1a9: {  	_ =	sdelay $0x1  }
0x1aa: {  	[tilespmem:s3+$0x100] =	vst v3  }
0x1ab: {  	v2 =	vld.idx.msk [tilespmem:v2+s16+$0x0], $0xffff  }
0x1ac: {  	_ =	sdelay $0x3  }
0x1ad: {  	s0 =	rddreg [dreg:$0x1a];
	[tilespmem:s3+$0x180] =	vst v2  }
0x1ae: {  	[tilespmem:s16], [sflag:$0x1] =	stream.strided.gather [hbm4b:s0+s14], $0x4000, s15, s14, $0x38;
	[tilespmem:$0x1F480] =	vst v63  }
0x1af: {  	s3 =	rddreg [dreg:$0x1b]  }
0x1b0: {  	[tilespmem:s22], [sflag:$0x1] =	stream.strided.gather [hbm4b:s3+s14], $0x4000, s15, s14, $0x38;
	[tilespmem:$0x1F480] =	vst v63  }
0x1b1: {  	s4 =	rddreg [dreg:$0x1c]  }
0x1b2: {  	[tilespmem:s23], [sflag:$0x1] =	stream.strided.gather [hbm4b:s4+s14], $0x4000, s15, s14, $0x38;
	[tilespmem:$0x1F480] =	vst v63  }
0x1b3: {  	_ =	swait.ge [sflag:s19], $0x4000  }
0x1b4: {  	[sflag:s19] =	ssyncset.done $0x0  }
0x1b5: {  	s30 =	simm.s32 $0x0;
	[sflag:s19] =	ssyncadd.s32 $0xFFFFC000  }
0x1b6: {  	v2 =	vld [tilespmem:s30+$0x0];
	_ =	sdelay $0x4  }
0x1b7: {  	v3 =	vshll.u32 v2, $0x2  }
0x1b8: {  	v2 =	vand.u32 $0x7F, v2;
	v3 =	vand.u32 $0xFFFFFE00, v3  }
0x1b9: {  	v2 =	vor.u32 v2, v3;
	_ =	sdelay $0x4  }
0x1ba: {  	v3 =	vld.idx.msk [tilespmem:v2+s17+$0x0], $0xffff  }
0x1bb: {  	v4 =	vor.u32 $0x80, v2  }
0x1bc: {  	s5 =	sand.u32 $0x70, s30;
	s1 =	sand.u32 $0x1C00, s30  }
0x1bd: {  	s0 =	sor.u32 s5, s1  }
0x1be: {  	s0 =	sadd.s32 $0x18800, s0  }
0x1bf: {  	[tilespmem:s0+$0x200] =	vst v3  }
0x1c0: {  	v3 =	vld.idx.msk [tilespmem:v4+s17+$0x0], $0xffff  }
0x1c1: {  	v63 =	vor.u32 $0x100, v2;
	_ =	sdelay $0x3  }
0x1c2: {  	[tilespmem:s0+$0x280] =	vst v3  }
0x1c3: {  	v3 =	vld.idx.msk [tilespmem:v63+s17+$0x0], $0xffff  }
0x1c4: {  	v2 =	vor.u32 $0x180, v2;
	_ =	sdelay $0x3  }
0x1c5: {  	[tilespmem:s0+$0x300] =	vst v3  }
0x1c6: {  	v2 =	vld.idx.msk [tilespmem:v2+s17+$0x0], $0xffff;
	_ =	sdelay $0x2  }
0x1c7: {  	s31 =	sor.u32 s30, s30  }
0x1c8: {  	s1 =	simm.s32 $0x0;
	s3 =	sor.u32 $0x380, s31;
	s0 =	simm.s32 $0x10  }
.LBB2_18:
0x1c9: {  	p3 =	sne.s32 s0, $0x3F0;
	[tilespmem:s3+$0x18800] =	vst v2;
	s30 =	sadd.s32 $0x80, s30;
	s1 =	sadd.s32 $0x10, s1  }
0x1ca: {  	s3 =	smov.u32 s0;
	s0 =	sadd.s32 $0x10, s0;
	v2 =	vld [tilespmem:s1+$0x0];
	_ =	sdelay $0x4  }
0x1cb: {  	v3 =	vshll.u32 v2, $0x2  }
0x1cc: {  	v2 =	vand.u32 $0x7F, v2;
	v3 =	vand.u32 $0xFFFFFE00, v3  }
0x1cd: {  	v2 =	vor.u32 v2, v3;
	_ =	sdelay $0x4  }
0x1ce: {  	v3 =	vld.idx.msk [tilespmem:v2+s17+$0x0], $0xffff;
	_ =	sdelay $0x1  }
0x1cf: {  	v4 =	vor.u32 $0x80, v2  }
0x1d0: {  	s4 =	sand.u32 $0x70, s3;
	s31 =	sand.u32 $0x1C00, s30  }
0x1d1: {  	s4 =	sor.u32 s4, s31  }
0x1d2: {  	s4 =	sadd.s32 $0x18800, s4  }
0x1d3: {  	[tilespmem:s4+$0x200] =	vst v3  }
0x1d4: {  	v3 =	vld.idx.msk [tilespmem:v4+s17+$0x0], $0xffff;
	_ =	sdelay $0x1  }
0x1d5: {  	v4 =	vor.u32 $0x100, v2;
	_ =	sdelay $0x3  }
0x1d6: {  	[tilespmem:s4+$0x280] =	vst v3  }
0x1d7: {  	v3 =	vld.idx.msk [tilespmem:v4+s17+$0x0], $0xffff;
	_ =	sdelay $0x1  }
0x1d8: {  	v2 =	vor.u32 $0x180, v2;
	_ =	sdelay $0x3  }
0x1d9: {  	[tilespmem:s4+$0x300] =	vst v3  }
0x1da: {  	v2 =	vld.idx.msk [tilespmem:v2+s17+$0x0], $0xffff  }
.Ltmp10:
0x1db: {  	(pc) =	sbr.rel @p3 .LBB2_18-.Ltmp10, $3  }
0x1dc: {  	_ =	sdelay $0x1  }
0x1dd: {  	s3 =	sor.u32 s30, s3  }
0x1de: {  	s3 =	sor.u32 $0x380, s3  }
0x1df: {  	s0 =	sld [smem:$0x7FB];
	_ =	sdelay $0x1  }
0x1e0: {  	[tilespmem:s3+$0x18800] =	vst v2;
	s30 =	simm.s32 $0x0  }
0x1e1: {  	[hbm4b:s0+s30] =	stream.linear.scatter [tilespmem:s20], [sflag:$0x3], $0x2000, $0x38;
	[tilespmem:$0x1F480] =	vst v63  }
0x1e2: {  	s31 =	simm.s32 $0x400;
	s1 =	rddreg [dreg:$0x1d]  }
0x1e3: {  	[tilespmem:s17], [sflag:$0x2] =	stream.strided.gather [hbm4b:s1+s14], $0x4000, s31, s14, $0x38;
	[tilespmem:$0x1F480] =	vst v63  }
0x1e4: {  	s3 =	rddreg [dreg:$0x1e]  }
0x1e5: {  	[tilespmem:s24], [sflag:$0x2] =	stream.strided.gather [hbm4b:s3+s14], $0x4000, s31, s14, $0x38;
	[tilespmem:$0x1F480] =	vst v63  }
0x1e6: {  	s4 =	rddreg [dreg:$0x1f]  }
0x1e7: {  	[tilespmem:s25], [sflag:$0x2] =	stream.strided.gather [hbm4b:s4+s14], $0x4000, s31, s14, $0x38;
	[tilespmem:$0x1F480] =	vst v63  }
0x1e8: {  	_ =	swait.ge [sflag:s18], $0x4000  }
0x1e9: {  	[sflag:s18] =	ssyncset.done $0x0  }
0x1ea: {  	[sflag:s18] =	ssyncadd.s32 $0xFFFFC000  }
0x1eb: {  	_ =	swait.ge [sflag:s18], $0x4000  }
0x1ec: {  	[sflag:s18] =	ssyncset.done $0x0  }
0x1ed: {  	[sflag:s18] =	ssyncadd.s32 $0xFFFFC000  }
0x1ee: {  	_ =	swait.ge [sflag:s18], $0x4000  }
0x1ef: {  	[sflag:s18] =	ssyncset.done $0x0  }
0x1f0: {  	[sflag:s18] =	ssyncadd.s32 $0xFFFFC000  }
0x1f1: {  	_ =	swait.ge [sflag:s21], $0x2000  }
0x1f2: {  	[sflag:s21] =	ssyncset.done $0x0  }
0x1f3: {  	[sflag:s21] =	ssyncadd.s32 $0xFFFFE000  }
0x1f4: {  	v2 =	vld [tilespmem:s30+$0x0]  }
0x1f5: {  	v3 =	vld [tilespmem:s31+$0x0];
	_ =	sdelay $0x3  }
0x1f6: {  	v4 =	vshll.u32 v2, $0x2  }
0x1f7: {  	v3 =	vshll.u32 v3, $0xE;
	v4 =	vand.u32 $0xFFFFFE00, v4  }
0x1f8: {  	v2 =	vand.u32 $0x7F, v2;
	v3 =	vadd.s32 v4, v3  }
0x1f9: {  	v2 =	vor.u32 v2, v3;
	_ =	sdelay $0x4  }
0x1fa: {  	v3 =	vld.idx.msk [tilespmem:v2+s16+$0x0], $0xffff  }
0x1fb: {  	v62 =	vor.u32 $0x80, v2;
	_ =	sdelay $0x1  }
0x1fc: {  	s5 =	sand.u32 $0x70, s30;
	s1 =	sand.u32 $0x1C00, s30  }
0x1fd: {  	s0 =	sor.u32 s5, s1  }
0x1fe: {  	[tilespmem:s0+$0x18800] =	vst v3  }
0x1ff: {  	v3 =	vld.idx.msk [tilespmem:v62+s16+$0x0], $0xffff  }
0x200: {  	v63 =	vor.u32 $0x100, v2;
	_ =	sdelay $0x2  }
0x201: {  	s3 =	sadd.s32 $0x18800, s0  }
0x202: {  	[tilespmem:s3+$0x80] =	vst v3  }
0x203: {  	v3 =	vld.idx.msk [tilespmem:v63+s16+$0x0], $0xffff  }
0x204: {  	v2 =	vor.u32 $0x180, v2;
	_ =	sdelay $0x3  }
0x205: {  	[tilespmem:s3+$0x100] =	vst v3  }
0x206: {  	s1 =	simm.s32 $0x0;
	s0 =	simm.s32 $0x10;
	v2 =	vld.idx.msk [tilespmem:v2+s16+$0x0], $0xffff  }
.LBB2_20:
0x207: {  	_ =	sdelay $0x3  }
0x208: {  	s30 =	sadd.s32 $0x80, s30;
	s1 =	sadd.s32 $0x10, s1;
	s31 =	sadd.s32 $0x10, s31;
	[tilespmem:s3+$0x180] =	vst v2  }
0x209: {  	p3 =	sne.s32 s0, $0x3F0;
	s3 =	smov.u32 s0;
	s0 =	sadd.s32 $0x10, s0;
	v2 =	vld [tilespmem:s1+$0x0]  }
0x20a: {  	v3 =	vld [tilespmem:s31+$0x0];
	_ =	sdelay $0x3  }
0x20b: {  	v4 =	vshll.u32 v2, $0x2  }
0x20c: {  	v3 =	vshll.u32 v3, $0xE;
	v4 =	vand.u32 $0xFFFFFE00, v4  }
0x20d: {  	v2 =	vand.u32 $0x7F, v2;
	v3 =	vadd.s32 v4, v3  }
0x20e: {  	v2 =	vor.u32 v2, v3;
	_ =	sdelay $0x4  }
0x20f: {  	v3 =	vld.idx.msk [tilespmem:v2+s16+$0x0], $0xffff;
	_ =	sdelay $0x1  }
0x210: {  	v4 =	vor.u32 $0x80, v2;
	_ =	sdelay $0x1  }
0x211: {  	s4 =	sand.u32 $0x1C00, s30;
	s3 =	sand.u32 $0x70, s3  }
0x212: {  	s3 =	sor.u32 s3, s4  }
0x213: {  	[tilespmem:s3+$0x18800] =	vst v3  }
0x214: {  	v3 =	vld.idx.msk [tilespmem:v4+s16+$0x0], $0xffff;
	_ =	sdelay $0x1  }
0x215: {  	v4 =	vor.u32 $0x100, v2;
	_ =	sdelay $0x2  }
0x216: {  	s3 =	sadd.s32 $0x18800, s3  }
0x217: {  	[tilespmem:s3+$0x80] =	vst v3  }
0x218: {  	v3 =	vld.idx.msk [tilespmem:v4+s16+$0x0], $0xffff;
	_ =	sdelay $0x1  }
0x219: {  	v2 =	vor.u32 $0x180, v2  }
.Ltmp11:
0x21a: {  	(pc) =	sbr.rel @p3 .LBB2_20-.Ltmp11, $3  }
0x21b: {  	_ =	sdelay $0x1  }
0x21c: {  	[tilespmem:s3+$0x100] =	vst v3  }
0x21d: {  	v2 =	vld.idx.msk [tilespmem:v2+s16+$0x0], $0xffff  }
0x21e: {  	_ =	sdelay $0x3  }
0x21f: {  	s0 =	simm.s32 $0x400;
	s1 =	rddreg [dreg:$0x11];
	[tilespmem:s3+$0x180] =	vst v2  }
0x220: {  	[tilespmem:s16], [sflag:$0x1] =	stream.strided.gather [hbm4b:s1+s14], $0x4000, s0, s14, $0x38;
	[tilespmem:$0x1F480] =	vst v63  }
0x221: {  	s4 =	rddreg [dreg:$0x12]  }
0x222: {  	[tilespmem:s22], [sflag:$0x1] =	stream.strided.gather [hbm4b:s4+s14], $0x4000, s0, s14, $0x38;
	[tilespmem:$0x1F480] =	vst v63  }
0x223: {  	s5 =	rddreg [dreg:$0x13]  }
0x224: {  	[tilespmem:s23], [sflag:$0x1] =	stream.strided.gather [hbm4b:s5+s14], $0x4000, s0, s14, $0x38;
	[tilespmem:$0x1F480] =	vst v63  }
0x225: {  	_ =	swait.ge [sflag:s19], $0x4000  }
0x226: {  	[sflag:s19] =	ssyncset.done $0x0  }
0x227: {  	[sflag:s19] =	ssyncadd.s32 $0xFFFFC000  }
0x228: {  	_ =	swait.ge [sflag:s19], $0x4000  }
0x229: {  	[sflag:s19] =	ssyncset.done $0x0  }
0x22a: {  	[sflag:s19] =	ssyncadd.s32 $0xFFFFC000  }
0x22b: {  	_ =	swait.ge [sflag:s19], $0x4000  }
0x22c: {  	[sflag:s19] =	ssyncset.done $0x0  }
0x22d: {  	s30 =	simm.s32 $0x0;
	[sflag:s19] =	ssyncadd.s32 $0xFFFFC000  }
0x22e: {  	v2 =	vld [tilespmem:s30+$0x0]  }
0x22f: {  	v3 =	vld [tilespmem:s0+$0x0];
	_ =	sdelay $0x3  }
0x230: {  	v4 =	vshll.u32 v2, $0x2  }
0x231: {  	v3 =	vshll.u32 v3, $0xE;
	v4 =	vand.u32 $0xFFFFFE00, v4  }
0x232: {  	v2 =	vand.u32 $0x7F, v2;
	v3 =	vadd.s32 v4, v3  }
0x233: {  	v2 =	vor.u32 v2, v3;
	_ =	sdelay $0x4  }
0x234: {  	v3 =	vld.idx.msk [tilespmem:v2+s17+$0x0], $0xffff  }
0x235: {  	v62 =	vor.u32 $0x80, v2  }
0x236: {  	s3 =	sand.u32 $0x70, s30;
	s4 =	sand.u32 $0x1C00, s30  }
0x237: {  	s0 =	sor.u32 s3, s4  }
0x238: {  	s0 =	sadd.s32 $0x18800, s0  }
0x239: {  	[tilespmem:s0+$0x200] =	vst v3  }
0x23a: {  	v3 =	vld.idx.msk [tilespmem:v62+s17+$0x0], $0xffff  }
0x23b: {  	v63 =	vor.u32 $0x100, v2;
	_ =	sdelay $0x3  }
0x23c: {  	[tilespmem:s0+$0x280] =	vst v3  }
0x23d: {  	v3 =	vld.idx.msk [tilespmem:v63+s17+$0x0], $0xffff  }
0x23e: {  	v2 =	vor.u32 $0x180, v2;
	_ =	sdelay $0x3  }
0x23f: {  	[tilespmem:s0+$0x300] =	vst v3  }
0x240: {  	v2 =	vld.idx.msk [tilespmem:v2+s17+$0x0], $0xffff;
	_ =	sdelay $0x2  }
0x241: {  	s5 =	sor.u32 s30, s30  }
0x242: {  	s0 =	sor.u32 $0x380, s5  }
0x243: {  	s31 =	simm.s32 $0x10;
	[tilespmem:s0+$0x18800] =	vst v2  }
0x244: {  	s1 =	simm.s32 $0x20;
	s3 =	simm.s32 $0x10;
	s0 =	simm.s32 $0x410;
	v2 =	vld [tilespmem:s31+$0x0]  }
.LBB2_22:
0x245: {  	p3 =	sne.s32 s1, $0x3F0;
	v3 =	vld [tilespmem:s0+$0x0];
	_ =	sdelay $0x3  }
0x246: {  	v4 =	vshll.u32 v2, $0x2  }
0x247: {  	v3 =	vshll.u32 v3, $0xE;
	v4 =	vand.u32 $0xFFFFFE00, v4  }
0x248: {  	v2 =	vand.u32 $0x7F, v2;
	v3 =	vadd.s32 v4, v3  }
0x249: {  	v2 =	vor.u32 v2, v3  }
0x24a: {  	v3 =	vor.u32 $0x80, v2;
	v4 =	vor.u32 $0x100, v2;
	_ =	sdelay $0x3  }
0x24b: {  	v5 =	vld.idx.msk [tilespmem:v2+s17+$0x0], $0xffff;
	_ =	sdelay $0x1  }
0x24c: {  	s30 =	sadd.s32 $0x80, s30  }
0x24d: {  	s4 =	sand.u32 $0x70, s31;
	s5 =	sand.u32 $0x1C00, s30  }
0x24e: {  	s4 =	sor.u32 s4, s5  }
0x24f: {  	s4 =	sadd.s32 $0x18800, s4  }
0x250: {  	[tilespmem:s4+$0x200] =	vst v5  }
0x251: {  	v3 =	vld.idx.msk [tilespmem:v3+s17+$0x0], $0xffff;
	_ =	sdelay $0x5  }
0x252: {  	[tilespmem:s4+$0x280] =	vst v3  }
0x253: {  	v3 =	vld.idx.msk [tilespmem:v4+s17+$0x0], $0xffff;
	_ =	sdelay $0x1  }
0x254: {  	v2 =	vor.u32 $0x180, v2;
	_ =	sdelay $0x3  }
0x255: {  	[tilespmem:s4+$0x300] =	vst v3  }
0x256: {  	v2 =	vld.idx.msk [tilespmem:v2+s17+$0x0], $0xffff;
	_ =	sdelay $0x2  }
.Ltmp12:
0x257: {  	(pc) =	sbr.rel @p3 .LBB2_22-.Ltmp12, $4  }
0x258: {  	s4 =	sor.u32 s30, s31;
	s31 =	smov.u32 s1  }
0x259: {  	s4 =	sor.u32 $0x380, s4  }
0x25a: {  	s3 =	sadd.s32 $0x10, s3;
	[tilespmem:s4+$0x18800] =	vst v2  }
0x25b: {  	s0 =	sadd.s32 $0x10, s0;
	s1 =	sadd.s32 $0x10, s1;
	v2 =	vld [tilespmem:s3+$0x0]  }
0x25c: {  	v3 =	vld [tilespmem:s0+$0x0];
	_ =	sdelay $0x3  }
0x25d: {  	v4 =	vshll.u32 v2, $0x2  }
0x25e: {  	v3 =	vshll.u32 v3, $0xE;
	v4 =	vand.u32 $0xFFFFFE00, v4  }
0x25f: {  	v2 =	vand.u32 $0x7F, v2;
	v3 =	vadd.s32 v4, v3  }
0x260: {  	v2 =	vor.u32 v2, v3;
	_ =	sdelay $0x4  }
0x261: {  	v3 =	vld.idx.msk [tilespmem:v2+s17+$0x0], $0xffff  }
0x262: {  	s4 =	sadd.s32 $0x80, s30;
	v59 =	vor.u32 $0x80, v2  }
0x263: {  	s1 =	sand.u32 $0x70, s31;
	s3 =	sand.u32 $0x1C00, s4  }
0x264: {  	s1 =	sor.u32 s1, s3  }
0x265: {  	s1 =	sadd.s32 $0x18800, s1  }
0x266: {  	[tilespmem:s1+$0x200] =	vst v3  }
0x267: {  	v3 =	vld.idx.msk [tilespmem:v59+s17+$0x0], $0xffff  }
0x268: {  	v60 =	vor.u32 $0x100, v2;
	_ =	sdelay $0x3  }
0x269: {  	[tilespmem:s1+$0x280] =	vst v3  }
0x26a: {  	v3 =	vld.idx.msk [tilespmem:v60+s17+$0x0], $0xffff  }
0x26b: {  	v2 =	vor.u32 $0x180, v2;
	_ =	sdelay $0x3  }
0x26c: {  	[tilespmem:s1+$0x300] =	vst v3  }
0x26d: {  	v2 =	vld.idx.msk [tilespmem:v2+s17+$0x0], $0xffff;
	_ =	sdelay $0x2  }
0x26e: {  	s0 =	sor.u32 s4, s31  }
0x26f: {  	s0 =	sor.u32 $0x380, s0  }
0x270: {  	s30 =	simm.s32 $0x0;
	s5 =	sld [smem:$0x7EC];
	[tilespmem:s0+$0x18800] =	vst v2  }
0x271: {  	[hbm4b:s9+s30] =	stream.linear.scatter [tilespmem:s20], [sflag:$0x3], $0x2000, $0x38;
	[tilespmem:$0x1F480] =	vst v63  }
0x272: {  	s31 =	simm.s32 $0x400;
	s1 =	sld [smem:$0x7ED]  }
0x273: {  	[tilespmem:s17], [sflag:$0x2] =	stream.strided.gather [hbm4b:s5+s14], $0x4000, s31, s14, $0x38;
	[tilespmem:$0x1F480] =	vst v63  }
0x274: {  	s3 =	sld [smem:$0x7EE]  }
0x275: {  	[tilespmem:s24], [sflag:$0x2] =	stream.strided.gather [hbm4b:s1+s14], $0x4000, s31, s14, $0x38;
	[tilespmem:$0x1F480] =	vst v63  }
0x276: {  	_ = 	snop  }
0x277: {  	[tilespmem:s25], [sflag:$0x2] =	stream.strided.gather [hbm4b:s3+s14], $0x4000, s31, s14, $0x38;
	[tilespmem:$0x1F480] =	vst v63  }
0x278: {  	_ =	swait.ge [sflag:s18], $0x4000  }
0x279: {  	[sflag:s18] =	ssyncset.done $0x0  }
0x27a: {  	[sflag:s18] =	ssyncadd.s32 $0xFFFFC000  }
0x27b: {  	_ =	swait.ge [sflag:s18], $0x4000  }
0x27c: {  	[sflag:s18] =	ssyncset.done $0x0  }
0x27d: {  	[sflag:s18] =	ssyncadd.s32 $0xFFFFC000  }
0x27e: {  	_ =	swait.ge [sflag:s18], $0x4000  }
0x27f: {  	[sflag:s18] =	ssyncset.done $0x0  }
0x280: {  	[sflag:s18] =	ssyncadd.s32 $0xFFFFC000  }
0x281: {  	_ =	swait.ge [sflag:s21], $0x2000  }
0x282: {  	[sflag:s21] =	ssyncset.done $0x0  }
0x283: {  	[sflag:s21] =	ssyncadd.s32 $0xFFFFE000  }
0x284: {  	v2 =	vld [tilespmem:s30+$0x0]  }
0x285: {  	v3 =	vld [tilespmem:s31+$0x0];
	_ =	sdelay $0x3  }
0x286: {  	v61 =	vshll.u32 v2, $0x2  }
0x287: {  	v3 =	vshll.u32 v3, $0xE;
	v4 =	vand.u32 $0xFFFFFE00, v61  }
0x288: {  	v2 =	vand.u32 $0x7F, v2;
	v3 =	vadd.s32 v4, v3  }
0x289: {  	v2 =	vor.u32 v2, v3;
	_ =	sdelay $0x4  }
0x28a: {  	v3 =	vld.idx.msk [tilespmem:v2+s16+$0x0], $0xffff  }
0x28b: {  	v62 =	vor.u32 $0x80, v2;
	_ =	sdelay $0x1  }
0x28c: {  	s4 =	sand.u32 $0x70, s30;
	s5 =	sand.u32 $0x1C00, s30  }
0x28d: {  	s0 =	sor.u32 s4, s5  }
0x28e: {  	[tilespmem:s0+$0x18800] =	vst v3  }
0x28f: {  	v3 =	vld.idx.msk [tilespmem:v62+s16+$0x0], $0xffff  }
0x290: {  	v63 =	vor.u32 $0x100, v2;
	_ =	sdelay $0x2  }
0x291: {  	s3 =	sadd.s32 $0x18800, s0  }
0x292: {  	[tilespmem:s3+$0x80] =	vst v3  }
0x293: {  	v3 =	vld.idx.msk [tilespmem:v63+s16+$0x0], $0xffff  }
0x294: {  	v2 =	vor.u32 $0x180, v2;
	_ =	sdelay $0x3  }
0x295: {  	[tilespmem:s3+$0x100] =	vst v3  }
0x296: {  	s1 =	simm.s32 $0x0;
	s0 =	simm.s32 $0x10;
	v2 =	vld.idx.msk [tilespmem:v2+s16+$0x0], $0xffff  }
.LBB2_24:
0x297: {  	_ =	sdelay $0x3  }
0x298: {  	s30 =	sadd.s32 $0x80, s30;
	s1 =	sadd.s32 $0x10, s1;
	s31 =	sadd.s32 $0x10, s31;
	[tilespmem:s3+$0x180] =	vst v2  }
0x299: {  	p3 =	sne.s32 s0, $0x3F0;
	s3 =	smov.u32 s0;
	s0 =	sadd.s32 $0x10, s0;
	v2 =	vld [tilespmem:s1+$0x0]  }
0x29a: {  	v3 =	vld [tilespmem:s31+$0x0];
	_ =	sdelay $0x3  }
0x29b: {  	v4 =	vshll.u32 v2, $0x2  }
0x29c: {  	v3 =	vshll.u32 v3, $0xE;
	v4 =	vand.u32 $0xFFFFFE00, v4  }
0x29d: {  	v2 =	vand.u32 $0x7F, v2;
	v3 =	vadd.s32 v4, v3  }
0x29e: {  	v2 =	vor.u32 v2, v3;
	_ =	sdelay $0x4  }
0x29f: {  	v3 =	vld.idx.msk [tilespmem:v2+s16+$0x0], $0xffff;
	_ =	sdelay $0x1  }
0x2a0: {  	v4 =	vor.u32 $0x80, v2;
	_ =	sdelay $0x1  }
0x2a1: {  	s4 =	sand.u32 $0x1C00, s30;
	s3 =	sand.u32 $0x70, s3  }
0x2a2: {  	s3 =	sor.u32 s3, s4  }
0x2a3: {  	[tilespmem:s3+$0x18800] =	vst v3  }
0x2a4: {  	v3 =	vld.idx.msk [tilespmem:v4+s16+$0x0], $0xffff;
	_ =	sdelay $0x1  }
0x2a5: {  	v4 =	vor.u32 $0x100, v2;
	_ =	sdelay $0x2  }
0x2a6: {  	s3 =	sadd.s32 $0x18800, s3  }
0x2a7: {  	[tilespmem:s3+$0x80] =	vst v3  }
0x2a8: {  	v3 =	vld.idx.msk [tilespmem:v4+s16+$0x0], $0xffff;
	_ =	sdelay $0x1  }
0x2a9: {  	v2 =	vor.u32 $0x180, v2  }
.Ltmp13:
0x2aa: {  	(pc) =	sbr.rel @p3 .LBB2_24-.Ltmp13, $3  }
0x2ab: {  	_ =	sdelay $0x1  }
0x2ac: {  	[tilespmem:s3+$0x100] =	vst v3  }
0x2ad: {  	v2 =	vld.idx.msk [tilespmem:v2+s16+$0x0], $0xffff  }
0x2ae: {  	_ =	sdelay $0x3  }
0x2af: {  	s0 =	simm.s32 $0x400;
	s1 =	rddreg [dreg:$0x14];
	[tilespmem:s3+$0x180] =	vst v2  }
0x2b0: {  	[tilespmem:s16], [sflag:$0x1] =	stream.strided.gather [hbm4b:s1+s14], $0x4000, s0, s14, $0x38;
	[tilespmem:$0x1F480] =	vst v63  }
0x2b1: {  	s4 =	rddreg [dreg:$0x15]  }
0x2b2: {  	[tilespmem:s22], [sflag:$0x1] =	stream.strided.gather [hbm4b:s4+s14], $0x4000, s0, s14, $0x38;
	[tilespmem:$0x1F480] =	vst v63  }
0x2b3: {  	s5 =	rddreg [dreg:$0x16]  }
0x2b4: {  	[tilespmem:s23], [sflag:$0x1] =	stream.strided.gather [hbm4b:s5+s14], $0x4000, s0, s14, $0x38;
	[tilespmem:$0x1F480] =	vst v63  }
0x2b5: {  	_ =	swait.ge [sflag:s19], $0x4000  }
0x2b6: {  	[sflag:s19] =	ssyncset.done $0x0  }
0x2b7: {  	[sflag:s19] =	ssyncadd.s32 $0xFFFFC000  }
0x2b8: {  	_ =	swait.ge [sflag:s19], $0x4000  }
0x2b9: {  	[sflag:s19] =	ssyncset.done $0x0  }
0x2ba: {  	[sflag:s19] =	ssyncadd.s32 $0xFFFFC000  }
0x2bb: {  	_ =	swait.ge [sflag:s19], $0x4000  }
0x2bc: {  	[sflag:s19] =	ssyncset.done $0x0  }
0x2bd: {  	s30 =	simm.s32 $0x0;
	[sflag:s19] =	ssyncadd.s32 $0xFFFFC000  }
0x2be: {  	v2 =	vld [tilespmem:s30+$0x0]  }
0x2bf: {  	v3 =	vld [tilespmem:s0+$0x0];
	_ =	sdelay $0x3  }
0x2c0: {  	v4 =	vshll.u32 v2, $0x2  }
0x2c1: {  	v3 =	vshll.u32 v3, $0xE;
	v4 =	vand.u32 $0xFFFFFE00, v4  }
0x2c2: {  	v2 =	vand.u32 $0x7F, v2;
	v3 =	vadd.s32 v4, v3  }
0x2c3: {  	v2 =	vor.u32 v2, v3;
	_ =	sdelay $0x4  }
0x2c4: {  	v3 =	vld.idx.msk [tilespmem:v2+s17+$0x0], $0xffff  }
0x2c5: {  	v62 =	vor.u32 $0x80, v2  }
0x2c6: {  	s3 =	sand.u32 $0x70, s30;
	s4 =	sand.u32 $0x1C00, s30  }
0x2c7: {  	s0 =	sor.u32 s3, s4  }
0x2c8: {  	s0 =	sadd.s32 $0x18800, s0  }
0x2c9: {  	[tilespmem:s0+$0x200] =	vst v3  }
0x2ca: {  	v3 =	vld.idx.msk [tilespmem:v62+s17+$0x0], $0xffff  }
0x2cb: {  	v63 =	vor.u32 $0x100, v2;
	_ =	sdelay $0x3  }
0x2cc: {  	[tilespmem:s0+$0x280] =	vst v3  }
0x2cd: {  	v3 =	vld.idx.msk [tilespmem:v63+s17+$0x0], $0xffff  }
0x2ce: {  	v2 =	vor.u32 $0x180, v2;
	_ =	sdelay $0x3  }
0x2cf: {  	[tilespmem:s0+$0x300] =	vst v3  }
0x2d0: {  	v2 =	vld.idx.msk [tilespmem:v2+s17+$0x0], $0xffff;
	_ =	sdelay $0x2  }
0x2d1: {  	s5 =	sor.u32 s30, s30  }
0x2d2: {  	s0 =	sor.u32 $0x380, s5  }
0x2d3: {  	s31 =	simm.s32 $0x10;
	[tilespmem:s0+$0x18800] =	vst v2  }
0x2d4: {  	s1 =	simm.s32 $0x20;
	s3 =	simm.s32 $0x10;
	s0 =	simm.s32 $0x410;
	v2 =	vld [tilespmem:s31+$0x0]  }
.LBB2_26:
0x2d5: {  	p3 =	sne.s32 s1, $0x3F0;
	v3 =	vld [tilespmem:s0+$0x0];
	_ =	sdelay $0x3  }
0x2d6: {  	v4 =	vshll.u32 v2, $0x2  }
0x2d7: {  	v3 =	vshll.u32 v3, $0xE;
	v4 =	vand.u32 $0xFFFFFE00, v4  }
0x2d8: {  	v2 =	vand.u32 $0x7F, v2;
	v3 =	vadd.s32 v4, v3  }
0x2d9: {  	v2 =	vor.u32 v2, v3  }
0x2da: {  	v3 =	vor.u32 $0x80, v2;
	v4 =	vor.u32 $0x100, v2;
	_ =	sdelay $0x3  }
0x2db: {  	v5 =	vld.idx.msk [tilespmem:v2+s17+$0x0], $0xffff;
	_ =	sdelay $0x1  }
0x2dc: {  	s30 =	sadd.s32 $0x80, s30  }
0x2dd: {  	s4 =	sand.u32 $0x70, s31;
	s5 =	sand.u32 $0x1C00, s30  }
0x2de: {  	s4 =	sor.u32 s4, s5  }
0x2df: {  	s4 =	sadd.s32 $0x18800, s4  }
0x2e0: {  	[tilespmem:s4+$0x200] =	vst v5  }
0x2e1: {  	v3 =	vld.idx.msk [tilespmem:v3+s17+$0x0], $0xffff;
	_ =	sdelay $0x5  }
0x2e2: {  	[tilespmem:s4+$0x280] =	vst v3  }
0x2e3: {  	v3 =	vld.idx.msk [tilespmem:v4+s17+$0x0], $0xffff;
	_ =	sdelay $0x1  }
0x2e4: {  	v2 =	vor.u32 $0x180, v2;
	_ =	sdelay $0x3  }
0x2e5: {  	[tilespmem:s4+$0x300] =	vst v3  }
0x2e6: {  	v2 =	vld.idx.msk [tilespmem:v2+s17+$0x0], $0xffff;
	_ =	sdelay $0x2  }
.Ltmp14:
0x2e7: {  	(pc) =	sbr.rel @p3 .LBB2_26-.Ltmp14, $4  }
0x2e8: {  	s4 =	sor.u32 s30, s31;
	s31 =	smov.u32 s1  }
0x2e9: {  	s4 =	sor.u32 $0x380, s4  }
0x2ea: {  	s3 =	sadd.s32 $0x10, s3;
	[tilespmem:s4+$0x18800] =	vst v2  }
0x2eb: {  	s0 =	sadd.s32 $0x10, s0;
	s1 =	sadd.s32 $0x10, s1;
	v2 =	vld [tilespmem:s3+$0x0]  }
0x2ec: {  	v3 =	vld [tilespmem:s0+$0x0];
	_ =	sdelay $0x3  }
0x2ed: {  	v4 =	vshll.u32 v2, $0x2  }
0x2ee: {  	v3 =	vshll.u32 v3, $0xE;
	v4 =	vand.u32 $0xFFFFFE00, v4  }
0x2ef: {  	v2 =	vand.u32 $0x7F, v2;
	v3 =	vadd.s32 v4, v3  }
0x2f0: {  	v2 =	vor.u32 v2, v3;
	_ =	sdelay $0x4  }
0x2f1: {  	v3 =	vld.idx.msk [tilespmem:v2+s17+$0x0], $0xffff  }
0x2f2: {  	s4 =	sadd.s32 $0x80, s30;
	v59 =	vor.u32 $0x80, v2  }
0x2f3: {  	s1 =	sand.u32 $0x70, s31;
	s3 =	sand.u32 $0x1C00, s4  }
0x2f4: {  	s1 =	sor.u32 s1, s3  }
0x2f5: {  	s1 =	sadd.s32 $0x18800, s1  }
0x2f6: {  	[tilespmem:s1+$0x200] =	vst v3  }
0x2f7: {  	v3 =	vld.idx.msk [tilespmem:v59+s17+$0x0], $0xffff  }
0x2f8: {  	v60 =	vor.u32 $0x100, v2;
	_ =	sdelay $0x3  }
0x2f9: {  	[tilespmem:s1+$0x280] =	vst v3  }
0x2fa: {  	v3 =	vld.idx.msk [tilespmem:v60+s17+$0x0], $0xffff  }
0x2fb: {  	v2 =	vor.u32 $0x180, v2;
	_ =	sdelay $0x3  }
0x2fc: {  	[tilespmem:s1+$0x300] =	vst v3  }
0x2fd: {  	v2 =	vld.idx.msk [tilespmem:v2+s17+$0x0], $0xffff;
	_ =	sdelay $0x2  }
0x2fe: {  	s0 =	sor.u32 s4, s31  }
0x2ff: {  	s0 =	sor.u32 $0x380, s0  }
0x300: {  	s30 =	simm.s32 $0x0;
	s5 =	sld [smem:$0x7EF];
	[tilespmem:s0+$0x18800] =	vst v2  }
0x301: {  	[hbm4b:s10+s30] =	stream.linear.scatter [tilespmem:s20], [sflag:$0x3], $0x2000, $0x38;
	[tilespmem:$0x1F480] =	vst v63  }
0x302: {  	s31 =	simm.s32 $0x400;
	s1 =	sld [smem:$0x7F0]  }
0x303: {  	[tilespmem:s17], [sflag:$0x2] =	stream.strided.gather [hbm4b:s5+s14], $0x4000, s31, s14, $0x38;
	[tilespmem:$0x1F480] =	vst v63  }
0x304: {  	s3 =	sld [smem:$0x7F1]  }
0x305: {  	[tilespmem:s24], [sflag:$0x2] =	stream.strided.gather [hbm4b:s1+s14], $0x4000, s31, s14, $0x38;
	[tilespmem:$0x1F480] =	vst v63  }
0x306: {  	_ = 	snop  }
0x307: {  	[tilespmem:s25], [sflag:$0x2] =	stream.strided.gather [hbm4b:s3+s14], $0x4000, s31, s14, $0x38;
	[tilespmem:$0x1F480] =	vst v63  }
0x308: {  	_ =	swait.ge [sflag:s18], $0x4000  }
0x309: {  	[sflag:s18] =	ssyncset.done $0x0  }
0x30a: {  	[sflag:s18] =	ssyncadd.s32 $0xFFFFC000  }
0x30b: {  	_ =	swait.ge [sflag:s18], $0x4000  }
0x30c: {  	[sflag:s18] =	ssyncset.done $0x0  }
0x30d: {  	[sflag:s18] =	ssyncadd.s32 $0xFFFFC000  }
0x30e: {  	_ =	swait.ge [sflag:s18], $0x4000  }
0x30f: {  	[sflag:s18] =	ssyncset.done $0x0  }
0x310: {  	[sflag:s18] =	ssyncadd.s32 $0xFFFFC000  }
0x311: {  	_ =	swait.ge [sflag:s21], $0x2000  }
0x312: {  	[sflag:s21] =	ssyncset.done $0x0  }
0x313: {  	[sflag:s21] =	ssyncadd.s32 $0xFFFFE000  }
0x314: {  	v2 =	vld [tilespmem:s30+$0x0]  }
0x315: {  	v3 =	vld [tilespmem:s31+$0x0];
	_ =	sdelay $0x3  }
0x316: {  	v61 =	vshll.u32 v2, $0x2  }
0x317: {  	v3 =	vshll.u32 v3, $0xE;
	v4 =	vand.u32 $0xFFFFFE00, v61  }
0x318: {  	v2 =	vand.u32 $0x7F, v2;
	v3 =	vadd.s32 v4, v3  }
0x319: {  	v2 =	vor.u32 v2, v3;
	_ =	sdelay $0x4  }
0x31a: {  	v3 =	vld.idx.msk [tilespmem:v2+s16+$0x0], $0xffff  }
0x31b: {  	v62 =	vor.u32 $0x80, v2;
	_ =	sdelay $0x1  }
0x31c: {  	s4 =	sand.u32 $0x70, s30;
	s5 =	sand.u32 $0x1C00, s30  }
0x31d: {  	s0 =	sor.u32 s4, s5  }
0x31e: {  	[tilespmem:s0+$0x18800] =	vst v3  }
0x31f: {  	v3 =	vld.idx.msk [tilespmem:v62+s16+$0x0], $0xffff  }
0x320: {  	v63 =	vor.u32 $0x100, v2;
	_ =	sdelay $0x2  }
0x321: {  	s3 =	sadd.s32 $0x18800, s0  }
0x322: {  	[tilespmem:s3+$0x80] =	vst v3  }
0x323: {  	v3 =	vld.idx.msk [tilespmem:v63+s16+$0x0], $0xffff  }
0x324: {  	v2 =	vor.u32 $0x180, v2;
	_ =	sdelay $0x3  }
0x325: {  	[tilespmem:s3+$0x100] =	vst v3  }
0x326: {  	s1 =	simm.s32 $0x0;
	s0 =	simm.s32 $0x10;
	v2 =	vld.idx.msk [tilespmem:v2+s16+$0x0], $0xffff  }
.LBB2_28:
0x327: {  	_ =	sdelay $0x3  }
0x328: {  	s30 =	sadd.s32 $0x80, s30;
	s1 =	sadd.s32 $0x10, s1;
	s31 =	sadd.s32 $0x10, s31;
	[tilespmem:s3+$0x180] =	vst v2  }
0x329: {  	p3 =	sne.s32 s0, $0x3F0;
	s3 =	smov.u32 s0;
	s0 =	sadd.s32 $0x10, s0;
	v2 =	vld [tilespmem:s1+$0x0]  }
0x32a: {  	v3 =	vld [tilespmem:s31+$0x0];
	_ =	sdelay $0x3  }
0x32b: {  	v4 =	vshll.u32 v2, $0x2  }
0x32c: {  	v3 =	vshll.u32 v3, $0xE;
	v4 =	vand.u32 $0xFFFFFE00, v4  }
0x32d: {  	v2 =	vand.u32 $0x7F, v2;
	v3 =	vadd.s32 v4, v3  }
0x32e: {  	v2 =	vor.u32 v2, v3;
	_ =	sdelay $0x4  }
0x32f: {  	v3 =	vld.idx.msk [tilespmem:v2+s16+$0x0], $0xffff;
	_ =	sdelay $0x1  }
0x330: {  	v4 =	vor.u32 $0x80, v2;
	_ =	sdelay $0x1  }
0x331: {  	s4 =	sand.u32 $0x1C00, s30;
	s3 =	sand.u32 $0x70, s3  }
0x332: {  	s3 =	sor.u32 s3, s4  }
0x333: {  	[tilespmem:s3+$0x18800] =	vst v3  }
0x334: {  	v3 =	vld.idx.msk [tilespmem:v4+s16+$0x0], $0xffff;
	_ =	sdelay $0x1  }
0x335: {  	v4 =	vor.u32 $0x100, v2;
	_ =	sdelay $0x2  }
0x336: {  	s3 =	sadd.s32 $0x18800, s3  }
0x337: {  	[tilespmem:s3+$0x80] =	vst v3  }
0x338: {  	v3 =	vld.idx.msk [tilespmem:v4+s16+$0x0], $0xffff;
	_ =	sdelay $0x1  }
0x339: {  	v2 =	vor.u32 $0x180, v2  }
.Ltmp15:
0x33a: {  	(pc) =	sbr.rel @p3 .LBB2_28-.Ltmp15, $3  }
0x33b: {  	_ =	sdelay $0x1  }
0x33c: {  	[tilespmem:s3+$0x100] =	vst v3  }
0x33d: {  	v2 =	vld.idx.msk [tilespmem:v2+s16+$0x0], $0xffff  }
0x33e: {  	_ =	sdelay $0x3  }
0x33f: {  	s0 =	simm.s32 $0x400;
	s1 =	rddreg [dreg:$0x17];
	[tilespmem:s3+$0x180] =	vst v2  }
0x340: {  	[tilespmem:s16], [sflag:$0x1] =	stream.strided.gather [hbm4b:s1+s14], $0x4000, s0, s14, $0x38;
	[tilespmem:$0x1F480] =	vst v63  }
0x341: {  	s4 =	rddreg [dreg:$0x18]  }
0x342: {  	[tilespmem:s22], [sflag:$0x1] =	stream.strided.gather [hbm4b:s4+s14], $0x4000, s0, s14, $0x38;
	[tilespmem:$0x1F480] =	vst v63  }
0x343: {  	s5 =	rddreg [dreg:$0x19]  }
0x344: {  	[tilespmem:s23], [sflag:$0x1] =	stream.strided.gather [hbm4b:s5+s14], $0x4000, s0, s14, $0x38;
	[tilespmem:$0x1F480] =	vst v63  }
0x345: {  	_ =	swait.ge [sflag:s19], $0x4000  }
0x346: {  	[sflag:s19] =	ssyncset.done $0x0  }
0x347: {  	[sflag:s19] =	ssyncadd.s32 $0xFFFFC000  }
0x348: {  	_ =	swait.ge [sflag:s19], $0x4000  }
0x349: {  	[sflag:s19] =	ssyncset.done $0x0  }
0x34a: {  	[sflag:s19] =	ssyncadd.s32 $0xFFFFC000  }
0x34b: {  	_ =	swait.ge [sflag:s19], $0x4000  }
0x34c: {  	[sflag:s19] =	ssyncset.done $0x0  }
0x34d: {  	s30 =	simm.s32 $0x0;
	[sflag:s19] =	ssyncadd.s32 $0xFFFFC000  }
0x34e: {  	v2 =	vld [tilespmem:s30+$0x0]  }
0x34f: {  	v3 =	vld [tilespmem:s0+$0x0];
	_ =	sdelay $0x3  }
0x350: {  	v4 =	vshll.u32 v2, $0x2  }
0x351: {  	v3 =	vshll.u32 v3, $0xE;
	v4 =	vand.u32 $0xFFFFFE00, v4  }
0x352: {  	v2 =	vand.u32 $0x7F, v2;
	v3 =	vadd.s32 v4, v3  }
0x353: {  	v2 =	vor.u32 v2, v3;
	_ =	sdelay $0x4  }
0x354: {  	v3 =	vld.idx.msk [tilespmem:v2+s17+$0x0], $0xffff  }
0x355: {  	v62 =	vor.u32 $0x80, v2  }
0x356: {  	s3 =	sand.u32 $0x70, s30;
	s4 =	sand.u32 $0x1C00, s30  }
0x357: {  	s0 =	sor.u32 s3, s4  }
0x358: {  	s0 =	sadd.s32 $0x18800, s0  }
0x359: {  	[tilespmem:s0+$0x200] =	vst v3  }
0x35a: {  	v3 =	vld.idx.msk [tilespmem:v62+s17+$0x0], $0xffff  }
0x35b: {  	v63 =	vor.u32 $0x100, v2;
	_ =	sdelay $0x3  }
0x35c: {  	[tilespmem:s0+$0x280] =	vst v3  }
0x35d: {  	v3 =	vld.idx.msk [tilespmem:v63+s17+$0x0], $0xffff  }
0x35e: {  	v2 =	vor.u32 $0x180, v2;
	_ =	sdelay $0x3  }
0x35f: {  	[tilespmem:s0+$0x300] =	vst v3  }
0x360: {  	v2 =	vld.idx.msk [tilespmem:v2+s17+$0x0], $0xffff;
	_ =	sdelay $0x2  }
0x361: {  	s5 =	sor.u32 s30, s30  }
0x362: {  	s0 =	sor.u32 $0x380, s5  }
0x363: {  	s31 =	simm.s32 $0x10;
	[tilespmem:s0+$0x18800] =	vst v2  }
0x364: {  	s1 =	simm.s32 $0x20;
	s3 =	simm.s32 $0x10;
	s0 =	simm.s32 $0x410;
	v2 =	vld [tilespmem:s31+$0x0]  }
.LBB2_30:
0x365: {  	p3 =	sne.s32 s1, $0x3F0;
	v3 =	vld [tilespmem:s0+$0x0];
	_ =	sdelay $0x3  }
0x366: {  	v4 =	vshll.u32 v2, $0x2  }
0x367: {  	v3 =	vshll.u32 v3, $0xE;
	v4 =	vand.u32 $0xFFFFFE00, v4  }
0x368: {  	v2 =	vand.u32 $0x7F, v2;
	v3 =	vadd.s32 v4, v3  }
0x369: {  	v2 =	vor.u32 v2, v3  }
0x36a: {  	v3 =	vor.u32 $0x80, v2;
	v4 =	vor.u32 $0x100, v2;
	_ =	sdelay $0x3  }
0x36b: {  	v5 =	vld.idx.msk [tilespmem:v2+s17+$0x0], $0xffff;
	_ =	sdelay $0x1  }
0x36c: {  	s30 =	sadd.s32 $0x80, s30  }
0x36d: {  	s4 =	sand.u32 $0x70, s31;
	s5 =	sand.u32 $0x1C00, s30  }
0x36e: {  	s4 =	sor.u32 s4, s5  }
0x36f: {  	s4 =	sadd.s32 $0x18800, s4  }
0x370: {  	[tilespmem:s4+$0x200] =	vst v5  }
0x371: {  	v3 =	vld.idx.msk [tilespmem:v3+s17+$0x0], $0xffff;
	_ =	sdelay $0x5  }
0x372: {  	[tilespmem:s4+$0x280] =	vst v3  }
0x373: {  	v3 =	vld.idx.msk [tilespmem:v4+s17+$0x0], $0xffff;
	_ =	sdelay $0x1  }
0x374: {  	v2 =	vor.u32 $0x180, v2;
	_ =	sdelay $0x3  }
0x375: {  	[tilespmem:s4+$0x300] =	vst v3  }
0x376: {  	v2 =	vld.idx.msk [tilespmem:v2+s17+$0x0], $0xffff;
	_ =	sdelay $0x2  }
.Ltmp16:
0x377: {  	(pc) =	sbr.rel @p3 .LBB2_30-.Ltmp16, $4  }
0x378: {  	s4 =	sor.u32 s30, s31;
	s31 =	smov.u32 s1  }
0x379: {  	s4 =	sor.u32 $0x380, s4  }
0x37a: {  	s3 =	sadd.s32 $0x10, s3;
	[tilespmem:s4+$0x18800] =	vst v2  }
0x37b: {  	s0 =	sadd.s32 $0x10, s0;
	s1 =	sadd.s32 $0x10, s1;
	v2 =	vld [tilespmem:s3+$0x0]  }
0x37c: {  	v3 =	vld [tilespmem:s0+$0x0];
	_ =	sdelay $0x3  }
0x37d: {  	v4 =	vshll.u32 v2, $0x2  }
0x37e: {  	v3 =	vshll.u32 v3, $0xE;
	v4 =	vand.u32 $0xFFFFFE00, v4  }
0x37f: {  	v2 =	vand.u32 $0x7F, v2;
	v3 =	vadd.s32 v4, v3  }
0x380: {  	v2 =	vor.u32 v2, v3;
	_ =	sdelay $0x4  }
0x381: {  	v3 =	vld.idx.msk [tilespmem:v2+s17+$0x0], $0xffff  }
0x382: {  	s4 =	sadd.s32 $0x80, s30;
	v59 =	vor.u32 $0x80, v2  }
0x383: {  	s1 =	sand.u32 $0x70, s31;
	s3 =	sand.u32 $0x1C00, s4  }
0x384: {  	s1 =	sor.u32 s1, s3  }
0x385: {  	s1 =	sadd.s32 $0x18800, s1  }
0x386: {  	[tilespmem:s1+$0x200] =	vst v3  }
0x387: {  	v3 =	vld.idx.msk [tilespmem:v59+s17+$0x0], $0xffff  }
0x388: {  	v60 =	vor.u32 $0x100, v2;
	_ =	sdelay $0x3  }
0x389: {  	[tilespmem:s1+$0x280] =	vst v3  }
0x38a: {  	v3 =	vld.idx.msk [tilespmem:v60+s17+$0x0], $0xffff  }
0x38b: {  	v2 =	vor.u32 $0x180, v2;
	_ =	sdelay $0x3  }
0x38c: {  	[tilespmem:s1+$0x300] =	vst v3  }
0x38d: {  	v2 =	vld.idx.msk [tilespmem:v2+s17+$0x0], $0xffff;
	_ =	sdelay $0x2  }
0x38e: {  	s0 =	sor.u32 s4, s31  }
0x38f: {  	s0 =	sor.u32 $0x380, s0  }
0x390: {  	s30 =	simm.s32 $0x0;
	s5 =	sld [smem:$0x7F2];
	[tilespmem:s0+$0x18800] =	vst v2  }
0x391: {  	[hbm4b:s11+s30] =	stream.linear.scatter [tilespmem:s20], [sflag:$0x3], $0x2000, $0x38;
	[tilespmem:$0x1F480] =	vst v63  }
0x392: {  	s31 =	simm.s32 $0x400;
	s1 =	sld [smem:$0x7F3]  }
0x393: {  	[tilespmem:s17], [sflag:$0x2] =	stream.strided.gather [hbm4b:s5+s14], $0x4000, s31, s14, $0x38;
	[tilespmem:$0x1F480] =	vst v63  }
0x394: {  	s3 =	sld [smem:$0x7F4]  }
0x395: {  	[tilespmem:s24], [sflag:$0x2] =	stream.strided.gather [hbm4b:s1+s14], $0x4000, s31, s14, $0x38;
	[tilespmem:$0x1F480] =	vst v63  }
0x396: {  	_ = 	snop  }
0x397: {  	[tilespmem:s25], [sflag:$0x2] =	stream.strided.gather [hbm4b:s3+s14], $0x4000, s31, s14, $0x38;
	[tilespmem:$0x1F480] =	vst v63  }
0x398: {  	_ =	swait.ge [sflag:s18], $0x4000  }
0x399: {  	[sflag:s18] =	ssyncset.done $0x0  }
0x39a: {  	[sflag:s18] =	ssyncadd.s32 $0xFFFFC000  }
0x39b: {  	_ =	swait.ge [sflag:s18], $0x4000  }
0x39c: {  	[sflag:s18] =	ssyncset.done $0x0  }
0x39d: {  	[sflag:s18] =	ssyncadd.s32 $0xFFFFC000  }
0x39e: {  	_ =	swait.ge [sflag:s18], $0x4000  }
0x39f: {  	[sflag:s18] =	ssyncset.done $0x0  }
0x3a0: {  	[sflag:s18] =	ssyncadd.s32 $0xFFFFC000  }
0x3a1: {  	_ =	swait.ge [sflag:s21], $0x2000  }
0x3a2: {  	[sflag:s21] =	ssyncset.done $0x0  }
0x3a3: {  	[sflag:s21] =	ssyncadd.s32 $0xFFFFE000  }
0x3a4: {  	v2 =	vld [tilespmem:s30+$0x0]  }
0x3a5: {  	v3 =	vld [tilespmem:s31+$0x0];
	_ =	sdelay $0x3  }
0x3a6: {  	v61 =	vshll.u32 v2, $0x2  }
0x3a7: {  	v3 =	vshll.u32 v3, $0xE;
	v4 =	vand.u32 $0xFFFFFE00, v61  }
0x3a8: {  	v2 =	vand.u32 $0x7F, v2;
	v3 =	vadd.s32 v4, v3  }
0x3a9: {  	v2 =	vor.u32 v2, v3;
	_ =	sdelay $0x4  }
0x3aa: {  	v3 =	vld.idx.msk [tilespmem:v2+s16+$0x0], $0xffff  }
0x3ab: {  	v62 =	vor.u32 $0x80, v2;
	_ =	sdelay $0x1  }
0x3ac: {  	s4 =	sand.u32 $0x70, s30;
	s5 =	sand.u32 $0x1C00, s30  }
0x3ad: {  	s0 =	sor.u32 s4, s5  }
0x3ae: {  	[tilespmem:s0+$0x18800] =	vst v3  }
0x3af: {  	v3 =	vld.idx.msk [tilespmem:v62+s16+$0x0], $0xffff  }
0x3b0: {  	v63 =	vor.u32 $0x100, v2;
	_ =	sdelay $0x2  }
0x3b1: {  	s3 =	sadd.s32 $0x18800, s0  }
0x3b2: {  	[tilespmem:s3+$0x80] =	vst v3  }
0x3b3: {  	v3 =	vld.idx.msk [tilespmem:v63+s16+$0x0], $0xffff  }
0x3b4: {  	v2 =	vor.u32 $0x180, v2;
	_ =	sdelay $0x3  }
0x3b5: {  	[tilespmem:s3+$0x100] =	vst v3  }
0x3b6: {  	s1 =	simm.s32 $0x0;
	s0 =	simm.s32 $0x10;
	v2 =	vld.idx.msk [tilespmem:v2+s16+$0x0], $0xffff  }
.LBB2_32:
0x3b7: {  	_ =	sdelay $0x3  }
0x3b8: {  	s30 =	sadd.s32 $0x80, s30;
	s1 =	sadd.s32 $0x10, s1;
	s31 =	sadd.s32 $0x10, s31;
	[tilespmem:s3+$0x180] =	vst v2  }
0x3b9: {  	p3 =	sne.s32 s0, $0x3F0;
	s3 =	smov.u32 s0;
	s0 =	sadd.s32 $0x10, s0;
	v2 =	vld [tilespmem:s1+$0x0]  }
0x3ba: {  	v3 =	vld [tilespmem:s31+$0x0];
	_ =	sdelay $0x3  }
0x3bb: {  	v4 =	vshll.u32 v2, $0x2  }
0x3bc: {  	v3 =	vshll.u32 v3, $0xE;
	v4 =	vand.u32 $0xFFFFFE00, v4  }
0x3bd: {  	v2 =	vand.u32 $0x7F, v2;
	v3 =	vadd.s32 v4, v3  }
0x3be: {  	v2 =	vor.u32 v2, v3;
	_ =	sdelay $0x4  }
0x3bf: {  	v3 =	vld.idx.msk [tilespmem:v2+s16+$0x0], $0xffff;
	_ =	sdelay $0x1  }
0x3c0: {  	v4 =	vor.u32 $0x80, v2;
	_ =	sdelay $0x1  }
0x3c1: {  	s4 =	sand.u32 $0x1C00, s30;
	s3 =	sand.u32 $0x70, s3  }
0x3c2: {  	s3 =	sor.u32 s3, s4  }
0x3c3: {  	[tilespmem:s3+$0x18800] =	vst v3  }
0x3c4: {  	v3 =	vld.idx.msk [tilespmem:v4+s16+$0x0], $0xffff;
	_ =	sdelay $0x1  }
0x3c5: {  	v4 =	vor.u32 $0x100, v2;
	_ =	sdelay $0x2  }
0x3c6: {  	s3 =	sadd.s32 $0x18800, s3  }
0x3c7: {  	[tilespmem:s3+$0x80] =	vst v3  }
0x3c8: {  	v3 =	vld.idx.msk [tilespmem:v4+s16+$0x0], $0xffff;
	_ =	sdelay $0x1  }
0x3c9: {  	v2 =	vor.u32 $0x180, v2  }
.Ltmp17:
0x3ca: {  	(pc) =	sbr.rel @p3 .LBB2_32-.Ltmp17, $3  }
0x3cb: {  	_ =	sdelay $0x1  }
0x3cc: {  	[tilespmem:s3+$0x100] =	vst v3  }
0x3cd: {  	v2 =	vld.idx.msk [tilespmem:v2+s16+$0x0], $0xffff  }
0x3ce: {  	_ =	sdelay $0x3  }
0x3cf: {  	[tilespmem:s3+$0x180] =	vst v2  }
0x3d0: {  	_ =	swait.ge [sflag:s19], $0x4000  }
0x3d1: {  	[sflag:s19] =	ssyncset.done $0x0  }
0x3d2: {  	[sflag:s19] =	ssyncadd.s32 $0xFFFFC000  }
0x3d3: {  	_ =	swait.ge [sflag:s19], $0x4000  }
0x3d4: {  	[sflag:s19] =	ssyncset.done $0x0  }
0x3d5: {  	[sflag:s19] =	ssyncadd.s32 $0xFFFFC000  }
0x3d6: {  	_ =	swait.ge [sflag:s19], $0x4000  }
0x3d7: {  	[sflag:s19] =	ssyncset.done $0x0  }
0x3d8: {  	s30 =	simm.s32 $0x0;
	[sflag:s19] =	ssyncadd.s32 $0xFFFFC000  }
0x3d9: {  	s0 =	simm.s32 $0x400;
	v2 =	vld [tilespmem:s30+$0x0]  }
0x3da: {  	v3 =	vld [tilespmem:s0+$0x0];
	_ =	sdelay $0x3  }
0x3db: {  	v4 =	vshll.u32 v2, $0x2  }
0x3dc: {  	v3 =	vshll.u32 v3, $0xE;
	v4 =	vand.u32 $0xFFFFFE00, v4  }
0x3dd: {  	v2 =	vand.u32 $0x7F, v2;
	v3 =	vadd.s32 v4, v3  }
0x3de: {  	v2 =	vor.u32 v2, v3;
	_ =	sdelay $0x4  }
0x3df: {  	v3 =	vld.idx.msk [tilespmem:v2+s17+$0x0], $0xffff  }
0x3e0: {  	v62 =	vor.u32 $0x80, v2  }
0x3e1: {  	s4 =	sand.u32 $0x70, s30;
	s1 =	sand.u32 $0x1C00, s30  }
0x3e2: {  	s0 =	sor.u32 s4, s1  }
0x3e3: {  	s0 =	sadd.s32 $0x18800, s0  }
0x3e4: {  	[tilespmem:s0+$0x200] =	vst v3  }
0x3e5: {  	v3 =	vld.idx.msk [tilespmem:v62+s17+$0x0], $0xffff  }
0x3e6: {  	v63 =	vor.u32 $0x100, v2;
	_ =	sdelay $0x3  }
0x3e7: {  	[tilespmem:s0+$0x280] =	vst v3  }
0x3e8: {  	v3 =	vld.idx.msk [tilespmem:v63+s17+$0x0], $0xffff  }
0x3e9: {  	v2 =	vor.u32 $0x180, v2;
	_ =	sdelay $0x3  }
0x3ea: {  	[tilespmem:s0+$0x300] =	vst v3  }
0x3eb: {  	v2 =	vld.idx.msk [tilespmem:v2+s17+$0x0], $0xffff;
	_ =	sdelay $0x2  }
0x3ec: {  	s5 =	sor.u32 s30, s30  }
0x3ed: {  	s0 =	sor.u32 $0x380, s5  }
0x3ee: {  	s31 =	simm.s32 $0x10;
	[tilespmem:s0+$0x18800] =	vst v2  }
0x3ef: {  	s3 =	simm.s32 $0x10;
	s1 =	simm.s32 $0x20;
	s0 =	simm.s32 $0x410;
	v2 =	vld [tilespmem:s31+$0x0]  }
.LBB2_34:
0x3f0: {  	p3 =	sne.s32 s1, $0x3F0;
	v3 =	vld [tilespmem:s0+$0x0];
	_ =	sdelay $0x3  }
0x3f1: {  	v4 =	vshll.u32 v2, $0x2  }
0x3f2: {  	v3 =	vshll.u32 v3, $0xE;
	v4 =	vand.u32 $0xFFFFFE00, v4  }
0x3f3: {  	v2 =	vand.u32 $0x7F, v2;
	v3 =	vadd.s32 v4, v3  }
0x3f4: {  	v2 =	vor.u32 v2, v3  }
0x3f5: {  	v3 =	vor.u32 $0x80, v2;
	v4 =	vor.u32 $0x100, v2;
	_ =	sdelay $0x3  }
0x3f6: {  	v5 =	vld.idx.msk [tilespmem:v2+s17+$0x0], $0xffff;
	_ =	sdelay $0x1  }
0x3f7: {  	s30 =	sadd.s32 $0x80, s30  }
0x3f8: {  	s4 =	sand.u32 $0x70, s31;
	s5 =	sand.u32 $0x1C00, s30  }
0x3f9: {  	s4 =	sor.u32 s4, s5  }
0x3fa: {  	s4 =	sadd.s32 $0x18800, s4  }
0x3fb: {  	[tilespmem:s4+$0x200] =	vst v5  }
0x3fc: {  	v3 =	vld.idx.msk [tilespmem:v3+s17+$0x0], $0xffff;
	_ =	sdelay $0x5  }
0x3fd: {  	[tilespmem:s4+$0x280] =	vst v3  }
0x3fe: {  	v3 =	vld.idx.msk [tilespmem:v4+s17+$0x0], $0xffff;
	_ =	sdelay $0x1  }
0x3ff: {  	v2 =	vor.u32 $0x180, v2;
	_ =	sdelay $0x3  }
0x400: {  	[tilespmem:s4+$0x300] =	vst v3  }
0x401: {  	v2 =	vld.idx.msk [tilespmem:v2+s17+$0x0], $0xffff;
	_ =	sdelay $0x2  }
.Ltmp18:
0x402: {  	(pc) =	sbr.rel @p3 .LBB2_34-.Ltmp18, $4  }
0x403: {  	s4 =	sor.u32 s30, s31;
	s31 =	smov.u32 s1  }
0x404: {  	s4 =	sor.u32 $0x380, s4  }
0x405: {  	s3 =	sadd.s32 $0x10, s3;
	[tilespmem:s4+$0x18800] =	vst v2  }
0x406: {  	s0 =	sadd.s32 $0x10, s0;
	s1 =	sadd.s32 $0x10, s1;
	v2 =	vld [tilespmem:s3+$0x0]  }
0x407: {  	v3 =	vld [tilespmem:s0+$0x0];
	_ =	sdelay $0x3  }
0x408: {  	v4 =	vshll.u32 v2, $0x2  }
0x409: {  	v3 =	vshll.u32 v3, $0xE;
	v4 =	vand.u32 $0xFFFFFE00, v4  }
0x40a: {  	v2 =	vand.u32 $0x7F, v2;
	v3 =	vadd.s32 v4, v3  }
0x40b: {  	v2 =	vor.u32 v2, v3;
	_ =	sdelay $0x4  }
0x40c: {  	v3 =	vld.idx.msk [tilespmem:v2+s17+$0x0], $0xffff  }
0x40d: {  	s30 =	sadd.s32 $0x80, s30;
	v62 =	vor.u32 $0x80, v2  }
0x40e: {  	s1 =	sand.u32 $0x70, s31;
	s3 =	sand.u32 $0x1C00, s30  }
0x40f: {  	s1 =	sor.u32 s1, s3  }
0x410: {  	s1 =	sadd.s32 $0x18800, s1  }
0x411: {  	[tilespmem:s1+$0x200] =	vst v3  }
0x412: {  	v3 =	vld.idx.msk [tilespmem:v62+s17+$0x0], $0xffff  }
0x413: {  	v63 =	vor.u32 $0x100, v2;
	_ =	sdelay $0x3  }
0x414: {  	[tilespmem:s1+$0x280] =	vst v3  }
0x415: {  	v3 =	vld.idx.msk [tilespmem:v63+s17+$0x0], $0xffff  }
0x416: {  	v2 =	vor.u32 $0x180, v2;
	_ =	sdelay $0x3  }
0x417: {  	[tilespmem:s1+$0x300] =	vst v3  }
0x418: {  	v2 =	vld.idx.msk [tilespmem:v2+s17+$0x0], $0xffff;
	_ =	sdelay $0x2  }
0x419: {  	s0 =	sor.u32 s30, s31  }
0x41a: {  	s0 =	sor.u32 $0x380, s0  }
.Ltmp19:
0x41b: {  	[tilespmem:s0+$0x18800] =	vst v2;
	(pc) =	sbr.rel @p0 .LBB2_44-.Ltmp19, $4  }
0x41c: {  	[hbm4b:s12+s6] =	stream.linear.scatter [tilespmem:s20], [sflag:$0x3], $0x2000, $0x38;
	[tilespmem:$0x1F480] =	vst v63  }
0x41d: {  	_ =	swait.ge [sflag:s21], $0x2000  }
0x41e: {  	[sflag:s21] =	ssyncset.done $0x0  }
0x41f: {  	[sflag:s21] =	ssyncadd.s32 $0xFFFFE000  }
.Ltmp20:
0x420: {  	(pc) =	sbr.rel @p1 .LBB2_41-.Ltmp20, $1  }
0x421: {  	_ =	sdelay $0x3  }
.Ltmp21:
0x422: {  	(pc) =	sbr.rel @p2 .LBB2_47-.Ltmp21, $1  }
0x423: {  	_ =	sdelay $0x3  }
0x424: {  	s1 =	sld [smem:$0x7FC];
	_ =	sdelay $0x1  }
0x425: {  	s0 =	simm.s32 $0x0;
	s3 =	simm.s32 $0x1F400  }
0x426: {  	[tilespmem:s3], [sflag:$0x4] =	stream.linear.gather [hbm4b:s1+s0], $0x80, $0x38;
	[tilespmem:$0x1F480] =	vst v63  }
0x427: {  	_ =	swait.ge [sflag:s13], $0x80  }
0x428: {  	[sflag:s13] =	ssyncset.done $0x0  }
0x429: {  	[sflag:s13] =	ssyncadd.s32 $0xFFFFFF80  }
0x42a: {  	v2 =	vld [tilespmem:$0x1F400];
	_ =	sdelay $0x3  }
0x42b: {  	v3 =	vor.u32 s0, v0  }
0x42c: {  	s30 =	sand.u32 $0x70, s0;
	s31 =	sand.u32 $0x1C00, s0;
	vm0 =	vlt.s32 v3, v2  }
0x42d: {  	s3 =	sor.u32 s30, s31;
	v3 =	vsel vm0, $0x3F800000, v1  }
0x42e: {  	s1 =	simm.s32 $0x10;
	[tilespmem:s3+$0x18800] =	vst v3  }
.LBB2_39:
0x42f: {  	p3 =	sne.s32 s1, $0x3F0  }
.Ltmp22:
0x430: {  	_ = 	snop;
	(pc) =	sbr.rel @p3 .LBB2_39-.Ltmp22, $4  }
0x431: {  	v3 =	vor.u32 s1, v0;
	s0 =	sadd.s32 $0x80, s0;
	s3 =	smov.u32 s1  }
0x432: {  	vm0 =	vlt.s32 v3, v2;
	s3 =	sand.u32 $0x70, s3;
	s4 =	sand.u32 $0x1C00, s0  }
0x433: {  	v3 =	vsel vm0, $0x3F800000, v1;
	s3 =	sor.u32 s3, s4  }
0x434: {  	s1 =	sadd.s32 $0x10, s1;
	[tilespmem:s3+$0x18800] =	vst v3  }
0x435: {  	s0 =	sld [smem:$0x7FD];
	_ =	sdelay $0x1  }
.Ltmp23:
0x436: {  	_ = 	snop;
	(pc) =	sbr.rel .LBB2_47-.Ltmp23, $4  }
0x437: {  	[hbm4b:s0+s6] =	stream.linear.scatter [tilespmem:s20], [sflag:$0x4], $0x2000, $0x38;
	[tilespmem:$0x1F480] =	vst v63  }
0x438: {  	_ =	swait.ge [sflag:s13], $0x2000  }
0x439: {  	[sflag:s13] =	ssyncset.done $0x0  }
0x43a: {  	[sflag:s13] =	ssyncadd.s32 $0xFFFFE000  }
.LBB2_41:
0x43b: {  	s1 =	sld [smem:$0x7F7];
	_ =	sdelay $0x1  }
0x43c: {  	s0 =	simm.s32 $0x0  }
0x43d: {  	[tilespmem:s28], [sflag:$0x4] =	stream.linear.gather [hbm4b:s1+s0], $0x1000, $0x38;
	[tilespmem:$0x1F480] =	vst v63  }
0x43e: {  	_ =	swait.ge [sflag:s13], $0x1000  }
0x43f: {  	[sflag:s13] =	ssyncset.done $0x0  }
0x440: {  	s0 =	simm.s32 $0x0;
	[sflag:s13] =	ssyncadd.s32 $0xFFFFF000  }
0x441: {  	v2 =	vld [tilespmem:s0+$0x0];
	_ =	sdelay $0x7  }
0x442: {  	s3 =	simm.s32 $0x80;
	s1 =	simm.s32 $0x10;
	v2 =	vld.idx.msk [tilespmem:v2+s28+$0x0], $0xffff  }
.LBB2_42:
0x443: {  	p3 =	sne.s32 s3, $0xFC0;
	v3 =	vld [tilespmem:s1+$0x0];
	_ =	sdelay $0x3  }
.Ltmp24:
0x444: {  	(pc) =	sbr.rel @p3 .LBB2_42-.Ltmp24, $2  }
0x445: {  	[tilespmem:s0+$0x400] =	vst v2;
	s0 =	smov.u32 s1;
	_ =	sdelay $0x2  }
0x446: {  	s1 =	sshra.s32 s3, $0x2;
	s3 =	sadd.s32 $0x40, s3;
	v2 =	vld.idx.msk [tilespmem:v3+s28+$0x0], $0xffff  }
0x447: {  	v3 =	vld [tilespmem:s1+$0x0];
	_ =	sdelay $0x6  }
0x448: {  	[tilespmem:s0+$0x400] =	vst v2  }
0x449: {  	v2 =	vld.idx.msk [tilespmem:v3+s28+$0x0], $0xffff;
	_ =	sdelay $0x2  }
0x44a: {  	s31 =	sld [smem:$0x7F8];
	_ =	sdelay $0x1  }
.Ltmp25:
0x44b: {  	[tilespmem:s1+$0x400] =	vst v2;
	(pc) =	sbr.rel .LBB2_47-.Ltmp25, $4  }
0x44c: {  	[hbm4b:s31+s6] =	stream.linear.scatter [tilespmem:s15], [sflag:$0x4], $0x400, $0x38;
	[tilespmem:$0x1F480] =	vst v63  }
0x44d: {  	_ =	swait.ge [sflag:s13], $0x400  }
0x44e: {  	[sflag:s13] =	ssyncset.done $0x0  }
0x44f: {  	[sflag:s13] =	ssyncadd.s32 $0xFFFFFC00  }
.LBB2_44:
0x450: {  	s0 =	simm.s32 $0x0  }
0x451: {  	v3 =	vor.u32 s0, v0  }
0x452: {  	v2 =	vmulhi.u32 $0xAAAAAAAB, v3;
	_ =	sdelay $0x1  }
0x453: {  	v2 =	vshrl.u32 v2, $0x1  }
0x454: {  	v4 =	vmul.u32 $0xFFFFFFFD, v2  }
0x455: {  	v5 =	vmov s0;
	v6 =	vsub.s32 $0x0, v3  }
0x456: {  	vm0 =	veq.s32 v5, v0;
	vm1 =	vne.s32 v4, v6  }
0x457: {  	s1 =	sld [smem:$0x7F5];
	vm0 =	vmand vm0, vm1  }
0x458: {  	v4 =	vsel vm0, $0xFFFFFFFF, v1  }
0x459: {  	v2 =	vadd.s32 v4, v2  }
0x45a: {  	[tilespmem:s26], [sflag:$0x4] =	stream.linear.gather [hbm4b:s1+s0], $0x3000, $0x38;
	[tilespmem:$0x1F480] =	vst v63  }
0x45b: {  	_ =	swait.ge [sflag:s13], $0x3000  }
0x45c: {  	[sflag:s13] =	ssyncset.done $0x0  }
0x45d: {  	[sflag:s13] =	ssyncadd.s32 $0xFFFFD000  }
0x45e: {  	v4 =	vld.idx.msk [tilespmem:v2+s6+$0x0], $0xffff;
	_ =	sdelay $0x2  }
0x45f: {  	s31 =	simm.s32 $0x10  }
0x460: {  	v5 =	vmul.u32 $0xFFFFFFFD, v2;
	v2 =	vor.u32 s31, v0  }
0x461: {  	v6 =	vmulhi.u32 $0xAAAAAAAB, v2;
	v4 =	vmul.u32 $0x3, v4  }
0x462: {  	v3 =	vadd.s32 v3, v5  }
0x463: {  	v3 =	vadd.s32 v4, v3;
	v4 =	vshrl.u32 v6, $0x1  }
0x464: {  	v5 =	vmul.u32 $0xFFFFFFFD, v4  }
0x465: {  	v7 =	vsub.s32 $0x0, v2;
	v6 =	vmov s31  }
0x466: {  	vm14 =	veq.s32 v6, v0;
	vm15 =	vne.s32 v5, v7  }
0x467: {  	vm0 =	vmand vm14, vm15  }
0x468: {  	v3 =	vld.idx.msk [tilespmem:v3+s26+$0x0], $0xffff;
	v5 =	vsel vm0, $0xFFFFFFFF, v1  }
0x469: {  	v4 =	vadd.s32 v5, v4;
	_ =	sdelay $0x2  }
0x46a: {  	s0 =	simm.s32 $0x1E800  }
0x46b: {  	[tilespmem:s0+$0x0] =	vst v3  }
0x46c: {  	v5 =	vld.idx.msk [tilespmem:v4+s6+$0x0], $0xffff;
	_ =	sdelay $0x3  }
0x46d: {  	s1 =	simm.s32 $0x20;
	v4 =	vmul.u32 $0xFFFFFFFD, v4  }
0x46e: {  	s3 =	simm.s32 $0x30;
	v3 =	vor.u32 s1, v0;
	v5 =	vmul.u32 $0x3, v5  }
.LBB2_45:
0x46f: {  	p3 =	sne.s32 s3, $0xBF0;
	v6 =	vmulhi.u32 $0xAAAAAAAB, v3;
	v4 =	vadd.s32 v2, v4;
	v2 =	vmov v3  }
0x470: {  	v3 =	vadd.s32 v5, v4  }
0x471: {  	v4 =	vshrl.u32 v6, $0x1  }
0x472: {  	v5 =	vmul.u32 $0xFFFFFFFD, v4  }
0x473: {  	v7 =	vsub.s32 $0x0, v2;
	v6 =	vmov s1;
	s1 =	smov.u32 s3  }
0x474: {  	vm0 =	veq.s32 v6, v0;
	vm1 =	vne.s32 v5, v7  }
0x475: {  	vm0 =	vmand vm0, vm1;
	v3 =	vld.idx.msk [tilespmem:v3+s26+$0x0], $0xffff  }
0x476: {  	v5 =	vsel vm0, $0xFFFFFFFF, v1  }
0x477: {  	v4 =	vadd.s32 v5, v4;
	_ =	sdelay $0x2  }
0x478: {  	s0 =	sadd.s32 $0x10, s0  }
0x479: {  	[tilespmem:s0+$0x0] =	vst v3  }
0x47a: {  	v5 =	vld.idx.msk [tilespmem:v4+s6+$0x0], $0xffff;
	_ =	sdelay $0x1  }
.Ltmp26:
0x47b: {  	(pc) =	sbr.rel @p3 .LBB2_45-.Ltmp26, $3  }
0x47c: {  	_ =	sdelay $0x1  }
0x47d: {  	v4 =	vmul.u32 $0xFFFFFFFD, v4  }
0x47e: {  	s3 =	sadd.s32 $0x10, s3;
	v3 =	vor.u32 s1, v0;
	v5 =	vmul.u32 $0x3, v5  }
0x47f: {  	v6 =	vmulhi.u32 $0xAAAAAAAB, v3  }
0x480: {  	v2 =	vadd.s32 v2, v4  }
0x481: {  	v2 =	vadd.s32 v5, v2;
	v60 =	vshrl.u32 v6, $0x1  }
0x482: {  	v61 =	vmul.u32 $0xFFFFFFFD, v60  }
0x483: {  	v62 =	vmov s1;
	v7 =	vsub.s32 $0x0, v3  }
0x484: {  	vm0 =	veq.s32 v62, v0;
	vm1 =	vne.s32 v61, v7  }
0x485: {  	vm0 =	vmand vm0, vm1  }
0x486: {  	v2 =	vld.idx.msk [tilespmem:v2+s26+$0x0], $0xffff;
	v63 =	vsel vm0, $0xFFFFFFFF, v1  }
0x487: {  	v4 =	vadd.s32 v63, v60;
	_ =	sdelay $0x2  }
0x488: {  	s0 =	sadd.s32 $0x10, s0  }
0x489: {  	[tilespmem:s0+$0x0] =	vst v2  }
0x48a: {  	v2 =	vld.idx.msk [tilespmem:v4+s6+$0x0], $0xffff;
	_ =	sdelay $0x3  }
0x48b: {  	v4 =	vmul.u32 $0xFFFFFFFD, v4  }
0x48c: {  	v2 =	vmul.u32 $0x3, v2  }
0x48d: {  	v3 =	vadd.s32 v3, v4  }
0x48e: {  	v2 =	vadd.s32 v2, v3;
	_ =	sdelay $0x4  }
0x48f: {  	v2 =	vld.idx.msk [tilespmem:v2+s26+$0x0], $0xffff;
	_ =	sdelay $0x2  }
0x490: {  	s30 =	sld [smem:$0x7F6]  }
0x491: {  	s0 =	sadd.s32 $0x10, s0  }
.Ltmp27:
0x492: {  	s31 =	simm.s32 $0x1E800;
	[tilespmem:s0+$0x0] =	vst v2;
	(pc) =	sbr.rel .LBB2_47-.Ltmp27, $4  }
0x493: {  	[hbm4b:s30+s6] =	stream.linear.scatter [tilespmem:s31], [sflag:$0x4], $0xC00, $0x38;
	[tilespmem:$0x1F480] =	vst v63  }
0x494: {  	_ =	swait.ge [sflag:s13], $0xC00  }
0x495: {  	[sflag:s13] =	ssyncset.done $0x0  }
0x496: {  	[sflag:s13] =	ssyncadd.s32 $0xFFFFF400  }
.LBB2_48:
0x497: {  	_ =	sfence.sel $0x180000  }
0x498: {  	[bflag:$0x0] =	sbarrier.arrive $0xFFFF  }
0x499: {  	_ =	strace $0x9000004A  }
0x49a: {  	s0 =	stileid.u32;
	[bflag:$0x2] =	sbarrier.arrive $0xFFFF  }
0x49b: {  	p0 =	sne.s32 s0, $0x0;
	s0 =	rddreg [dreg:$0x8]  }
0x49c: {  	s0 =	sadd.s32 @!p0 $0x100000, s0  }
0x49d: {  	[sflag:s0] =	ssyncadd.tile.s32 @!p0 $0x1;
	_ =	shalt  }
.Lfunc_end2:
_tile_overlayer_lowered:
.L_overlay_start_2:
0x49e: {  	(tag) =	ssettag $0x2  }
0x49f: {  	s0 =	rddreg [dreg:$0x0];
	s2 =	stileid.u32  }
0x4a0: {  	s1 =	rddreg [dreg:$0x1];
	p0 =	sne.s32 s2, $0x0  }
0x4a1: {  	s3 =	rddreg [dreg:$0x2];
	[bflag:$0x3] =	sbarrier.arrive $0xFFFF;
	s2 =	simm.s32 @!p0 $0x1C04  }
0x4a2: {  	[timem:s3], [sflag:s2] =	dma.local @!p0 [hbm:s0], s1  }
0x4a3: {  	s0 =	simm.s32 @!p0 $0x4  }
0x4a4: {  	_ =	swait.ge @!p0 [sflag:s0], s1  }
0x4a5: {  	s1 =	ssub.s32 @!p0 $0x0, s1;
	[sflag:s0] =	ssyncset.done @!p0 $0x0  }
0x4a6: {  	[sflag:s0] =	ssyncadd.s32 @!p0 s1  }
0x4a7: {  	[bflag:$0x3] =	sbarrier.arrive $0xFFFF  }
0x4a8: {  	_ =	shalt  }

</sc_bundles>
